<compile_context>
chip_gen: v7x
topology: tpu7x:2x2x1
jax: 0.10.2.dev20260603
libtpu: 0.0.44.dev20260713+nightly
codegen_flags: <defaults>
</compile_context>

<pallas_src>
import jax
import jax.numpy as jnp
from jax import lax
from jax.experimental import pallas as pl
from jax.experimental.pallas import tpu as pltpu
from jax.experimental.pallas import tpu_sc as plsc

N = 10000
E = 160000
D = 256
DE = 16
H = 256
NC = 1024

NWORK = 32
EPW = E // NWORK
GCH = 80
SCH = 80
RSUB = 624
RTAIL = N - 16 * RSUB
HHALF = H // 2

EH1 = 83200
EH2 = E - EH1


def _node_prep_body(x_ref, wn1_ref, bn1_ref, wn2_ref, bn2_ref, wma_ref, wmb_ref,
                    h_ref, a_ref, b_ref):
    h = jax.nn.relu(jnp.dot(x_ref[...], wn1_ref[...],
                            preferred_element_type=jnp.float32) + bn1_ref[...])
    h = jax.nn.relu(jnp.dot(h, wn2_ref[...],
                            preferred_element_type=jnp.float32) + bn2_ref[...])
    h_ref[...] = h
    a_ref[...] = jnp.dot(h, wma_ref[...], preferred_element_type=jnp.float32)
    b_ref[...] = jnp.dot(h, wmb_ref[...], preferred_element_type=jnp.float32)


def _make_gather_body(eps, ngf, gtail):

    def _gather_body(a_hbm, b_hbm, src_hbm, dst_hbm, asrc_hbm, bdst_hbm,
                     sidx_v, didx_v, buf0, buf1, buf2, table_sh,
                     gs0, gs1, gs2, ws0, ws1, ws2):
        cid = lax.axis_index("c")
        sid = lax.axis_index("s")
        col0 = cid * HHALF
        base = sid * eps
        pltpu.sync_copy(src_hbm.at[pl.ds(base, eps)], sidx_v)
        pltpu.sync_copy(dst_hbm.at[pl.ds(base, eps)], didx_v)

        buf = (buf0, buf1, buf2)
        gsem = (gs0, gs1, gs2)
        wsem = (ws0, ws1, ws2)

        def stage(tab_hbm):
            pltpu.sync_copy(tab_hbm.at[pl.ds(sid * RSUB, RSUB), pl.ds(col0, HHALF)],
                            table_sh.at[pl.ds(sid * RSUB, RSUB)])

            @pl.when(sid == 15)
            def _():
                pltpu.sync_copy(
                    tab_hbm.at[pl.ds(16 * RSUB, RTAIL), pl.ds(col0, HHALF)],
                    table_sh.at[pl.ds(16 * RSUB, RTAIL)])

            plsc.subcore_barrier()

        def one_pass(idx_v, out_hbm):
            def g_desc(off, slot):
                return pltpu.make_async_copy(
                    table_sh.at[idx_v.at[pl.ds(off, GCH)]], buf[slot], gsem[slot])

            def w_desc(off, slot):
                return pltpu.make_async_copy(
                    buf[slot],
                    out_hbm.at[pl.ds(base + off, GCH), pl.ds(col0, HHALF)],
                    wsem[slot])

            g_desc(0, 0).start()
            g_desc(GCH, 1).start()

            def phase(g, slot):
                off = g * GCH
                nslot = (slot + 2) % 3

                @pl.when(g + 2 < ngf)
                def _():
                    @pl.when(g >= 1)
                    def _():
                        w_desc(off - GCH, nslot).wait()
                    g_desc(off + 2 * GCH, nslot).start()

                g_desc(off, slot).wait()
                w_desc(off, slot).start()

            @pl.loop(0, ngf // 3)
            def _(i):
                phase(3 * i, 0)
                phase(3 * i + 1, 1)
                phase(3 * i + 2, 2)

            for j in range(ngf - ngf % 3, ngf):
                phase(j, j % 3)

            for k in (ngf - 3, ngf - 2, ngf - 1):
                w_desc(k * GCH, k % 3).wait()

            if gtail:
                toff = ngf * GCH
                pltpu.sync_copy(table_sh.at[idx_v.at[pl.ds(toff, gtail)]],
                                buf0.at[pl.ds(0, gtail)])
                pltpu.sync_copy(
                    buf0.at[pl.ds(0, gtail)],
                    out_hbm.at[pl.ds(base + toff, gtail), pl.ds(col0, HHALF)])

        stage(a_hbm)
        one_pass(sidx_v, asrc_hbm)
        plsc.subcore_barrier()
        stage(b_hbm)
        one_pass(didx_v, bdst_hbm)

    return _gather_body


def _edge_body(ea_ref, asrc_ref, bdst_ref, we_ref, be_ref, wmc_ref, bm_ref,
               wsp_ref, bsp_ref, m_ref, s_ref, p_ref):
    e = jax.nn.relu(jnp.dot(ea_ref[...], we_ref[...],
                            preferred_element_type=jnp.float32) + be_ref[...])
    ec = jnp.dot(e, wmc_ref[...], preferred_element_type=jnp.float32)
    m = jax.nn.relu(asrc_ref[...] + bdst_ref[...] + ec + bm_ref[...])
    m_ref[...] = m
    u = e + m
    sp = jnp.dot(u, wsp_ref[...], preferred_element_type=jnp.float32) + bsp_ref[...]
    s_ref[0, 0, :] = jax.nn.sigmoid(sp[:, 0])
    p_ref[0, 0, :] = sp[:, 1]


def _make_scatter_body(eps, nsc):
    def _scatter_body(m_hbm, dstr_hbm, init_hbm, agg_hbm, idx_v, buf_v, buf2_v,
                      agg_sh, ls0, ls1, ss0, ss1):
        cid = lax.axis_index("c")
        sid = lax.axis_index("s")
        col0 = cid * HHALF
        pltpu.sync_copy(init_hbm.at[pl.ds(sid * RSUB, RSUB), pl.ds(col0, HHALF)],
                        agg_sh.at[pl.ds(sid * RSUB, RSUB)])

        @pl.when(sid == 15)
        def _():
            pltpu.sync_copy(init_hbm.at[pl.ds(16 * RSUB, RTAIL), pl.ds(col0, HHALF)],
                            agg_sh.at[pl.ds(16 * RSUB, RTAIL)])

        plsc.subcore_barrier()
        pltpu.sync_copy(dstr_hbm.at[sid], idx_v)
        ebase = sid * eps

        buf = (buf_v, buf2_v)
        lsem = (ls0, ls1)
        ssem = (ss0, ss1)

        def l_desc(g, slot):
            return pltpu.make_async_copy(
                m_hbm.at[pl.ds(ebase + g * SCH, SCH), pl.ds(col0, HHALF)],
                buf[slot], lsem[slot])

        def s_desc(g, slot):
            return pltpu.make_async_copy(buf[slot], agg_sh.at[idx_v.at[g]],
                                         ssem[slot])

        l_desc(0, 0).start()

        def phase(g, slot):
            @pl.when(g + 1 < nsc)
            def _():
                @pl.when(g >= 1)
                def _():
                    s_desc(g - 1, 1 - slot).wait()
                l_desc(g + 1, 1 - slot).start()

            l_desc(g, slot).wait()
            s_desc(g, slot).start(add=True)

        @pl.loop(0, nsc // 2)
        def _(i):
            phase(2 * i, 0)
            phase(2 * i + 1, 1)

        if nsc % 2:
            phase(nsc - 1, (nsc - 1) % 2)

        for k in (nsc - 2, nsc - 1):
            s_desc(k, k % 2).wait()

        plsc.subcore_barrier()
        pltpu.sync_copy(agg_sh.at[pl.ds(sid * RSUB, RSUB)],
                        agg_hbm.at[pl.ds(sid * RSUB, RSUB), pl.ds(col0, HHALF)])

        @pl.when(sid == 15)
        def _():
            pltpu.sync_copy(agg_sh.at[pl.ds(16 * RSUB, RTAIL)],
                            agg_hbm.at[pl.ds(16 * RSUB, RTAIL), pl.ds(col0, HHALF)])

    return _scatter_body


def _scalar_body(src_hbm, dst_hbm, s_hbm, p_hbm, part_hbm,
                 src_v, dst_v, s_v, p_v, deg_v, cnt_v, ss_v, sp_v, ssp_v):
    wid = lax.axis_index("s") * 2 + lax.axis_index("c")
    base = wid * EPW
    pltpu.sync_copy(src_hbm.at[pl.ds(base, EPW)], src_v)
    pltpu.sync_copy(dst_hbm.at[pl.ds(base, EPW)], dst_v)
    pltpu.sync_copy(s_hbm.at[pl.ds(base, EPW)], s_v)
    pltpu.sync_copy(p_hbm.at[pl.ds(base, EPW)], p_v)

    zero16 = jnp.zeros((16,), jnp.float32)

    for ref in (deg_v, cnt_v, ss_v, sp_v, ssp_v):
        @pl.loop(0, N // 16)
        def _(i, ref=ref):
            ref[pl.ds(i * 16, 16)] = zero16

    ones = jnp.ones((16,), jnp.float32)

    @pl.loop(0, EPW // 16)
    def _(i):
        off = i * 16
        si = src_v[pl.ds(off, 16)]
        di = dst_v[pl.ds(off, 16)]
        sv = s_v[pl.ds(off, 16)]
        pv = p_v[pl.ds(off, 16)]
        plsc.addupdate_scatter(deg_v, [di], ones)
        plsc.addupdate_scatter(cnt_v, [si], ones)
        plsc.addupdate_scatter(ss_v, [si], sv)
        plsc.addupdate_scatter(sp_v, [si], pv)
        plsc.addupdate_scatter(ssp_v, [si], sv * pv)

    for k, ref in enumerate((deg_v, cnt_v, ss_v, sp_v, ssp_v)):
        pltpu.sync_copy(ref, part_hbm.at[pl.ds(wid * 5 * N + k * N, N)])


def _final_body(h_ref, agg_ref, part_ref, s_ref, p_ref, wc_ref, bc_ref, out_ref):
    parts = jnp.sum(part_ref[...], axis=0)
    deg = jnp.maximum(parts[0], 1.0)
    cnt_raw = parts[1]
    cnt = jnp.maximum(cnt_raw, 1.0)
    ssum = parts[2]
    psum = parts[3]
    spsum = parts[4]

    s = s_ref[...]
    p = p_ref[...]
    smin = jnp.min(s)
    smax = jnp.max(s)
    pmin = jnp.min(p)
    pmax = jnp.max(p)
    rs = smax - smin + 1e-12
    rp = pmax - pmin + 1e-12
    numer = spsum - pmin * ssum - smin * psum + cnt_raw * (smin * pmin)
    node_w = numer / (rs * rp) / cnt

    h2 = h_ref[...] + agg_ref[...] / deg[:, None]
    hw = h2 * (1.0 + node_w)[:, None]

    acc = hw[0:NC]
    for k in range(1, N // NC):
        acc = acc + hw[k * NC:(k + 1) * NC]
    tail = N - (N // NC) * NC
    acc = acc + jnp.concatenate(
        [hw[(N // NC) * NC:N], jnp.zeros((NC - tail, H), jnp.float32)], axis=0)

    cidx = lax.broadcasted_iota(jnp.int32, (NC, 1), 0)
    ccnt = jnp.where(cidx < tail, float(N // NC + 1), float(N // NC))
    sfeat = acc / ccnt
    z = jnp.dot(sfeat, wc_ref[...], preferred_element_type=jnp.float32) + bc_ref[...]
    out_ref[...] = jax.nn.sigmoid(jax.nn.sigmoid(z))


_SC_CALLS = None


def _make_gather_call(mesh, eh):
    eps = eh // 16
    ngf = eps // GCH
    gtail = eps - ngf * GCH
    return pl.kernel(
        _make_gather_body(eps, ngf, gtail),
        out_type=(jax.ShapeDtypeStruct((eh, H), jnp.float32),
                  jax.ShapeDtypeStruct((eh, H), jnp.float32)),
        mesh=mesh,
        scratch_types=[
            pltpu.VMEM((eps,), jnp.int32),
            pltpu.VMEM((eps,), jnp.int32),
        ] + [pltpu.VMEM((GCH, HHALF), jnp.float32)] * 3
          + [pltpu.VMEM_SHARED((N, HHALF), jnp.float32)]
          + [pltpu.SemaphoreType.DMA] * 6,
    )


def _make_scatter_call(mesh, eh):
    eps = eh // 16
    nsc = eps // SCH
    return pl.kernel(
        _make_scatter_body(eps, nsc),
        out_type=jax.ShapeDtypeStruct((N, H), jnp.float32),
        mesh=mesh,
        scratch_types=[
            pltpu.VMEM((nsc, SCH), jnp.int32),
            pltpu.VMEM((SCH, HHALF), jnp.float32),
            pltpu.VMEM((SCH, HHALF), jnp.float32),
            pltpu.VMEM_SHARED((N, HHALF), jnp.float32),
        ] + [pltpu.SemaphoreType.DMA] * 4,
    )


def _get_sc_calls():
    global _SC_CALLS
    if _SC_CALLS is not None:
        return _SC_CALLS
    mesh = plsc.VectorSubcoreMesh(core_axis_name="c", subcore_axis_name="s")

    gather1 = _make_gather_call(mesh, EH1)
    gather2 = _make_gather_call(mesh, EH2)
    scatter1 = _make_scatter_call(mesh, EH1)
    scatter2 = _make_scatter_call(mesh, EH2)

    scalar_call = pl.kernel(
        _scalar_body,
        out_type=jax.ShapeDtypeStruct((NWORK * 5 * N,), jnp.float32),
        mesh=mesh,
        compiler_params=pltpu.CompilerParams(needs_layout_passes=False),
        scratch_types=[
            pltpu.VMEM((EPW,), jnp.int32),
            pltpu.VMEM((EPW,), jnp.int32),
            pltpu.VMEM((EPW,), jnp.float32),
            pltpu.VMEM((EPW,), jnp.float32),
            pltpu.VMEM((N,), jnp.float32),
            pltpu.VMEM((N,), jnp.float32),
            pltpu.VMEM((N,), jnp.float32),
            pltpu.VMEM((N,), jnp.float32),
            pltpu.VMEM((N,), jnp.float32),
        ],
    )
    _SC_CALLS = (gather1, gather2, scatter1, scatter2, scalar_call)
    return _SC_CALLS

NB = 1000
EB = 3200


def _full2(i):
    return (0, 0)


def _edge_pass(eh, edge_attr, Asrc, Bdst, We, be, WmC, bm, Wsp, bsp):
    return pl.pallas_call(
        _edge_body,
        grid=(eh // EB,),
        in_specs=[
            pl.BlockSpec((EB, DE), lambda i: (i, 0)),
            pl.BlockSpec((EB, H), lambda i: (i, 0)),
            pl.BlockSpec((EB, H), lambda i: (i, 0)),
            pl.BlockSpec((DE, H), _full2), pl.BlockSpec((1, H), _full2),
            pl.BlockSpec((H, H), _full2), pl.BlockSpec((1, H), _full2),
            pl.BlockSpec((H, 2), _full2), pl.BlockSpec((1, 2), _full2),
        ],
        out_specs=[
            pl.BlockSpec((EB, H), lambda i: (i, 0)),
            pl.BlockSpec((1, 1, EB), lambda i: (i, 0, 0)),
            pl.BlockSpec((1, 1, EB), lambda i: (i, 0, 0)),
        ],
        out_shape=[
            jax.ShapeDtypeStruct((eh, H), jnp.float32),
            jax.ShapeDtypeStruct((eh // EB, 1, EB), jnp.float32),
            jax.ShapeDtypeStruct((eh // EB, 1, EB), jnp.float32),
        ],
    )(edge_attr, Asrc, Bdst, We, be, WmC, bm, Wsp, bsp)


@jax.jit
def _run(x, src, dst, edge_attr, Wn1, bn1, Wn2, bn2, We, be,
         WmA, WmB, WmC, bm, Wsp, bsp, Wc, bc, zeros_full):
    gather1, gather2, scatter1, scatter2, scalar_call = _get_sc_calls()
    h, A, B = pl.pallas_call(
        _node_prep_body,
        grid=(N // NB,),
        in_specs=[
            pl.BlockSpec((NB, D), lambda i: (i, 0)),
            pl.BlockSpec((D, H), _full2), pl.BlockSpec((1, H), _full2),
            pl.BlockSpec((H, H), _full2), pl.BlockSpec((1, H), _full2),
            pl.BlockSpec((H, H), _full2), pl.BlockSpec((H, H), _full2),
        ],
        out_specs=[pl.BlockSpec((NB, H), lambda i: (i, 0))] * 3,
        out_shape=[jax.ShapeDtypeStruct((N, H), jnp.float32)] * 3,
    )(x, Wn1, bn1, Wn2, bn2, WmA, WmB)

    src1, src2 = src[:EH1], src[EH1:]
    dst1, dst2 = dst[:EH1], dst[EH1:]
    dstr1 = dst1.reshape(16, (EH1 // 16) // SCH, SCH)
    dstr2 = dst2.reshape(16, (EH2 // 16) // SCH, SCH)

    Asrc1, Bdst1 = gather1(A, B, src1, dst1)
    Asrc2, Bdst2 = gather2(A, B, src2, dst2)

    ea1, ea2 = edge_attr[:EH1], edge_attr[EH1:]
    m1, s1, p1 = _edge_pass(EH1, ea1, Asrc1, Bdst1, We, be, WmC, bm, Wsp, bsp)
    agg1 = scatter1(m1, dstr1, zeros_full)
    m2, s2, p2 = _edge_pass(EH2, ea2, Asrc2, Bdst2, We, be, WmC, bm, Wsp, bsp)
    agg = scatter2(m2, dstr2, agg1)

    s_e = jnp.concatenate([s1.reshape(EH1), s2.reshape(EH2)])
    p_e = jnp.concatenate([p1.reshape(EH1), p2.reshape(EH2)])
    parts = scalar_call(src, dst, s_e, p_e).reshape(NWORK, 5, N)

    out = pl.pallas_call(
        _final_body,
        in_specs=[
            pl.BlockSpec((N, H)),
            pl.BlockSpec((N, H)),
            pl.BlockSpec((NWORK, 5, N)),
            pl.BlockSpec((E,)),
            pl.BlockSpec((E,)),
            pl.BlockSpec((H, 1)),
            pl.BlockSpec((1, 1)),
        ],
        out_specs=pl.BlockSpec((NC, 1)),
        out_shape=jax.ShapeDtypeStruct((NC, 1), jnp.float32),
    )(h, agg, parts, s_e, p_e, Wc, bc)
    return out


def kernel(x, edge_index, edge_attr, Wn1, bn1, Wn2, bn2, We, be, Wm, bm,
           Ws, bs, Wp, bp, Wc, bc):
    src = edge_index[0].astype(jnp.int32)
    dst = edge_index[1].astype(jnp.int32)
    WmA = Wm[:H]
    WmB = Wm[H:2 * H]
    WmC = Wm[2 * H:]
    Wsp = jnp.concatenate([Ws, Wp], axis=1)
    bsp = jnp.concatenate([bs, bp]).reshape(1, 2)
    zeros_full = jnp.zeros((N, H), jnp.float32)
    return _run(x, src, dst, edge_attr,
                Wn1, bn1.reshape(1, H), Wn2, bn2.reshape(1, H),
                We, be.reshape(1, H), WmA, WmB, WmC, bm.reshape(1, H),
                Wsp, bsp, Wc, bc.reshape(1, 1), zeros_full)

# --- scband reference (transcript-rebuilt; emitter-appended) ---
"""Pipeline reference for scband-hierarchical-gnn-11527692222598 (READ-ONLY COPY).

The authoritative reference and input builder live on the scoring server;
editing this copy changes nothing except your own understanding.
"""

import jax, jax.numpy as jnp
import numpy as np

N = 10000
E = 160000
D = 256
DE = 16
H = 256
NC = 1024
N_ITER = 1


def _lin(k, fi, fo):
    return jax.random.normal(k, (fi, fo), dtype=jnp.float32) / np.sqrt(fi)


def setup_inputs(seed: int = 0):
    key = jax.random.key(seed)
    ks = jax.random.split(key, 20)
    inp = {}
    inp["x"] = jax.random.normal(ks[0], (N, D), dtype=jnp.float32)
    inp["edge_index"] = jax.random.randint(ks[1], (2, E), 0, N)
    inp["edge_attr"] = jax.random.normal(ks[2], (E, DE), dtype=jnp.float32)
    inp["Wn1"] = _lin(ks[3], D, H); inp["bn1"] = jnp.zeros((H,), jnp.float32)
    inp["Wn2"] = _lin(ks[4], H, H); inp["bn2"] = jnp.zeros((H,), jnp.float32)
    inp["We"] = _lin(ks[5], DE, H); inp["be"] = jnp.zeros((H,), jnp.float32)
    inp["Wm"] = _lin(ks[6], 3 * H, H); inp["bm"] = jnp.zeros((H,), jnp.float32)
    inp["Ws"] = _lin(ks[7], H, 1); inp["bs"] = jnp.zeros((1,), jnp.float32)
    inp["Wp"] = _lin(ks[8], H, 1); inp["bp"] = jnp.zeros((1,), jnp.float32)
    inp["Wc"] = _lin(ks[9], H, 1); inp["bc"] = jnp.zeros((1,), jnp.float32)
    return inp


def reference(x, edge_index, edge_attr, Wn1, bn1, Wn2, bn2, We, be, Wm, bm, Ws, bs, Wp, bp, Wc, bc):
    src = edge_index[0]
    dst = edge_index[1]
    # MomNet low-level net: node/edge encoders + message passing iterations
    h = jax.nn.relu(x @ Wn1 + bn1)
    h = jax.nn.relu(h @ Wn2 + bn2)
    e = jax.nn.relu(edge_attr @ We + be)
    ones_e = jnp.ones((E,), dtype=jnp.float32)
    deg_dst = jnp.clip(jax.ops.segment_sum(ones_e, dst, num_segments=N), 1.0)
    for _ in range(N_ITER):
        m = jnp.concatenate([h[src], h[dst], e], axis=1)
        m = jax.nn.relu(m @ Wm + bm)
        agg = jax.ops.segment_sum(m, dst, num_segments=N)
        h = h + agg / deg_dst[:, None]
        e = e + m
    edge_scores = jax.nn.sigmoid(e @ Ws + bs)[:, 0]
    momentum_change = (e @ Wp + bp)[:, 0]
    # scatter_mean over src nodes (dim_size = num_nodes)
    cnt_src = jnp.clip(jax.ops.segment_sum(ones_e, src, num_segments=N), 1.0)
    avg_edge_score = jax.ops.segment_sum(edge_scores, src, num_segments=N) / cnt_src
    avg_momentum = jax.ops.segment_sum(momentum_change, src, num_segments=N) / cnt_src
    enhanced_node_features = jnp.concatenate([x, avg_edge_score[:, None], avg_momentum[:, None]], axis=1)
    nes = (edge_scores - edge_scores.min()) / (edge_scores.max() - edge_scores.min() + 1e-12)
    nm = (momentum_change - momentum_change.min()) / (momentum_change.max() - momentum_change.min() + 1e-12)
    combined_weights = nes * nm
    # graclus-style coarsening approximated by deterministic cluster ids,
    # with edge weights pooled to nodes so they participate in supernode features
    node_w = jax.ops.segment_sum(combined_weights, src, num_segments=N) / cnt_src
    cluster_ids = jnp.arange(N) % NC
    pooled = jax.ops.segment_sum(h * (1.0 + node_w)[:, None], cluster_ids, num_segments=NC)
    ccnt = jnp.clip(jax.ops.segment_sum(jnp.ones((N,), jnp.float32), cluster_ids, num_segments=NC), 1.0)
    s = pooled / ccnt[:, None]
    supernode_scores = jax.nn.sigmoid(jax.nn.sigmoid(s @ Wc + bc))
    return supernode_scores

if __name__ == "__main__":
    import jax
    _d = setup_inputs()
    print(jax.jit(kernel)(*tuple(_d.values())))

</pallas_src>

<mosaic_0001>
#map = affine_map<(d0, d1) -> (0, 0)>
#map1 = affine_map<(d0, d1) -> (0)>
module attributes {stable_mosaic.version = 14 : i64} {
  func.func @_gather_body(%arg0: i32, %arg1: i32, %arg2: memref<10000x256xf32, #tpu.memory_space<hbm>>, %arg3: memref<10000x256xf32, #tpu.memory_space<hbm>>, %arg4: memref<83200xi32, #tpu.memory_space<hbm>>, %arg5: memref<83200xi32, #tpu.memory_space<hbm>>, %arg6: memref<83200x256xf32, #tpu.memory_space<hbm>>, %arg7: memref<83200x256xf32, #tpu.memory_space<hbm>>, %arg8: memref<5200xi32, #tpu.memory_space<vmem>>, %arg9: memref<5200xi32, #tpu.memory_space<vmem>>, %arg10: memref<80x128xf32, #tpu.memory_space<vmem>>, %arg11: memref<80x128xf32, #tpu.memory_space<vmem>>, %arg12: memref<80x128xf32, #tpu.memory_space<vmem>>, %arg13: memref<10000x128xf32, #tpu.memory_space<vmem_shared>>, %arg14: memref<!tpu.dma_semaphore, #tpu.memory_space<semaphore_mem>>, %arg15: memref<!tpu.dma_semaphore, #tpu.memory_space<semaphore_mem>>, %arg16: memref<!tpu.dma_semaphore, #tpu.memory_space<semaphore_mem>>, %arg17: memref<!tpu.dma_semaphore, #tpu.memory_space<semaphore_mem>>, %arg18: memref<!tpu.dma_semaphore, #tpu.memory_space<semaphore_mem>>, %arg19: memref<!tpu.dma_semaphore, #tpu.memory_space<semaphore_mem>>) attributes {dimension_semantics = [#tpu.dimension_semantics<core_parallel>, #tpu.dimension_semantics<subcore_parallel>], iteration_bounds = array<i64: 2, 16>, scalar_prefetch = 0 : i64, scratch_operands = 12 : i64, tpu.core_type = #tpu.core_type<sc_vector_subcore>, window_params = [{transform_indices = #map}, {transform_indices = #map}, {transform_indices = #map1}, {transform_indices = #map1}, {transform_indices = #map}, {transform_indices = #map}]} {
    %mul3A = arith.constant 128 : i32
    %mul3A_0 = arith.muli %arg0, %mul3A : i32
    %mul3A_1 = arith.constant 5200 : i32
    %mul3A_2 = arith.muli %arg1, %mul3A_1 : i32
    "tpu.region"() ({
      %run_scoped3A = tpu.sem_alloc : memref<!tpu.dma_semaphore, #tpu.memory_space<semaphore_mem>>
      %dma_start3A_106 = tpu.memref_slice %arg4[%mul3A_2] : memref<83200xi32, #tpu.memory_space<hbm>> -> memref<5200xi32, #tpu.memory_space<hbm>>
      %dma_start3A_107 = tpu.memref_slice %arg4[%mul3A_2] : memref<83200xi32, #tpu.memory_space<hbm>> -> memref<5200xi32, #tpu.memory_space<hbm>>
      tpu.enqueue_dma source(%dma_start3A_107 : memref<5200xi32, #tpu.memory_space<hbm>>) target(%arg8 : memref<5200xi32, #tpu.memory_space<vmem>>) target_semaphore(%run_scoped3A : memref<!tpu.dma_semaphore, #tpu.memory_space<semaphore_mem>>)
      %dma_wait3A_108 = tpu.memref_slice %arg4[%mul3A_2] : memref<83200xi32, #tpu.memory_space<hbm>> -> memref<5200xi32, #tpu.memory_space<hbm>>
      %dma_wait3A_109 = tpu.memref_slice %arg4[%mul3A_2] : memref<83200xi32, #tpu.memory_space<hbm>> -> memref<5200xi32, #tpu.memory_space<hbm>>
      tpu.wait_dma2 semaphore(%run_scoped3A : memref<!tpu.dma_semaphore, #tpu.memory_space<semaphore_mem>>) src(%dma_wait3A_109 : memref<5200xi32, #tpu.memory_space<hbm>>) dst(%arg8 : memref<5200xi32, #tpu.memory_space<vmem>>)
      tpu.yield
    }) : () -> ()
    "tpu.region"() ({
      %run_scoped3A = tpu.sem_alloc : memref<!tpu.dma_semaphore, #tpu.memory_space<semaphore_mem>>
      %dma_start3A_106 = tpu.memref_slice %arg5[%mul3A_2] : memref<83200xi32, #tpu.memory_space<hbm>> -> memref<5200xi32, #tpu.memory_space<hbm>>
      %dma_start3A_107 = tpu.memref_slice %arg5[%mul3A_2] : memref<83200xi32, #tpu.memory_space<hbm>> -> memref<5200xi32, #tpu.memory_space<hbm>>
      tpu.enqueue_dma source(%dma_start3A_107 : memref<5200xi32, #tpu.memory_space<hbm>>) target(%arg9 : memref<5200xi32, #tpu.memory_space<vmem>>) target_semaphore(%run_scoped3A : memref<!tpu.dma_semaphore, #tpu.memory_space<semaphore_mem>>)
      %dma_wait3A_108 = tpu.memref_slice %arg5[%mul3A_2] : memref<83200xi32, #tpu.memory_space<hbm>> -> memref<5200xi32, #tpu.memory_space<hbm>>
      %dma_wait3A_109 = tpu.memref_slice %arg5[%mul3A_2] : memref<83200xi32, #tpu.memory_space<hbm>> -> memref<5200xi32, #tpu.memory_space<hbm>>
      tpu.wait_dma2 semaphore(%run_scoped3A : memref<!tpu.dma_semaphore, #tpu.memory_space<semaphore_mem>>) src(%dma_wait3A_109 : memref<5200xi32, #tpu.memory_space<hbm>>) dst(%arg9 : memref<5200xi32, #tpu.memory_space<vmem>>)
      tpu.yield
    }) : () -> ()
    %mul3A_3 = arith.constant 624 : i32
    %mul3A_4 = arith.muli %arg1, %mul3A_3 : i32
    %mul3A_5 = arith.constant 624 : i32
    %mul3A_6 = arith.muli %arg1, %mul3A_5 : i32
    "tpu.region"() ({
      %run_scoped3A = tpu.sem_alloc : memref<!tpu.dma_semaphore, #tpu.memory_space<semaphore_mem>>
      %dma_start3A_106 = arith.constant 0 : i32
      %dma_start3A_107 = tpu.memref_slice %arg13[%mul3A_6, %dma_start3A_106] : memref<10000x128xf32, #tpu.memory_space<vmem_shared>> -> memref<624x128xf32, #tpu.memory_space<vmem_shared>>
      %dma_start3A_108 = tpu.memref_slice %arg2[%mul3A_4, %mul3A_0] : memref<10000x256xf32, #tpu.memory_space<hbm>> -> memref<624x128xf32, #tpu.memory_space<hbm>>
      tpu.enqueue_dma source(%dma_start3A_108 : memref<624x128xf32, #tpu.memory_space<hbm>>) target(%dma_start3A_107 : memref<624x128xf32, #tpu.memory_space<vmem_shared>>) target_semaphore(%run_scoped3A : memref<!tpu.dma_semaphore, #tpu.memory_space<semaphore_mem>>)
      %dma_wait3A_109 = arith.constant 0 : i32
      %dma_wait3A_110 = tpu.memref_slice %arg13[%mul3A_6, %dma_wait3A_109] : memref<10000x128xf32, #tpu.memory_space<vmem_shared>> -> memref<624x128xf32, #tpu.memory_space<vmem_shared>>
      %dma_wait3A_111 = tpu.memref_slice %arg2[%mul3A_4, %mul3A_0] : memref<10000x256xf32, #tpu.memory_space<hbm>> -> memref<624x128xf32, #tpu.memory_space<hbm>>
      tpu.wait_dma2 semaphore(%run_scoped3A : memref<!tpu.dma_semaphore, #tpu.memory_space<semaphore_mem>>) src(%dma_wait3A_111 : memref<624x128xf32, #tpu.memory_space<hbm>>) dst(%dma_wait3A_110 : memref<624x128xf32, #tpu.memory_space<vmem_shared>>)
      tpu.yield
    }) : () -> ()
    %eq3A = arith.constant 15 : i32
    %eq3A_7 = arith.cmpi eq, %arg1, %eq3A : i32
    %convert_element_type3A = arith.extui %eq3A_7 : i1 to i32
    %cond3A = arith.constant 0 : i32
    %cond3A_8 = arith.cmpi ne, %convert_element_type3A, %cond3A : i32
    scf.if %cond3A_8 {
      "tpu.region"() ({
        %run_scoped3A = tpu.sem_alloc : memref<!tpu.dma_semaphore, #tpu.memory_space<semaphore_mem>>
        %dma_start3A_106 = arith.constant 9984 : i32
        %dma_start3A_107 = arith.constant 0 : i32
        %dma_start3A_108 = tpu.memref_slice %arg13[%dma_start3A_106, %dma_start3A_107] : memref<10000x128xf32, #tpu.memory_space<vmem_shared>> -> memref<16x128xf32, #tpu.memory_space<vmem_shared>>
        %dma_start3A_109 = arith.constant 9984 : i32
        %dma_start3A_110 = tpu.memref_slice %arg2[%dma_start3A_109, %mul3A_0] : memref<10000x256xf32, #tpu.memory_space<hbm>> -> memref<16x128xf32, #tpu.memory_space<hbm>>
        tpu.enqueue_dma source(%dma_start3A_110 : memref<16x128xf32, #tpu.memory_space<hbm>>) target(%dma_start3A_108 : memref<16x128xf32, #tpu.memory_space<vmem_shared>>) target_semaphore(%run_scoped3A : memref<!tpu.dma_semaphore, #tpu.memory_space<semaphore_mem>>)
        %dma_wait3A_111 = arith.constant 9984 : i32
        %dma_wait3A_112 = arith.constant 0 : i32
        %dma_wait3A_113 = tpu.memref_slice %arg13[%dma_wait3A_111, %dma_wait3A_112] : memref<10000x128xf32, #tpu.memory_space<vmem_shared>> -> memref<16x128xf32, #tpu.memory_space<vmem_shared>>
        %dma_wait3A_114 = arith.constant 9984 : i32
        %dma_wait3A_115 = tpu.memref_slice %arg2[%dma_wait3A_114, %mul3A_0] : memref<10000x256xf32, #tpu.memory_space<hbm>> -> memref<16x128xf32, #tpu.memory_space<hbm>>
        tpu.wait_dma2 semaphore(%run_scoped3A : memref<!tpu.dma_semaphore, #tpu.memory_space<semaphore_mem>>) src(%dma_wait3A_115 : memref<16x128xf32, #tpu.memory_space<hbm>>) dst(%dma_wait3A_113 : memref<16x128xf32, #tpu.memory_space<vmem_shared>>)
        tpu.yield
      }) : () -> ()
    } else {
    }
    %barrier3A = arith.constant 0 : index
    tpu.barrier barrier_id(%barrier3A)
    %dma_start3A = arith.constant 0 : i32
    %dma_start3A_9 = tpu.memref_slice %arg8[%dma_start3A] : memref<5200xi32, #tpu.memory_space<vmem>> -> memref<80xi32, #tpu.memory_space<vmem>>
    %dma_start3A_10 = arith.constant 0 : i32
    %dma_start3A_11 = arith.constant 0 : i32
    %dma_start3A_12 = tpu.memref_slice %arg13[%dma_start3A_10, %dma_start3A_11] : memref<10000x128xf32, #tpu.memory_space<vmem_shared>> -> memref<10000x128xf32, #tpu.memory_space<vmem_shared>>
    tpu.enqueue_indirect_dma source(%dma_start3A_12 : memref<10000x128xf32, #tpu.memory_space<vmem_shared>>) target(%arg10 : memref<80x128xf32, #tpu.memory_space<vmem>>) offsets(%dma_start3A_9 : memref<80xi32, #tpu.memory_space<vmem>>) semaphore(%arg14 : memref<!tpu.dma_semaphore, #tpu.memory_space<semaphore_mem>>)
    %dma_start3A_13 = arith.constant 80 : i32
    %dma_start3A_14 = tpu.memref_slice %arg8[%dma_start3A_13] : memref<5200xi32, #tpu.memory_space<vmem>> -> memref<80xi32, #tpu.memory_space<vmem>>
    %dma_start3A_15 = arith.constant 0 : i32
    %dma_start3A_16 = arith.constant 0 : i32
    %dma_start3A_17 = tpu.memref_slice %arg13[%dma_start3A_15, %dma_start3A_16] : memref<10000x128xf32, #tpu.memory_space<vmem_shared>> -> memref<10000x128xf32, #tpu.memory_space<vmem_shared>>
    tpu.enqueue_indirect_dma source(%dma_start3A_17 : memref<10000x128xf32, #tpu.memory_space<vmem_shared>>) target(%arg11 : memref<80x128xf32, #tpu.memory_space<vmem>>) offsets(%dma_start3A_14 : memref<80xi32, #tpu.memory_space<vmem>>) semaphore(%arg15 : memref<!tpu.dma_semaphore, #tpu.memory_space<semaphore_mem>>)
    %scan3A = arith.constant 0 : i32
    %scan3A_18 = arith.constant 21 : i32
    %scan3A_19 = arith.addi %scan3A, %scan3A_18 : i32
    %scan3A_20 = arith.constant 1 : i32
    scf.for %scan3A_106 = %scan3A to %scan3A_19 step %scan3A_20  : i32 {
      %mul3A_107 = arith.constant 1 : i32
      %mul3A_108 = arith.muli %scan3A_106, %mul3A_107 : i32
      %add3A_109 = arith.constant 0 : i32
      %add3A_110 = arith.addi %add3A_109, %mul3A_108 : i32
      %mul3A_111 = arith.constant 3 : i32
      %mul3A_112 = arith.muli %mul3A_111, %add3A_110 : i32
      %mul3A_113 = arith.constant 80 : i32
      %mul3A_114 = arith.muli %mul3A_112, %mul3A_113 : i32
      %add3A_115 = arith.constant 2 : i32
      %add3A_116 = arith.addi %mul3A_112, %add3A_115 : i32
      %lt3A = arith.constant 65 : i32
      %lt3A_117 = arith.cmpi slt, %add3A_116, %lt3A : i32
      %convert_element_type3A_118 = arith.extui %lt3A_117 : i1 to i32
      %cond3A_119 = arith.constant 0 : i32
      %cond3A_120 = arith.cmpi ne, %convert_element_type3A_118, %cond3A_119 : i32
      scf.if %cond3A_120 {
        %ge3A = arith.constant 1 : i32
        %ge3A_168 = arith.cmpi sge, %mul3A_112, %ge3A : i32
        %convert_element_type3A_169 = arith.extui %ge3A_168 : i1 to i32
        %cond3A_170 = arith.constant 0 : i32
        %cond3A_171 = arith.cmpi ne, %convert_element_type3A_169, %cond3A_170 : i32
        scf.if %cond3A_171 {
          %sub3A = arith.constant 80 : i32
          %sub3A_178 = arith.subi %mul3A_114, %sub3A : i32
          %add3A_179 = arith.addi %mul3A_2, %sub3A_178 : i32
          %dma_wait3A_180 = tpu.memref_slice %arg6[%add3A_179, %mul3A_0] : memref<83200x256xf32, #tpu.memory_space<hbm>> -> memref<80x128xf32, #tpu.memory_space<hbm>>
          %dma_wait3A_181 = tpu.memref_slice %arg6[%add3A_179, %mul3A_0] : memref<83200x256xf32, #tpu.memory_space<hbm>> -> memref<80x128xf32, #tpu.memory_space<hbm>>
          tpu.wait_dma2 semaphore(%arg19 : memref<!tpu.dma_semaphore, #tpu.memory_space<semaphore_mem>>) src(%arg12 : memref<80x128xf32, #tpu.memory_space<vmem>>) dst(%dma_wait3A_181 : memref<80x128xf32, #tpu.memory_space<hbm>>)
        } else {
        }
        %add3A_172 = arith.constant 160 : i32
        %add3A_173 = arith.addi %mul3A_114, %add3A_172 : i32
        %dma_start3A_174 = tpu.memref_slice %arg8[%add3A_173] : memref<5200xi32, #tpu.memory_space<vmem>> -> memref<80xi32, #tpu.memory_space<vmem>>
        %dma_start3A_175 = arith.constant 0 : i32
        %dma_start3A_176 = arith.constant 0 : i32
        %dma_start3A_177 = tpu.memref_slice %arg13[%dma_start3A_175, %dma_start3A_176] : memref<10000x128xf32, #tpu.memory_space<vmem_shared>> -> memref<10000x128xf32, #tpu.memory_space<vmem_shared>>
        tpu.enqueue_indirect_dma source(%dma_start3A_177 : memref<10000x128xf32, #tpu.memory_space<vmem_shared>>) target(%arg12 : memref<80x128xf32, #tpu.memory_space<vmem>>) offsets(%dma_start3A_174 : memref<80xi32, #tpu.memory_space<vmem>>) semaphore(%arg16 : memref<!tpu.dma_semaphore, #tpu.memory_space<semaphore_mem>>)
      } else {
      }
      %dma_wait3A_121 = tpu.memref_slice %arg8[%mul3A_114] : memref<5200xi32, #tpu.memory_space<vmem>> -> memref<80xi32, #tpu.memory_space<vmem>>
      %dma_wait3A_122 = arith.constant 0 : i32
      %dma_wait3A_123 = arith.constant 0 : i32
      %dma_wait3A_124 = tpu.memref_slice %arg13[%dma_wait3A_122, %dma_wait3A_123] : memref<10000x128xf32, #tpu.memory_space<vmem_shared>> -> memref<10000x128xf32, #tpu.memory_space<vmem_shared>>
      tpu.wait_indirect_dma semaphore(%arg14 : memref<!tpu.dma_semaphore, #tpu.memory_space<semaphore_mem>>) src(%dma_wait3A_124 : memref<10000x128xf32, #tpu.memory_space<vmem_shared>>) dst(%arg10 : memref<80x128xf32, #tpu.memory_space<vmem>>)
      %add3A_125 = arith.addi %mul3A_2, %mul3A_114 : i32
      %dma_start3A_126 = tpu.memref_slice %arg6[%add3A_125, %mul3A_0] : memref<83200x256xf32, #tpu.memory_space<hbm>> -> memref<80x128xf32, #tpu.memory_space<hbm>>
      %dma_start3A_127 = tpu.memref_slice %arg6[%add3A_125, %mul3A_0] : memref<83200x256xf32, #tpu.memory_space<hbm>> -> memref<80x128xf32, #tpu.memory_space<hbm>>
      tpu.enqueue_dma source(%arg10 : memref<80x128xf32, #tpu.memory_space<vmem>>) target(%dma_start3A_127 : memref<80x128xf32, #tpu.memory_space<hbm>>) target_semaphore(%arg17 : memref<!tpu.dma_semaphore, #tpu.memory_space<semaphore_mem>>)
      %mul3A_128 = arith.constant 3 : i32
      %mul3A_129 = arith.muli %mul3A_128, %add3A_110 : i32
      %add3A_130 = arith.constant 1 : i32
      %add3A_131 = arith.addi %mul3A_129, %add3A_130 : i32
      %mul3A_132 = arith.constant 80 : i32
      %mul3A_133 = arith.muli %add3A_131, %mul3A_132 : i32
      %add3A_134 = arith.constant 2 : i32
      %add3A_135 = arith.addi %add3A_131, %add3A_134 : i32
      %lt3A_136 = arith.constant 65 : i32
      %lt3A_137 = arith.cmpi slt, %add3A_135, %lt3A_136 : i32
      %convert_element_type3A_138 = arith.extui %lt3A_137 : i1 to i32
      %cond3A_139 = arith.constant 0 : i32
      %cond3A_140 = arith.cmpi ne, %convert_element_type3A_138, %cond3A_139 : i32
      scf.if %cond3A_140 {
        %ge3A = arith.constant 1 : i32
        %ge3A_168 = arith.cmpi sge, %add3A_131, %ge3A : i32
        %convert_element_type3A_169 = arith.extui %ge3A_168 : i1 to i32
        %cond3A_170 = arith.constant 0 : i32
        %cond3A_171 = arith.cmpi ne, %convert_element_type3A_169, %cond3A_170 : i32
        scf.if %cond3A_171 {
          %sub3A = arith.constant 80 : i32
          %sub3A_178 = arith.subi %mul3A_133, %sub3A : i32
          %add3A_179 = arith.addi %mul3A_2, %sub3A_178 : i32
          %dma_wait3A_180 = tpu.memref_slice %arg6[%add3A_179, %mul3A_0] : memref<83200x256xf32, #tpu.memory_space<hbm>> -> memref<80x128xf32, #tpu.memory_space<hbm>>
          %dma_wait3A_181 = tpu.memref_slice %arg6[%add3A_179, %mul3A_0] : memref<83200x256xf32, #tpu.memory_space<hbm>> -> memref<80x128xf32, #tpu.memory_space<hbm>>
          tpu.wait_dma2 semaphore(%arg17 : memref<!tpu.dma_semaphore, #tpu.memory_space<semaphore_mem>>) src(%arg10 : memref<80x128xf32, #tpu.memory_space<vmem>>) dst(%dma_wait3A_181 : memref<80x128xf32, #tpu.memory_space<hbm>>)
        } else {
        }
        %add3A_172 = arith.constant 160 : i32
        %add3A_173 = arith.addi %mul3A_133, %add3A_172 : i32
        %dma_start3A_174 = tpu.memref_slice %arg8[%add3A_173] : memref<5200xi32, #tpu.memory_space<vmem>> -> memref<80xi32, #tpu.memory_space<vmem>>
        %dma_start3A_175 = arith.constant 0 : i32
        %dma_start3A_176 = arith.constant 0 : i32
        %dma_start3A_177 = tpu.memref_slice %arg13[%dma_start3A_175, %dma_start3A_176] : memref<10000x128xf32, #tpu.memory_space<vmem_shared>> -> memref<10000x128xf32, #tpu.memory_space<vmem_shared>>
        tpu.enqueue_indirect_dma source(%dma_start3A_177 : memref<10000x128xf32, #tpu.memory_space<vmem_shared>>) target(%arg10 : memref<80x128xf32, #tpu.memory_space<vmem>>) offsets(%dma_start3A_174 : memref<80xi32, #tpu.memory_space<vmem>>) semaphore(%arg14 : memref<!tpu.dma_semaphore, #tpu.memory_space<semaphore_mem>>)
      } else {
      }
      %dma_wait3A_141 = tpu.memref_slice %arg8[%mul3A_133] : memref<5200xi32, #tpu.memory_space<vmem>> -> memref<80xi32, #tpu.memory_space<vmem>>
      %dma_wait3A_142 = arith.constant 0 : i32
      %dma_wait3A_143 = arith.constant 0 : i32
      %dma_wait3A_144 = tpu.memref_slice %arg13[%dma_wait3A_142, %dma_wait3A_143] : memref<10000x128xf32, #tpu.memory_space<vmem_shared>> -> memref<10000x128xf32, #tpu.memory_space<vmem_shared>>
      tpu.wait_indirect_dma semaphore(%arg15 : memref<!tpu.dma_semaphore, #tpu.memory_space<semaphore_mem>>) src(%dma_wait3A_144 : memref<10000x128xf32, #tpu.memory_space<vmem_shared>>) dst(%arg11 : memref<80x128xf32, #tpu.memory_space<vmem>>)
      %add3A_145 = arith.addi %mul3A_2, %mul3A_133 : i32
      %dma_start3A_146 = tpu.memref_slice %arg6[%add3A_145, %mul3A_0] : memref<83200x256xf32, #tpu.memory_space<hbm>> -> memref<80x128xf32, #tpu.memory_space<hbm>>
      %dma_start3A_147 = tpu.memref_slice %arg6[%add3A_145, %mul3A_0] : memref<83200x256xf32, #tpu.memory_space<hbm>> -> memref<80x128xf32, #tpu.memory_space<hbm>>
      tpu.enqueue_dma source(%arg11 : memref<80x128xf32, #tpu.memory_space<vmem>>) target(%dma_start3A_147 : memref<80x128xf32, #tpu.memory_space<hbm>>) target_semaphore(%arg18 : memref<!tpu.dma_semaphore, #tpu.memory_space<semaphore_mem>>)
      %mul3A_148 = arith.constant 3 : i32
      %mul3A_149 = arith.muli %mul3A_148, %add3A_110 : i32
      %add3A_150 = arith.constant 2 : i32
      %add3A_151 = arith.addi %mul3A_149, %add3A_150 : i32
      %mul3A_152 = arith.constant 80 : i32
      %mul3A_153 = arith.muli %add3A_151, %mul3A_152 : i32
      %add3A_154 = arith.constant 2 : i32
      %add3A_155 = arith.addi %add3A_151, %add3A_154 : i32
      %lt3A_156 = arith.constant 65 : i32
      %lt3A_157 = arith.cmpi slt, %add3A_155, %lt3A_156 : i32
      %convert_element_type3A_158 = arith.extui %lt3A_157 : i1 to i32
      %cond3A_159 = arith.constant 0 : i32
      %cond3A_160 = arith.cmpi ne, %convert_element_type3A_158, %cond3A_159 : i32
      scf.if %cond3A_160 {
        %ge3A = arith.constant 1 : i32
        %ge3A_168 = arith.cmpi sge, %add3A_151, %ge3A : i32
        %convert_element_type3A_169 = arith.extui %ge3A_168 : i1 to i32
        %cond3A_170 = arith.constant 0 : i32
        %cond3A_171 = arith.cmpi ne, %convert_element_type3A_169, %cond3A_170 : i32
        scf.if %cond3A_171 {
          %sub3A = arith.constant 80 : i32
          %sub3A_178 = arith.subi %mul3A_153, %sub3A : i32
          %add3A_179 = arith.addi %mul3A_2, %sub3A_178 : i32
          %dma_wait3A_180 = tpu.memref_slice %arg6[%add3A_179, %mul3A_0] : memref<83200x256xf32, #tpu.memory_space<hbm>> -> memref<80x128xf32, #tpu.memory_space<hbm>>
          %dma_wait3A_181 = tpu.memref_slice %arg6[%add3A_179, %mul3A_0] : memref<83200x256xf32, #tpu.memory_space<hbm>> -> memref<80x128xf32, #tpu.memory_space<hbm>>
          tpu.wait_dma2 semaphore(%arg18 : memref<!tpu.dma_semaphore, #tpu.memory_space<semaphore_mem>>) src(%arg11 : memref<80x128xf32, #tpu.memory_space<vmem>>) dst(%dma_wait3A_181 : memref<80x128xf32, #tpu.memory_space<hbm>>)
        } else {
        }
        %add3A_172 = arith.constant 160 : i32
        %add3A_173 = arith.addi %mul3A_153, %add3A_172 : i32
        %dma_start3A_174 = tpu.memref_slice %arg8[%add3A_173] : memref<5200xi32, #tpu.memory_space<vmem>> -> memref<80xi32, #tpu.memory_space<vmem>>
        %dma_start3A_175 = arith.constant 0 : i32
        %dma_start3A_176 = arith.constant 0 : i32
        %dma_start3A_177 = tpu.memref_slice %arg13[%dma_start3A_175, %dma_start3A_176] : memref<10000x128xf32, #tpu.memory_space<vmem_shared>> -> memref<10000x128xf32, #tpu.memory_space<vmem_shared>>
        tpu.enqueue_indirect_dma source(%dma_start3A_177 : memref<10000x128xf32, #tpu.memory_space<vmem_shared>>) target(%arg11 : memref<80x128xf32, #tpu.memory_space<vmem>>) offsets(%dma_start3A_174 : memref<80xi32, #tpu.memory_space<vmem>>) semaphore(%arg15 : memref<!tpu.dma_semaphore, #tpu.memory_space<semaphore_mem>>)
      } else {
      }
      %dma_wait3A_161 = tpu.memref_slice %arg8[%mul3A_153] : memref<5200xi32, #tpu.memory_space<vmem>> -> memref<80xi32, #tpu.memory_space<vmem>>
      %dma_wait3A_162 = arith.constant 0 : i32
      %dma_wait3A_163 = arith.constant 0 : i32
      %dma_wait3A_164 = tpu.memref_slice %arg13[%dma_wait3A_162, %dma_wait3A_163] : memref<10000x128xf32, #tpu.memory_space<vmem_shared>> -> memref<10000x128xf32, #tpu.memory_space<vmem_shared>>
      tpu.wait_indirect_dma semaphore(%arg16 : memref<!tpu.dma_semaphore, #tpu.memory_space<semaphore_mem>>) src(%dma_wait3A_164 : memref<10000x128xf32, #tpu.memory_space<vmem_shared>>) dst(%arg12 : memref<80x128xf32, #tpu.memory_space<vmem>>)
      %add3A_165 = arith.addi %mul3A_2, %mul3A_153 : i32
      %dma_start3A_166 = tpu.memref_slice %arg6[%add3A_165, %mul3A_0] : memref<83200x256xf32, #tpu.memory_space<hbm>> -> memref<80x128xf32, #tpu.memory_space<hbm>>
      %dma_start3A_167 = tpu.memref_slice %arg6[%add3A_165, %mul3A_0] : memref<83200x256xf32, #tpu.memory_space<hbm>> -> memref<80x128xf32, #tpu.memory_space<hbm>>
      tpu.enqueue_dma source(%arg12 : memref<80x128xf32, #tpu.memory_space<vmem>>) target(%dma_start3A_167 : memref<80x128xf32, #tpu.memory_space<hbm>>) target_semaphore(%arg19 : memref<!tpu.dma_semaphore, #tpu.memory_space<semaphore_mem>>)
    }
    %scan3A_21 = arith.constant 21 : i32
    %dma_wait3A = arith.constant 5040 : i32
    %dma_wait3A_22 = tpu.memref_slice %arg8[%dma_wait3A] : memref<5200xi32, #tpu.memory_space<vmem>> -> memref<80xi32, #tpu.memory_space<vmem>>
    %dma_wait3A_23 = arith.constant 0 : i32
    %dma_wait3A_24 = arith.constant 0 : i32
    %dma_wait3A_25 = tpu.memref_slice %arg13[%dma_wait3A_23, %dma_wait3A_24] : memref<10000x128xf32, #tpu.memory_space<vmem_shared>> -> memref<10000x128xf32, #tpu.memory_space<vmem_shared>>
    tpu.wait_indirect_dma semaphore(%arg14 : memref<!tpu.dma_semaphore, #tpu.memory_space<semaphore_mem>>) src(%dma_wait3A_25 : memref<10000x128xf32, #tpu.memory_space<vmem_shared>>) dst(%arg10 : memref<80x128xf32, #tpu.memory_space<vmem>>)
    %add3A = arith.constant 5040 : i32
    %add3A_26 = arith.addi %mul3A_2, %add3A : i32
    %dma_start3A_27 = tpu.memref_slice %arg6[%add3A_26, %mul3A_0] : memref<83200x256xf32, #tpu.memory_space<hbm>> -> memref<80x128xf32, #tpu.memory_space<hbm>>
    %dma_start3A_28 = tpu.memref_slice %arg6[%add3A_26, %mul3A_0] : memref<83200x256xf32, #tpu.memory_space<hbm>> -> memref<80x128xf32, #tpu.memory_space<hbm>>
    tpu.enqueue_dma source(%arg10 : memref<80x128xf32, #tpu.memory_space<vmem>>) target(%dma_start3A_28 : memref<80x128xf32, #tpu.memory_space<hbm>>) target_semaphore(%arg17 : memref<!tpu.dma_semaphore, #tpu.memory_space<semaphore_mem>>)
    %dma_wait3A_29 = arith.constant 5120 : i32
    %dma_wait3A_30 = tpu.memref_slice %arg8[%dma_wait3A_29] : memref<5200xi32, #tpu.memory_space<vmem>> -> memref<80xi32, #tpu.memory_space<vmem>>
    %dma_wait3A_31 = arith.constant 0 : i32
    %dma_wait3A_32 = arith.constant 0 : i32
    %dma_wait3A_33 = tpu.memref_slice %arg13[%dma_wait3A_31, %dma_wait3A_32] : memref<10000x128xf32, #tpu.memory_space<vmem_shared>> -> memref<10000x128xf32, #tpu.memory_space<vmem_shared>>
    tpu.wait_indirect_dma semaphore(%arg15 : memref<!tpu.dma_semaphore, #tpu.memory_space<semaphore_mem>>) src(%dma_wait3A_33 : memref<10000x128xf32, #tpu.memory_space<vmem_shared>>) dst(%arg11 : memref<80x128xf32, #tpu.memory_space<vmem>>)
    %add3A_34 = arith.constant 5120 : i32
    %add3A_35 = arith.addi %mul3A_2, %add3A_34 : i32
    %dma_start3A_36 = tpu.memref_slice %arg6[%add3A_35, %mul3A_0] : memref<83200x256xf32, #tpu.memory_space<hbm>> -> memref<80x128xf32, #tpu.memory_space<hbm>>
    %dma_start3A_37 = tpu.memref_slice %arg6[%add3A_35, %mul3A_0] : memref<83200x256xf32, #tpu.memory_space<hbm>> -> memref<80x128xf32, #tpu.memory_space<hbm>>
    tpu.enqueue_dma source(%arg11 : memref<80x128xf32, #tpu.memory_space<vmem>>) target(%dma_start3A_37 : memref<80x128xf32, #tpu.memory_space<hbm>>) target_semaphore(%arg18 : memref<!tpu.dma_semaphore, #tpu.memory_space<semaphore_mem>>)
    %add3A_38 = arith.constant 4960 : i32
    %add3A_39 = arith.addi %mul3A_2, %add3A_38 : i32
    %dma_wait3A_40 = tpu.memref_slice %arg6[%add3A_39, %mul3A_0] : memref<83200x256xf32, #tpu.memory_space<hbm>> -> memref<80x128xf32, #tpu.memory_space<hbm>>
    %dma_wait3A_41 = tpu.memref_slice %arg6[%add3A_39, %mul3A_0] : memref<83200x256xf32, #tpu.memory_space<hbm>> -> memref<80x128xf32, #tpu.memory_space<hbm>>
    tpu.wait_dma2 semaphore(%arg19 : memref<!tpu.dma_semaphore, #tpu.memory_space<semaphore_mem>>) src(%arg12 : memref<80x128xf32, #tpu.memory_space<vmem>>) dst(%dma_wait3A_41 : memref<80x128xf32, #tpu.memory_space<hbm>>)
    %add3A_42 = arith.constant 5040 : i32
    %add3A_43 = arith.addi %mul3A_2, %add3A_42 : i32
    %dma_wait3A_44 = tpu.memref_slice %arg6[%add3A_43, %mul3A_0] : memref<83200x256xf32, #tpu.memory_space<hbm>> -> memref<80x128xf32, #tpu.memory_space<hbm>>
    %dma_wait3A_45 = tpu.memref_slice %arg6[%add3A_43, %mul3A_0] : memref<83200x256xf32, #tpu.memory_space<hbm>> -> memref<80x128xf32, #tpu.memory_space<hbm>>
    tpu.wait_dma2 semaphore(%arg17 : memref<!tpu.dma_semaphore, #tpu.memory_space<semaphore_mem>>) src(%arg10 : memref<80x128xf32, #tpu.memory_space<vmem>>) dst(%dma_wait3A_45 : memref<80x128xf32, #tpu.memory_space<hbm>>)
    %add3A_46 = arith.constant 5120 : i32
    %add3A_47 = arith.addi %mul3A_2, %add3A_46 : i32
    %dma_wait3A_48 = tpu.memref_slice %arg6[%add3A_47, %mul3A_0] : memref<83200x256xf32, #tpu.memory_space<hbm>> -> memref<80x128xf32, #tpu.memory_space<hbm>>
    %dma_wait3A_49 = tpu.memref_slice %arg6[%add3A_47, %mul3A_0] : memref<83200x256xf32, #tpu.memory_space<hbm>> -> memref<80x128xf32, #tpu.memory_space<hbm>>
    tpu.wait_dma2 semaphore(%arg18 : memref<!tpu.dma_semaphore, #tpu.memory_space<semaphore_mem>>) src(%arg11 : memref<80x128xf32, #tpu.memory_space<vmem>>) dst(%dma_wait3A_49 : memref<80x128xf32, #tpu.memory_space<hbm>>)
    %barrier3A_50 = arith.constant 0 : index
    tpu.barrier barrier_id(%barrier3A_50)
    %mul3A_51 = arith.constant 624 : i32
    %mul3A_52 = arith.muli %arg1, %mul3A_51 : i32
    %mul3A_53 = arith.constant 624 : i32
    %mul3A_54 = arith.muli %arg1, %mul3A_53 : i32
    "tpu.region"() ({
      %run_scoped3A = tpu.sem_alloc : memref<!tpu.dma_semaphore, #tpu.memory_space<semaphore_mem>>
      %dma_start3A_106 = arith.constant 0 : i32
      %dma_start3A_107 = tpu.memref_slice %arg13[%mul3A_54, %dma_start3A_106] : memref<10000x128xf32, #tpu.memory_space<vmem_shared>> -> memref<624x128xf32, #tpu.memory_space<vmem_shared>>
      %dma_start3A_108 = tpu.memref_slice %arg3[%mul3A_52, %mul3A_0] : memref<10000x256xf32, #tpu.memory_space<hbm>> -> memref<624x128xf32, #tpu.memory_space<hbm>>
      tpu.enqueue_dma source(%dma_start3A_108 : memref<624x128xf32, #tpu.memory_space<hbm>>) target(%dma_start3A_107 : memref<624x128xf32, #tpu.memory_space<vmem_shared>>) target_semaphore(%run_scoped3A : memref<!tpu.dma_semaphore, #tpu.memory_space<semaphore_mem>>)
      %dma_wait3A_109 = arith.constant 0 : i32
      %dma_wait3A_110 = tpu.memref_slice %arg13[%mul3A_54, %dma_wait3A_109] : memref<10000x128xf32, #tpu.memory_space<vmem_shared>> -> memref<624x128xf32, #tpu.memory_space<vmem_shared>>
      %dma_wait3A_111 = tpu.memref_slice %arg3[%mul3A_52, %mul3A_0] : memref<10000x256xf32, #tpu.memory_space<hbm>> -> memref<624x128xf32, #tpu.memory_space<hbm>>
      tpu.wait_dma2 semaphore(%run_scoped3A : memref<!tpu.dma_semaphore, #tpu.memory_space<semaphore_mem>>) src(%dma_wait3A_111 : memref<624x128xf32, #tpu.memory_space<hbm>>) dst(%dma_wait3A_110 : memref<624x128xf32, #tpu.memory_space<vmem_shared>>)
      tpu.yield
    }) : () -> ()
    %eq3A_55 = arith.constant 15 : i32
    %eq3A_56 = arith.cmpi eq, %arg1, %eq3A_55 : i32
    %convert_element_type3A_57 = arith.extui %eq3A_56 : i1 to i32
    %cond3A_58 = arith.constant 0 : i32
    %cond3A_59 = arith.cmpi ne, %convert_element_type3A_57, %cond3A_58 : i32
    scf.if %cond3A_59 {
      "tpu.region"() ({
        %run_scoped3A = tpu.sem_alloc : memref<!tpu.dma_semaphore, #tpu.memory_space<semaphore_mem>>
        %dma_start3A_106 = arith.constant 9984 : i32
        %dma_start3A_107 = arith.constant 0 : i32
        %dma_start3A_108 = tpu.memref_slice %arg13[%dma_start3A_106, %dma_start3A_107] : memref<10000x128xf32, #tpu.memory_space<vmem_shared>> -> memref<16x128xf32, #tpu.memory_space<vmem_shared>>
        %dma_start3A_109 = arith.constant 9984 : i32
        %dma_start3A_110 = tpu.memref_slice %arg3[%dma_start3A_109, %mul3A_0] : memref<10000x256xf32, #tpu.memory_space<hbm>> -> memref<16x128xf32, #tpu.memory_space<hbm>>
        tpu.enqueue_dma source(%dma_start3A_110 : memref<16x128xf32, #tpu.memory_space<hbm>>) target(%dma_start3A_108 : memref<16x128xf32, #tpu.memory_space<vmem_shared>>) target_semaphore(%run_scoped3A : memref<!tpu.dma_semaphore, #tpu.memory_space<semaphore_mem>>)
        %dma_wait3A_111 = arith.constant 9984 : i32
        %dma_wait3A_112 = arith.constant 0 : i32
        %dma_wait3A_113 = tpu.memref_slice %arg13[%dma_wait3A_111, %dma_wait3A_112] : memref<10000x128xf32, #tpu.memory_space<vmem_shared>> -> memref<16x128xf32, #tpu.memory_space<vmem_shared>>
        %dma_wait3A_114 = arith.constant 9984 : i32
        %dma_wait3A_115 = tpu.memref_slice %arg3[%dma_wait3A_114, %mul3A_0] : memref<10000x256xf32, #tpu.memory_space<hbm>> -> memref<16x128xf32, #tpu.memory_space<hbm>>
        tpu.wait_dma2 semaphore(%run_scoped3A : memref<!tpu.dma_semaphore, #tpu.memory_space<semaphore_mem>>) src(%dma_wait3A_115 : memref<16x128xf32, #tpu.memory_space<hbm>>) dst(%dma_wait3A_113 : memref<16x128xf32, #tpu.memory_space<vmem_shared>>)
        tpu.yield
      }) : () -> ()
    } else {
    }
    %barrier3A_60 = arith.constant 0 : index
    tpu.barrier barrier_id(%barrier3A_60)
    %dma_start3A_61 = arith.constant 0 : i32
    %dma_start3A_62 = tpu.memref_slice %arg9[%dma_start3A_61] : memref<5200xi32, #tpu.memory_space<vmem>> -> memref<80xi32, #tpu.memory_space<vmem>>
    %dma_start3A_63 = arith.constant 0 : i32
    %dma_start3A_64 = arith.constant 0 : i32
    %dma_start3A_65 = tpu.memref_slice %arg13[%dma_start3A_63, %dma_start3A_64] : memref<10000x128xf32, #tpu.memory_space<vmem_shared>> -> memref<10000x128xf32, #tpu.memory_space<vmem_shared>>
    tpu.enqueue_indirect_dma source(%dma_start3A_65 : memref<10000x128xf32, #tpu.memory_space<vmem_shared>>) target(%arg10 : memref<80x128xf32, #tpu.memory_space<vmem>>) offsets(%dma_start3A_62 : memref<80xi32, #tpu.memory_space<vmem>>) semaphore(%arg14 : memref<!tpu.dma_semaphore, #tpu.memory_space<semaphore_mem>>)
    %dma_start3A_66 = arith.constant 80 : i32
    %dma_start3A_67 = tpu.memref_slice %arg9[%dma_start3A_66] : memref<5200xi32, #tpu.memory_space<vmem>> -> memref<80xi32, #tpu.memory_space<vmem>>
    %dma_start3A_68 = arith.constant 0 : i32
    %dma_start3A_69 = arith.constant 0 : i32
    %dma_start3A_70 = tpu.memref_slice %arg13[%dma_start3A_68, %dma_start3A_69] : memref<10000x128xf32, #tpu.memory_space<vmem_shared>> -> memref<10000x128xf32, #tpu.memory_space<vmem_shared>>
    tpu.enqueue_indirect_dma source(%dma_start3A_70 : memref<10000x128xf32, #tpu.memory_space<vmem_shared>>) target(%arg11 : memref<80x128xf32, #tpu.memory_space<vmem>>) offsets(%dma_start3A_67 : memref<80xi32, #tpu.memory_space<vmem>>) semaphore(%arg15 : memref<!tpu.dma_semaphore, #tpu.memory_space<semaphore_mem>>)
    %scan3A_71 = arith.constant 0 : i32
    %scan3A_72 = arith.constant 21 : i32
    %scan3A_73 = arith.addi %scan3A_71, %scan3A_72 : i32
    %scan3A_74 = arith.constant 1 : i32
    scf.for %scan3A_106 = %scan3A_71 to %scan3A_73 step %scan3A_74  : i32 {
      %mul3A_107 = arith.constant 1 : i32
      %mul3A_108 = arith.muli %scan3A_106, %mul3A_107 : i32
      %add3A_109 = arith.constant 0 : i32
      %add3A_110 = arith.addi %add3A_109, %mul3A_108 : i32
      %mul3A_111 = arith.constant 3 : i32
      %mul3A_112 = arith.muli %mul3A_111, %add3A_110 : i32
      %mul3A_113 = arith.constant 80 : i32
      %mul3A_114 = arith.muli %mul3A_112, %mul3A_113 : i32
      %add3A_115 = arith.constant 2 : i32
      %add3A_116 = arith.addi %mul3A_112, %add3A_115 : i32
      %lt3A = arith.constant 65 : i32
      %lt3A_117 = arith.cmpi slt, %add3A_116, %lt3A : i32
      %convert_element_type3A_118 = arith.extui %lt3A_117 : i1 to i32
      %cond3A_119 = arith.constant 0 : i32
      %cond3A_120 = arith.cmpi ne, %convert_element_type3A_118, %cond3A_119 : i32
      scf.if %cond3A_120 {
        %ge3A = arith.constant 1 : i32
        %ge3A_168 = arith.cmpi sge, %mul3A_112, %ge3A : i32
        %convert_element_type3A_169 = arith.extui %ge3A_168 : i1 to i32
        %cond3A_170 = arith.constant 0 : i32
        %cond3A_171 = arith.cmpi ne, %convert_element_type3A_169, %cond3A_170 : i32
        scf.if %cond3A_171 {
          %sub3A = arith.constant 80 : i32
          %sub3A_178 = arith.subi %mul3A_114, %sub3A : i32
          %add3A_179 = arith.addi %mul3A_2, %sub3A_178 : i32
          %dma_wait3A_180 = tpu.memref_slice %arg7[%add3A_179, %mul3A_0] : memref<83200x256xf32, #tpu.memory_space<hbm>> -> memref<80x128xf32, #tpu.memory_space<hbm>>
          %dma_wait3A_181 = tpu.memref_slice %arg7[%add3A_179, %mul3A_0] : memref<83200x256xf32, #tpu.memory_space<hbm>> -> memref<80x128xf32, #tpu.memory_space<hbm>>
          tpu.wait_dma2 semaphore(%arg19 : memref<!tpu.dma_semaphore, #tpu.memory_space<semaphore_mem>>) src(%arg12 : memref<80x128xf32, #tpu.memory_space<vmem>>) dst(%dma_wait3A_181 : memref<80x128xf32, #tpu.memory_space<hbm>>)
        } else {
        }
        %add3A_172 = arith.constant 160 : i32
        %add3A_173 = arith.addi %mul3A_114, %add3A_172 : i32
        %dma_start3A_174 = tpu.memref_slice %arg9[%add3A_173] : memref<5200xi32, #tpu.memory_space<vmem>> -> memref<80xi32, #tpu.memory_space<vmem>>
        %dma_start3A_175 = arith.constant 0 : i32
        %dma_start3A_176 = arith.constant 0 : i32
        %dma_start3A_177 = tpu.memref_slice %arg13[%dma_start3A_175, %dma_start3A_176] : memref<10000x128xf32, #tpu.memory_space<vmem_shared>> -> memref<10000x128xf32, #tpu.memory_space<vmem_shared>>
        tpu.enqueue_indirect_dma source(%dma_start3A_177 : memref<10000x128xf32, #tpu.memory_space<vmem_shared>>) target(%arg12 : memref<80x128xf32, #tpu.memory_space<vmem>>) offsets(%dma_start3A_174 : memref<80xi32, #tpu.memory_space<vmem>>) semaphore(%arg16 : memref<!tpu.dma_semaphore, #tpu.memory_space<semaphore_mem>>)
      } else {
      }
      %dma_wait3A_121 = tpu.memref_slice %arg9[%mul3A_114] : memref<5200xi32, #tpu.memory_space<vmem>> -> memref<80xi32, #tpu.memory_space<vmem>>
      %dma_wait3A_122 = arith.constant 0 : i32
      %dma_wait3A_123 = arith.constant 0 : i32
      %dma_wait3A_124 = tpu.memref_slice %arg13[%dma_wait3A_122, %dma_wait3A_123] : memref<10000x128xf32, #tpu.memory_space<vmem_shared>> -> memref<10000x128xf32, #tpu.memory_space<vmem_shared>>
      tpu.wait_indirect_dma semaphore(%arg14 : memref<!tpu.dma_semaphore, #tpu.memory_space<semaphore_mem>>) src(%dma_wait3A_124 : memref<10000x128xf32, #tpu.memory_space<vmem_shared>>) dst(%arg10 : memref<80x128xf32, #tpu.memory_space<vmem>>)
      %add3A_125 = arith.addi %mul3A_2, %mul3A_114 : i32
      %dma_start3A_126 = tpu.memref_slice %arg7[%add3A_125, %mul3A_0] : memref<83200x256xf32, #tpu.memory_space<hbm>> -> memref<80x128xf32, #tpu.memory_space<hbm>>
      %dma_start3A_127 = tpu.memref_slice %arg7[%add3A_125, %mul3A_0] : memref<83200x256xf32, #tpu.memory_space<hbm>> -> memref<80x128xf32, #tpu.memory_space<hbm>>
      tpu.enqueue_dma source(%arg10 : memref<80x128xf32, #tpu.memory_space<vmem>>) target(%dma_start3A_127 : memref<80x128xf32, #tpu.memory_space<hbm>>) target_semaphore(%arg17 : memref<!tpu.dma_semaphore, #tpu.memory_space<semaphore_mem>>)
      %mul3A_128 = arith.constant 3 : i32
      %mul3A_129 = arith.muli %mul3A_128, %add3A_110 : i32
      %add3A_130 = arith.constant 1 : i32
      %add3A_131 = arith.addi %mul3A_129, %add3A_130 : i32
      %mul3A_132 = arith.constant 80 : i32
      %mul3A_133 = arith.muli %add3A_131, %mul3A_132 : i32
      %add3A_134 = arith.constant 2 : i32
      %add3A_135 = arith.addi %add3A_131, %add3A_134 : i32
      %lt3A_136 = arith.constant 65 : i32
      %lt3A_137 = arith.cmpi slt, %add3A_135, %lt3A_136 : i32
      %convert_element_type3A_138 = arith.extui %lt3A_137 : i1 to i32
      %cond3A_139 = arith.constant 0 : i32
      %cond3A_140 = arith.cmpi ne, %convert_element_type3A_138, %cond3A_139 : i32
      scf.if %cond3A_140 {
        %ge3A = arith.constant 1 : i32
        %ge3A_168 = arith.cmpi sge, %add3A_131, %ge3A : i32
        %convert_element_type3A_169 = arith.extui %ge3A_168 : i1 to i32
        %cond3A_170 = arith.constant 0 : i32
        %cond3A_171 = arith.cmpi ne, %convert_element_type3A_169, %cond3A_170 : i32
        scf.if %cond3A_171 {
          %sub3A = arith.constant 80 : i32
          %sub3A_178 = arith.subi %mul3A_133, %sub3A : i32
          %add3A_179 = arith.addi %mul3A_2, %sub3A_178 : i32
          %dma_wait3A_180 = tpu.memref_slice %arg7[%add3A_179, %mul3A_0] : memref<83200x256xf32, #tpu.memory_space<hbm>> -> memref<80x128xf32, #tpu.memory_space<hbm>>
          %dma_wait3A_181 = tpu.memref_slice %arg7[%add3A_179, %mul3A_0] : memref<83200x256xf32, #tpu.memory_space<hbm>> -> memref<80x128xf32, #tpu.memory_space<hbm>>
          tpu.wait_dma2 semaphore(%arg17 : memref<!tpu.dma_semaphore, #tpu.memory_space<semaphore_mem>>) src(%arg10 : memref<80x128xf32, #tpu.memory_space<vmem>>) dst(%dma_wait3A_181 : memref<80x128xf32, #tpu.memory_space<hbm>>)
        } else {
        }
        %add3A_172 = arith.constant 160 : i32
        %add3A_173 = arith.addi %mul3A_133, %add3A_172 : i32
        %dma_start3A_174 = tpu.memref_slice %arg9[%add3A_173] : memref<5200xi32, #tpu.memory_space<vmem>> -> memref<80xi32, #tpu.memory_space<vmem>>
        %dma_start3A_175 = arith.constant 0 : i32
        %dma_start3A_176 = arith.constant 0 : i32
        %dma_start3A_177 = tpu.memref_slice %arg13[%dma_start3A_175, %dma_start3A_176] : memref<10000x128xf32, #tpu.memory_space<vmem_shared>> -> memref<10000x128xf32, #tpu.memory_space<vmem_shared>>
        tpu.enqueue_indirect_dma source(%dma_start3A_177 : memref<10000x128xf32, #tpu.memory_space<vmem_shared>>) target(%arg10 : memref<80x128xf32, #tpu.memory_space<vmem>>) offsets(%dma_start3A_174 : memref<80xi32, #tpu.memory_space<vmem>>) semaphore(%arg14 : memref<!tpu.dma_semaphore, #tpu.memory_space<semaphore_mem>>)
      } else {
      }
      %dma_wait3A_141 = tpu.memref_slice %arg9[%mul3A_133] : memref<5200xi32, #tpu.memory_space<vmem>> -> memref<80xi32, #tpu.memory_space<vmem>>
      %dma_wait3A_142 = arith.constant 0 : i32
      %dma_wait3A_143 = arith.constant 0 : i32
      %dma_wait3A_144 = tpu.memref_slice %arg13[%dma_wait3A_142, %dma_wait3A_143] : memref<10000x128xf32, #tpu.memory_space<vmem_shared>> -> memref<10000x128xf32, #tpu.memory_space<vmem_shared>>
      tpu.wait_indirect_dma semaphore(%arg15 : memref<!tpu.dma_semaphore, #tpu.memory_space<semaphore_mem>>) src(%dma_wait3A_144 : memref<10000x128xf32, #tpu.memory_space<vmem_shared>>) dst(%arg11 : memref<80x128xf32, #tpu.memory_space<vmem>>)
      %add3A_145 = arith.addi %mul3A_2, %mul3A_133 : i32
      %dma_start3A_146 = tpu.memref_slice %arg7[%add3A_145, %mul3A_0] : memref<83200x256xf32, #tpu.memory_space<hbm>> -> memref<80x128xf32, #tpu.memory_space<hbm>>
      %dma_start3A_147 = tpu.memref_slice %arg7[%add3A_145, %mul3A_0] : memref<83200x256xf32, #tpu.memory_space<hbm>> -> memref<80x128xf32, #tpu.memory_space<hbm>>
      tpu.enqueue_dma source(%arg11 : memref<80x128xf32, #tpu.memory_space<vmem>>) target(%dma_start3A_147 : memref<80x128xf32, #tpu.memory_space<hbm>>) target_semaphore(%arg18 : memref<!tpu.dma_semaphore, #tpu.memory_space<semaphore_mem>>)
      %mul3A_148 = arith.constant 3 : i32
      %mul3A_149 = arith.muli %mul3A_148, %add3A_110 : i32
      %add3A_150 = arith.constant 2 : i32
      %add3A_151 = arith.addi %mul3A_149, %add3A_150 : i32
      %mul3A_152 = arith.constant 80 : i32
      %mul3A_153 = arith.muli %add3A_151, %mul3A_152 : i32
      %add3A_154 = arith.constant 2 : i32
      %add3A_155 = arith.addi %add3A_151, %add3A_154 : i32
      %lt3A_156 = arith.constant 65 : i32
      %lt3A_157 = arith.cmpi slt, %add3A_155, %lt3A_156 : i32
      %convert_element_type3A_158 = arith.extui %lt3A_157 : i1 to i32
      %cond3A_159 = arith.constant 0 : i32
      %cond3A_160 = arith.cmpi ne, %convert_element_type3A_158, %cond3A_159 : i32
      scf.if %cond3A_160 {
        %ge3A = arith.constant 1 : i32
        %ge3A_168 = arith.cmpi sge, %add3A_151, %ge3A : i32
        %convert_element_type3A_169 = arith.extui %ge3A_168 : i1 to i32
        %cond3A_170 = arith.constant 0 : i32
        %cond3A_171 = arith.cmpi ne, %convert_element_type3A_169, %cond3A_170 : i32
        scf.if %cond3A_171 {
          %sub3A = arith.constant 80 : i32
          %sub3A_178 = arith.subi %mul3A_153, %sub3A : i32
          %add3A_179 = arith.addi %mul3A_2, %sub3A_178 : i32
          %dma_wait3A_180 = tpu.memref_slice %arg7[%add3A_179, %mul3A_0] : memref<83200x256xf32, #tpu.memory_space<hbm>> -> memref<80x128xf32, #tpu.memory_space<hbm>>
          %dma_wait3A_181 = tpu.memref_slice %arg7[%add3A_179, %mul3A_0] : memref<83200x256xf32, #tpu.memory_space<hbm>> -> memref<80x128xf32, #tpu.memory_space<hbm>>
          tpu.wait_dma2 semaphore(%arg18 : memref<!tpu.dma_semaphore, #tpu.memory_space<semaphore_mem>>) src(%arg11 : memref<80x128xf32, #tpu.memory_space<vmem>>) dst(%dma_wait3A_181 : memref<80x128xf32, #tpu.memory_space<hbm>>)
        } else {
        }
        %add3A_172 = arith.constant 160 : i32
        %add3A_173 = arith.addi %mul3A_153, %add3A_172 : i32
        %dma_start3A_174 = tpu.memref_slice %arg9[%add3A_173] : memref<5200xi32, #tpu.memory_space<vmem>> -> memref<80xi32, #tpu.memory_space<vmem>>
        %dma_start3A_175 = arith.constant 0 : i32
        %dma_start3A_176 = arith.constant 0 : i32
        %dma_start3A_177 = tpu.memref_slice %arg13[%dma_start3A_175, %dma_start3A_176] : memref<10000x128xf32, #tpu.memory_space<vmem_shared>> -> memref<10000x128xf32, #tpu.memory_space<vmem_shared>>
        tpu.enqueue_indirect_dma source(%dma_start3A_177 : memref<10000x128xf32, #tpu.memory_space<vmem_shared>>) target(%arg11 : memref<80x128xf32, #tpu.memory_space<vmem>>) offsets(%dma_start3A_174 : memref<80xi32, #tpu.memory_space<vmem>>) semaphore(%arg15 : memref<!tpu.dma_semaphore, #tpu.memory_space<semaphore_mem>>)
      } else {
      }
      %dma_wait3A_161 = tpu.memref_slice %arg9[%mul3A_153] : memref<5200xi32, #tpu.memory_space<vmem>> -> memref<80xi32, #tpu.memory_space<vmem>>
      %dma_wait3A_162 = arith.constant 0 : i32
      %dma_wait3A_163 = arith.constant 0 : i32
      %dma_wait3A_164 = tpu.memref_slice %arg13[%dma_wait3A_162, %dma_wait3A_163] : memref<10000x128xf32, #tpu.memory_space<vmem_shared>> -> memref<10000x128xf32, #tpu.memory_space<vmem_shared>>
      tpu.wait_indirect_dma semaphore(%arg16 : memref<!tpu.dma_semaphore, #tpu.memory_space<semaphore_mem>>) src(%dma_wait3A_164 : memref<10000x128xf32, #tpu.memory_space<vmem_shared>>) dst(%arg12 : memref<80x128xf32, #tpu.memory_space<vmem>>)
      %add3A_165 = arith.addi %mul3A_2, %mul3A_153 : i32
      %dma_start3A_166 = tpu.memref_slice %arg7[%add3A_165, %mul3A_0] : memref<83200x256xf32, #tpu.memory_space<hbm>> -> memref<80x128xf32, #tpu.memory_space<hbm>>
      %dma_start3A_167 = tpu.memref_slice %arg7[%add3A_165, %mul3A_0] : memref<83200x256xf32, #tpu.memory_space<hbm>> -> memref<80x128xf32, #tpu.memory_space<hbm>>
      tpu.enqueue_dma source(%arg12 : memref<80x128xf32, #tpu.memory_space<vmem>>) target(%dma_start3A_167 : memref<80x128xf32, #tpu.memory_space<hbm>>) target_semaphore(%arg19 : memref<!tpu.dma_semaphore, #tpu.memory_space<semaphore_mem>>)
    }
    %scan3A_75 = arith.constant 21 : i32
    %dma_wait3A_76 = arith.constant 5040 : i32
    %dma_wait3A_77 = tpu.memref_slice %arg9[%dma_wait3A_76] : memref<5200xi32, #tpu.memory_space<vmem>> -> memref<80xi32, #tpu.memory_space<vmem>>
    %dma_wait3A_78 = arith.constant 0 : i32
    %dma_wait3A_79 = arith.constant 0 : i32
    %dma_wait3A_80 = tpu.memref_slice %arg13[%dma_wait3A_78, %dma_wait3A_79] : memref<10000x128xf32, #tpu.memory_space<vmem_shared>> -> memref<10000x128xf32, #tpu.memory_space<vmem_shared>>
    tpu.wait_indirect_dma semaphore(%arg14 : memref<!tpu.dma_semaphore, #tpu.memory_space<semaphore_mem>>) src(%dma_wait3A_80 : memref<10000x128xf32, #tpu.memory_space<vmem_shared>>) dst(%arg10 : memref<80x128xf32, #tpu.memory_space<vmem>>)
    %add3A_81 = arith.constant 5040 : i32
    %add3A_82 = arith.addi %mul3A_2, %add3A_81 : i32
    %dma_start3A_83 = tpu.memref_slice %arg7[%add3A_82, %mul3A_0] : memref<83200x256xf32, #tpu.memory_space<hbm>> -> memref<80x128xf32, #tpu.memory_space<hbm>>
    %dma_start3A_84 = tpu.memref_slice %arg7[%add3A_82, %mul3A_0] : memref<83200x256xf32, #tpu.memory_space<hbm>> -> memref<80x128xf32, #tpu.memory_space<hbm>>
    tpu.enqueue_dma source(%arg10 : memref<80x128xf32, #tpu.memory_space<vmem>>) target(%dma_start3A_84 : memref<80x128xf32, #tpu.memory_space<hbm>>) target_semaphore(%arg17 : memref<!tpu.dma_semaphore, #tpu.memory_space<semaphore_mem>>)
    %dma_wait3A_85 = arith.constant 5120 : i32
    %dma_wait3A_86 = tpu.memref_slice %arg9[%dma_wait3A_85] : memref<5200xi32, #tpu.memory_space<vmem>> -> memref<80xi32, #tpu.memory_space<vmem>>
    %dma_wait3A_87 = arith.constant 0 : i32
    %dma_wait3A_88 = arith.constant 0 : i32
    %dma_wait3A_89 = tpu.memref_slice %arg13[%dma_wait3A_87, %dma_wait3A_88] : memref<10000x128xf32, #tpu.memory_space<vmem_shared>> -> memref<10000x128xf32, #tpu.memory_space<vmem_shared>>
    tpu.wait_indirect_dma semaphore(%arg15 : memref<!tpu.dma_semaphore, #tpu.memory_space<semaphore_mem>>) src(%dma_wait3A_89 : memref<10000x128xf32, #tpu.memory_space<vmem_shared>>) dst(%arg11 : memref<80x128xf32, #tpu.memory_space<vmem>>)
    %add3A_90 = arith.constant 5120 : i32
    %add3A_91 = arith.addi %mul3A_2, %add3A_90 : i32
    %dma_start3A_92 = tpu.memref_slice %arg7[%add3A_91, %mul3A_0] : memref<83200x256xf32, #tpu.memory_space<hbm>> -> memref<80x128xf32, #tpu.memory_space<hbm>>
    %dma_start3A_93 = tpu.memref_slice %arg7[%add3A_91, %mul3A_0] : memref<83200x256xf32, #tpu.memory_space<hbm>> -> memref<80x128xf32, #tpu.memory_space<hbm>>
    tpu.enqueue_dma source(%arg11 : memref<80x128xf32, #tpu.memory_space<vmem>>) target(%dma_start3A_93 : memref<80x128xf32, #tpu.memory_space<hbm>>) target_semaphore(%arg18 : memref<!tpu.dma_semaphore, #tpu.memory_space<semaphore_mem>>)
    %add3A_94 = arith.constant 4960 : i32
    %add3A_95 = arith.addi %mul3A_2, %add3A_94 : i32
    %dma_wait3A_96 = tpu.memref_slice %arg7[%add3A_95, %mul3A_0] : memref<83200x256xf32, #tpu.memory_space<hbm>> -> memref<80x128xf32, #tpu.memory_space<hbm>>
    %dma_wait3A_97 = tpu.memref_slice %arg7[%add3A_95, %mul3A_0] : memref<83200x256xf32, #tpu.memory_space<hbm>> -> memref<80x128xf32, #tpu.memory_space<hbm>>
    tpu.wait_dma2 semaphore(%arg19 : memref<!tpu.dma_semaphore, #tpu.memory_space<semaphore_mem>>) src(%arg12 : memref<80x128xf32, #tpu.memory_space<vmem>>) dst(%dma_wait3A_97 : memref<80x128xf32, #tpu.memory_space<hbm>>)
    %add3A_98 = arith.constant 5040 : i32
    %add3A_99 = arith.addi %mul3A_2, %add3A_98 : i32
    %dma_wait3A_100 = tpu.memref_slice %arg7[%add3A_99, %mul3A_0] : memref<83200x256xf32, #tpu.memory_space<hbm>> -> memref<80x128xf32, #tpu.memory_space<hbm>>
    %dma_wait3A_101 = tpu.memref_slice %arg7[%add3A_99, %mul3A_0] : memref<83200x256xf32, #tpu.memory_space<hbm>> -> memref<80x128xf32, #tpu.memory_space<hbm>>
    tpu.wait_dma2 semaphore(%arg17 : memref<!tpu.dma_semaphore, #tpu.memory_space<semaphore_mem>>) src(%arg10 : memref<80x128xf32, #tpu.memory_space<vmem>>) dst(%dma_wait3A_101 : memref<80x128xf32, #tpu.memory_space<hbm>>)
    %add3A_102 = arith.constant 5120 : i32
    %add3A_103 = arith.addi %mul3A_2, %add3A_102 : i32
    %dma_wait3A_104 = tpu.memref_slice %arg7[%add3A_103, %mul3A_0] : memref<83200x256xf32, #tpu.memory_space<hbm>> -> memref<80x128xf32, #tpu.memory_space<hbm>>
    %dma_wait3A_105 = tpu.memref_slice %arg7[%add3A_103, %mul3A_0] : memref<83200x256xf32, #tpu.memory_space<hbm>> -> memref<80x128xf32, #tpu.memory_space<hbm>>
    tpu.wait_dma2 semaphore(%arg18 : memref<!tpu.dma_semaphore, #tpu.memory_space<semaphore_mem>>) src(%arg11 : memref<80x128xf32, #tpu.memory_space<vmem>>) dst(%dma_wait3A_105 : memref<80x128xf32, #tpu.memory_space<hbm>>)
    return
  }
}

#map = affine_map<(d0, d1) -> (0, 0)>
#map1 = affine_map<(d0, d1) -> (0)>
module attributes {stable_mosaic.version = 14 : i64} {
  func.func @_gather_body(%arg0: i32, %arg1: i32, %arg2: memref<10000x256xf32, #tpu.memory_space<hbm>>, %arg3: memref<10000x256xf32, #tpu.memory_space<hbm>>, %arg4: memref<76800xi32, #tpu.memory_space<hbm>>, %arg5: memref<76800xi32, #tpu.memory_space<hbm>>, %arg6: memref<76800x256xf32, #tpu.memory_space<hbm>>, %arg7: memref<76800x256xf32, #tpu.memory_space<hbm>>, %arg8: memref<4800xi32, #tpu.memory_space<vmem>>, %arg9: memref<4800xi32, #tpu.memory_space<vmem>>, %arg10: memref<80x128xf32, #tpu.memory_space<vmem>>, %arg11: memref<80x128xf32, #tpu.memory_space<vmem>>, %arg12: memref<80x128xf32, #tpu.memory_space<vmem>>, %arg13: memref<10000x128xf32, #tpu.memory_space<vmem_shared>>, %arg14: memref<!tpu.dma_semaphore, #tpu.memory_space<semaphore_mem>>, %arg15: memref<!tpu.dma_semaphore, #tpu.memory_space<semaphore_mem>>, %arg16: memref<!tpu.dma_semaphore, #tpu.memory_space<semaphore_mem>>, %arg17: memref<!tpu.dma_semaphore, #tpu.memory_space<semaphore_mem>>, %arg18: memref<!tpu.dma_semaphore, #tpu.memory_space<semaphore_mem>>, %arg19: memref<!tpu.dma_semaphore, #tpu.memory_space<semaphore_mem>>) attributes {dimension_semantics = [#tpu.dimension_semantics<core_parallel>, #tpu.dimension_semantics<subcore_parallel>], iteration_bounds = array<i64: 2, 16>, scalar_prefetch = 0 : i64, scratch_operands = 12 : i64, tpu.core_type = #tpu.core_type<sc_vector_subcore>, window_params = [{transform_indices = #map}, {transform_indices = #map}, {transform_indices = #map1}, {transform_indices = #map1}, {transform_indices = #map}, {transform_indices = #map}]} {
    %mul3A = arith.constant 128 : i32
    %mul3A_0 = arith.muli %arg0, %mul3A : i32
    %mul3A_1 = arith.constant 4800 : i32
    %mul3A_2 = arith.muli %arg1, %mul3A_1 : i32
    "tpu.region"() ({
      %run_scoped3A = tpu.sem_alloc : memref<!tpu.dma_semaphore, #tpu.memory_space<semaphore_mem>>
      %dma_start3A_70 = tpu.memref_slice %arg4[%mul3A_2] : memref<76800xi32, #tpu.memory_space<hbm>> -> memref<4800xi32, #tpu.memory_space<hbm>>
      %dma_start3A_71 = tpu.memref_slice %arg4[%mul3A_2] : memref<76800xi32, #tpu.memory_space<hbm>> -> memref<4800xi32, #tpu.memory_space<hbm>>
      tpu.enqueue_dma source(%dma_start3A_71 : memref<4800xi32, #tpu.memory_space<hbm>>) target(%arg8 : memref<4800xi32, #tpu.memory_space<vmem>>) target_semaphore(%run_scoped3A : memref<!tpu.dma_semaphore, #tpu.memory_space<semaphore_mem>>)
      %dma_wait3A_72 = tpu.memref_slice %arg4[%mul3A_2] : memref<76800xi32, #tpu.memory_space<hbm>> -> memref<4800xi32, #tpu.memory_space<hbm>>
      %dma_wait3A_73 = tpu.memref_slice %arg4[%mul3A_2] : memref<76800xi32, #tpu.memory_space<hbm>> -> memref<4800xi32, #tpu.memory_space<hbm>>
      tpu.wait_dma2 semaphore(%run_scoped3A : memref<!tpu.dma_semaphore, #tpu.memory_space<semaphore_mem>>) src(%dma_wait3A_73 : memref<4800xi32, #tpu.memory_space<hbm>>) dst(%arg8 : memref<4800xi32, #tpu.memory_space<vmem>>)
      tpu.yield
    }) : () -> ()
    "tpu.region"() ({
      %run_scoped3A = tpu.sem_alloc : memref<!tpu.dma_semaphore, #tpu.memory_space<semaphore_mem>>
      %dma_start3A_70 = tpu.memref_slice %arg5[%mul3A_2] : memref<76800xi32, #tpu.memory_space<hbm>> -> memref<4800xi32, #tpu.memory_space<hbm>>
      %dma_start3A_71 = tpu.memref_slice %arg5[%mul3A_2] : memref<76800xi32, #tpu.memory_space<hbm>> -> memref<4800xi32, #tpu.memory_space<hbm>>
      tpu.enqueue_dma source(%dma_start3A_71 : memref<4800xi32, #tpu.memory_space<hbm>>) target(%arg9 : memref<4800xi32, #tpu.memory_space<vmem>>) target_semaphore(%run_scoped3A : memref<!tpu.dma_semaphore, #tpu.memory_space<semaphore_mem>>)
      %dma_wait3A_72 = tpu.memref_slice %arg5[%mul3A_2] : memref<76800xi32, #tpu.memory_space<hbm>> -> memref<4800xi32, #tpu.memory_space<hbm>>
      %dma_wait3A_73 = tpu.memref_slice %arg5[%mul3A_2] : memref<76800xi32, #tpu.memory_space<hbm>> -> memref<4800xi32, #tpu.memory_space<hbm>>
      tpu.wait_dma2 semaphore(%run_scoped3A : memref<!tpu.dma_semaphore, #tpu.memory_space<semaphore_mem>>) src(%dma_wait3A_73 : memref<4800xi32, #tpu.memory_space<hbm>>) dst(%arg9 : memref<4800xi32, #tpu.memory_space<vmem>>)
      tpu.yield
    }) : () -> ()
    %mul3A_3 = arith.constant 624 : i32
    %mul3A_4 = arith.muli %arg1, %mul3A_3 : i32
    %mul3A_5 = arith.constant 624 : i32
    %mul3A_6 = arith.muli %arg1, %mul3A_5 : i32
    "tpu.region"() ({
      %run_scoped3A = tpu.sem_alloc : memref<!tpu.dma_semaphore, #tpu.memory_space<semaphore_mem>>
      %dma_start3A_70 = arith.constant 0 : i32
      %dma_start3A_71 = tpu.memref_slice %arg13[%mul3A_6, %dma_start3A_70] : memref<10000x128xf32, #tpu.memory_space<vmem_shared>> -> memref<624x128xf32, #tpu.memory_space<vmem_shared>>
      %dma_start3A_72 = tpu.memref_slice %arg2[%mul3A_4, %mul3A_0] : memref<10000x256xf32, #tpu.memory_space<hbm>> -> memref<624x128xf32, #tpu.memory_space<hbm>>
      tpu.enqueue_dma source(%dma_start3A_72 : memref<624x128xf32, #tpu.memory_space<hbm>>) target(%dma_start3A_71 : memref<624x128xf32, #tpu.memory_space<vmem_shared>>) target_semaphore(%run_scoped3A : memref<!tpu.dma_semaphore, #tpu.memory_space<semaphore_mem>>)
      %dma_wait3A_73 = arith.constant 0 : i32
      %dma_wait3A_74 = tpu.memref_slice %arg13[%mul3A_6, %dma_wait3A_73] : memref<10000x128xf32, #tpu.memory_space<vmem_shared>> -> memref<624x128xf32, #tpu.memory_space<vmem_shared>>
      %dma_wait3A_75 = tpu.memref_slice %arg2[%mul3A_4, %mul3A_0] : memref<10000x256xf32, #tpu.memory_space<hbm>> -> memref<624x128xf32, #tpu.memory_space<hbm>>
      tpu.wait_dma2 semaphore(%run_scoped3A : memref<!tpu.dma_semaphore, #tpu.memory_space<semaphore_mem>>) src(%dma_wait3A_75 : memref<624x128xf32, #tpu.memory_space<hbm>>) dst(%dma_wait3A_74 : memref<624x128xf32, #tpu.memory_space<vmem_shared>>)
      tpu.yield
    }) : () -> ()
    %eq3A = arith.constant 15 : i32
    %eq3A_7 = arith.cmpi eq, %arg1, %eq3A : i32
    %convert_element_type3A = arith.extui %eq3A_7 : i1 to i32
    %cond3A = arith.constant 0 : i32
    %cond3A_8 = arith.cmpi ne, %convert_element_type3A, %cond3A : i32
    scf.if %cond3A_8 {
      "tpu.region"() ({
        %run_scoped3A = tpu.sem_alloc : memref<!tpu.dma_semaphore, #tpu.memory_space<semaphore_mem>>
        %dma_start3A_70 = arith.constant 9984 : i32
        %dma_start3A_71 = arith.constant 0 : i32
        %dma_start3A_72 = tpu.memref_slice %arg13[%dma_start3A_70, %dma_start3A_71] : memref<10000x128xf32, #tpu.memory_space<vmem_shared>> -> memref<16x128xf32, #tpu.memory_space<vmem_shared>>
        %dma_start3A_73 = arith.constant 9984 : i32
        %dma_start3A_74 = tpu.memref_slice %arg2[%dma_start3A_73, %mul3A_0] : memref<10000x256xf32, #tpu.memory_space<hbm>> -> memref<16x128xf32, #tpu.memory_space<hbm>>
        tpu.enqueue_dma source(%dma_start3A_74 : memref<16x128xf32, #tpu.memory_space<hbm>>) target(%dma_start3A_72 : memref<16x128xf32, #tpu.memory_space<vmem_shared>>) target_semaphore(%run_scoped3A : memref<!tpu.dma_semaphore, #tpu.memory_space<semaphore_mem>>)
        %dma_wait3A_75 = arith.constant 9984 : i32
        %dma_wait3A_76 = arith.constant 0 : i32
        %dma_wait3A_77 = tpu.memref_slice %arg13[%dma_wait3A_75, %dma_wait3A_76] : memref<10000x128xf32, #tpu.memory_space<vmem_shared>> -> memref<16x128xf32, #tpu.memory_space<vmem_shared>>
        %dma_wait3A_78 = arith.constant 9984 : i32
        %dma_wait3A_79 = tpu.memref_slice %arg2[%dma_wait3A_78, %mul3A_0] : memref<10000x256xf32, #tpu.memory_space<hbm>> -> memref<16x128xf32, #tpu.memory_space<hbm>>
        tpu.wait_dma2 semaphore(%run_scoped3A : memref<!tpu.dma_semaphore, #tpu.memory_space<semaphore_mem>>) src(%dma_wait3A_79 : memref<16x128xf32, #tpu.memory_space<hbm>>) dst(%dma_wait3A_77 : memref<16x128xf32, #tpu.memory_space<vmem_shared>>)
        tpu.yield
      }) : () -> ()
    } else {
    }
    %barrier3A = arith.constant 0 : index
    tpu.barrier barrier_id(%barrier3A)
    %dma_start3A = arith.constant 0 : i32
    %dma_start3A_9 = tpu.memref_slice %arg8[%dma_start3A] : memref<4800xi32, #tpu.memory_space<vmem>> -> memref<80xi32, #tpu.memory_space<vmem>>
    %dma_start3A_10 = arith.constant 0 : i32
    %dma_start3A_11 = arith.constant 0 : i32
    %dma_start3A_12 = tpu.memref_slice %arg13[%dma_start3A_10, %dma_start3A_11] : memref<10000x128xf32, #tpu.memory_space<vmem_shared>> -> memref<10000x128xf32, #tpu.memory_space<vmem_shared>>
    tpu.enqueue_indirect_dma source(%dma_start3A_12 : memref<10000x128xf32, #tpu.memory_space<vmem_shared>>) target(%arg10 : memref<80x128xf32, #tpu.memory_space<vmem>>) offsets(%dma_start3A_9 : memref<80xi32, #tpu.memory_space<vmem>>) semaphore(%arg14 : memref<!tpu.dma_semaphore, #tpu.memory_space<semaphore_mem>>)
    %dma_start3A_13 = arith.constant 80 : i32
    %dma_start3A_14 = tpu.memref_slice %arg8[%dma_start3A_13] : memref<4800xi32, #tpu.memory_space<vmem>> -> memref<80xi32, #tpu.memory_space<vmem>>
    %dma_start3A_15 = arith.constant 0 : i32
    %dma_start3A_16 = arith.constant 0 : i32
    %dma_start3A_17 = tpu.memref_slice %arg13[%dma_start3A_15, %dma_start3A_16] : memref<10000x128xf32, #tpu.memory_space<vmem_shared>> -> memref<10000x128xf32, #tpu.memory_space<vmem_shared>>
    tpu.enqueue_indirect_dma source(%dma_start3A_17 : memref<10000x128xf32, #tpu.memory_space<vmem_shared>>) target(%arg11 : memref<80x128xf32, #tpu.memory_space<vmem>>) offsets(%dma_start3A_14 : memref<80xi32, #tpu.memory_space<vmem>>) semaphore(%arg15 : memref<!tpu.dma_semaphore, #tpu.memory_space<semaphore_mem>>)
    %scan3A = arith.constant 0 : i32
    %scan3A_18 = arith.constant 20 : i32
    %scan3A_19 = arith.addi %scan3A, %scan3A_18 : i32
    %scan3A_20 = arith.constant 1 : i32
    scf.for %scan3A_70 = %scan3A to %scan3A_19 step %scan3A_20  : i32 {
      %mul3A_71 = arith.constant 1 : i32
      %mul3A_72 = arith.muli %scan3A_70, %mul3A_71 : i32
      %add3A_73 = arith.constant 0 : i32
      %add3A_74 = arith.addi %add3A_73, %mul3A_72 : i32
      %mul3A_75 = arith.constant 3 : i32
      %mul3A_76 = arith.muli %mul3A_75, %add3A_74 : i32
      %mul3A_77 = arith.constant 80 : i32
      %mul3A_78 = arith.muli %mul3A_76, %mul3A_77 : i32
      %add3A_79 = arith.constant 2 : i32
      %add3A_80 = arith.addi %mul3A_76, %add3A_79 : i32
      %lt3A = arith.constant 60 : i32
      %lt3A_81 = arith.cmpi slt, %add3A_80, %lt3A : i32
      %convert_element_type3A_82 = arith.extui %lt3A_81 : i1 to i32
      %cond3A_83 = arith.constant 0 : i32
      %cond3A_84 = arith.cmpi ne, %convert_element_type3A_82, %cond3A_83 : i32
      scf.if %cond3A_84 {
        %ge3A = arith.constant 1 : i32
        %ge3A_132 = arith.cmpi sge, %mul3A_76, %ge3A : i32
        %convert_element_type3A_133 = arith.extui %ge3A_132 : i1 to i32
        %cond3A_134 = arith.constant 0 : i32
        %cond3A_135 = arith.cmpi ne, %convert_element_type3A_133, %cond3A_134 : i32
        scf.if %cond3A_135 {
          %sub3A = arith.constant 80 : i32
          %sub3A_142 = arith.subi %mul3A_78, %sub3A : i32
          %add3A_143 = arith.addi %mul3A_2, %sub3A_142 : i32
          %dma_wait3A_144 = tpu.memref_slice %arg6[%add3A_143, %mul3A_0] : memref<76800x256xf32, #tpu.memory_space<hbm>> -> memref<80x128xf32, #tpu.memory_space<hbm>>
          %dma_wait3A_145 = tpu.memref_slice %arg6[%add3A_143, %mul3A_0] : memref<76800x256xf32, #tpu.memory_space<hbm>> -> memref<80x128xf32, #tpu.memory_space<hbm>>
          tpu.wait_dma2 semaphore(%arg19 : memref<!tpu.dma_semaphore, #tpu.memory_space<semaphore_mem>>) src(%arg12 : memref<80x128xf32, #tpu.memory_space<vmem>>) dst(%dma_wait3A_145 : memref<80x128xf32, #tpu.memory_space<hbm>>)
        } else {
        }
        %add3A_136 = arith.constant 160 : i32
        %add3A_137 = arith.addi %mul3A_78, %add3A_136 : i32
        %dma_start3A_138 = tpu.memref_slice %arg8[%add3A_137] : memref<4800xi32, #tpu.memory_space<vmem>> -> memref<80xi32, #tpu.memory_space<vmem>>
        %dma_start3A_139 = arith.constant 0 : i32
        %dma_start3A_140 = arith.constant 0 : i32
        %dma_start3A_141 = tpu.memref_slice %arg13[%dma_start3A_139, %dma_start3A_140] : memref<10000x128xf32, #tpu.memory_space<vmem_shared>> -> memref<10000x128xf32, #tpu.memory_space<vmem_shared>>
        tpu.enqueue_indirect_dma source(%dma_start3A_141 : memref<10000x128xf32, #tpu.memory_space<vmem_shared>>) target(%arg12 : memref<80x128xf32, #tpu.memory_space<vmem>>) offsets(%dma_start3A_138 : memref<80xi32, #tpu.memory_space<vmem>>) semaphore(%arg16 : memref<!tpu.dma_semaphore, #tpu.memory_space<semaphore_mem>>)
      } else {
      }
      %dma_wait3A_85 = tpu.memref_slice %arg8[%mul3A_78] : memref<4800xi32, #tpu.memory_space<vmem>> -> memref<80xi32, #tpu.memory_space<vmem>>
      %dma_wait3A_86 = arith.constant 0 : i32
      %dma_wait3A_87 = arith.constant 0 : i32
      %dma_wait3A_88 = tpu.memref_slice %arg13[%dma_wait3A_86, %dma_wait3A_87] : memref<10000x128xf32, #tpu.memory_space<vmem_shared>> -> memref<10000x128xf32, #tpu.memory_space<vmem_shared>>
      tpu.wait_indirect_dma semaphore(%arg14 : memref<!tpu.dma_semaphore, #tpu.memory_space<semaphore_mem>>) src(%dma_wait3A_88 : memref<10000x128xf32, #tpu.memory_space<vmem_shared>>) dst(%arg10 : memref<80x128xf32, #tpu.memory_space<vmem>>)
      %add3A_89 = arith.addi %mul3A_2, %mul3A_78 : i32
      %dma_start3A_90 = tpu.memref_slice %arg6[%add3A_89, %mul3A_0] : memref<76800x256xf32, #tpu.memory_space<hbm>> -> memref<80x128xf32, #tpu.memory_space<hbm>>
      %dma_start3A_91 = tpu.memref_slice %arg6[%add3A_89, %mul3A_0] : memref<76800x256xf32, #tpu.memory_space<hbm>> -> memref<80x128xf32, #tpu.memory_space<hbm>>
      tpu.enqueue_dma source(%arg10 : memref<80x128xf32, #tpu.memory_space<vmem>>) target(%dma_start3A_91 : memref<80x128xf32, #tpu.memory_space<hbm>>) target_semaphore(%arg17 : memref<!tpu.dma_semaphore, #tpu.memory_space<semaphore_mem>>)
      %mul3A_92 = arith.constant 3 : i32
      %mul3A_93 = arith.muli %mul3A_92, %add3A_74 : i32
      %add3A_94 = arith.constant 1 : i32
      %add3A_95 = arith.addi %mul3A_93, %add3A_94 : i32
      %mul3A_96 = arith.constant 80 : i32
      %mul3A_97 = arith.muli %add3A_95, %mul3A_96 : i32
      %add3A_98 = arith.constant 2 : i32
      %add3A_99 = arith.addi %add3A_95, %add3A_98 : i32
      %lt3A_100 = arith.constant 60 : i32
      %lt3A_101 = arith.cmpi slt, %add3A_99, %lt3A_100 : i32
      %convert_element_type3A_102 = arith.extui %lt3A_101 : i1 to i32
      %cond3A_103 = arith.constant 0 : i32
      %cond3A_104 = arith.cmpi ne, %convert_element_type3A_102, %cond3A_103 : i32
      scf.if %cond3A_104 {
        %ge3A = arith.constant 1 : i32
        %ge3A_132 = arith.cmpi sge, %add3A_95, %ge3A : i32
        %convert_element_type3A_133 = arith.extui %ge3A_132 : i1 to i32
        %cond3A_134 = arith.constant 0 : i32
        %cond3A_135 = arith.cmpi ne, %convert_element_type3A_133, %cond3A_134 : i32
        scf.if %cond3A_135 {
          %sub3A = arith.constant 80 : i32
          %sub3A_142 = arith.subi %mul3A_97, %sub3A : i32
          %add3A_143 = arith.addi %mul3A_2, %sub3A_142 : i32
          %dma_wait3A_144 = tpu.memref_slice %arg6[%add3A_143, %mul3A_0] : memref<76800x256xf32, #tpu.memory_space<hbm>> -> memref<80x128xf32, #tpu.memory_space<hbm>>
          %dma_wait3A_145 = tpu.memref_slice %arg6[%add3A_143, %mul3A_0] : memref<76800x256xf32, #tpu.memory_space<hbm>> -> memref<80x128xf32, #tpu.memory_space<hbm>>
          tpu.wait_dma2 semaphore(%arg17 : memref<!tpu.dma_semaphore, #tpu.memory_space<semaphore_mem>>) src(%arg10 : memref<80x128xf32, #tpu.memory_space<vmem>>) dst(%dma_wait3A_145 : memref<80x128xf32, #tpu.memory_space<hbm>>)
        } else {
        }
        %add3A_136 = arith.constant 160 : i32
        %add3A_137 = arith.addi %mul3A_97, %add3A_136 : i32
        %dma_start3A_138 = tpu.memref_slice %arg8[%add3A_137] : memref<4800xi32, #tpu.memory_space<vmem>> -> memref<80xi32, #tpu.memory_space<vmem>>
        %dma_start3A_139 = arith.constant 0 : i32
        %dma_start3A_140 = arith.constant 0 : i32
        %dma_start3A_141 = tpu.memref_slice %arg13[%dma_start3A_139, %dma_start3A_140] : memref<10000x128xf32, #tpu.memory_space<vmem_shared>> -> memref<10000x128xf32, #tpu.memory_space<vmem_shared>>
        tpu.enqueue_indirect_dma source(%dma_start3A_141 : memref<10000x128xf32, #tpu.memory_space<vmem_shared>>) target(%arg10 : memref<80x128xf32, #tpu.memory_space<vmem>>) offsets(%dma_start3A_138 : memref<80xi32, #tpu.memory_space<vmem>>) semaphore(%arg14 : memref<!tpu.dma_semaphore, #tpu.memory_space<semaphore_mem>>)
      } else {
      }
      %dma_wait3A_105 = tpu.memref_slice %arg8[%mul3A_97] : memref<4800xi32, #tpu.memory_space<vmem>> -> memref<80xi32, #tpu.memory_space<vmem>>
      %dma_wait3A_106 = arith.constant 0 : i32
      %dma_wait3A_107 = arith.constant 0 : i32
      %dma_wait3A_108 = tpu.memref_slice %arg13[%dma_wait3A_106, %dma_wait3A_107] : memref<10000x128xf32, #tpu.memory_space<vmem_shared>> -> memref<10000x128xf32, #tpu.memory_space<vmem_shared>>
      tpu.wait_indirect_dma semaphore(%arg15 : memref<!tpu.dma_semaphore, #tpu.memory_space<semaphore_mem>>) src(%dma_wait3A_108 : memref<10000x128xf32, #tpu.memory_space<vmem_shared>>) dst(%arg11 : memref<80x128xf32, #tpu.memory_space<vmem>>)
      %add3A_109 = arith.addi %mul3A_2, %mul3A_97 : i32
      %dma_start3A_110 = tpu.memref_slice %arg6[%add3A_109, %mul3A_0] : memref<76800x256xf32, #tpu.memory_space<hbm>> -> memref<80x128xf32, #tpu.memory_space<hbm>>
      %dma_start3A_111 = tpu.memref_slice %arg6[%add3A_109, %mul3A_0] : memref<76800x256xf32, #tpu.memory_space<hbm>> -> memref<80x128xf32, #tpu.memory_space<hbm>>
      tpu.enqueue_dma source(%arg11 : memref<80x128xf32, #tpu.memory_space<vmem>>) target(%dma_start3A_111 : memref<80x128xf32, #tpu.memory_space<hbm>>) target_semaphore(%arg18 : memref<!tpu.dma_semaphore, #tpu.memory_space<semaphore_mem>>)
      %mul3A_112 = arith.constant 3 : i32
      %mul3A_113 = arith.muli %mul3A_112, %add3A_74 : i32
      %add3A_114 = arith.constant 2 : i32
      %add3A_115 = arith.addi %mul3A_113, %add3A_114 : i32
      %mul3A_116 = arith.constant 80 : i32
      %mul3A_117 = arith.muli %add3A_115, %mul3A_116 : i32
      %add3A_118 = arith.constant 2 : i32
      %add3A_119 = arith.addi %add3A_115, %add3A_118 : i32
      %lt3A_120 = arith.constant 60 : i32
      %lt3A_121 = arith.cmpi slt, %add3A_119, %lt3A_120 : i32
      %convert_element_type3A_122 = arith.extui %lt3A_121 : i1 to i32
      %cond3A_123 = arith.constant 0 : i32
      %cond3A_124 = arith.cmpi ne, %convert_element_type3A_122, %cond3A_123 : i32
      scf.if %cond3A_124 {
        %ge3A = arith.constant 1 : i32
        %ge3A_132 = arith.cmpi sge, %add3A_115, %ge3A : i32
        %convert_element_type3A_133 = arith.extui %ge3A_132 : i1 to i32
        %cond3A_134 = arith.constant 0 : i32
        %cond3A_135 = arith.cmpi ne, %convert_element_type3A_133, %cond3A_134 : i32
        scf.if %cond3A_135 {
          %sub3A = arith.constant 80 : i32
          %sub3A_142 = arith.subi %mul3A_117, %sub3A : i32
          %add3A_143 = arith.addi %mul3A_2, %sub3A_142 : i32
          %dma_wait3A_144 = tpu.memref_slice %arg6[%add3A_143, %mul3A_0] : memref<76800x256xf32, #tpu.memory_space<hbm>> -> memref<80x128xf32, #tpu.memory_space<hbm>>
          %dma_wait3A_145 = tpu.memref_slice %arg6[%add3A_143, %mul3A_0] : memref<76800x256xf32, #tpu.memory_space<hbm>> -> memref<80x128xf32, #tpu.memory_space<hbm>>
          tpu.wait_dma2 semaphore(%arg18 : memref<!tpu.dma_semaphore, #tpu.memory_space<semaphore_mem>>) src(%arg11 : memref<80x128xf32, #tpu.memory_space<vmem>>) dst(%dma_wait3A_145 : memref<80x128xf32, #tpu.memory_space<hbm>>)
        } else {
        }
        %add3A_136 = arith.constant 160 : i32
        %add3A_137 = arith.addi %mul3A_117, %add3A_136 : i32
        %dma_start3A_138 = tpu.memref_slice %arg8[%add3A_137] : memref<4800xi32, #tpu.memory_space<vmem>> -> memref<80xi32, #tpu.memory_space<vmem>>
        %dma_start3A_139 = arith.constant 0 : i32
        %dma_start3A_140 = arith.constant 0 : i32
        %dma_start3A_141 = tpu.memref_slice %arg13[%dma_start3A_139, %dma_start3A_140] : memref<10000x128xf32, #tpu.memory_space<vmem_shared>> -> memref<10000x128xf32, #tpu.memory_space<vmem_shared>>
        tpu.enqueue_indirect_dma source(%dma_start3A_141 : memref<10000x128xf32, #tpu.memory_space<vmem_shared>>) target(%arg11 : memref<80x128xf32, #tpu.memory_space<vmem>>) offsets(%dma_start3A_138 : memref<80xi32, #tpu.memory_space<vmem>>) semaphore(%arg15 : memref<!tpu.dma_semaphore, #tpu.memory_space<semaphore_mem>>)
      } else {
      }
      %dma_wait3A_125 = tpu.memref_slice %arg8[%mul3A_117] : memref<4800xi32, #tpu.memory_space<vmem>> -> memref<80xi32, #tpu.memory_space<vmem>>
      %dma_wait3A_126 = arith.constant 0 : i32
      %dma_wait3A_127 = arith.constant 0 : i32
      %dma_wait3A_128 = tpu.memref_slice %arg13[%dma_wait3A_126, %dma_wait3A_127] : memref<10000x128xf32, #tpu.memory_space<vmem_shared>> -> memref<10000x128xf32, #tpu.memory_space<vmem_shared>>
      tpu.wait_indirect_dma semaphore(%arg16 : memref<!tpu.dma_semaphore, #tpu.memory_space<semaphore_mem>>) src(%dma_wait3A_128 : memref<10000x128xf32, #tpu.memory_space<vmem_shared>>) dst(%arg12 : memref<80x128xf32, #tpu.memory_space<vmem>>)
      %add3A_129 = arith.addi %mul3A_2, %mul3A_117 : i32
      %dma_start3A_130 = tpu.memref_slice %arg6[%add3A_129, %mul3A_0] : memref<76800x256xf32, #tpu.memory_space<hbm>> -> memref<80x128xf32, #tpu.memory_space<hbm>>
      %dma_start3A_131 = tpu.memref_slice %arg6[%add3A_129, %mul3A_0] : memref<76800x256xf32, #tpu.memory_space<hbm>> -> memref<80x128xf32, #tpu.memory_space<hbm>>
      tpu.enqueue_dma source(%arg12 : memref<80x128xf32, #tpu.memory_space<vmem>>) target(%dma_start3A_131 : memref<80x128xf32, #tpu.memory_space<hbm>>) target_semaphore(%arg19 : memref<!tpu.dma_semaphore, #tpu.memory_space<semaphore_mem>>)
    }
    %scan3A_21 = arith.constant 20 : i32
    %add3A = arith.constant 4560 : i32
    %add3A_22 = arith.addi %mul3A_2, %add3A : i32
    %dma_wait3A = tpu.memref_slice %arg6[%add3A_22, %mul3A_0] : memref<76800x256xf32, #tpu.memory_space<hbm>> -> memref<80x128xf32, #tpu.memory_space<hbm>>
    %dma_wait3A_23 = tpu.memref_slice %arg6[%add3A_22, %mul3A_0] : memref<76800x256xf32, #tpu.memory_space<hbm>> -> memref<80x128xf32, #tpu.memory_space<hbm>>
    tpu.wait_dma2 semaphore(%arg17 : memref<!tpu.dma_semaphore, #tpu.memory_space<semaphore_mem>>) src(%arg10 : memref<80x128xf32, #tpu.memory_space<vmem>>) dst(%dma_wait3A_23 : memref<80x128xf32, #tpu.memory_space<hbm>>)
    %add3A_24 = arith.constant 4640 : i32
    %add3A_25 = arith.addi %mul3A_2, %add3A_24 : i32
    %dma_wait3A_26 = tpu.memref_slice %arg6[%add3A_25, %mul3A_0] : memref<76800x256xf32, #tpu.memory_space<hbm>> -> memref<80x128xf32, #tpu.memory_space<hbm>>
    %dma_wait3A_27 = tpu.memref_slice %arg6[%add3A_25, %mul3A_0] : memref<76800x256xf32, #tpu.memory_space<hbm>> -> memref<80x128xf32, #tpu.memory_space<hbm>>
    tpu.wait_dma2 semaphore(%arg18 : memref<!tpu.dma_semaphore, #tpu.memory_space<semaphore_mem>>) src(%arg11 : memref<80x128xf32, #tpu.memory_space<vmem>>) dst(%dma_wait3A_27 : memref<80x128xf32, #tpu.memory_space<hbm>>)
    %add3A_28 = arith.constant 4720 : i32
    %add3A_29 = arith.addi %mul3A_2, %add3A_28 : i32
    %dma_wait3A_30 = tpu.memref_slice %arg6[%add3A_29, %mul3A_0] : memref<76800x256xf32, #tpu.memory_space<hbm>> -> memref<80x128xf32, #tpu.memory_space<hbm>>
    %dma_wait3A_31 = tpu.memref_slice %arg6[%add3A_29, %mul3A_0] : memref<76800x256xf32, #tpu.memory_space<hbm>> -> memref<80x128xf32, #tpu.memory_space<hbm>>
    tpu.wait_dma2 semaphore(%arg19 : memref<!tpu.dma_semaphore, #tpu.memory_space<semaphore_mem>>) src(%arg12 : memref<80x128xf32, #tpu.memory_space<vmem>>) dst(%dma_wait3A_31 : memref<80x128xf32, #tpu.memory_space<hbm>>)
    %barrier3A_32 = arith.constant 0 : index
    tpu.barrier barrier_id(%barrier3A_32)
    %mul3A_33 = arith.constant 624 : i32
    %mul3A_34 = arith.muli %arg1, %mul3A_33 : i32
    %mul3A_35 = arith.constant 624 : i32
    %mul3A_36 = arith.muli %arg1, %mul3A_35 : i32
    "tpu.region"() ({
      %run_scoped3A = tpu.sem_alloc : memref<!tpu.dma_semaphore, #tpu.memory_space<semaphore_mem>>
      %dma_start3A_70 = arith.constant 0 : i32
      %dma_start3A_71 = tpu.memref_slice %arg13[%mul3A_36, %dma_start3A_70] : memref<10000x128xf32, #tpu.memory_space<vmem_shared>> -> memref<624x128xf32, #tpu.memory_space<vmem_shared>>
      %dma_start3A_72 = tpu.memref_slice %arg3[%mul3A_34, %mul3A_0] : memref<10000x256xf32, #tpu.memory_space<hbm>> -> memref<624x128xf32, #tpu.memory_space<hbm>>
      tpu.enqueue_dma source(%dma_start3A_72 : memref<624x128xf32, #tpu.memory_space<hbm>>) target(%dma_start3A_71 : memref<624x128xf32, #tpu.memory_space<vmem_shared>>) target_semaphore(%run_scoped3A : memref<!tpu.dma_semaphore, #tpu.memory_space<semaphore_mem>>)
      %dma_wait3A_73 = arith.constant 0 : i32
      %dma_wait3A_74 = tpu.memref_slice %arg13[%mul3A_36, %dma_wait3A_73] : memref<10000x128xf32, #tpu.memory_space<vmem_shared>> -> memref<624x128xf32, #tpu.memory_space<vmem_shared>>
      %dma_wait3A_75 = tpu.memref_slice %arg3[%mul3A_34, %mul3A_0] : memref<10000x256xf32, #tpu.memory_space<hbm>> -> memref<624x128xf32, #tpu.memory_space<hbm>>
      tpu.wait_dma2 semaphore(%run_scoped3A : memref<!tpu.dma_semaphore, #tpu.memory_space<semaphore_mem>>) src(%dma_wait3A_75 : memref<624x128xf32, #tpu.memory_space<hbm>>) dst(%dma_wait3A_74 : memref<624x128xf32, #tpu.memory_space<vmem_shared>>)
      tpu.yield
    }) : () -> ()
    %eq3A_37 = arith.constant 15 : i32
    %eq3A_38 = arith.cmpi eq, %arg1, %eq3A_37 : i32
    %convert_element_type3A_39 = arith.extui %eq3A_38 : i1 to i32
    %cond3A_40 = arith.constant 0 : i32
    %cond3A_41 = arith.cmpi ne, %convert_element_type3A_39, %cond3A_40 : i32
    scf.if %cond3A_41 {
      "tpu.region"() ({
        %run_scoped3A = tpu.sem_alloc : memref<!tpu.dma_semaphore, #tpu.memory_space<semaphore_mem>>
        %dma_start3A_70 = arith.constant 9984 : i32
        %dma_start3A_71 = arith.constant 0 : i32
        %dma_start3A_72 = tpu.memref_slice %arg13[%dma_start3A_70, %dma_start3A_71] : memref<10000x128xf32, #tpu.memory_space<vmem_shared>> -> memref<16x128xf32, #tpu.memory_space<vmem_shared>>
        %dma_start3A_73 = arith.constant 9984 : i32
        %dma_start3A_74 = tpu.memref_slice %arg3[%dma_start3A_73, %mul3A_0] : memref<10000x256xf32, #tpu.memory_space<hbm>> -> memref<16x128xf32, #tpu.memory_space<hbm>>
        tpu.enqueue_dma source(%dma_start3A_74 : memref<16x128xf32, #tpu.memory_space<hbm>>) target(%dma_start3A_72 : memref<16x128xf32, #tpu.memory_space<vmem_shared>>) target_semaphore(%run_scoped3A : memref<!tpu.dma_semaphore, #tpu.memory_space<semaphore_mem>>)
        %dma_wait3A_75 = arith.constant 9984 : i32
        %dma_wait3A_76 = arith.constant 0 : i32
        %dma_wait3A_77 = tpu.memref_slice %arg13[%dma_wait3A_75, %dma_wait3A_76] : memref<10000x128xf32, #tpu.memory_space<vmem_shared>> -> memref<16x128xf32, #tpu.memory_space<vmem_shared>>
        %dma_wait3A_78 = arith.constant 9984 : i32
        %dma_wait3A_79 = tpu.memref_slice %arg3[%dma_wait3A_78, %mul3A_0] : memref<10000x256xf32, #tpu.memory_space<hbm>> -> memref<16x128xf32, #tpu.memory_space<hbm>>
        tpu.wait_dma2 semaphore(%run_scoped3A : memref<!tpu.dma_semaphore, #tpu.memory_space<semaphore_mem>>) src(%dma_wait3A_79 : memref<16x128xf32, #tpu.memory_space<hbm>>) dst(%dma_wait3A_77 : memref<16x128xf32, #tpu.memory_space<vmem_shared>>)
        tpu.yield
      }) : () -> ()
    } else {
    }
    %barrier3A_42 = arith.constant 0 : index
    tpu.barrier barrier_id(%barrier3A_42)
    %dma_start3A_43 = arith.constant 0 : i32
    %dma_start3A_44 = tpu.memref_slice %arg9[%dma_start3A_43] : memref<4800xi32, #tpu.memory_space<vmem>> -> memref<80xi32, #tpu.memory_space<vmem>>
    %dma_start3A_45 = arith.constant 0 : i32
    %dma_start3A_46 = arith.constant 0 : i32
    %dma_start3A_47 = tpu.memref_slice %arg13[%dma_start3A_45, %dma_start3A_46] : memref<10000x128xf32, #tpu.memory_space<vmem_shared>> -> memref<10000x128xf32, #tpu.memory_space<vmem_shared>>
    tpu.enqueue_indirect_dma source(%dma_start3A_47 : memref<10000x128xf32, #tpu.memory_space<vmem_shared>>) target(%arg10 : memref<80x128xf32, #tpu.memory_space<vmem>>) offsets(%dma_start3A_44 : memref<80xi32, #tpu.memory_space<vmem>>) semaphore(%arg14 : memref<!tpu.dma_semaphore, #tpu.memory_space<semaphore_mem>>)
    %dma_start3A_48 = arith.constant 80 : i32
    %dma_start3A_49 = tpu.memref_slice %arg9[%dma_start3A_48] : memref<4800xi32, #tpu.memory_space<vmem>> -> memref<80xi32, #tpu.memory_space<vmem>>
    %dma_start3A_50 = arith.constant 0 : i32
    %dma_start3A_51 = arith.constant 0 : i32
    %dma_start3A_52 = tpu.memref_slice %arg13[%dma_start3A_50, %dma_start3A_51] : memref<10000x128xf32, #tpu.memory_space<vmem_shared>> -> memref<10000x128xf32, #tpu.memory_space<vmem_shared>>
    tpu.enqueue_indirect_dma source(%dma_start3A_52 : memref<10000x128xf32, #tpu.memory_space<vmem_shared>>) target(%arg11 : memref<80x128xf32, #tpu.memory_space<vmem>>) offsets(%dma_start3A_49 : memref<80xi32, #tpu.memory_space<vmem>>) semaphore(%arg15 : memref<!tpu.dma_semaphore, #tpu.memory_space<semaphore_mem>>)
    %scan3A_53 = arith.constant 0 : i32
    %scan3A_54 = arith.constant 20 : i32
    %scan3A_55 = arith.addi %scan3A_53, %scan3A_54 : i32
    %scan3A_56 = arith.constant 1 : i32
    scf.for %scan3A_70 = %scan3A_53 to %scan3A_55 step %scan3A_56  : i32 {
      %mul3A_71 = arith.constant 1 : i32
      %mul3A_72 = arith.muli %scan3A_70, %mul3A_71 : i32
      %add3A_73 = arith.constant 0 : i32
      %add3A_74 = arith.addi %add3A_73, %mul3A_72 : i32
      %mul3A_75 = arith.constant 3 : i32
      %mul3A_76 = arith.muli %mul3A_75, %add3A_74 : i32
      %mul3A_77 = arith.constant 80 : i32
      %mul3A_78 = arith.muli %mul3A_76, %mul3A_77 : i32
      %add3A_79 = arith.constant 2 : i32
      %add3A_80 = arith.addi %mul3A_76, %add3A_79 : i32
      %lt3A = arith.constant 60 : i32
      %lt3A_81 = arith.cmpi slt, %add3A_80, %lt3A : i32
      %convert_element_type3A_82 = arith.extui %lt3A_81 : i1 to i32
      %cond3A_83 = arith.constant 0 : i32
      %cond3A_84 = arith.cmpi ne, %convert_element_type3A_82, %cond3A_83 : i32
      scf.if %cond3A_84 {
        %ge3A = arith.constant 1 : i32
        %ge3A_132 = arith.cmpi sge, %mul3A_76, %ge3A : i32
        %convert_element_type3A_133 = arith.extui %ge3A_132 : i1 to i32
        %cond3A_134 = arith.constant 0 : i32
        %cond3A_135 = arith.cmpi ne, %convert_element_type3A_133, %cond3A_134 : i32
        scf.if %cond3A_135 {
          %sub3A = arith.constant 80 : i32
          %sub3A_142 = arith.subi %mul3A_78, %sub3A : i32
          %add3A_143 = arith.addi %mul3A_2, %sub3A_142 : i32
          %dma_wait3A_144 = tpu.memref_slice %arg7[%add3A_143, %mul3A_0] : memref<76800x256xf32, #tpu.memory_space<hbm>> -> memref<80x128xf32, #tpu.memory_space<hbm>>
          %dma_wait3A_145 = tpu.memref_slice %arg7[%add3A_143, %mul3A_0] : memref<76800x256xf32, #tpu.memory_space<hbm>> -> memref<80x128xf32, #tpu.memory_space<hbm>>
          tpu.wait_dma2 semaphore(%arg19 : memref<!tpu.dma_semaphore, #tpu.memory_space<semaphore_mem>>) src(%arg12 : memref<80x128xf32, #tpu.memory_space<vmem>>) dst(%dma_wait3A_145 : memref<80x128xf32, #tpu.memory_space<hbm>>)
        } else {
        }
        %add3A_136 = arith.constant 160 : i32
        %add3A_137 = arith.addi %mul3A_78, %add3A_136 : i32
        %dma_start3A_138 = tpu.memref_slice %arg9[%add3A_137] : memref<4800xi32, #tpu.memory_space<vmem>> -> memref<80xi32, #tpu.memory_space<vmem>>
        %dma_start3A_139 = arith.constant 0 : i32
        %dma_start3A_140 = arith.constant 0 : i32
        %dma_start3A_141 = tpu.memref_slice %arg13[%dma_start3A_139, %dma_start3A_140] : memref<10000x128xf32, #tpu.memory_space<vmem_shared>> -> memref<10000x128xf32, #tpu.memory_space<vmem_shared>>
        tpu.enqueue_indirect_dma source(%dma_start3A_141 : memref<10000x128xf32, #tpu.memory_space<vmem_shared>>) target(%arg12 : memref<80x128xf32, #tpu.memory_space<vmem>>) offsets(%dma_start3A_138 : memref<80xi32, #tpu.memory_space<vmem>>) semaphore(%arg16 : memref<!tpu.dma_semaphore, #tpu.memory_space<semaphore_mem>>)
      } else {
      }
      %dma_wait3A_85 = tpu.memref_slice %arg9[%mul3A_78] : memref<4800xi32, #tpu.memory_space<vmem>> -> memref<80xi32, #tpu.memory_space<vmem>>
      %dma_wait3A_86 = arith.constant 0 : i32
      %dma_wait3A_87 = arith.constant 0 : i32
      %dma_wait3A_88 = tpu.memref_slice %arg13[%dma_wait3A_86, %dma_wait3A_87] : memref<10000x128xf32, #tpu.memory_space<vmem_shared>> -> memref<10000x128xf32, #tpu.memory_space<vmem_shared>>
      tpu.wait_indirect_dma semaphore(%arg14 : memref<!tpu.dma_semaphore, #tpu.memory_space<semaphore_mem>>) src(%dma_wait3A_88 : memref<10000x128xf32, #tpu.memory_space<vmem_shared>>) dst(%arg10 : memref<80x128xf32, #tpu.memory_space<vmem>>)
      %add3A_89 = arith.addi %mul3A_2, %mul3A_78 : i32
      %dma_start3A_90 = tpu.memref_slice %arg7[%add3A_89, %mul3A_0] : memref<76800x256xf32, #tpu.memory_space<hbm>> -> memref<80x128xf32, #tpu.memory_space<hbm>>
      %dma_start3A_91 = tpu.memref_slice %arg7[%add3A_89, %mul3A_0] : memref<76800x256xf32, #tpu.memory_space<hbm>> -> memref<80x128xf32, #tpu.memory_space<hbm>>
      tpu.enqueue_dma source(%arg10 : memref<80x128xf32, #tpu.memory_space<vmem>>) target(%dma_start3A_91 : memref<80x128xf32, #tpu.memory_space<hbm>>) target_semaphore(%arg17 : memref<!tpu.dma_semaphore, #tpu.memory_space<semaphore_mem>>)
      %mul3A_92 = arith.constant 3 : i32
      %mul3A_93 = arith.muli %mul3A_92, %add3A_74 : i32
      %add3A_94 = arith.constant 1 : i32
      %add3A_95 = arith.addi %mul3A_93, %add3A_94 : i32
      %mul3A_96 = arith.constant 80 : i32
      %mul3A_97 = arith.muli %add3A_95, %mul3A_96 : i32
      %add3A_98 = arith.constant 2 : i32
      %add3A_99 = arith.addi %add3A_95, %add3A_98 : i32
      %lt3A_100 = arith.constant 60 : i32
      %lt3A_101 = arith.cmpi slt, %add3A_99, %lt3A_100 : i32
      %convert_element_type3A_102 = arith.extui %lt3A_101 : i1 to i32
      %cond3A_103 = arith.constant 0 : i32
      %cond3A_104 = arith.cmpi ne, %convert_element_type3A_102, %cond3A_103 : i32
      scf.if %cond3A_104 {
        %ge3A = arith.constant 1 : i32
        %ge3A_132 = arith.cmpi sge, %add3A_95, %ge3A : i32
        %convert_element_type3A_133 = arith.extui %ge3A_132 : i1 to i32
        %cond3A_134 = arith.constant 0 : i32
        %cond3A_135 = arith.cmpi ne, %convert_element_type3A_133, %cond3A_134 : i32
        scf.if %cond3A_135 {
          %sub3A = arith.constant 80 : i32
          %sub3A_142 = arith.subi %mul3A_97, %sub3A : i32
          %add3A_143 = arith.addi %mul3A_2, %sub3A_142 : i32
          %dma_wait3A_144 = tpu.memref_slice %arg7[%add3A_143, %mul3A_0] : memref<76800x256xf32, #tpu.memory_space<hbm>> -> memref<80x128xf32, #tpu.memory_space<hbm>>
          %dma_wait3A_145 = tpu.memref_slice %arg7[%add3A_143, %mul3A_0] : memref<76800x256xf32, #tpu.memory_space<hbm>> -> memref<80x128xf32, #tpu.memory_space<hbm>>
          tpu.wait_dma2 semaphore(%arg17 : memref<!tpu.dma_semaphore, #tpu.memory_space<semaphore_mem>>) src(%arg10 : memref<80x128xf32, #tpu.memory_space<vmem>>) dst(%dma_wait3A_145 : memref<80x128xf32, #tpu.memory_space<hbm>>)
        } else {
        }
        %add3A_136 = arith.constant 160 : i32
        %add3A_137 = arith.addi %mul3A_97, %add3A_136 : i32
        %dma_start3A_138 = tpu.memref_slice %arg9[%add3A_137] : memref<4800xi32, #tpu.memory_space<vmem>> -> memref<80xi32, #tpu.memory_space<vmem>>
        %dma_start3A_139 = arith.constant 0 : i32
        %dma_start3A_140 = arith.constant 0 : i32
        %dma_start3A_141 = tpu.memref_slice %arg13[%dma_start3A_139, %dma_start3A_140] : memref<10000x128xf32, #tpu.memory_space<vmem_shared>> -> memref<10000x128xf32, #tpu.memory_space<vmem_shared>>
        tpu.enqueue_indirect_dma source(%dma_start3A_141 : memref<10000x128xf32, #tpu.memory_space<vmem_shared>>) target(%arg10 : memref<80x128xf32, #tpu.memory_space<vmem>>) offsets(%dma_start3A_138 : memref<80xi32, #tpu.memory_space<vmem>>) semaphore(%arg14 : memref<!tpu.dma_semaphore, #tpu.memory_space<semaphore_mem>>)
      } else {
      }
      %dma_wait3A_105 = tpu.memref_slice %arg9[%mul3A_97] : memref<4800xi32, #tpu.memory_space<vmem>> -> memref<80xi32, #tpu.memory_space<vmem>>
      %dma_wait3A_106 = arith.constant 0 : i32
      %dma_wait3A_107 = arith.constant 0 : i32
      %dma_wait3A_108 = tpu.memref_slice %arg13[%dma_wait3A_106, %dma_wait3A_107] : memref<10000x128xf32, #tpu.memory_space<vmem_shared>> -> memref<10000x128xf32, #tpu.memory_space<vmem_shared>>
      tpu.wait_indirect_dma semaphore(%arg15 : memref<!tpu.dma_semaphore, #tpu.memory_space<semaphore_mem>>) src(%dma_wait3A_108 : memref<10000x128xf32, #tpu.memory_space<vmem_shared>>) dst(%arg11 : memref<80x128xf32, #tpu.memory_space<vmem>>)
      %add3A_109 = arith.addi %mul3A_2, %mul3A_97 : i32
      %dma_start3A_110 = tpu.memref_slice %arg7[%add3A_109, %mul3A_0] : memref<76800x256xf32, #tpu.memory_space<hbm>> -> memref<80x128xf32, #tpu.memory_space<hbm>>
      %dma_start3A_111 = tpu.memref_slice %arg7[%add3A_109, %mul3A_0] : memref<76800x256xf32, #tpu.memory_space<hbm>> -> memref<80x128xf32, #tpu.memory_space<hbm>>
      tpu.enqueue_dma source(%arg11 : memref<80x128xf32, #tpu.memory_space<vmem>>) target(%dma_start3A_111 : memref<80x128xf32, #tpu.memory_space<hbm>>) target_semaphore(%arg18 : memref<!tpu.dma_semaphore, #tpu.memory_space<semaphore_mem>>)
      %mul3A_112 = arith.constant 3 : i32
      %mul3A_113 = arith.muli %mul3A_112, %add3A_74 : i32
      %add3A_114 = arith.constant 2 : i32
      %add3A_115 = arith.addi %mul3A_113, %add3A_114 : i32
      %mul3A_116 = arith.constant 80 : i32
      %mul3A_117 = arith.muli %add3A_115, %mul3A_116 : i32
      %add3A_118 = arith.constant 2 : i32
      %add3A_119 = arith.addi %add3A_115, %add3A_118 : i32
      %lt3A_120 = arith.constant 60 : i32
      %lt3A_121 = arith.cmpi slt, %add3A_119, %lt3A_120 : i32
      %convert_element_type3A_122 = arith.extui %lt3A_121 : i1 to i32
      %cond3A_123 = arith.constant 0 : i32
      %cond3A_124 = arith.cmpi ne, %convert_element_type3A_122, %cond3A_123 : i32
      scf.if %cond3A_124 {
        %ge3A = arith.constant 1 : i32
        %ge3A_132 = arith.cmpi sge, %add3A_115, %ge3A : i32
        %convert_element_type3A_133 = arith.extui %ge3A_132 : i1 to i32
        %cond3A_134 = arith.constant 0 : i32
        %cond3A_135 = arith.cmpi ne, %convert_element_type3A_133, %cond3A_134 : i32
        scf.if %cond3A_135 {
          %sub3A = arith.constant 80 : i32
          %sub3A_142 = arith.subi %mul3A_117, %sub3A : i32
          %add3A_143 = arith.addi %mul3A_2, %sub3A_142 : i32
          %dma_wait3A_144 = tpu.memref_slice %arg7[%add3A_143, %mul3A_0] : memref<76800x256xf32, #tpu.memory_space<hbm>> -> memref<80x128xf32, #tpu.memory_space<hbm>>
          %dma_wait3A_145 = tpu.memref_slice %arg7[%add3A_143, %mul3A_0] : memref<76800x256xf32, #tpu.memory_space<hbm>> -> memref<80x128xf32, #tpu.memory_space<hbm>>
          tpu.wait_dma2 semaphore(%arg18 : memref<!tpu.dma_semaphore, #tpu.memory_space<semaphore_mem>>) src(%arg11 : memref<80x128xf32, #tpu.memory_space<vmem>>) dst(%dma_wait3A_145 : memref<80x128xf32, #tpu.memory_space<hbm>>)
        } else {
        }
        %add3A_136 = arith.constant 160 : i32
        %add3A_137 = arith.addi %mul3A_117, %add3A_136 : i32
        %dma_start3A_138 = tpu.memref_slice %arg9[%add3A_137] : memref<4800xi32, #tpu.memory_space<vmem>> -> memref<80xi32, #tpu.memory_space<vmem>>
        %dma_start3A_139 = arith.constant 0 : i32
        %dma_start3A_140 = arith.constant 0 : i32
        %dma_start3A_141 = tpu.memref_slice %arg13[%dma_start3A_139, %dma_start3A_140] : memref<10000x128xf32, #tpu.memory_space<vmem_shared>> -> memref<10000x128xf32, #tpu.memory_space<vmem_shared>>
        tpu.enqueue_indirect_dma source(%dma_start3A_141 : memref<10000x128xf32, #tpu.memory_space<vmem_shared>>) target(%arg11 : memref<80x128xf32, #tpu.memory_space<vmem>>) offsets(%dma_start3A_138 : memref<80xi32, #tpu.memory_space<vmem>>) semaphore(%arg15 : memref<!tpu.dma_semaphore, #tpu.memory_space<semaphore_mem>>)
      } else {
      }
      %dma_wait3A_125 = tpu.memref_slice %arg9[%mul3A_117] : memref<4800xi32, #tpu.memory_space<vmem>> -> memref<80xi32, #tpu.memory_space<vmem>>
      %dma_wait3A_126 = arith.constant 0 : i32
      %dma_wait3A_127 = arith.constant 0 : i32
      %dma_wait3A_128 = tpu.memref_slice %arg13[%dma_wait3A_126, %dma_wait3A_127] : memref<10000x128xf32, #tpu.memory_space<vmem_shared>> -> memref<10000x128xf32, #tpu.memory_space<vmem_shared>>
      tpu.wait_indirect_dma semaphore(%arg16 : memref<!tpu.dma_semaphore, #tpu.memory_space<semaphore_mem>>) src(%dma_wait3A_128 : memref<10000x128xf32, #tpu.memory_space<vmem_shared>>) dst(%arg12 : memref<80x128xf32, #tpu.memory_space<vmem>>)
      %add3A_129 = arith.addi %mul3A_2, %mul3A_117 : i32
      %dma_start3A_130 = tpu.memref_slice %arg7[%add3A_129, %mul3A_0] : memref<76800x256xf32, #tpu.memory_space<hbm>> -> memref<80x128xf32, #tpu.memory_space<hbm>>
      %dma_start3A_131 = tpu.memref_slice %arg7[%add3A_129, %mul3A_0] : memref<76800x256xf32, #tpu.memory_space<hbm>> -> memref<80x128xf32, #tpu.memory_space<hbm>>
      tpu.enqueue_dma source(%arg12 : memref<80x128xf32, #tpu.memory_space<vmem>>) target(%dma_start3A_131 : memref<80x128xf32, #tpu.memory_space<hbm>>) target_semaphore(%arg19 : memref<!tpu.dma_semaphore, #tpu.memory_space<semaphore_mem>>)
    }
    %scan3A_57 = arith.constant 20 : i32
    %add3A_58 = arith.constant 4560 : i32
    %add3A_59 = arith.addi %mul3A_2, %add3A_58 : i32
    %dma_wait3A_60 = tpu.memref_slice %arg7[%add3A_59, %mul3A_0] : memref<76800x256xf32, #tpu.memory_space<hbm>> -> memref<80x128xf32, #tpu.memory_space<hbm>>
    %dma_wait3A_61 = tpu.memref_slice %arg7[%add3A_59, %mul3A_0] : memref<76800x256xf32, #tpu.memory_space<hbm>> -> memref<80x128xf32, #tpu.memory_space<hbm>>
    tpu.wait_dma2 semaphore(%arg17 : memref<!tpu.dma_semaphore, #tpu.memory_space<semaphore_mem>>) src(%arg10 : memref<80x128xf32, #tpu.memory_space<vmem>>) dst(%dma_wait3A_61 : memref<80x128xf32, #tpu.memory_space<hbm>>)
    %add3A_62 = arith.constant 4640 : i32
    %add3A_63 = arith.addi %mul3A_2, %add3A_62 : i32
    %dma_wait3A_64 = tpu.memref_slice %arg7[%add3A_63, %mul3A_0] : memref<76800x256xf32, #tpu.memory_space<hbm>> -> memref<80x128xf32, #tpu.memory_space<hbm>>
    %dma_wait3A_65 = tpu.memref_slice %arg7[%add3A_63, %mul3A_0] : memref<76800x256xf32, #tpu.memory_space<hbm>> -> memref<80x128xf32, #tpu.memory_space<hbm>>
    tpu.wait_dma2 semaphore(%arg18 : memref<!tpu.dma_semaphore, #tpu.memory_space<semaphore_mem>>) src(%arg11 : memref<80x128xf32, #tpu.memory_space<vmem>>) dst(%dma_wait3A_65 : memref<80x128xf32, #tpu.memory_space<hbm>>)
    %add3A_66 = arith.constant 4720 : i32
    %add3A_67 = arith.addi %mul3A_2, %add3A_66 : i32
    %dma_wait3A_68 = tpu.memref_slice %arg7[%add3A_67, %mul3A_0] : memref<76800x256xf32, #tpu.memory_space<hbm>> -> memref<80x128xf32, #tpu.memory_space<hbm>>
    %dma_wait3A_69 = tpu.memref_slice %arg7[%add3A_67, %mul3A_0] : memref<76800x256xf32, #tpu.memory_space<hbm>> -> memref<80x128xf32, #tpu.memory_space<hbm>>
    tpu.wait_dma2 semaphore(%arg19 : memref<!tpu.dma_semaphore, #tpu.memory_space<semaphore_mem>>) src(%arg12 : memref<80x128xf32, #tpu.memory_space<vmem>>) dst(%dma_wait3A_69 : memref<80x128xf32, #tpu.memory_space<hbm>>)
    return
  }
}

#map = affine_map<(d0, d1) -> (0, 0)>
#map1 = affine_map<(d0, d1) -> (0, 0, 0)>
module attributes {stable_mosaic.version = 14 : i64} {
  func.func @_scatter_body(%arg0: i32, %arg1: i32, %arg2: memref<83200x256xf32, #tpu.memory_space<hbm>>, %arg3: memref<16x65x80xi32, #tpu.memory_space<hbm>>, %arg4: memref<10000x256xf32, #tpu.memory_space<hbm>>, %arg5: memref<10000x256xf32, #tpu.memory_space<hbm>>, %arg6: memref<65x80xi32, #tpu.memory_space<vmem>>, %arg7: memref<80x128xf32, #tpu.memory_space<vmem>>, %arg8: memref<80x128xf32, #tpu.memory_space<vmem>>, %arg9: memref<10000x128xf32, #tpu.memory_space<vmem_shared>>, %arg10: memref<!tpu.dma_semaphore, #tpu.memory_space<semaphore_mem>>, %arg11: memref<!tpu.dma_semaphore, #tpu.memory_space<semaphore_mem>>, %arg12: memref<!tpu.dma_semaphore, #tpu.memory_space<semaphore_mem>>, %arg13: memref<!tpu.dma_semaphore, #tpu.memory_space<semaphore_mem>>) attributes {dimension_semantics = [#tpu.dimension_semantics<core_parallel>, #tpu.dimension_semantics<subcore_parallel>], iteration_bounds = array<i64: 2, 16>, scalar_prefetch = 0 : i64, scratch_operands = 8 : i64, tpu.core_type = #tpu.core_type<sc_vector_subcore>, window_params = [{transform_indices = #map}, {transform_indices = #map1}, {transform_indices = #map}, {transform_indices = #map}]} {
    %mul3A = arith.constant 128 : i32
    %mul3A_0 = arith.muli %arg0, %mul3A : i32
    %mul3A_1 = arith.constant 624 : i32
    %mul3A_2 = arith.muli %arg1, %mul3A_1 : i32
    %mul3A_3 = arith.constant 624 : i32
    %mul3A_4 = arith.muli %arg1, %mul3A_3 : i32
    "tpu.region"() ({
      %run_scoped3A = tpu.sem_alloc : memref<!tpu.dma_semaphore, #tpu.memory_space<semaphore_mem>>
      %dma_start3A_49 = arith.constant 0 : i32
      %dma_start3A_50 = tpu.memref_slice %arg9[%mul3A_4, %dma_start3A_49] : memref<10000x128xf32, #tpu.memory_space<vmem_shared>> -> memref<624x128xf32, #tpu.memory_space<vmem_shared>>
      %dma_start3A_51 = tpu.memref_slice %arg4[%mul3A_2, %mul3A_0] : memref<10000x256xf32, #tpu.memory_space<hbm>> -> memref<624x128xf32, #tpu.memory_space<hbm>>
      tpu.enqueue_dma source(%dma_start3A_51 : memref<624x128xf32, #tpu.memory_space<hbm>>) target(%dma_start3A_50 : memref<624x128xf32, #tpu.memory_space<vmem_shared>>) target_semaphore(%run_scoped3A : memref<!tpu.dma_semaphore, #tpu.memory_space<semaphore_mem>>)
      %dma_wait3A_52 = arith.constant 0 : i32
      %dma_wait3A_53 = tpu.memref_slice %arg9[%mul3A_4, %dma_wait3A_52] : memref<10000x128xf32, #tpu.memory_space<vmem_shared>> -> memref<624x128xf32, #tpu.memory_space<vmem_shared>>
      %dma_wait3A_54 = tpu.memref_slice %arg4[%mul3A_2, %mul3A_0] : memref<10000x256xf32, #tpu.memory_space<hbm>> -> memref<624x128xf32, #tpu.memory_space<hbm>>
      tpu.wait_dma2 semaphore(%run_scoped3A : memref<!tpu.dma_semaphore, #tpu.memory_space<semaphore_mem>>) src(%dma_wait3A_54 : memref<624x128xf32, #tpu.memory_space<hbm>>) dst(%dma_wait3A_53 : memref<624x128xf32, #tpu.memory_space<vmem_shared>>)
      tpu.yield
    }) : () -> ()
    %eq3A = arith.constant 15 : i32
    %eq3A_5 = arith.cmpi eq, %arg1, %eq3A : i32
    %convert_element_type3A = arith.extui %eq3A_5 : i1 to i32
    %cond3A = arith.constant 0 : i32
    %cond3A_6 = arith.cmpi ne, %convert_element_type3A, %cond3A : i32
    scf.if %cond3A_6 {
      "tpu.region"() ({
        %run_scoped3A = tpu.sem_alloc : memref<!tpu.dma_semaphore, #tpu.memory_space<semaphore_mem>>
        %dma_start3A_49 = arith.constant 9984 : i32
        %dma_start3A_50 = arith.constant 0 : i32
        %dma_start3A_51 = tpu.memref_slice %arg9[%dma_start3A_49, %dma_start3A_50] : memref<10000x128xf32, #tpu.memory_space<vmem_shared>> -> memref<16x128xf32, #tpu.memory_space<vmem_shared>>
        %dma_start3A_52 = arith.constant 9984 : i32
        %dma_start3A_53 = tpu.memref_slice %arg4[%dma_start3A_52, %mul3A_0] : memref<10000x256xf32, #tpu.memory_space<hbm>> -> memref<16x128xf32, #tpu.memory_space<hbm>>
        tpu.enqueue_dma source(%dma_start3A_53 : memref<16x128xf32, #tpu.memory_space<hbm>>) target(%dma_start3A_51 : memref<16x128xf32, #tpu.memory_space<vmem_shared>>) target_semaphore(%run_scoped3A : memref<!tpu.dma_semaphore, #tpu.memory_space<semaphore_mem>>)
        %dma_wait3A_54 = arith.constant 9984 : i32
        %dma_wait3A_55 = arith.constant 0 : i32
        %dma_wait3A_56 = tpu.memref_slice %arg9[%dma_wait3A_54, %dma_wait3A_55] : memref<10000x128xf32, #tpu.memory_space<vmem_shared>> -> memref<16x128xf32, #tpu.memory_space<vmem_shared>>
        %dma_wait3A_57 = arith.constant 9984 : i32
        %dma_wait3A_58 = tpu.memref_slice %arg4[%dma_wait3A_57, %mul3A_0] : memref<10000x256xf32, #tpu.memory_space<hbm>> -> memref<16x128xf32, #tpu.memory_space<hbm>>
        tpu.wait_dma2 semaphore(%run_scoped3A : memref<!tpu.dma_semaphore, #tpu.memory_space<semaphore_mem>>) src(%dma_wait3A_58 : memref<16x128xf32, #tpu.memory_space<hbm>>) dst(%dma_wait3A_56 : memref<16x128xf32, #tpu.memory_space<vmem_shared>>)
        tpu.yield
      }) : () -> ()
    } else {
    }
    %barrier3A = arith.constant 0 : index
    tpu.barrier barrier_id(%barrier3A)
    "tpu.region"() ({
      %run_scoped3A = tpu.sem_alloc : memref<!tpu.dma_semaphore, #tpu.memory_space<semaphore_mem>>
      %dma_start3A_49 = arith.constant 0 : i32
      %dma_start3A_50 = arith.constant 0 : i32
      %dma_start3A_51 = tpu.memref_slice %arg3[%arg1, %dma_start3A_49, %dma_start3A_50] : memref<16x65x80xi32, #tpu.memory_space<hbm>> -> memref<1x65x80xi32, #tpu.memory_space<hbm>>
      %dma_start3A_52 = tpu.memref_squeeze %dma_start3A_51 : memref<1x65x80xi32, #tpu.memory_space<hbm>> -> memref<65x80xi32, #tpu.memory_space<hbm>>
      %dma_start3A_53 = arith.constant 0 : i32
      %dma_start3A_54 = arith.constant 0 : i32
      %dma_start3A_55 = tpu.memref_slice %arg3[%arg1, %dma_start3A_53, %dma_start3A_54] : memref<16x65x80xi32, #tpu.memory_space<hbm>> -> memref<1x65x80xi32, #tpu.memory_space<hbm>>
      %dma_start3A_56 = tpu.memref_squeeze %dma_start3A_55 : memref<1x65x80xi32, #tpu.memory_space<hbm>> -> memref<65x80xi32, #tpu.memory_space<hbm>>
      tpu.enqueue_dma source(%dma_start3A_56 : memref<65x80xi32, #tpu.memory_space<hbm>>) target(%arg6 : memref<65x80xi32, #tpu.memory_space<vmem>>) target_semaphore(%run_scoped3A : memref<!tpu.dma_semaphore, #tpu.memory_space<semaphore_mem>>)
      %dma_wait3A_57 = arith.constant 0 : i32
      %dma_wait3A_58 = arith.constant 0 : i32
      %dma_wait3A_59 = tpu.memref_slice %arg3[%arg1, %dma_wait3A_57, %dma_wait3A_58] : memref<16x65x80xi32, #tpu.memory_space<hbm>> -> memref<1x65x80xi32, #tpu.memory_space<hbm>>
      %dma_wait3A_60 = tpu.memref_squeeze %dma_wait3A_59 : memref<1x65x80xi32, #tpu.memory_space<hbm>> -> memref<65x80xi32, #tpu.memory_space<hbm>>
      %dma_wait3A_61 = arith.constant 0 : i32
      %dma_wait3A_62 = arith.constant 0 : i32
      %dma_wait3A_63 = tpu.memref_slice %arg3[%arg1, %dma_wait3A_61, %dma_wait3A_62] : memref<16x65x80xi32, #tpu.memory_space<hbm>> -> memref<1x65x80xi32, #tpu.memory_space<hbm>>
      %dma_wait3A_64 = tpu.memref_squeeze %dma_wait3A_63 : memref<1x65x80xi32, #tpu.memory_space<hbm>> -> memref<65x80xi32, #tpu.memory_space<hbm>>
      tpu.wait_dma2 semaphore(%run_scoped3A : memref<!tpu.dma_semaphore, #tpu.memory_space<semaphore_mem>>) src(%dma_wait3A_64 : memref<65x80xi32, #tpu.memory_space<hbm>>) dst(%arg6 : memref<65x80xi32, #tpu.memory_space<vmem>>)
      tpu.yield
    }) : () -> ()
    %mul3A_7 = arith.constant 5200 : i32
    %mul3A_8 = arith.muli %arg1, %mul3A_7 : i32
    %add3A = arith.constant 0 : i32
    %add3A_9 = arith.addi %mul3A_8, %add3A : i32
    %dma_start3A = tpu.memref_slice %arg2[%add3A_9, %mul3A_0] : memref<83200x256xf32, #tpu.memory_space<hbm>> -> memref<80x128xf32, #tpu.memory_space<hbm>>
    %dma_start3A_10 = tpu.memref_slice %arg2[%add3A_9, %mul3A_0] : memref<83200x256xf32, #tpu.memory_space<hbm>> -> memref<80x128xf32, #tpu.memory_space<hbm>>
    tpu.enqueue_dma source(%dma_start3A_10 : memref<80x128xf32, #tpu.memory_space<hbm>>) target(%arg7 : memref<80x128xf32, #tpu.memory_space<vmem>>) target_semaphore(%arg10 : memref<!tpu.dma_semaphore, #tpu.memory_space<semaphore_mem>>)
    %scan3A = arith.constant 0 : i32
    %scan3A_11 = arith.constant 32 : i32
    %scan3A_12 = arith.addi %scan3A, %scan3A_11 : i32
    %scan3A_13 = arith.constant 1 : i32
    scf.for %scan3A_49 = %scan3A to %scan3A_12 step %scan3A_13  : i32 {
      %mul3A_50 = arith.constant 1 : i32
      %mul3A_51 = arith.muli %scan3A_49, %mul3A_50 : i32
      %add3A_52 = arith.constant 0 : i32
      %add3A_53 = arith.addi %add3A_52, %mul3A_51 : i32
      %mul3A_54 = arith.constant 2 : i32
      %mul3A_55 = arith.muli %mul3A_54, %add3A_53 : i32
      %add3A_56 = arith.constant 1 : i32
      %add3A_57 = arith.addi %mul3A_55, %add3A_56 : i32
      %lt3A = arith.constant 65 : i32
      %lt3A_58 = arith.cmpi slt, %add3A_57, %lt3A : i32
      %convert_element_type3A_59 = arith.extui %lt3A_58 : i1 to i32
      %cond3A_60 = arith.constant 0 : i32
      %cond3A_61 = arith.cmpi ne, %convert_element_type3A_59, %cond3A_60 : i32
      scf.if %cond3A_61 {
        %ge3A = arith.constant 1 : i32
        %ge3A_95 = arith.cmpi sge, %mul3A_55, %ge3A : i32
        %convert_element_type3A_96 = arith.extui %ge3A_95 : i1 to i32
        %cond3A_97 = arith.constant 0 : i32
        %cond3A_98 = arith.cmpi ne, %convert_element_type3A_96, %cond3A_97 : i32
        scf.if %cond3A_98 {
          %sub3A = arith.constant 1 : i32
          %sub3A_106 = arith.subi %mul3A_55, %sub3A : i32
          %dma_wait3A_107 = arith.constant 0 : i32
          %dma_wait3A_108 = tpu.memref_slice %arg6[%sub3A_106, %dma_wait3A_107] : memref<65x80xi32, #tpu.memory_space<vmem>> -> memref<1x80xi32, #tpu.memory_space<vmem>>
          %dma_wait3A_109 = tpu.memref_squeeze %dma_wait3A_108 : memref<1x80xi32, #tpu.memory_space<vmem>> -> memref<80xi32, #tpu.memory_space<vmem>>
          %dma_wait3A_110 = arith.constant 0 : i32
          %dma_wait3A_111 = arith.constant 0 : i32
          %dma_wait3A_112 = tpu.memref_slice %arg9[%dma_wait3A_110, %dma_wait3A_111] : memref<10000x128xf32, #tpu.memory_space<vmem_shared>> -> memref<10000x128xf32, #tpu.memory_space<vmem_shared>>
          tpu.wait_indirect_dma semaphore(%arg13 : memref<!tpu.dma_semaphore, #tpu.memory_space<semaphore_mem>>) src(%arg8 : memref<80x128xf32, #tpu.memory_space<vmem>>) dst(%dma_wait3A_112 : memref<10000x128xf32, #tpu.memory_space<vmem_shared>>)
        } else {
        }
        %add3A_99 = arith.constant 1 : i32
        %add3A_100 = arith.addi %mul3A_55, %add3A_99 : i32
        %mul3A_101 = arith.constant 80 : i32
        %mul3A_102 = arith.muli %add3A_100, %mul3A_101 : i32
        %add3A_103 = arith.addi %mul3A_8, %mul3A_102 : i32
        %dma_start3A_104 = tpu.memref_slice %arg2[%add3A_103, %mul3A_0] : memref<83200x256xf32, #tpu.memory_space<hbm>> -> memref<80x128xf32, #tpu.memory_space<hbm>>
        %dma_start3A_105 = tpu.memref_slice %arg2[%add3A_103, %mul3A_0] : memref<83200x256xf32, #tpu.memory_space<hbm>> -> memref<80x128xf32, #tpu.memory_space<hbm>>
        tpu.enqueue_dma source(%dma_start3A_105 : memref<80x128xf32, #tpu.memory_space<hbm>>) target(%arg8 : memref<80x128xf32, #tpu.memory_space<vmem>>) target_semaphore(%arg11 : memref<!tpu.dma_semaphore, #tpu.memory_space<semaphore_mem>>)
      } else {
      }
      %mul3A_62 = arith.constant 80 : i32
      %mul3A_63 = arith.muli %mul3A_55, %mul3A_62 : i32
      %add3A_64 = arith.addi %mul3A_8, %mul3A_63 : i32
      %dma_wait3A_65 = tpu.memref_slice %arg2[%add3A_64, %mul3A_0] : memref<83200x256xf32, #tpu.memory_space<hbm>> -> memref<80x128xf32, #tpu.memory_space<hbm>>
      %dma_wait3A_66 = tpu.memref_slice %arg2[%add3A_64, %mul3A_0] : memref<83200x256xf32, #tpu.memory_space<hbm>> -> memref<80x128xf32, #tpu.memory_space<hbm>>
      tpu.wait_dma2 semaphore(%arg10 : memref<!tpu.dma_semaphore, #tpu.memory_space<semaphore_mem>>) src(%dma_wait3A_66 : memref<80x128xf32, #tpu.memory_space<hbm>>) dst(%arg7 : memref<80x128xf32, #tpu.memory_space<vmem>>)
      %dma_start3A_67 = arith.constant 0 : i32
      %dma_start3A_68 = tpu.memref_slice %arg6[%mul3A_55, %dma_start3A_67] : memref<65x80xi32, #tpu.memory_space<vmem>> -> memref<1x80xi32, #tpu.memory_space<vmem>>
      %dma_start3A_69 = tpu.memref_squeeze %dma_start3A_68 : memref<1x80xi32, #tpu.memory_space<vmem>> -> memref<80xi32, #tpu.memory_space<vmem>>
      %dma_start3A_70 = arith.constant 0 : i32
      %dma_start3A_71 = arith.constant 0 : i32
      %dma_start3A_72 = tpu.memref_slice %arg9[%dma_start3A_70, %dma_start3A_71] : memref<10000x128xf32, #tpu.memory_space<vmem_shared>> -> memref<10000x128xf32, #tpu.memory_space<vmem_shared>>
      tpu.enqueue_indirect_dma source(%arg7 : memref<80x128xf32, #tpu.memory_space<vmem>>) target(%dma_start3A_72 : memref<10000x128xf32, #tpu.memory_space<vmem_shared>>) offsets(%dma_start3A_69 : memref<80xi32, #tpu.memory_space<vmem>>) semaphore(%arg12 : memref<!tpu.dma_semaphore, #tpu.memory_space<semaphore_mem>>) {add = true}
      %mul3A_73 = arith.constant 2 : i32
      %mul3A_74 = arith.muli %mul3A_73, %add3A_53 : i32
      %add3A_75 = arith.constant 1 : i32
      %add3A_76 = arith.addi %mul3A_74, %add3A_75 : i32
      %add3A_77 = arith.constant 1 : i32
      %add3A_78 = arith.addi %add3A_76, %add3A_77 : i32
      %lt3A_79 = arith.constant 65 : i32
      %lt3A_80 = arith.cmpi slt, %add3A_78, %lt3A_79 : i32
      %convert_element_type3A_81 = arith.extui %lt3A_80 : i1 to i32
      %cond3A_82 = arith.constant 0 : i32
      %cond3A_83 = arith.cmpi ne, %convert_element_type3A_81, %cond3A_82 : i32
      scf.if %cond3A_83 {
        %ge3A = arith.constant 1 : i32
        %ge3A_95 = arith.cmpi sge, %add3A_76, %ge3A : i32
        %convert_element_type3A_96 = arith.extui %ge3A_95 : i1 to i32
        %cond3A_97 = arith.constant 0 : i32
        %cond3A_98 = arith.cmpi ne, %convert_element_type3A_96, %cond3A_97 : i32
        scf.if %cond3A_98 {
          %sub3A = arith.constant 1 : i32
          %sub3A_106 = arith.subi %add3A_76, %sub3A : i32
          %dma_wait3A_107 = arith.constant 0 : i32
          %dma_wait3A_108 = tpu.memref_slice %arg6[%sub3A_106, %dma_wait3A_107] : memref<65x80xi32, #tpu.memory_space<vmem>> -> memref<1x80xi32, #tpu.memory_space<vmem>>
          %dma_wait3A_109 = tpu.memref_squeeze %dma_wait3A_108 : memref<1x80xi32, #tpu.memory_space<vmem>> -> memref<80xi32, #tpu.memory_space<vmem>>
          %dma_wait3A_110 = arith.constant 0 : i32
          %dma_wait3A_111 = arith.constant 0 : i32
          %dma_wait3A_112 = tpu.memref_slice %arg9[%dma_wait3A_110, %dma_wait3A_111] : memref<10000x128xf32, #tpu.memory_space<vmem_shared>> -> memref<10000x128xf32, #tpu.memory_space<vmem_shared>>
          tpu.wait_indirect_dma semaphore(%arg12 : memref<!tpu.dma_semaphore, #tpu.memory_space<semaphore_mem>>) src(%arg7 : memref<80x128xf32, #tpu.memory_space<vmem>>) dst(%dma_wait3A_112 : memref<10000x128xf32, #tpu.memory_space<vmem_shared>>)
        } else {
        }
        %add3A_99 = arith.constant 1 : i32
        %add3A_100 = arith.addi %add3A_76, %add3A_99 : i32
        %mul3A_101 = arith.constant 80 : i32
        %mul3A_102 = arith.muli %add3A_100, %mul3A_101 : i32
        %add3A_103 = arith.addi %mul3A_8, %mul3A_102 : i32
        %dma_start3A_104 = tpu.memref_slice %arg2[%add3A_103, %mul3A_0] : memref<83200x256xf32, #tpu.memory_space<hbm>> -> memref<80x128xf32, #tpu.memory_space<hbm>>
        %dma_start3A_105 = tpu.memref_slice %arg2[%add3A_103, %mul3A_0] : memref<83200x256xf32, #tpu.memory_space<hbm>> -> memref<80x128xf32, #tpu.memory_space<hbm>>
        tpu.enqueue_dma source(%dma_start3A_105 : memref<80x128xf32, #tpu.memory_space<hbm>>) target(%arg7 : memref<80x128xf32, #tpu.memory_space<vmem>>) target_semaphore(%arg10 : memref<!tpu.dma_semaphore, #tpu.memory_space<semaphore_mem>>)
      } else {
      }
      %mul3A_84 = arith.constant 80 : i32
      %mul3A_85 = arith.muli %add3A_76, %mul3A_84 : i32
      %add3A_86 = arith.addi %mul3A_8, %mul3A_85 : i32
      %dma_wait3A_87 = tpu.memref_slice %arg2[%add3A_86, %mul3A_0] : memref<83200x256xf32, #tpu.memory_space<hbm>> -> memref<80x128xf32, #tpu.memory_space<hbm>>
      %dma_wait3A_88 = tpu.memref_slice %arg2[%add3A_86, %mul3A_0] : memref<83200x256xf32, #tpu.memory_space<hbm>> -> memref<80x128xf32, #tpu.memory_space<hbm>>
      tpu.wait_dma2 semaphore(%arg11 : memref<!tpu.dma_semaphore, #tpu.memory_space<semaphore_mem>>) src(%dma_wait3A_88 : memref<80x128xf32, #tpu.memory_space<hbm>>) dst(%arg8 : memref<80x128xf32, #tpu.memory_space<vmem>>)
      %dma_start3A_89 = arith.constant 0 : i32
      %dma_start3A_90 = tpu.memref_slice %arg6[%add3A_76, %dma_start3A_89] : memref<65x80xi32, #tpu.memory_space<vmem>> -> memref<1x80xi32, #tpu.memory_space<vmem>>
      %dma_start3A_91 = tpu.memref_squeeze %dma_start3A_90 : memref<1x80xi32, #tpu.memory_space<vmem>> -> memref<80xi32, #tpu.memory_space<vmem>>
      %dma_start3A_92 = arith.constant 0 : i32
      %dma_start3A_93 = arith.constant 0 : i32
      %dma_start3A_94 = tpu.memref_slice %arg9[%dma_start3A_92, %dma_start3A_93] : memref<10000x128xf32, #tpu.memory_space<vmem_shared>> -> memref<10000x128xf32, #tpu.memory_space<vmem_shared>>
      tpu.enqueue_indirect_dma source(%arg8 : memref<80x128xf32, #tpu.memory_space<vmem>>) target(%dma_start3A_94 : memref<10000x128xf32, #tpu.memory_space<vmem_shared>>) offsets(%dma_start3A_91 : memref<80xi32, #tpu.memory_space<vmem>>) semaphore(%arg13 : memref<!tpu.dma_semaphore, #tpu.memory_space<semaphore_mem>>) {add = true}
    }
    %scan3A_14 = arith.constant 32 : i32
    %add3A_15 = arith.constant 5120 : i32
    %add3A_16 = arith.addi %mul3A_8, %add3A_15 : i32
    %dma_wait3A = tpu.memref_slice %arg2[%add3A_16, %mul3A_0] : memref<83200x256xf32, #tpu.memory_space<hbm>> -> memref<80x128xf32, #tpu.memory_space<hbm>>
    %dma_wait3A_17 = tpu.memref_slice %arg2[%add3A_16, %mul3A_0] : memref<83200x256xf32, #tpu.memory_space<hbm>> -> memref<80x128xf32, #tpu.memory_space<hbm>>
    tpu.wait_dma2 semaphore(%arg10 : memref<!tpu.dma_semaphore, #tpu.memory_space<semaphore_mem>>) src(%dma_wait3A_17 : memref<80x128xf32, #tpu.memory_space<hbm>>) dst(%arg7 : memref<80x128xf32, #tpu.memory_space<vmem>>)
    %dma_start3A_18 = arith.constant 64 : i32
    %dma_start3A_19 = arith.constant 0 : i32
    %dma_start3A_20 = tpu.memref_slice %arg6[%dma_start3A_18, %dma_start3A_19] : memref<65x80xi32, #tpu.memory_space<vmem>> -> memref<1x80xi32, #tpu.memory_space<vmem>>
    %dma_start3A_21 = tpu.memref_squeeze %dma_start3A_20 : memref<1x80xi32, #tpu.memory_space<vmem>> -> memref<80xi32, #tpu.memory_space<vmem>>
    %dma_start3A_22 = arith.constant 0 : i32
    %dma_start3A_23 = arith.constant 0 : i32
    %dma_start3A_24 = tpu.memref_slice %arg9[%dma_start3A_22, %dma_start3A_23] : memref<10000x128xf32, #tpu.memory_space<vmem_shared>> -> memref<10000x128xf32, #tpu.memory_space<vmem_shared>>
    tpu.enqueue_indirect_dma source(%arg7 : memref<80x128xf32, #tpu.memory_space<vmem>>) target(%dma_start3A_24 : memref<10000x128xf32, #tpu.memory_space<vmem_shared>>) offsets(%dma_start3A_21 : memref<80xi32, #tpu.memory_space<vmem>>) semaphore(%arg12 : memref<!tpu.dma_semaphore, #tpu.memory_space<semaphore_mem>>) {add = true}
    %dma_wait3A_25 = arith.constant 63 : i32
    %dma_wait3A_26 = arith.constant 0 : i32
    %dma_wait3A_27 = tpu.memref_slice %arg6[%dma_wait3A_25, %dma_wait3A_26] : memref<65x80xi32, #tpu.memory_space<vmem>> -> memref<1x80xi32, #tpu.memory_space<vmem>>
    %dma_wait3A_28 = tpu.memref_squeeze %dma_wait3A_27 : memref<1x80xi32, #tpu.memory_space<vmem>> -> memref<80xi32, #tpu.memory_space<vmem>>
    %dma_wait3A_29 = arith.constant 0 : i32
    %dma_wait3A_30 = arith.constant 0 : i32
    %dma_wait3A_31 = tpu.memref_slice %arg9[%dma_wait3A_29, %dma_wait3A_30] : memref<10000x128xf32, #tpu.memory_space<vmem_shared>> -> memref<10000x128xf32, #tpu.memory_space<vmem_shared>>
    tpu.wait_indirect_dma semaphore(%arg13 : memref<!tpu.dma_semaphore, #tpu.memory_space<semaphore_mem>>) src(%arg8 : memref<80x128xf32, #tpu.memory_space<vmem>>) dst(%dma_wait3A_31 : memref<10000x128xf32, #tpu.memory_space<vmem_shared>>)
    %dma_wait3A_32 = arith.constant 64 : i32
    %dma_wait3A_33 = arith.constant 0 : i32
    %dma_wait3A_34 = tpu.memref_slice %arg6[%dma_wait3A_32, %dma_wait3A_33] : memref<65x80xi32, #tpu.memory_space<vmem>> -> memref<1x80xi32, #tpu.memory_space<vmem>>
    %dma_wait3A_35 = tpu.memref_squeeze %dma_wait3A_34 : memref<1x80xi32, #tpu.memory_space<vmem>> -> memref<80xi32, #tpu.memory_space<vmem>>
    %dma_wait3A_36 = arith.constant 0 : i32
    %dma_wait3A_37 = arith.constant 0 : i32
    %dma_wait3A_38 = tpu.memref_slice %arg9[%dma_wait3A_36, %dma_wait3A_37] : memref<10000x128xf32, #tpu.memory_space<vmem_shared>> -> memref<10000x128xf32, #tpu.memory_space<vmem_shared>>
    tpu.wait_indirect_dma semaphore(%arg12 : memref<!tpu.dma_semaphore, #tpu.memory_space<semaphore_mem>>) src(%arg7 : memref<80x128xf32, #tpu.memory_space<vmem>>) dst(%dma_wait3A_38 : memref<10000x128xf32, #tpu.memory_space<vmem_shared>>)
    %barrier3A_39 = arith.constant 0 : index
    tpu.barrier barrier_id(%barrier3A_39)
    %mul3A_40 = arith.constant 624 : i32
    %mul3A_41 = arith.muli %arg1, %mul3A_40 : i32
    %mul3A_42 = arith.constant 624 : i32
    %mul3A_43 = arith.muli %arg1, %mul3A_42 : i32
    "tpu.region"() ({
      %run_scoped3A = tpu.sem_alloc : memref<!tpu.dma_semaphore, #tpu.memory_space<semaphore_mem>>
      %dma_start3A_49 = tpu.memref_slice %arg5[%mul3A_43, %mul3A_0] : memref<10000x256xf32, #tpu.memory_space<hbm>> -> memref<624x128xf32, #tpu.memory_space<hbm>>
      %dma_start3A_50 = arith.constant 0 : i32
      %dma_start3A_51 = tpu.memref_slice %arg9[%mul3A_41, %dma_start3A_50] : memref<10000x128xf32, #tpu.memory_space<vmem_shared>> -> memref<624x128xf32, #tpu.memory_space<vmem_shared>>
      tpu.enqueue_dma source(%dma_start3A_51 : memref<624x128xf32, #tpu.memory_space<vmem_shared>>) target(%dma_start3A_49 : memref<624x128xf32, #tpu.memory_space<hbm>>) target_semaphore(%run_scoped3A : memref<!tpu.dma_semaphore, #tpu.memory_space<semaphore_mem>>)
      %dma_wait3A_52 = tpu.memref_slice %arg5[%mul3A_43, %mul3A_0] : memref<10000x256xf32, #tpu.memory_space<hbm>> -> memref<624x128xf32, #tpu.memory_space<hbm>>
      %dma_wait3A_53 = arith.constant 0 : i32
      %dma_wait3A_54 = tpu.memref_slice %arg9[%mul3A_41, %dma_wait3A_53] : memref<10000x128xf32, #tpu.memory_space<vmem_shared>> -> memref<624x128xf32, #tpu.memory_space<vmem_shared>>
      tpu.wait_dma2 semaphore(%run_scoped3A : memref<!tpu.dma_semaphore, #tpu.memory_space<semaphore_mem>>) src(%dma_wait3A_54 : memref<624x128xf32, #tpu.memory_space<vmem_shared>>) dst(%dma_wait3A_52 : memref<624x128xf32, #tpu.memory_space<hbm>>)
      tpu.yield
    }) : () -> ()
    %eq3A_44 = arith.constant 15 : i32
    %eq3A_45 = arith.cmpi eq, %arg1, %eq3A_44 : i32
    %convert_element_type3A_46 = arith.extui %eq3A_45 : i1 to i32
    %cond3A_47 = arith.constant 0 : i32
    %cond3A_48 = arith.cmpi ne, %convert_element_type3A_46, %cond3A_47 : i32
    scf.if %cond3A_48 {
      "tpu.region"() ({
        %run_scoped3A = tpu.sem_alloc : memref<!tpu.dma_semaphore, #tpu.memory_space<semaphore_mem>>
        %dma_start3A_49 = arith.constant 9984 : i32
        %dma_start3A_50 = tpu.memref_slice %arg5[%dma_start3A_49, %mul3A_0] : memref<10000x256xf32, #tpu.memory_space<hbm>> -> memref<16x128xf32, #tpu.memory_space<hbm>>
        %dma_start3A_51 = arith.constant 9984 : i32
        %dma_start3A_52 = arith.constant 0 : i32
        %dma_start3A_53 = tpu.memref_slice %arg9[%dma_start3A_51, %dma_start3A_52] : memref<10000x128xf32, #tpu.memory_space<vmem_shared>> -> memref<16x128xf32, #tpu.memory_space<vmem_shared>>
        tpu.enqueue_dma source(%dma_start3A_53 : memref<16x128xf32, #tpu.memory_space<vmem_shared>>) target(%dma_start3A_50 : memref<16x128xf32, #tpu.memory_space<hbm>>) target_semaphore(%run_scoped3A : memref<!tpu.dma_semaphore, #tpu.memory_space<semaphore_mem>>)
        %dma_wait3A_54 = arith.constant 9984 : i32
        %dma_wait3A_55 = tpu.memref_slice %arg5[%dma_wait3A_54, %mul3A_0] : memref<10000x256xf32, #tpu.memory_space<hbm>> -> memref<16x128xf32, #tpu.memory_space<hbm>>
        %dma_wait3A_56 = arith.constant 9984 : i32
        %dma_wait3A_57 = arith.constant 0 : i32
        %dma_wait3A_58 = tpu.memref_slice %arg9[%dma_wait3A_56, %dma_wait3A_57] : memref<10000x128xf32, #tpu.memory_space<vmem_shared>> -> memref<16x128xf32, #tpu.memory_space<vmem_shared>>
        tpu.wait_dma2 semaphore(%run_scoped3A : memref<!tpu.dma_semaphore, #tpu.memory_space<semaphore_mem>>) src(%dma_wait3A_58 : memref<16x128xf32, #tpu.memory_space<vmem_shared>>) dst(%dma_wait3A_55 : memref<16x128xf32, #tpu.memory_space<hbm>>)
        tpu.yield
      }) : () -> ()
    } else {
    }
    return
  }
}

#map = affine_map<(d0, d1) -> (0)>
module attributes {stable_mosaic.version = 14 : i64} {
  func.func @_scalar_body(%arg0: i32, %arg1: i32, %arg2: memref<160000xi32, #tpu.memory_space<hbm>>, %arg3: memref<160000xi32, #tpu.memory_space<hbm>>, %arg4: memref<160000xf32, #tpu.memory_space<hbm>>, %arg5: memref<160000xf32, #tpu.memory_space<hbm>>, %arg6: memref<1600000xf32, #tpu.memory_space<hbm>>, %arg7: memref<5000xi32, #tpu.memory_space<vmem>>, %arg8: memref<5000xi32, #tpu.memory_space<vmem>>, %arg9: memref<5000xf32, #tpu.memory_space<vmem>>, %arg10: memref<5000xf32, #tpu.memory_space<vmem>>, %arg11: memref<10000xf32, #tpu.memory_space<vmem>>, %arg12: memref<10000xf32, #tpu.memory_space<vmem>>, %arg13: memref<10000xf32, #tpu.memory_space<vmem>>, %arg14: memref<10000xf32, #tpu.memory_space<vmem>>, %arg15: memref<10000xf32, #tpu.memory_space<vmem>>) attributes {dimension_semantics = [#tpu.dimension_semantics<core_parallel>, #tpu.dimension_semantics<subcore_parallel>], iteration_bounds = array<i64: 2, 16>, scalar_prefetch = 0 : i64, scratch_operands = 9 : i64, tpu.core_type = #tpu.core_type<sc_vector_subcore>, window_params = [{transform_indices = #map}, {transform_indices = #map}, {transform_indices = #map}, {transform_indices = #map}, {transform_indices = #map}]} {
    %mul3A = arith.constant 2 : i32
    %mul3A_0 = arith.muli %arg1, %mul3A : i32
    %add3A = arith.addi %mul3A_0, %arg0 : i32
    %mul3A_1 = arith.constant 5000 : i32
    %mul3A_2 = arith.muli %add3A, %mul3A_1 : i32
    "tpu.region"() ({
      %run_scoped3A = tpu.sem_alloc : memref<!tpu.dma_semaphore, #tpu.memory_space<semaphore_mem>>
      %dma_start3A = tpu.memref_slice %arg2[%mul3A_2] : memref<160000xi32, #tpu.memory_space<hbm>> -> memref<5000xi32, #tpu.memory_space<hbm>>
      %dma_start3A_65 = tpu.memref_slice %arg2[%mul3A_2] : memref<160000xi32, #tpu.memory_space<hbm>> -> memref<5000xi32, #tpu.memory_space<hbm>>
      tpu.enqueue_dma source(%dma_start3A_65 : memref<5000xi32, #tpu.memory_space<hbm>>) target(%arg7 : memref<5000xi32, #tpu.memory_space<vmem>>) target_semaphore(%run_scoped3A : memref<!tpu.dma_semaphore, #tpu.memory_space<semaphore_mem>>)
      %dma_wait3A = tpu.memref_slice %arg2[%mul3A_2] : memref<160000xi32, #tpu.memory_space<hbm>> -> memref<5000xi32, #tpu.memory_space<hbm>>
      %dma_wait3A_66 = tpu.memref_slice %arg2[%mul3A_2] : memref<160000xi32, #tpu.memory_space<hbm>> -> memref<5000xi32, #tpu.memory_space<hbm>>
      tpu.wait_dma2 semaphore(%run_scoped3A : memref<!tpu.dma_semaphore, #tpu.memory_space<semaphore_mem>>) src(%dma_wait3A_66 : memref<5000xi32, #tpu.memory_space<hbm>>) dst(%arg7 : memref<5000xi32, #tpu.memory_space<vmem>>)
      tpu.yield
    }) : () -> ()
    "tpu.region"() ({
      %run_scoped3A = tpu.sem_alloc : memref<!tpu.dma_semaphore, #tpu.memory_space<semaphore_mem>>
      %dma_start3A = tpu.memref_slice %arg3[%mul3A_2] : memref<160000xi32, #tpu.memory_space<hbm>> -> memref<5000xi32, #tpu.memory_space<hbm>>
      %dma_start3A_65 = tpu.memref_slice %arg3[%mul3A_2] : memref<160000xi32, #tpu.memory_space<hbm>> -> memref<5000xi32, #tpu.memory_space<hbm>>
      tpu.enqueue_dma source(%dma_start3A_65 : memref<5000xi32, #tpu.memory_space<hbm>>) target(%arg8 : memref<5000xi32, #tpu.memory_space<vmem>>) target_semaphore(%run_scoped3A : memref<!tpu.dma_semaphore, #tpu.memory_space<semaphore_mem>>)
      %dma_wait3A = tpu.memref_slice %arg3[%mul3A_2] : memref<160000xi32, #tpu.memory_space<hbm>> -> memref<5000xi32, #tpu.memory_space<hbm>>
      %dma_wait3A_66 = tpu.memref_slice %arg3[%mul3A_2] : memref<160000xi32, #tpu.memory_space<hbm>> -> memref<5000xi32, #tpu.memory_space<hbm>>
      tpu.wait_dma2 semaphore(%run_scoped3A : memref<!tpu.dma_semaphore, #tpu.memory_space<semaphore_mem>>) src(%dma_wait3A_66 : memref<5000xi32, #tpu.memory_space<hbm>>) dst(%arg8 : memref<5000xi32, #tpu.memory_space<vmem>>)
      tpu.yield
    }) : () -> ()
    "tpu.region"() ({
      %run_scoped3A = tpu.sem_alloc : memref<!tpu.dma_semaphore, #tpu.memory_space<semaphore_mem>>
      %dma_start3A = tpu.memref_slice %arg4[%mul3A_2] : memref<160000xf32, #tpu.memory_space<hbm>> -> memref<5000xf32, #tpu.memory_space<hbm>>
      %dma_start3A_65 = tpu.memref_slice %arg4[%mul3A_2] : memref<160000xf32, #tpu.memory_space<hbm>> -> memref<5000xf32, #tpu.memory_space<hbm>>
      tpu.enqueue_dma source(%dma_start3A_65 : memref<5000xf32, #tpu.memory_space<hbm>>) target(%arg9 : memref<5000xf32, #tpu.memory_space<vmem>>) target_semaphore(%run_scoped3A : memref<!tpu.dma_semaphore, #tpu.memory_space<semaphore_mem>>)
      %dma_wait3A = tpu.memref_slice %arg4[%mul3A_2] : memref<160000xf32, #tpu.memory_space<hbm>> -> memref<5000xf32, #tpu.memory_space<hbm>>
      %dma_wait3A_66 = tpu.memref_slice %arg4[%mul3A_2] : memref<160000xf32, #tpu.memory_space<hbm>> -> memref<5000xf32, #tpu.memory_space<hbm>>
      tpu.wait_dma2 semaphore(%run_scoped3A : memref<!tpu.dma_semaphore, #tpu.memory_space<semaphore_mem>>) src(%dma_wait3A_66 : memref<5000xf32, #tpu.memory_space<hbm>>) dst(%arg9 : memref<5000xf32, #tpu.memory_space<vmem>>)
      tpu.yield
    }) : () -> ()
    "tpu.region"() ({
      %run_scoped3A = tpu.sem_alloc : memref<!tpu.dma_semaphore, #tpu.memory_space<semaphore_mem>>
      %dma_start3A = tpu.memref_slice %arg5[%mul3A_2] : memref<160000xf32, #tpu.memory_space<hbm>> -> memref<5000xf32, #tpu.memory_space<hbm>>
      %dma_start3A_65 = tpu.memref_slice %arg5[%mul3A_2] : memref<160000xf32, #tpu.memory_space<hbm>> -> memref<5000xf32, #tpu.memory_space<hbm>>
      tpu.enqueue_dma source(%dma_start3A_65 : memref<5000xf32, #tpu.memory_space<hbm>>) target(%arg10 : memref<5000xf32, #tpu.memory_space<vmem>>) target_semaphore(%run_scoped3A : memref<!tpu.dma_semaphore, #tpu.memory_space<semaphore_mem>>)
      %dma_wait3A = tpu.memref_slice %arg5[%mul3A_2] : memref<160000xf32, #tpu.memory_space<hbm>> -> memref<5000xf32, #tpu.memory_space<hbm>>
      %dma_wait3A_66 = tpu.memref_slice %arg5[%mul3A_2] : memref<160000xf32, #tpu.memory_space<hbm>> -> memref<5000xf32, #tpu.memory_space<hbm>>
      tpu.wait_dma2 semaphore(%run_scoped3A : memref<!tpu.dma_semaphore, #tpu.memory_space<semaphore_mem>>) src(%dma_wait3A_66 : memref<5000xf32, #tpu.memory_space<hbm>>) dst(%arg10 : memref<5000xf32, #tpu.memory_space<vmem>>)
      tpu.yield
    }) : () -> ()
    %broadcast_in_dim3A = arith.constant 0.000000e+00 : f32
    %broadcast_in_dim3A_3 = vector.broadcast %broadcast_in_dim3A : f32 to vector<16xf32>
    %scan3A = arith.constant 0 : i32
    %scan3A_4 = arith.constant 625 : i32
    %scan3A_5 = arith.addi %scan3A, %scan3A_4 : i32
    %scan3A_6 = arith.constant 1 : i32
    scf.for %scan3A_65 = %scan3A to %scan3A_5 step %scan3A_6  : i32 {
      %mul3A_66 = arith.constant 1 : i32
      %mul3A_67 = arith.muli %scan3A_65, %mul3A_66 : i32
      %add3A_68 = arith.constant 0 : i32
      %add3A_69 = arith.addi %add3A_68, %mul3A_67 : i32
      %mul3A_70 = arith.constant 16 : i32
      %mul3A_71 = arith.muli %add3A_69, %mul3A_70 : i32
      %swap3A = arith.index_cast %mul3A_71 : i32 to index
      %swap3A_72 = tpu.vector_load %arg11[%swap3A] {strides = array<i32>} : memref<10000xf32, #tpu.memory_space<vmem>>, vector<16xf32>,
      tpu.vector_store %arg11[%swap3A], %broadcast_in_dim3A_3 {strides = array<i32>} : memref<10000xf32, #tpu.memory_space<vmem>>, vector<16xf32>,
    }
    %scan3A_7 = arith.constant 625 : i32
    %scan3A_8 = arith.constant 0 : i32
    %scan3A_9 = arith.constant 625 : i32
    %scan3A_10 = arith.addi %scan3A_8, %scan3A_9 : i32
    %scan3A_11 = arith.constant 1 : i32
    scf.for %scan3A_65 = %scan3A_8 to %scan3A_10 step %scan3A_11  : i32 {
      %mul3A_66 = arith.constant 1 : i32
      %mul3A_67 = arith.muli %scan3A_65, %mul3A_66 : i32
      %add3A_68 = arith.constant 0 : i32
      %add3A_69 = arith.addi %add3A_68, %mul3A_67 : i32
      %mul3A_70 = arith.constant 16 : i32
      %mul3A_71 = arith.muli %add3A_69, %mul3A_70 : i32
      %swap3A = arith.index_cast %mul3A_71 : i32 to index
      %swap3A_72 = tpu.vector_load %arg12[%swap3A] {strides = array<i32>} : memref<10000xf32, #tpu.memory_space<vmem>>, vector<16xf32>,
      tpu.vector_store %arg12[%swap3A], %broadcast_in_dim3A_3 {strides = array<i32>} : memref<10000xf32, #tpu.memory_space<vmem>>, vector<16xf32>,
    }
    %scan3A_12 = arith.constant 625 : i32
    %scan3A_13 = arith.constant 0 : i32
    %scan3A_14 = arith.constant 625 : i32
    %scan3A_15 = arith.addi %scan3A_13, %scan3A_14 : i32
    %scan3A_16 = arith.constant 1 : i32
    scf.for %scan3A_65 = %scan3A_13 to %scan3A_15 step %scan3A_16  : i32 {
      %mul3A_66 = arith.constant 1 : i32
      %mul3A_67 = arith.muli %scan3A_65, %mul3A_66 : i32
      %add3A_68 = arith.constant 0 : i32
      %add3A_69 = arith.addi %add3A_68, %mul3A_67 : i32
      %mul3A_70 = arith.constant 16 : i32
      %mul3A_71 = arith.muli %add3A_69, %mul3A_70 : i32
      %swap3A = arith.index_cast %mul3A_71 : i32 to index
      %swap3A_72 = tpu.vector_load %arg13[%swap3A] {strides = array<i32>} : memref<10000xf32, #tpu.memory_space<vmem>>, vector<16xf32>,
      tpu.vector_store %arg13[%swap3A], %broadcast_in_dim3A_3 {strides = array<i32>} : memref<10000xf32, #tpu.memory_space<vmem>>, vector<16xf32>,
    }
    %scan3A_17 = arith.constant 625 : i32
    %scan3A_18 = arith.constant 0 : i32
    %scan3A_19 = arith.constant 625 : i32
    %scan3A_20 = arith.addi %scan3A_18, %scan3A_19 : i32
    %scan3A_21 = arith.constant 1 : i32
    scf.for %scan3A_65 = %scan3A_18 to %scan3A_20 step %scan3A_21  : i32 {
      %mul3A_66 = arith.constant 1 : i32
      %mul3A_67 = arith.muli %scan3A_65, %mul3A_66 : i32
      %add3A_68 = arith.constant 0 : i32
      %add3A_69 = arith.addi %add3A_68, %mul3A_67 : i32
      %mul3A_70 = arith.constant 16 : i32
      %mul3A_71 = arith.muli %add3A_69, %mul3A_70 : i32
      %swap3A = arith.index_cast %mul3A_71 : i32 to index
      %swap3A_72 = tpu.vector_load %arg14[%swap3A] {strides = array<i32>} : memref<10000xf32, #tpu.memory_space<vmem>>, vector<16xf32>,
      tpu.vector_store %arg14[%swap3A], %broadcast_in_dim3A_3 {strides = array<i32>} : memref<10000xf32, #tpu.memory_space<vmem>>, vector<16xf32>,
    }
    %scan3A_22 = arith.constant 625 : i32
    %scan3A_23 = arith.constant 0 : i32
    %scan3A_24 = arith.constant 625 : i32
    %scan3A_25 = arith.addi %scan3A_23, %scan3A_24 : i32
    %scan3A_26 = arith.constant 1 : i32
    scf.for %scan3A_65 = %scan3A_23 to %scan3A_25 step %scan3A_26  : i32 {
      %mul3A_66 = arith.constant 1 : i32
      %mul3A_67 = arith.muli %scan3A_65, %mul3A_66 : i32
      %add3A_68 = arith.constant 0 : i32
      %add3A_69 = arith.addi %add3A_68, %mul3A_67 : i32
      %mul3A_70 = arith.constant 16 : i32
      %mul3A_71 = arith.muli %add3A_69, %mul3A_70 : i32
      %swap3A = arith.index_cast %mul3A_71 : i32 to index
      %swap3A_72 = tpu.vector_load %arg15[%swap3A] {strides = array<i32>} : memref<10000xf32, #tpu.memory_space<vmem>>, vector<16xf32>,
      tpu.vector_store %arg15[%swap3A], %broadcast_in_dim3A_3 {strides = array<i32>} : memref<10000xf32, #tpu.memory_space<vmem>>, vector<16xf32>,
    }
    %scan3A_27 = arith.constant 625 : i32
    %broadcast_in_dim3A_28 = arith.constant 1.000000e+00 : f32
    %broadcast_in_dim3A_29 = vector.broadcast %broadcast_in_dim3A_28 : f32 to vector<16xf32>
    %scan3A_30 = arith.constant 0 : i32
    %scan3A_31 = arith.constant 312 : i32
    %scan3A_32 = arith.addi %scan3A_30, %scan3A_31 : i32
    %scan3A_33 = arith.constant 1 : i32
    scf.for %scan3A_65 = %scan3A_30 to %scan3A_32 step %scan3A_33  : i32 {
      %mul3A_66 = arith.constant 1 : i32
      %mul3A_67 = arith.muli %scan3A_65, %mul3A_66 : i32
      %add3A_68 = arith.constant 0 : i32
      %add3A_69 = arith.addi %add3A_68, %mul3A_67 : i32
      %mul3A_70 = arith.constant 16 : i32
      %mul3A_71 = arith.muli %add3A_69, %mul3A_70 : i32
      %get3A = arith.index_cast %mul3A_71 : i32 to index
      %get3A_72 = tpu.vector_load %arg7[%get3A] {strides = array<i32>} : memref<5000xi32, #tpu.memory_space<vmem>>, vector<16xi32>,
      %get3A_73 = arith.index_cast %mul3A_71 : i32 to index
      %get3A_74 = tpu.vector_load %arg8[%get3A_73] {strides = array<i32>} : memref<5000xi32, #tpu.memory_space<vmem>>, vector<16xi32>,
      %get3A_75 = arith.index_cast %mul3A_71 : i32 to index
      %get3A_76 = tpu.vector_load %arg9[%get3A_75] {strides = array<i32>} : memref<5000xf32, #tpu.memory_space<vmem>>, vector<16xf32>,
      %get3A_77 = arith.index_cast %mul3A_71 : i32 to index
      %get3A_78 = tpu.vector_load %arg10[%get3A_77] {strides = array<i32>} : memref<5000xf32, #tpu.memory_space<vmem>>, vector<16xf32>,
      tpu.vector_store_idx %arg11[%get3A_74], %broadcast_in_dim3A_29 {add = true} : memref<10000xf32, #tpu.memory_space<vmem>>[vector<16xi32>], vector<16xf32>,
      tpu.vector_store_idx %arg12[%get3A_72], %broadcast_in_dim3A_29 {add = true} : memref<10000xf32, #tpu.memory_space<vmem>>[vector<16xi32>], vector<16xf32>,
      tpu.vector_store_idx %arg13[%get3A_72], %get3A_76 {add = true} : memref<10000xf32, #tpu.memory_space<vmem>>[vector<16xi32>], vector<16xf32>,
      tpu.vector_store_idx %arg14[%get3A_72], %get3A_78 {add = true} : memref<10000xf32, #tpu.memory_space<vmem>>[vector<16xi32>], vector<16xf32>,
      %mul3A_79 = arith.mulf %get3A_76, %get3A_78 : vector<16xf32>
      tpu.vector_store_idx %arg15[%get3A_72], %mul3A_79 {add = true} : memref<10000xf32, #tpu.memory_space<vmem>>[vector<16xi32>], vector<16xf32>,
    }
    %scan3A_34 = arith.constant 312 : i32
    %mul3A_35 = arith.constant 5 : i32
    %mul3A_36 = arith.muli %add3A, %mul3A_35 : i32
    %mul3A_37 = arith.constant 10000 : i32
    %mul3A_38 = arith.muli %mul3A_36, %mul3A_37 : i32
    %add3A_39 = arith.constant 0 : i32
    %add3A_40 = arith.addi %mul3A_38, %add3A_39 : i32
    "tpu.region"() ({
      %run_scoped3A = tpu.sem_alloc : memref<!tpu.dma_semaphore, #tpu.memory_space<semaphore_mem>>
      %dma_start3A = tpu.memref_slice %arg6[%add3A_40] : memref<1600000xf32, #tpu.memory_space<hbm>> -> memref<10000xf32, #tpu.memory_space<hbm>>
      %dma_start3A_65 = tpu.memref_slice %arg6[%add3A_40] : memref<1600000xf32, #tpu.memory_space<hbm>> -> memref<10000xf32, #tpu.memory_space<hbm>>
      tpu.enqueue_dma source(%arg11 : memref<10000xf32, #tpu.memory_space<vmem>>) target(%dma_start3A_65 : memref<10000xf32, #tpu.memory_space<hbm>>) target_semaphore(%run_scoped3A : memref<!tpu.dma_semaphore, #tpu.memory_space<semaphore_mem>>)
      %dma_wait3A = tpu.memref_slice %arg6[%add3A_40] : memref<1600000xf32, #tpu.memory_space<hbm>> -> memref<10000xf32, #tpu.memory_space<hbm>>
      %dma_wait3A_66 = tpu.memref_slice %arg6[%add3A_40] : memref<1600000xf32, #tpu.memory_space<hbm>> -> memref<10000xf32, #tpu.memory_space<hbm>>
      tpu.wait_dma2 semaphore(%run_scoped3A : memref<!tpu.dma_semaphore, #tpu.memory_space<semaphore_mem>>) src(%arg11 : memref<10000xf32, #tpu.memory_space<vmem>>) dst(%dma_wait3A_66 : memref<10000xf32, #tpu.memory_space<hbm>>)
      tpu.yield
    }) : () -> ()
    %mul3A_41 = arith.constant 5 : i32
    %mul3A_42 = arith.muli %add3A, %mul3A_41 : i32
    %mul3A_43 = arith.constant 10000 : i32
    %mul3A_44 = arith.muli %mul3A_42, %mul3A_43 : i32
    %add3A_45 = arith.constant 10000 : i32
    %add3A_46 = arith.addi %mul3A_44, %add3A_45 : i32
    "tpu.region"() ({
      %run_scoped3A = tpu.sem_alloc : memref<!tpu.dma_semaphore, #tpu.memory_space<semaphore_mem>>
      %dma_start3A = tpu.memref_slice %arg6[%add3A_46] : memref<1600000xf32, #tpu.memory_space<hbm>> -> memref<10000xf32, #tpu.memory_space<hbm>>
      %dma_start3A_65 = tpu.memref_slice %arg6[%add3A_46] : memref<1600000xf32, #tpu.memory_space<hbm>> -> memref<10000xf32, #tpu.memory_space<hbm>>
      tpu.enqueue_dma source(%arg12 : memref<10000xf32, #tpu.memory_space<vmem>>) target(%dma_start3A_65 : memref<10000xf32, #tpu.memory_space<hbm>>) target_semaphore(%run_scoped3A : memref<!tpu.dma_semaphore, #tpu.memory_space<semaphore_mem>>)
      %dma_wait3A = tpu.memref_slice %arg6[%add3A_46] : memref<1600000xf32, #tpu.memory_space<hbm>> -> memref<10000xf32, #tpu.memory_space<hbm>>
      %dma_wait3A_66 = tpu.memref_slice %arg6[%add3A_46] : memref<1600000xf32, #tpu.memory_space<hbm>> -> memref<10000xf32, #tpu.memory_space<hbm>>
      tpu.wait_dma2 semaphore(%run_scoped3A : memref<!tpu.dma_semaphore, #tpu.memory_space<semaphore_mem>>) src(%arg12 : memref<10000xf32, #tpu.memory_space<vmem>>) dst(%dma_wait3A_66 : memref<10000xf32, #tpu.memory_space<hbm>>)
      tpu.yield
    }) : () -> ()
    %mul3A_47 = arith.constant 5 : i32
    %mul3A_48 = arith.muli %add3A, %mul3A_47 : i32
    %mul3A_49 = arith.constant 10000 : i32
    %mul3A_50 = arith.muli %mul3A_48, %mul3A_49 : i32
    %add3A_51 = arith.constant 20000 : i32
    %add3A_52 = arith.addi %mul3A_50, %add3A_51 : i32
    "tpu.region"() ({
      %run_scoped3A = tpu.sem_alloc : memref<!tpu.dma_semaphore, #tpu.memory_space<semaphore_mem>>
      %dma_start3A = tpu.memref_slice %arg6[%add3A_52] : memref<1600000xf32, #tpu.memory_space<hbm>> -> memref<10000xf32, #tpu.memory_space<hbm>>
      %dma_start3A_65 = tpu.memref_slice %arg6[%add3A_52] : memref<1600000xf32, #tpu.memory_space<hbm>> -> memref<10000xf32, #tpu.memory_space<hbm>>
      tpu.enqueue_dma source(%arg13 : memref<10000xf32, #tpu.memory_space<vmem>>) target(%dma_start3A_65 : memref<10000xf32, #tpu.memory_space<hbm>>) target_semaphore(%run_scoped3A : memref<!tpu.dma_semaphore, #tpu.memory_space<semaphore_mem>>)
      %dma_wait3A = tpu.memref_slice %arg6[%add3A_52] : memref<1600000xf32, #tpu.memory_space<hbm>> -> memref<10000xf32, #tpu.memory_space<hbm>>
      %dma_wait3A_66 = tpu.memref_slice %arg6[%add3A_52] : memref<1600000xf32, #tpu.memory_space<hbm>> -> memref<10000xf32, #tpu.memory_space<hbm>>
      tpu.wait_dma2 semaphore(%run_scoped3A : memref<!tpu.dma_semaphore, #tpu.memory_space<semaphore_mem>>) src(%arg13 : memref<10000xf32, #tpu.memory_space<vmem>>) dst(%dma_wait3A_66 : memref<10000xf32, #tpu.memory_space<hbm>>)
      tpu.yield
    }) : () -> ()
    %mul3A_53 = arith.constant 5 : i32
    %mul3A_54 = arith.muli %add3A, %mul3A_53 : i32
    %mul3A_55 = arith.constant 10000 : i32
    %mul3A_56 = arith.muli %mul3A_54, %mul3A_55 : i32
    %add3A_57 = arith.constant 30000 : i32
    %add3A_58 = arith.addi %mul3A_56, %add3A_57 : i32
    "tpu.region"() ({
      %run_scoped3A = tpu.sem_alloc : memref<!tpu.dma_semaphore, #tpu.memory_space<semaphore_mem>>
      %dma_start3A = tpu.memref_slice %arg6[%add3A_58] : memref<1600000xf32, #tpu.memory_space<hbm>> -> memref<10000xf32, #tpu.memory_space<hbm>>
      %dma_start3A_65 = tpu.memref_slice %arg6[%add3A_58] : memref<1600000xf32, #tpu.memory_space<hbm>> -> memref<10000xf32, #tpu.memory_space<hbm>>
      tpu.enqueue_dma source(%arg14 : memref<10000xf32, #tpu.memory_space<vmem>>) target(%dma_start3A_65 : memref<10000xf32, #tpu.memory_space<hbm>>) target_semaphore(%run_scoped3A : memref<!tpu.dma_semaphore, #tpu.memory_space<semaphore_mem>>)
      %dma_wait3A = tpu.memref_slice %arg6[%add3A_58] : memref<1600000xf32, #tpu.memory_space<hbm>> -> memref<10000xf32, #tpu.memory_space<hbm>>
      %dma_wait3A_66 = tpu.memref_slice %arg6[%add3A_58] : memref<1600000xf32, #tpu.memory_space<hbm>> -> memref<10000xf32, #tpu.memory_space<hbm>>
      tpu.wait_dma2 semaphore(%run_scoped3A : memref<!tpu.dma_semaphore, #tpu.memory_space<semaphore_mem>>) src(%arg14 : memref<10000xf32, #tpu.memory_space<vmem>>) dst(%dma_wait3A_66 : memref<10000xf32, #tpu.memory_space<hbm>>)
      tpu.yield
    }) : () -> ()
    %mul3A_59 = arith.constant 5 : i32
    %mul3A_60 = arith.muli %add3A, %mul3A_59 : i32
    %mul3A_61 = arith.constant 10000 : i32
    %mul3A_62 = arith.muli %mul3A_60, %mul3A_61 : i32
    %add3A_63 = arith.constant 40000 : i32
    %add3A_64 = arith.addi %mul3A_62, %add3A_63 : i32
    "tpu.region"() ({
      %run_scoped3A = tpu.sem_alloc : memref<!tpu.dma_semaphore, #tpu.memory_space<semaphore_mem>>
      %dma_start3A = tpu.memref_slice %arg6[%add3A_64] : memref<1600000xf32, #tpu.memory_space<hbm>> -> memref<10000xf32, #tpu.memory_space<hbm>>
      %dma_start3A_65 = tpu.memref_slice %arg6[%add3A_64] : memref<1600000xf32, #tpu.memory_space<hbm>> -> memref<10000xf32, #tpu.memory_space<hbm>>
      tpu.enqueue_dma source(%arg15 : memref<10000xf32, #tpu.memory_space<vmem>>) target(%dma_start3A_65 : memref<10000xf32, #tpu.memory_space<hbm>>) target_semaphore(%run_scoped3A : memref<!tpu.dma_semaphore, #tpu.memory_space<semaphore_mem>>)
      %dma_wait3A = tpu.memref_slice %arg6[%add3A_64] : memref<1600000xf32, #tpu.memory_space<hbm>> -> memref<10000xf32, #tpu.memory_space<hbm>>
      %dma_wait3A_66 = tpu.memref_slice %arg6[%add3A_64] : memref<1600000xf32, #tpu.memory_space<hbm>> -> memref<10000xf32, #tpu.memory_space<hbm>>
      tpu.wait_dma2 semaphore(%run_scoped3A : memref<!tpu.dma_semaphore, #tpu.memory_space<semaphore_mem>>) src(%arg15 : memref<10000xf32, #tpu.memory_space<vmem>>) dst(%dma_wait3A_66 : memref<10000xf32, #tpu.memory_space<hbm>>)
      tpu.yield
    }) : () -> ()
    return
  }
}

#map = affine_map<(d0, d1) -> (0, 0)>
#map1 = affine_map<(d0, d1) -> (0, 0, 0)>
module attributes {stable_mosaic.version = 14 : i64} {
  func.func @_scatter_body(%arg0: i32, %arg1: i32, %arg2: memref<76800x256xf32, #tpu.memory_space<hbm>>, %arg3: memref<16x60x80xi32, #tpu.memory_space<hbm>>, %arg4: memref<10000x256xf32, #tpu.memory_space<hbm>>, %arg5: memref<10000x256xf32, #tpu.memory_space<hbm>>, %arg6: memref<60x80xi32, #tpu.memory_space<vmem>>, %arg7: memref<80x128xf32, #tpu.memory_space<vmem>>, %arg8: memref<80x128xf32, #tpu.memory_space<vmem>>, %arg9: memref<10000x128xf32, #tpu.memory_space<vmem_shared>>, %arg10: memref<!tpu.dma_semaphore, #tpu.memory_space<semaphore_mem>>, %arg11: memref<!tpu.dma_semaphore, #tpu.memory_space<semaphore_mem>>, %arg12: memref<!tpu.dma_semaphore, #tpu.memory_space<semaphore_mem>>, %arg13: memref<!tpu.dma_semaphore, #tpu.memory_space<semaphore_mem>>) attributes {dimension_semantics = [#tpu.dimension_semantics<core_parallel>, #tpu.dimension_semantics<subcore_parallel>], iteration_bounds = array<i64: 2, 16>, scalar_prefetch = 0 : i64, scratch_operands = 8 : i64, tpu.core_type = #tpu.core_type<sc_vector_subcore>, window_params = [{transform_indices = #map}, {transform_indices = #map1}, {transform_indices = #map}, {transform_indices = #map}]} {
    %mul3A = arith.constant 128 : i32
    %mul3A_0 = arith.muli %arg0, %mul3A : i32
    %mul3A_1 = arith.constant 624 : i32
    %mul3A_2 = arith.muli %arg1, %mul3A_1 : i32
    %mul3A_3 = arith.constant 624 : i32
    %mul3A_4 = arith.muli %arg1, %mul3A_3 : i32
    "tpu.region"() ({
      %run_scoped3A = tpu.sem_alloc : memref<!tpu.dma_semaphore, #tpu.memory_space<semaphore_mem>>
      %dma_start3A_38 = arith.constant 0 : i32
      %dma_start3A_39 = tpu.memref_slice %arg9[%mul3A_4, %dma_start3A_38] : memref<10000x128xf32, #tpu.memory_space<vmem_shared>> -> memref<624x128xf32, #tpu.memory_space<vmem_shared>>
      %dma_start3A_40 = tpu.memref_slice %arg4[%mul3A_2, %mul3A_0] : memref<10000x256xf32, #tpu.memory_space<hbm>> -> memref<624x128xf32, #tpu.memory_space<hbm>>
      tpu.enqueue_dma source(%dma_start3A_40 : memref<624x128xf32, #tpu.memory_space<hbm>>) target(%dma_start3A_39 : memref<624x128xf32, #tpu.memory_space<vmem_shared>>) target_semaphore(%run_scoped3A : memref<!tpu.dma_semaphore, #tpu.memory_space<semaphore_mem>>)
      %dma_wait3A_41 = arith.constant 0 : i32
      %dma_wait3A_42 = tpu.memref_slice %arg9[%mul3A_4, %dma_wait3A_41] : memref<10000x128xf32, #tpu.memory_space<vmem_shared>> -> memref<624x128xf32, #tpu.memory_space<vmem_shared>>
      %dma_wait3A_43 = tpu.memref_slice %arg4[%mul3A_2, %mul3A_0] : memref<10000x256xf32, #tpu.memory_space<hbm>> -> memref<624x128xf32, #tpu.memory_space<hbm>>
      tpu.wait_dma2 semaphore(%run_scoped3A : memref<!tpu.dma_semaphore, #tpu.memory_space<semaphore_mem>>) src(%dma_wait3A_43 : memref<624x128xf32, #tpu.memory_space<hbm>>) dst(%dma_wait3A_42 : memref<624x128xf32, #tpu.memory_space<vmem_shared>>)
      tpu.yield
    }) : () -> ()
    %eq3A = arith.constant 15 : i32
    %eq3A_5 = arith.cmpi eq, %arg1, %eq3A : i32
    %convert_element_type3A = arith.extui %eq3A_5 : i1 to i32
    %cond3A = arith.constant 0 : i32
    %cond3A_6 = arith.cmpi ne, %convert_element_type3A, %cond3A : i32
    scf.if %cond3A_6 {
      "tpu.region"() ({
        %run_scoped3A = tpu.sem_alloc : memref<!tpu.dma_semaphore, #tpu.memory_space<semaphore_mem>>
        %dma_start3A_38 = arith.constant 9984 : i32
        %dma_start3A_39 = arith.constant 0 : i32
        %dma_start3A_40 = tpu.memref_slice %arg9[%dma_start3A_38, %dma_start3A_39] : memref<10000x128xf32, #tpu.memory_space<vmem_shared>> -> memref<16x128xf32, #tpu.memory_space<vmem_shared>>
        %dma_start3A_41 = arith.constant 9984 : i32
        %dma_start3A_42 = tpu.memref_slice %arg4[%dma_start3A_41, %mul3A_0] : memref<10000x256xf32, #tpu.memory_space<hbm>> -> memref<16x128xf32, #tpu.memory_space<hbm>>
        tpu.enqueue_dma source(%dma_start3A_42 : memref<16x128xf32, #tpu.memory_space<hbm>>) target(%dma_start3A_40 : memref<16x128xf32, #tpu.memory_space<vmem_shared>>) target_semaphore(%run_scoped3A : memref<!tpu.dma_semaphore, #tpu.memory_space<semaphore_mem>>)
        %dma_wait3A_43 = arith.constant 9984 : i32
        %dma_wait3A_44 = arith.constant 0 : i32
        %dma_wait3A_45 = tpu.memref_slice %arg9[%dma_wait3A_43, %dma_wait3A_44] : memref<10000x128xf32, #tpu.memory_space<vmem_shared>> -> memref<16x128xf32, #tpu.memory_space<vmem_shared>>
        %dma_wait3A_46 = arith.constant 9984 : i32
        %dma_wait3A_47 = tpu.memref_slice %arg4[%dma_wait3A_46, %mul3A_0] : memref<10000x256xf32, #tpu.memory_space<hbm>> -> memref<16x128xf32, #tpu.memory_space<hbm>>
        tpu.wait_dma2 semaphore(%run_scoped3A : memref<!tpu.dma_semaphore, #tpu.memory_space<semaphore_mem>>) src(%dma_wait3A_47 : memref<16x128xf32, #tpu.memory_space<hbm>>) dst(%dma_wait3A_45 : memref<16x128xf32, #tpu.memory_space<vmem_shared>>)
        tpu.yield
      }) : () -> ()
    } else {
    }
    %barrier3A = arith.constant 0 : index
    tpu.barrier barrier_id(%barrier3A)
    "tpu.region"() ({
      %run_scoped3A = tpu.sem_alloc : memref<!tpu.dma_semaphore, #tpu.memory_space<semaphore_mem>>
      %dma_start3A_38 = arith.constant 0 : i32
      %dma_start3A_39 = arith.constant 0 : i32
      %dma_start3A_40 = tpu.memref_slice %arg3[%arg1, %dma_start3A_38, %dma_start3A_39] : memref<16x60x80xi32, #tpu.memory_space<hbm>> -> memref<1x60x80xi32, #tpu.memory_space<hbm>>
      %dma_start3A_41 = tpu.memref_squeeze %dma_start3A_40 : memref<1x60x80xi32, #tpu.memory_space<hbm>> -> memref<60x80xi32, #tpu.memory_space<hbm>>
      %dma_start3A_42 = arith.constant 0 : i32
      %dma_start3A_43 = arith.constant 0 : i32
      %dma_start3A_44 = tpu.memref_slice %arg3[%arg1, %dma_start3A_42, %dma_start3A_43] : memref<16x60x80xi32, #tpu.memory_space<hbm>> -> memref<1x60x80xi32, #tpu.memory_space<hbm>>
      %dma_start3A_45 = tpu.memref_squeeze %dma_start3A_44 : memref<1x60x80xi32, #tpu.memory_space<hbm>> -> memref<60x80xi32, #tpu.memory_space<hbm>>
      tpu.enqueue_dma source(%dma_start3A_45 : memref<60x80xi32, #tpu.memory_space<hbm>>) target(%arg6 : memref<60x80xi32, #tpu.memory_space<vmem>>) target_semaphore(%run_scoped3A : memref<!tpu.dma_semaphore, #tpu.memory_space<semaphore_mem>>)
      %dma_wait3A_46 = arith.constant 0 : i32
      %dma_wait3A_47 = arith.constant 0 : i32
      %dma_wait3A_48 = tpu.memref_slice %arg3[%arg1, %dma_wait3A_46, %dma_wait3A_47] : memref<16x60x80xi32, #tpu.memory_space<hbm>> -> memref<1x60x80xi32, #tpu.memory_space<hbm>>
      %dma_wait3A_49 = tpu.memref_squeeze %dma_wait3A_48 : memref<1x60x80xi32, #tpu.memory_space<hbm>> -> memref<60x80xi32, #tpu.memory_space<hbm>>
      %dma_wait3A_50 = arith.constant 0 : i32
      %dma_wait3A_51 = arith.constant 0 : i32
      %dma_wait3A_52 = tpu.memref_slice %arg3[%arg1, %dma_wait3A_50, %dma_wait3A_51] : memref<16x60x80xi32, #tpu.memory_space<hbm>> -> memref<1x60x80xi32, #tpu.memory_space<hbm>>
      %dma_wait3A_53 = tpu.memref_squeeze %dma_wait3A_52 : memref<1x60x80xi32, #tpu.memory_space<hbm>> -> memref<60x80xi32, #tpu.memory_space<hbm>>
      tpu.wait_dma2 semaphore(%run_scoped3A : memref<!tpu.dma_semaphore, #tpu.memory_space<semaphore_mem>>) src(%dma_wait3A_53 : memref<60x80xi32, #tpu.memory_space<hbm>>) dst(%arg6 : memref<60x80xi32, #tpu.memory_space<vmem>>)
      tpu.yield
    }) : () -> ()
    %mul3A_7 = arith.constant 4800 : i32
    %mul3A_8 = arith.muli %arg1, %mul3A_7 : i32
    %add3A = arith.constant 0 : i32
    %add3A_9 = arith.addi %mul3A_8, %add3A : i32
    %dma_start3A = tpu.memref_slice %arg2[%add3A_9, %mul3A_0] : memref<76800x256xf32, #tpu.memory_space<hbm>> -> memref<80x128xf32, #tpu.memory_space<hbm>>
    %dma_start3A_10 = tpu.memref_slice %arg2[%add3A_9, %mul3A_0] : memref<76800x256xf32, #tpu.memory_space<hbm>> -> memref<80x128xf32, #tpu.memory_space<hbm>>
    tpu.enqueue_dma source(%dma_start3A_10 : memref<80x128xf32, #tpu.memory_space<hbm>>) target(%arg7 : memref<80x128xf32, #tpu.memory_space<vmem>>) target_semaphore(%arg10 : memref<!tpu.dma_semaphore, #tpu.memory_space<semaphore_mem>>)
    %scan3A = arith.constant 0 : i32
    %scan3A_11 = arith.constant 30 : i32
    %scan3A_12 = arith.addi %scan3A, %scan3A_11 : i32
    %scan3A_13 = arith.constant 1 : i32
    scf.for %scan3A_38 = %scan3A to %scan3A_12 step %scan3A_13  : i32 {
      %mul3A_39 = arith.constant 1 : i32
      %mul3A_40 = arith.muli %scan3A_38, %mul3A_39 : i32
      %add3A_41 = arith.constant 0 : i32
      %add3A_42 = arith.addi %add3A_41, %mul3A_40 : i32
      %mul3A_43 = arith.constant 2 : i32
      %mul3A_44 = arith.muli %mul3A_43, %add3A_42 : i32
      %add3A_45 = arith.constant 1 : i32
      %add3A_46 = arith.addi %mul3A_44, %add3A_45 : i32
      %lt3A = arith.constant 60 : i32
      %lt3A_47 = arith.cmpi slt, %add3A_46, %lt3A : i32
      %convert_element_type3A_48 = arith.extui %lt3A_47 : i1 to i32
      %cond3A_49 = arith.constant 0 : i32
      %cond3A_50 = arith.cmpi ne, %convert_element_type3A_48, %cond3A_49 : i32
      scf.if %cond3A_50 {
        %ge3A = arith.constant 1 : i32
        %ge3A_84 = arith.cmpi sge, %mul3A_44, %ge3A : i32
        %convert_element_type3A_85 = arith.extui %ge3A_84 : i1 to i32
        %cond3A_86 = arith.constant 0 : i32
        %cond3A_87 = arith.cmpi ne, %convert_element_type3A_85, %cond3A_86 : i32
        scf.if %cond3A_87 {
          %sub3A = arith.constant 1 : i32
          %sub3A_95 = arith.subi %mul3A_44, %sub3A : i32
          %dma_wait3A_96 = arith.constant 0 : i32
          %dma_wait3A_97 = tpu.memref_slice %arg6[%sub3A_95, %dma_wait3A_96] : memref<60x80xi32, #tpu.memory_space<vmem>> -> memref<1x80xi32, #tpu.memory_space<vmem>>
          %dma_wait3A_98 = tpu.memref_squeeze %dma_wait3A_97 : memref<1x80xi32, #tpu.memory_space<vmem>> -> memref<80xi32, #tpu.memory_space<vmem>>
          %dma_wait3A_99 = arith.constant 0 : i32
          %dma_wait3A_100 = arith.constant 0 : i32
          %dma_wait3A_101 = tpu.memref_slice %arg9[%dma_wait3A_99, %dma_wait3A_100] : memref<10000x128xf32, #tpu.memory_space<vmem_shared>> -> memref<10000x128xf32, #tpu.memory_space<vmem_shared>>
          tpu.wait_indirect_dma semaphore(%arg13 : memref<!tpu.dma_semaphore, #tpu.memory_space<semaphore_mem>>) src(%arg8 : memref<80x128xf32, #tpu.memory_space<vmem>>) dst(%dma_wait3A_101 : memref<10000x128xf32, #tpu.memory_space<vmem_shared>>)
        } else {
        }
        %add3A_88 = arith.constant 1 : i32
        %add3A_89 = arith.addi %mul3A_44, %add3A_88 : i32
        %mul3A_90 = arith.constant 80 : i32
        %mul3A_91 = arith.muli %add3A_89, %mul3A_90 : i32
        %add3A_92 = arith.addi %mul3A_8, %mul3A_91 : i32
        %dma_start3A_93 = tpu.memref_slice %arg2[%add3A_92, %mul3A_0] : memref<76800x256xf32, #tpu.memory_space<hbm>> -> memref<80x128xf32, #tpu.memory_space<hbm>>
        %dma_start3A_94 = tpu.memref_slice %arg2[%add3A_92, %mul3A_0] : memref<76800x256xf32, #tpu.memory_space<hbm>> -> memref<80x128xf32, #tpu.memory_space<hbm>>
        tpu.enqueue_dma source(%dma_start3A_94 : memref<80x128xf32, #tpu.memory_space<hbm>>) target(%arg8 : memref<80x128xf32, #tpu.memory_space<vmem>>) target_semaphore(%arg11 : memref<!tpu.dma_semaphore, #tpu.memory_space<semaphore_mem>>)
      } else {
      }
      %mul3A_51 = arith.constant 80 : i32
      %mul3A_52 = arith.muli %mul3A_44, %mul3A_51 : i32
      %add3A_53 = arith.addi %mul3A_8, %mul3A_52 : i32
      %dma_wait3A_54 = tpu.memref_slice %arg2[%add3A_53, %mul3A_0] : memref<76800x256xf32, #tpu.memory_space<hbm>> -> memref<80x128xf32, #tpu.memory_space<hbm>>
      %dma_wait3A_55 = tpu.memref_slice %arg2[%add3A_53, %mul3A_0] : memref<76800x256xf32, #tpu.memory_space<hbm>> -> memref<80x128xf32, #tpu.memory_space<hbm>>
      tpu.wait_dma2 semaphore(%arg10 : memref<!tpu.dma_semaphore, #tpu.memory_space<semaphore_mem>>) src(%dma_wait3A_55 : memref<80x128xf32, #tpu.memory_space<hbm>>) dst(%arg7 : memref<80x128xf32, #tpu.memory_space<vmem>>)
      %dma_start3A_56 = arith.constant 0 : i32
      %dma_start3A_57 = tpu.memref_slice %arg6[%mul3A_44, %dma_start3A_56] : memref<60x80xi32, #tpu.memory_space<vmem>> -> memref<1x80xi32, #tpu.memory_space<vmem>>
      %dma_start3A_58 = tpu.memref_squeeze %dma_start3A_57 : memref<1x80xi32, #tpu.memory_space<vmem>> -> memref<80xi32, #tpu.memory_space<vmem>>
      %dma_start3A_59 = arith.constant 0 : i32
      %dma_start3A_60 = arith.constant 0 : i32
      %dma_start3A_61 = tpu.memref_slice %arg9[%dma_start3A_59, %dma_start3A_60] : memref<10000x128xf32, #tpu.memory_space<vmem_shared>> -> memref<10000x128xf32, #tpu.memory_space<vmem_shared>>
      tpu.enqueue_indirect_dma source(%arg7 : memref<80x128xf32, #tpu.memory_space<vmem>>) target(%dma_start3A_61 : memref<10000x128xf32, #tpu.memory_space<vmem_shared>>) offsets(%dma_start3A_58 : memref<80xi32, #tpu.memory_space<vmem>>) semaphore(%arg12 : memref<!tpu.dma_semaphore, #tpu.memory_space<semaphore_mem>>) {add = true}
      %mul3A_62 = arith.constant 2 : i32
      %mul3A_63 = arith.muli %mul3A_62, %add3A_42 : i32
      %add3A_64 = arith.constant 1 : i32
      %add3A_65 = arith.addi %mul3A_63, %add3A_64 : i32
      %add3A_66 = arith.constant 1 : i32
      %add3A_67 = arith.addi %add3A_65, %add3A_66 : i32
      %lt3A_68 = arith.constant 60 : i32
      %lt3A_69 = arith.cmpi slt, %add3A_67, %lt3A_68 : i32
      %convert_element_type3A_70 = arith.extui %lt3A_69 : i1 to i32
      %cond3A_71 = arith.constant 0 : i32
      %cond3A_72 = arith.cmpi ne, %convert_element_type3A_70, %cond3A_71 : i32
      scf.if %cond3A_72 {
        %ge3A = arith.constant 1 : i32
        %ge3A_84 = arith.cmpi sge, %add3A_65, %ge3A : i32
        %convert_element_type3A_85 = arith.extui %ge3A_84 : i1 to i32
        %cond3A_86 = arith.constant 0 : i32
        %cond3A_87 = arith.cmpi ne, %convert_element_type3A_85, %cond3A_86 : i32
        scf.if %cond3A_87 {
          %sub3A = arith.constant 1 : i32
          %sub3A_95 = arith.subi %add3A_65, %sub3A : i32
          %dma_wait3A_96 = arith.constant 0 : i32
          %dma_wait3A_97 = tpu.memref_slice %arg6[%sub3A_95, %dma_wait3A_96] : memref<60x80xi32, #tpu.memory_space<vmem>> -> memref<1x80xi32, #tpu.memory_space<vmem>>
          %dma_wait3A_98 = tpu.memref_squeeze %dma_wait3A_97 : memref<1x80xi32, #tpu.memory_space<vmem>> -> memref<80xi32, #tpu.memory_space<vmem>>
          %dma_wait3A_99 = arith.constant 0 : i32
          %dma_wait3A_100 = arith.constant 0 : i32
          %dma_wait3A_101 = tpu.memref_slice %arg9[%dma_wait3A_99, %dma_wait3A_100] : memref<10000x128xf32, #tpu.memory_space<vmem_shared>> -> memref<10000x128xf32, #tpu.memory_space<vmem_shared>>
          tpu.wait_indirect_dma semaphore(%arg12 : memref<!tpu.dma_semaphore, #tpu.memory_space<semaphore_mem>>) src(%arg7 : memref<80x128xf32, #tpu.memory_space<vmem>>) dst(%dma_wait3A_101 : memref<10000x128xf32, #tpu.memory_space<vmem_shared>>)
        } else {
        }
        %add3A_88 = arith.constant 1 : i32
        %add3A_89 = arith.addi %add3A_65, %add3A_88 : i32
        %mul3A_90 = arith.constant 80 : i32
        %mul3A_91 = arith.muli %add3A_89, %mul3A_90 : i32
        %add3A_92 = arith.addi %mul3A_8, %mul3A_91 : i32
        %dma_start3A_93 = tpu.memref_slice %arg2[%add3A_92, %mul3A_0] : memref<76800x256xf32, #tpu.memory_space<hbm>> -> memref<80x128xf32, #tpu.memory_space<hbm>>
        %dma_start3A_94 = tpu.memref_slice %arg2[%add3A_92, %mul3A_0] : memref<76800x256xf32, #tpu.memory_space<hbm>> -> memref<80x128xf32, #tpu.memory_space<hbm>>
        tpu.enqueue_dma source(%dma_start3A_94 : memref<80x128xf32, #tpu.memory_space<hbm>>) target(%arg7 : memref<80x128xf32, #tpu.memory_space<vmem>>) target_semaphore(%arg10 : memref<!tpu.dma_semaphore, #tpu.memory_space<semaphore_mem>>)
      } else {
      }
      %mul3A_73 = arith.constant 80 : i32
      %mul3A_74 = arith.muli %add3A_65, %mul3A_73 : i32
      %add3A_75 = arith.addi %mul3A_8, %mul3A_74 : i32
      %dma_wait3A_76 = tpu.memref_slice %arg2[%add3A_75, %mul3A_0] : memref<76800x256xf32, #tpu.memory_space<hbm>> -> memref<80x128xf32, #tpu.memory_space<hbm>>
      %dma_wait3A_77 = tpu.memref_slice %arg2[%add3A_75, %mul3A_0] : memref<76800x256xf32, #tpu.memory_space<hbm>> -> memref<80x128xf32, #tpu.memory_space<hbm>>
      tpu.wait_dma2 semaphore(%arg11 : memref<!tpu.dma_semaphore, #tpu.memory_space<semaphore_mem>>) src(%dma_wait3A_77 : memref<80x128xf32, #tpu.memory_space<hbm>>) dst(%arg8 : memref<80x128xf32, #tpu.memory_space<vmem>>)
      %dma_start3A_78 = arith.constant 0 : i32
      %dma_start3A_79 = tpu.memref_slice %arg6[%add3A_65, %dma_start3A_78] : memref<60x80xi32, #tpu.memory_space<vmem>> -> memref<1x80xi32, #tpu.memory_space<vmem>>
      %dma_start3A_80 = tpu.memref_squeeze %dma_start3A_79 : memref<1x80xi32, #tpu.memory_space<vmem>> -> memref<80xi32, #tpu.memory_space<vmem>>
      %dma_start3A_81 = arith.constant 0 : i32
      %dma_start3A_82 = arith.constant 0 : i32
      %dma_start3A_83 = tpu.memref_slice %arg9[%dma_start3A_81, %dma_start3A_82] : memref<10000x128xf32, #tpu.memory_space<vmem_shared>> -> memref<10000x128xf32, #tpu.memory_space<vmem_shared>>
      tpu.enqueue_indirect_dma source(%arg8 : memref<80x128xf32, #tpu.memory_space<vmem>>) target(%dma_start3A_83 : memref<10000x128xf32, #tpu.memory_space<vmem_shared>>) offsets(%dma_start3A_80 : memref<80xi32, #tpu.memory_space<vmem>>) semaphore(%arg13 : memref<!tpu.dma_semaphore, #tpu.memory_space<semaphore_mem>>) {add = true}
    }
    %scan3A_14 = arith.constant 30 : i32
    %dma_wait3A = arith.constant 58 : i32
    %dma_wait3A_15 = arith.constant 0 : i32
    %dma_wait3A_16 = tpu.memref_slice %arg6[%dma_wait3A, %dma_wait3A_15] : memref<60x80xi32, #tpu.memory_space<vmem>> -> memref<1x80xi32, #tpu.memory_space<vmem>>
    %dma_wait3A_17 = tpu.memref_squeeze %dma_wait3A_16 : memref<1x80xi32, #tpu.memory_space<vmem>> -> memref<80xi32, #tpu.memory_space<vmem>>
    %dma_wait3A_18 = arith.constant 0 : i32
    %dma_wait3A_19 = arith.constant 0 : i32
    %dma_wait3A_20 = tpu.memref_slice %arg9[%dma_wait3A_18, %dma_wait3A_19] : memref<10000x128xf32, #tpu.memory_space<vmem_shared>> -> memref<10000x128xf32, #tpu.memory_space<vmem_shared>>
    tpu.wait_indirect_dma semaphore(%arg12 : memref<!tpu.dma_semaphore, #tpu.memory_space<semaphore_mem>>) src(%arg7 : memref<80x128xf32, #tpu.memory_space<vmem>>) dst(%dma_wait3A_20 : memref<10000x128xf32, #tpu.memory_space<vmem_shared>>)
    %dma_wait3A_21 = arith.constant 59 : i32
    %dma_wait3A_22 = arith.constant 0 : i32
    %dma_wait3A_23 = tpu.memref_slice %arg6[%dma_wait3A_21, %dma_wait3A_22] : memref<60x80xi32, #tpu.memory_space<vmem>> -> memref<1x80xi32, #tpu.memory_space<vmem>>
    %dma_wait3A_24 = tpu.memref_squeeze %dma_wait3A_23 : memref<1x80xi32, #tpu.memory_space<vmem>> -> memref<80xi32, #tpu.memory_space<vmem>>
    %dma_wait3A_25 = arith.constant 0 : i32
    %dma_wait3A_26 = arith.constant 0 : i32
    %dma_wait3A_27 = tpu.memref_slice %arg9[%dma_wait3A_25, %dma_wait3A_26] : memref<10000x128xf32, #tpu.memory_space<vmem_shared>> -> memref<10000x128xf32, #tpu.memory_space<vmem_shared>>
    tpu.wait_indirect_dma semaphore(%arg13 : memref<!tpu.dma_semaphore, #tpu.memory_space<semaphore_mem>>) src(%arg8 : memref<80x128xf32, #tpu.memory_space<vmem>>) dst(%dma_wait3A_27 : memref<10000x128xf32, #tpu.memory_space<vmem_shared>>)
    %barrier3A_28 = arith.constant 0 : index
    tpu.barrier barrier_id(%barrier3A_28)
    %mul3A_29 = arith.constant 624 : i32
    %mul3A_30 = arith.muli %arg1, %mul3A_29 : i32
    %mul3A_31 = arith.constant 624 : i32
    %mul3A_32 = arith.muli %arg1, %mul3A_31 : i32
    "tpu.region"() ({
      %run_scoped3A = tpu.sem_alloc : memref<!tpu.dma_semaphore, #tpu.memory_space<semaphore_mem>>
      %dma_start3A_38 = tpu.memref_slice %arg5[%mul3A_32, %mul3A_0] : memref<10000x256xf32, #tpu.memory_space<hbm>> -> memref<624x128xf32, #tpu.memory_space<hbm>>
      %dma_start3A_39 = arith.constant 0 : i32
      %dma_start3A_40 = tpu.memref_slice %arg9[%mul3A_30, %dma_start3A_39] : memref<10000x128xf32, #tpu.memory_space<vmem_shared>> -> memref<624x128xf32, #tpu.memory_space<vmem_shared>>
      tpu.enqueue_dma source(%dma_start3A_40 : memref<624x128xf32, #tpu.memory_space<vmem_shared>>) target(%dma_start3A_38 : memref<624x128xf32, #tpu.memory_space<hbm>>) target_semaphore(%run_scoped3A : memref<!tpu.dma_semaphore, #tpu.memory_space<semaphore_mem>>)
      %dma_wait3A_41 = tpu.memref_slice %arg5[%mul3A_32, %mul3A_0] : memref<10000x256xf32, #tpu.memory_space<hbm>> -> memref<624x128xf32, #tpu.memory_space<hbm>>
      %dma_wait3A_42 = arith.constant 0 : i32
      %dma_wait3A_43 = tpu.memref_slice %arg9[%mul3A_30, %dma_wait3A_42] : memref<10000x128xf32, #tpu.memory_space<vmem_shared>> -> memref<624x128xf32, #tpu.memory_space<vmem_shared>>
      tpu.wait_dma2 semaphore(%run_scoped3A : memref<!tpu.dma_semaphore, #tpu.memory_space<semaphore_mem>>) src(%dma_wait3A_43 : memref<624x128xf32, #tpu.memory_space<vmem_shared>>) dst(%dma_wait3A_41 : memref<624x128xf32, #tpu.memory_space<hbm>>)
      tpu.yield
    }) : () -> ()
    %eq3A_33 = arith.constant 15 : i32
    %eq3A_34 = arith.cmpi eq, %arg1, %eq3A_33 : i32
    %convert_element_type3A_35 = arith.extui %eq3A_34 : i1 to i32
    %cond3A_36 = arith.constant 0 : i32
    %cond3A_37 = arith.cmpi ne, %convert_element_type3A_35, %cond3A_36 : i32
    scf.if %cond3A_37 {
      "tpu.region"() ({
        %run_scoped3A = tpu.sem_alloc : memref<!tpu.dma_semaphore, #tpu.memory_space<semaphore_mem>>
        %dma_start3A_38 = arith.constant 9984 : i32
        %dma_start3A_39 = tpu.memref_slice %arg5[%dma_start3A_38, %mul3A_0] : memref<10000x256xf32, #tpu.memory_space<hbm>> -> memref<16x128xf32, #tpu.memory_space<hbm>>
        %dma_start3A_40 = arith.constant 9984 : i32
        %dma_start3A_41 = arith.constant 0 : i32
        %dma_start3A_42 = tpu.memref_slice %arg9[%dma_start3A_40, %dma_start3A_41] : memref<10000x128xf32, #tpu.memory_space<vmem_shared>> -> memref<16x128xf32, #tpu.memory_space<vmem_shared>>
        tpu.enqueue_dma source(%dma_start3A_42 : memref<16x128xf32, #tpu.memory_space<vmem_shared>>) target(%dma_start3A_39 : memref<16x128xf32, #tpu.memory_space<hbm>>) target_semaphore(%run_scoped3A : memref<!tpu.dma_semaphore, #tpu.memory_space<semaphore_mem>>)
        %dma_wait3A_43 = arith.constant 9984 : i32
        %dma_wait3A_44 = tpu.memref_slice %arg5[%dma_wait3A_43, %mul3A_0] : memref<10000x256xf32, #tpu.memory_space<hbm>> -> memref<16x128xf32, #tpu.memory_space<hbm>>
        %dma_wait3A_45 = arith.constant 9984 : i32
        %dma_wait3A_46 = arith.constant 0 : i32
        %dma_wait3A_47 = tpu.memref_slice %arg9[%dma_wait3A_45, %dma_wait3A_46] : memref<10000x128xf32, #tpu.memory_space<vmem_shared>> -> memref<16x128xf32, #tpu.memory_space<vmem_shared>>
        tpu.wait_dma2 semaphore(%run_scoped3A : memref<!tpu.dma_semaphore, #tpu.memory_space<semaphore_mem>>) src(%dma_wait3A_47 : memref<16x128xf32, #tpu.memory_space<vmem_shared>>) dst(%dma_wait3A_44 : memref<16x128xf32, #tpu.memory_space<hbm>>)
        tpu.yield
      }) : () -> ()
    } else {
    }
    return
  }
}

module attributes {stable_mosaic.version = 14 : i64} {
  func.func @_edge_body(%arg0: i32, %arg1: memref<3200x16xf32, #tpu.memory_space<vmem>>, %arg2: memref<3200x256xf32, #tpu.memory_space<vmem>>, %arg3: memref<3200x256xf32, #tpu.memory_space<vmem>>, %arg4: memref<16x256xf32, #tpu.memory_space<vmem>>, %arg5: memref<1x256xf32, #tpu.memory_space<vmem>>, %arg6: memref<256x256xf32, #tpu.memory_space<vmem>>, %arg7: memref<1x256xf32, #tpu.memory_space<vmem>>, %arg8: memref<256x2xf32, #tpu.memory_space<vmem>>, %arg9: memref<1x2xf32, #tpu.memory_space<vmem>>, %arg10: memref<3200x256xf32, #tpu.memory_space<vmem>>, %arg11: memref<1x1x3200xf32, #tpu.memory_space<vmem>>, %arg12: memref<1x1x3200xf32, #tpu.memory_space<vmem>>) attributes {dimension_semantics = [#tpu.dimension_semantics<arbitrary>], iteration_bounds = array<i64: 26>, scalar_prefetch = 0 : i64, scratch_operands = 0 : i64, tpu.core_type = #tpu.core_type<tc>, window_params = [{transform_indices = @transform_0, window_bounds = array<i64: 3200, 16>}, {transform_indices = @transform_1, window_bounds = array<i64: 3200, 256>}, {transform_indices = @transform_2, window_bounds = array<i64: 3200, 256>}, {pipeline_mode = #tpu.pipeline_mode<synchronous>, transform_indices = @transform_3, window_bounds = array<i64: 16, 256>}, {pipeline_mode = #tpu.pipeline_mode<synchronous>, transform_indices = @transform_4, window_bounds = array<i64: 1, 256>}, {pipeline_mode = #tpu.pipeline_mode<synchronous>, transform_indices = @transform_5, window_bounds = array<i64: 256, 256>}, {pipeline_mode = #tpu.pipeline_mode<synchronous>, transform_indices = @transform_6, window_bounds = array<i64: 1, 256>}, {pipeline_mode = #tpu.pipeline_mode<synchronous>, transform_indices = @transform_7, window_bounds = array<i64: 256, 2>}, {pipeline_mode = #tpu.pipeline_mode<synchronous>, transform_indices = @transform_8, window_bounds = array<i64: 1, 2>}, {transform_indices = @transform_9, window_bounds = array<i64: 3200, 256>}, {transform_indices = @transform_10, window_bounds = array<i64: 1, 1, 3200>}, {transform_indices = @transform_11, window_bounds = array<i64: 1, 1, 3200>}]} {
    %get3A = arith.constant 0 : index
    %get3A_0 = arith.constant 0 : index
    %get3A_1 = vector.load %arg1[%get3A, %get3A_0] : memref<3200x16xf32, #tpu.memory_space<vmem>>, vector<3200x16xf32>
    %get3A_2 = arith.constant 0 : index
    %get3A_3 = arith.constant 0 : index
    %get3A_4 = vector.load %arg4[%get3A_2, %get3A_3] : memref<16x256xf32, #tpu.memory_space<vmem>>, vector<16x256xf32>
    %dot_general3A = arith.constant dense<0.000000e+00> : vector<3200x256xf32>
    %dot_general3A_5 = tpu.matmul %get3A_1, %get3A_4, %dot_general3A {dimension_numbers = #tpu.dot_dimension_numbers<[1], [0], [0], [1], [0, 0, 1, 1], [], []>, transpose_lhs_hint = false} : vector<3200x16xf32>, vector<16x256xf32>, vector<3200x256xf32> -> vector<3200x256xf32>
    %get3A_6 = arith.constant 0 : index
    %get3A_7 = arith.constant 0 : index
    %get3A_8 = vector.load %arg5[%get3A_6, %get3A_7] : memref<1x256xf32, #tpu.memory_space<vmem>>, vector<1x256xf32>
    %add3A = vector.broadcast %get3A_8 : vector<1x256xf32> to vector<3200x256xf32>
    %add3A_9 = arith.addf %dot_general3A_5, %add3A : vector<3200x256xf32>
    %max3A = arith.constant 0.000000e+00 : f32
    %max3A_10 = vector.broadcast %max3A : f32 to vector<3200x256xf32>
    %max3A_11 = arith.maximumf %add3A_9, %max3A_10 : vector<3200x256xf32>
    %get3A_12 = arith.constant 0 : index
    %get3A_13 = arith.constant 0 : index
    %get3A_14 = vector.load %arg6[%get3A_12, %get3A_13] : memref<256x256xf32, #tpu.memory_space<vmem>>, vector<256x256xf32>
    %dot_general3A_15 = arith.constant dense<0.000000e+00> : vector<3200x256xf32>
    %dot_general3A_16 = tpu.matmul %max3A_11, %get3A_14, %dot_general3A_15 {dimension_numbers = #tpu.dot_dimension_numbers<[1], [0], [0], [1], [0, 0, 1, 1], [], []>, transpose_lhs_hint = false} : vector<3200x256xf32>, vector<256x256xf32>, vector<3200x256xf32> -> vector<3200x256xf32>
    %get3A_17 = arith.constant 0 : index
    %get3A_18 = arith.constant 0 : index
    %get3A_19 = vector.load %arg2[%get3A_17, %get3A_18] : memref<3200x256xf32, #tpu.memory_space<vmem>>, vector<3200x256xf32>
    %get3A_20 = arith.constant 0 : index
    %get3A_21 = arith.constant 0 : index
    %get3A_22 = vector.load %arg3[%get3A_20, %get3A_21] : memref<3200x256xf32, #tpu.memory_space<vmem>>, vector<3200x256xf32>
    %add3A_23 = arith.addf %get3A_19, %get3A_22 : vector<3200x256xf32>
    %add3A_24 = arith.addf %add3A_23, %dot_general3A_16 : vector<3200x256xf32>
    %get3A_25 = arith.constant 0 : index
    %get3A_26 = arith.constant 0 : index
    %get3A_27 = vector.load %arg7[%get3A_25, %get3A_26] : memref<1x256xf32, #tpu.memory_space<vmem>>, vector<1x256xf32>
    %add3A_28 = vector.broadcast %get3A_27 : vector<1x256xf32> to vector<3200x256xf32>
    %add3A_29 = arith.addf %add3A_24, %add3A_28 : vector<3200x256xf32>
    %max3A_30 = arith.constant 0.000000e+00 : f32
    %max3A_31 = vector.broadcast %max3A_30 : f32 to vector<3200x256xf32>
    %max3A_32 = arith.maximumf %add3A_29, %max3A_31 : vector<3200x256xf32>
    %swap3A = arith.constant 0 : index
    %swap3A_33 = arith.constant 0 : index
    %swap3A_34 = vector.load %arg10[%swap3A, %swap3A_33] : memref<3200x256xf32, #tpu.memory_space<vmem>>, vector<3200x256xf32>
    tpu.vector_store %arg10[%swap3A, %swap3A_33], %max3A_32 {strides = array<i32>} : memref<3200x256xf32, #tpu.memory_space<vmem>>, vector<3200x256xf32>,
    %add3A_35 = arith.addf %max3A_11, %max3A_32 : vector<3200x256xf32>
    %get3A_36 = arith.constant 0 : index
    %get3A_37 = arith.constant 0 : index
    %get3A_38 = vector.load %arg8[%get3A_36, %get3A_37] : memref<256x2xf32, #tpu.memory_space<vmem>>, vector<256x2xf32>
    %dot_general3A_39 = arith.constant dense<0.000000e+00> : vector<3200x2xf32>
    %dot_general3A_40 = tpu.matmul %add3A_35, %get3A_38, %dot_general3A_39 {dimension_numbers = #tpu.dot_dimension_numbers<[1], [0], [0], [1], [0, 0, 1, 1], [], []>, transpose_lhs_hint = false} : vector<3200x256xf32>, vector<256x2xf32>, vector<3200x2xf32> -> vector<3200x2xf32>
    %get3A_41 = arith.constant 0 : index
    %get3A_42 = arith.constant 0 : index
    %get3A_43 = vector.load %arg9[%get3A_41, %get3A_42] : memref<1x2xf32, #tpu.memory_space<vmem>>, vector<1x2xf32>
    %add3A_44 = vector.broadcast %get3A_43 : vector<1x2xf32> to vector<3200x2xf32>
    %add3A_45 = arith.addf %dot_general3A_40, %add3A_44 : vector<3200x2xf32>
    %slice3A = vector.extract_strided_slice %add3A_45 {offsets = [0, 0], sizes = [3200, 1], strides = [1, 1]} : vector<3200x2xf32> to vector<3200x1xf32>
    %squeeze3A = vector.shape_cast %slice3A : vector<3200x1xf32> to vector<3200xf32>
    %logistic3A = arith.negf %squeeze3A : vector<3200xf32>
    %logistic3A_46 = math.exp %logistic3A : vector<3200xf32>
    %logistic3A_47 = arith.constant 1.000000e+00 : f32
    %logistic3A_48 = vector.broadcast %logistic3A_47 : f32 to vector<3200xf32>
    %logistic3A_49 = arith.addf %logistic3A_48, %logistic3A_46 : vector<3200xf32>
    %logistic3A_50 = arith.divf %logistic3A_48, %logistic3A_49 : vector<3200xf32>
    %swap3A_51 = arith.constant 0 : index
    %swap3A_52 = arith.constant 0 : index
    %swap3A_53 = arith.constant 0 : index
    %swap3A_54 = vector.load %arg11[%swap3A_51, %swap3A_52, %swap3A_53] : memref<1x1x3200xf32, #tpu.memory_space<vmem>>, vector<1x1x3200xf32>
    %swap3A_55 = vector.shape_cast %swap3A_54 : vector<1x1x3200xf32> to vector<3200xf32>
    %swap3A_56 = vector.shape_cast %logistic3A_50 : vector<3200xf32> to vector<1x1x3200xf32>
    tpu.vector_store %arg11[%swap3A_51, %swap3A_52, %swap3A_53], %swap3A_56 {strides = array<i32>} : memref<1x1x3200xf32, #tpu.memory_space<vmem>>, vector<1x1x3200xf32>,
    %slice3A_57 = vector.extract_strided_slice %add3A_45 {offsets = [0, 1], sizes = [3200, 1], strides = [1, 1]} : vector<3200x2xf32> to vector<3200x1xf32>
    %squeeze3A_58 = vector.shape_cast %slice3A_57 : vector<3200x1xf32> to vector<3200xf32>
    %swap3A_59 = arith.constant 0 : index
    %swap3A_60 = arith.constant 0 : index
    %swap3A_61 = arith.constant 0 : index
    %swap3A_62 = vector.load %arg12[%swap3A_59, %swap3A_60, %swap3A_61] : memref<1x1x3200xf32, #tpu.memory_space<vmem>>, vector<1x1x3200xf32>
    %swap3A_63 = vector.shape_cast %swap3A_62 : vector<1x1x3200xf32> to vector<3200xf32>
    %swap3A_64 = vector.shape_cast %squeeze3A_58 : vector<3200xf32> to vector<1x1x3200xf32>
    tpu.vector_store %arg12[%swap3A_59, %swap3A_60, %swap3A_61], %swap3A_64 {strides = array<i32>} : memref<1x1x3200xf32, #tpu.memory_space<vmem>>, vector<1x1x3200xf32>,
    return
  }
  func.func @transform_0(%arg0: i32) -> (i32, i32) {
    %c0_i32 = arith.constant 0 : i32
    %c0_i32_0 = arith.constant 0 : i32
    return %arg0, %c0_i32 : i32, i32
  }
  func.func @transform_1(%arg0: i32) -> (i32, i32) {
    %c0_i32 = arith.constant 0 : i32
    %c0_i32_0 = arith.constant 0 : i32
    return %arg0, %c0_i32 : i32, i32
  }
  func.func @transform_2(%arg0: i32) -> (i32, i32) {
    %c0_i32 = arith.constant 0 : i32
    %c0_i32_0 = arith.constant 0 : i32
    return %arg0, %c0_i32 : i32, i32
  }
  func.func @transform_3(%arg0: i32) -> (i32, i32) {
    %c0_i32 = arith.constant 0 : i32
    %c0_i32_0 = arith.constant 0 : i32
    %c0_i32_1 = arith.constant 0 : i32
    return %c0_i32, %c0_i32_0 : i32, i32
  }
  func.func @transform_4(%arg0: i32) -> (i32, i32) {
    %c0_i32 = arith.constant 0 : i32
    %c0_i32_0 = arith.constant 0 : i32
    %c0_i32_1 = arith.constant 0 : i32
    return %c0_i32, %c0_i32_0 : i32, i32
  }
  func.func @transform_5(%arg0: i32) -> (i32, i32) {
    %c0_i32 = arith.constant 0 : i32
    %c0_i32_0 = arith.constant 0 : i32
    %c0_i32_1 = arith.constant 0 : i32
    return %c0_i32, %c0_i32_0 : i32, i32
  }
  func.func @transform_6(%arg0: i32) -> (i32, i32) {
    %c0_i32 = arith.constant 0 : i32
    %c0_i32_0 = arith.constant 0 : i32
    %c0_i32_1 = arith.constant 0 : i32
    return %c0_i32, %c0_i32_0 : i32, i32
  }
  func.func @transform_7(%arg0: i32) -> (i32, i32) {
    %c0_i32 = arith.constant 0 : i32
    %c0_i32_0 = arith.constant 0 : i32
    %c0_i32_1 = arith.constant 0 : i32
    return %c0_i32, %c0_i32_0 : i32, i32
  }
  func.func @transform_8(%arg0: i32) -> (i32, i32) {
    %c0_i32 = arith.constant 0 : i32
    %c0_i32_0 = arith.constant 0 : i32
    %c0_i32_1 = arith.constant 0 : i32
    return %c0_i32, %c0_i32_0 : i32, i32
  }
  func.func @transform_9(%arg0: i32) -> (i32, i32) {
    %c0_i32 = arith.constant 0 : i32
    %c0_i32_0 = arith.constant 0 : i32
    return %arg0, %c0_i32 : i32, i32
  }
  func.func @transform_10(%arg0: i32) -> (i32, i32, i32) {
    %c0_i32 = arith.constant 0 : i32
    %c0_i32_0 = arith.constant 0 : i32
    %c0_i32_1 = arith.constant 0 : i32
    return %arg0, %c0_i32, %c0_i32_0 : i32, i32, i32
  }
  func.func @transform_11(%arg0: i32) -> (i32, i32, i32) {
    %c0_i32 = arith.constant 0 : i32
    %c0_i32_0 = arith.constant 0 : i32
    %c0_i32_1 = arith.constant 0 : i32
    return %arg0, %c0_i32, %c0_i32_0 : i32, i32, i32
  }
}

module attributes {stable_mosaic.version = 14 : i64} {
  func.func @_node_prep_body(%arg0: i32, %arg1: memref<1000x256xf32, #tpu.memory_space<vmem>>, %arg2: memref<256x256xf32, #tpu.memory_space<vmem>>, %arg3: memref<1x256xf32, #tpu.memory_space<vmem>>, %arg4: memref<256x256xf32, #tpu.memory_space<vmem>>, %arg5: memref<1x256xf32, #tpu.memory_space<vmem>>, %arg6: memref<256x256xf32, #tpu.memory_space<vmem>>, %arg7: memref<256x256xf32, #tpu.memory_space<vmem>>, %arg8: memref<1000x256xf32, #tpu.memory_space<vmem>>, %arg9: memref<1000x256xf32, #tpu.memory_space<vmem>>, %arg10: memref<1000x256xf32, #tpu.memory_space<vmem>>) attributes {dimension_semantics = [#tpu.dimension_semantics<arbitrary>], iteration_bounds = array<i64: 10>, scalar_prefetch = 0 : i64, scratch_operands = 0 : i64, tpu.core_type = #tpu.core_type<tc>, window_params = [{transform_indices = @transform_0, window_bounds = array<i64: 1000, 256>}, {pipeline_mode = #tpu.pipeline_mode<synchronous>, transform_indices = @transform_1, window_bounds = array<i64: 256, 256>}, {pipeline_mode = #tpu.pipeline_mode<synchronous>, transform_indices = @transform_2, window_bounds = array<i64: 1, 256>}, {pipeline_mode = #tpu.pipeline_mode<synchronous>, transform_indices = @transform_3, window_bounds = array<i64: 256, 256>}, {pipeline_mode = #tpu.pipeline_mode<synchronous>, transform_indices = @transform_4, window_bounds = array<i64: 1, 256>}, {pipeline_mode = #tpu.pipeline_mode<synchronous>, transform_indices = @transform_5, window_bounds = array<i64: 256, 256>}, {pipeline_mode = #tpu.pipeline_mode<synchronous>, transform_indices = @transform_6, window_bounds = array<i64: 256, 256>}, {transform_indices = @transform_7, window_bounds = array<i64: 1000, 256>}, {transform_indices = @transform_8, window_bounds = array<i64: 1000, 256>}, {transform_indices = @transform_9, window_bounds = array<i64: 1000, 256>}]} {
    %get3A = arith.constant 0 : index
    %get3A_0 = arith.constant 0 : index
    %get3A_1 = vector.load %arg1[%get3A, %get3A_0] : memref<1000x256xf32, #tpu.memory_space<vmem>>, vector<1000x256xf32>
    %get3A_2 = arith.constant 0 : index
    %get3A_3 = arith.constant 0 : index
    %get3A_4 = vector.load %arg2[%get3A_2, %get3A_3] : memref<256x256xf32, #tpu.memory_space<vmem>>, vector<256x256xf32>
    %dot_general3A = arith.constant dense<0.000000e+00> : vector<1000x256xf32>
    %dot_general3A_5 = tpu.matmul %get3A_1, %get3A_4, %dot_general3A {dimension_numbers = #tpu.dot_dimension_numbers<[1], [0], [0], [1], [0, 0, 1, 1], [], []>, transpose_lhs_hint = false} : vector<1000x256xf32>, vector<256x256xf32>, vector<1000x256xf32> -> vector<1000x256xf32>
    %get3A_6 = arith.constant 0 : index
    %get3A_7 = arith.constant 0 : index
    %get3A_8 = vector.load %arg3[%get3A_6, %get3A_7] : memref<1x256xf32, #tpu.memory_space<vmem>>, vector<1x256xf32>
    %add3A = vector.broadcast %get3A_8 : vector<1x256xf32> to vector<1000x256xf32>
    %add3A_9 = arith.addf %dot_general3A_5, %add3A : vector<1000x256xf32>
    %max3A = arith.constant 0.000000e+00 : f32
    %max3A_10 = vector.broadcast %max3A : f32 to vector<1000x256xf32>
    %max3A_11 = arith.maximumf %add3A_9, %max3A_10 : vector<1000x256xf32>
    %get3A_12 = arith.constant 0 : index
    %get3A_13 = arith.constant 0 : index
    %get3A_14 = vector.load %arg4[%get3A_12, %get3A_13] : memref<256x256xf32, #tpu.memory_space<vmem>>, vector<256x256xf32>
    %dot_general3A_15 = arith.constant dense<0.000000e+00> : vector<1000x256xf32>
    %dot_general3A_16 = tpu.matmul %max3A_11, %get3A_14, %dot_general3A_15 {dimension_numbers = #tpu.dot_dimension_numbers<[1], [0], [0], [1], [0, 0, 1, 1], [], []>, transpose_lhs_hint = false} : vector<1000x256xf32>, vector<256x256xf32>, vector<1000x256xf32> -> vector<1000x256xf32>
    %get3A_17 = arith.constant 0 : index
    %get3A_18 = arith.constant 0 : index
    %get3A_19 = vector.load %arg5[%get3A_17, %get3A_18] : memref<1x256xf32, #tpu.memory_space<vmem>>, vector<1x256xf32>
    %add3A_20 = vector.broadcast %get3A_19 : vector<1x256xf32> to vector<1000x256xf32>
    %add3A_21 = arith.addf %dot_general3A_16, %add3A_20 : vector<1000x256xf32>
    %max3A_22 = arith.constant 0.000000e+00 : f32
    %max3A_23 = vector.broadcast %max3A_22 : f32 to vector<1000x256xf32>
    %max3A_24 = arith.maximumf %add3A_21, %max3A_23 : vector<1000x256xf32>
    %swap3A = arith.constant 0 : index
    %swap3A_25 = arith.constant 0 : index
    %swap3A_26 = vector.load %arg8[%swap3A, %swap3A_25] : memref<1000x256xf32, #tpu.memory_space<vmem>>, vector<1000x256xf32>
    tpu.vector_store %arg8[%swap3A, %swap3A_25], %max3A_24 {strides = array<i32>} : memref<1000x256xf32, #tpu.memory_space<vmem>>, vector<1000x256xf32>,
    %get3A_27 = arith.constant 0 : index
    %get3A_28 = arith.constant 0 : index
    %get3A_29 = vector.load %arg6[%get3A_27, %get3A_28] : memref<256x256xf32, #tpu.memory_space<vmem>>, vector<256x256xf32>
    %dot_general3A_30 = arith.constant dense<0.000000e+00> : vector<1000x256xf32>
    %dot_general3A_31 = tpu.matmul %max3A_24, %get3A_29, %dot_general3A_30 {dimension_numbers = #tpu.dot_dimension_numbers<[1], [0], [0], [1], [0, 0, 1, 1], [], []>, transpose_lhs_hint = false} : vector<1000x256xf32>, vector<256x256xf32>, vector<1000x256xf32> -> vector<1000x256xf32>
    %swap3A_32 = arith.constant 0 : index
    %swap3A_33 = arith.constant 0 : index
    %swap3A_34 = vector.load %arg9[%swap3A_32, %swap3A_33] : memref<1000x256xf32, #tpu.memory_space<vmem>>, vector<1000x256xf32>
    tpu.vector_store %arg9[%swap3A_32, %swap3A_33], %dot_general3A_31 {strides = array<i32>} : memref<1000x256xf32, #tpu.memory_space<vmem>>, vector<1000x256xf32>,
    %get3A_35 = arith.constant 0 : index
    %get3A_36 = arith.constant 0 : index
    %get3A_37 = vector.load %arg7[%get3A_35, %get3A_36] : memref<256x256xf32, #tpu.memory_space<vmem>>, vector<256x256xf32>
    %dot_general3A_38 = arith.constant dense<0.000000e+00> : vector<1000x256xf32>
    %dot_general3A_39 = tpu.matmul %max3A_24, %get3A_37, %dot_general3A_38 {dimension_numbers = #tpu.dot_dimension_numbers<[1], [0], [0], [1], [0, 0, 1, 1], [], []>, transpose_lhs_hint = false} : vector<1000x256xf32>, vector<256x256xf32>, vector<1000x256xf32> -> vector<1000x256xf32>
    %swap3A_40 = arith.constant 0 : index
    %swap3A_41 = arith.constant 0 : index
    %swap3A_42 = vector.load %arg10[%swap3A_40, %swap3A_41] : memref<1000x256xf32, #tpu.memory_space<vmem>>, vector<1000x256xf32>
    tpu.vector_store %arg10[%swap3A_40, %swap3A_41], %dot_general3A_39 {strides = array<i32>} : memref<1000x256xf32, #tpu.memory_space<vmem>>, vector<1000x256xf32>,
    return
  }
  func.func @transform_0(%arg0: i32) -> (i32, i32) {
    %c0_i32 = arith.constant 0 : i32
    %c0_i32_0 = arith.constant 0 : i32
    return %arg0, %c0_i32 : i32, i32
  }
  func.func @transform_1(%arg0: i32) -> (i32, i32) {
    %c0_i32 = arith.constant 0 : i32
    %c0_i32_0 = arith.constant 0 : i32
    %c0_i32_1 = arith.constant 0 : i32
    return %c0_i32, %c0_i32_0 : i32, i32
  }
  func.func @transform_2(%arg0: i32) -> (i32, i32) {
    %c0_i32 = arith.constant 0 : i32
    %c0_i32_0 = arith.constant 0 : i32
    %c0_i32_1 = arith.constant 0 : i32
    return %c0_i32, %c0_i32_0 : i32, i32
  }
  func.func @transform_3(%arg0: i32) -> (i32, i32) {
    %c0_i32 = arith.constant 0 : i32
    %c0_i32_0 = arith.constant 0 : i32
    %c0_i32_1 = arith.constant 0 : i32
    return %c0_i32, %c0_i32_0 : i32, i32
  }
  func.func @transform_4(%arg0: i32) -> (i32, i32) {
    %c0_i32 = arith.constant 0 : i32
    %c0_i32_0 = arith.constant 0 : i32
    %c0_i32_1 = arith.constant 0 : i32
    return %c0_i32, %c0_i32_0 : i32, i32
  }
  func.func @transform_5(%arg0: i32) -> (i32, i32) {
    %c0_i32 = arith.constant 0 : i32
    %c0_i32_0 = arith.constant 0 : i32
    %c0_i32_1 = arith.constant 0 : i32
    return %c0_i32, %c0_i32_0 : i32, i32
  }
  func.func @transform_6(%arg0: i32) -> (i32, i32) {
    %c0_i32 = arith.constant 0 : i32
    %c0_i32_0 = arith.constant 0 : i32
    %c0_i32_1 = arith.constant 0 : i32
    return %c0_i32, %c0_i32_0 : i32, i32
  }
  func.func @transform_7(%arg0: i32) -> (i32, i32) {
    %c0_i32 = arith.constant 0 : i32
    %c0_i32_0 = arith.constant 0 : i32
    return %arg0, %c0_i32 : i32, i32
  }
  func.func @transform_8(%arg0: i32) -> (i32, i32) {
    %c0_i32 = arith.constant 0 : i32
    %c0_i32_0 = arith.constant 0 : i32
    return %arg0, %c0_i32 : i32, i32
  }
  func.func @transform_9(%arg0: i32) -> (i32, i32) {
    %c0_i32 = arith.constant 0 : i32
    %c0_i32_0 = arith.constant 0 : i32
    return %arg0, %c0_i32 : i32, i32
  }
}

module attributes {stable_mosaic.version = 14 : i64} {
  func.func @_edge_body(%arg0: i32, %arg1: memref<3200x16xf32, #tpu.memory_space<vmem>>, %arg2: memref<3200x256xf32, #tpu.memory_space<vmem>>, %arg3: memref<3200x256xf32, #tpu.memory_space<vmem>>, %arg4: memref<16x256xf32, #tpu.memory_space<vmem>>, %arg5: memref<1x256xf32, #tpu.memory_space<vmem>>, %arg6: memref<256x256xf32, #tpu.memory_space<vmem>>, %arg7: memref<1x256xf32, #tpu.memory_space<vmem>>, %arg8: memref<256x2xf32, #tpu.memory_space<vmem>>, %arg9: memref<1x2xf32, #tpu.memory_space<vmem>>, %arg10: memref<3200x256xf32, #tpu.memory_space<vmem>>, %arg11: memref<1x1x3200xf32, #tpu.memory_space<vmem>>, %arg12: memref<1x1x3200xf32, #tpu.memory_space<vmem>>) attributes {dimension_semantics = [#tpu.dimension_semantics<arbitrary>], iteration_bounds = array<i64: 24>, scalar_prefetch = 0 : i64, scratch_operands = 0 : i64, tpu.core_type = #tpu.core_type<tc>, window_params = [{transform_indices = @transform_0, window_bounds = array<i64: 3200, 16>}, {transform_indices = @transform_1, window_bounds = array<i64: 3200, 256>}, {transform_indices = @transform_2, window_bounds = array<i64: 3200, 256>}, {pipeline_mode = #tpu.pipeline_mode<synchronous>, transform_indices = @transform_3, window_bounds = array<i64: 16, 256>}, {pipeline_mode = #tpu.pipeline_mode<synchronous>, transform_indices = @transform_4, window_bounds = array<i64: 1, 256>}, {pipeline_mode = #tpu.pipeline_mode<synchronous>, transform_indices = @transform_5, window_bounds = array<i64: 256, 256>}, {pipeline_mode = #tpu.pipeline_mode<synchronous>, transform_indices = @transform_6, window_bounds = array<i64: 1, 256>}, {pipeline_mode = #tpu.pipeline_mode<synchronous>, transform_indices = @transform_7, window_bounds = array<i64: 256, 2>}, {pipeline_mode = #tpu.pipeline_mode<synchronous>, transform_indices = @transform_8, window_bounds = array<i64: 1, 2>}, {transform_indices = @transform_9, window_bounds = array<i64: 3200, 256>}, {transform_indices = @transform_10, window_bounds = array<i64: 1, 1, 3200>}, {transform_indices = @transform_11, window_bounds = array<i64: 1, 1, 3200>}]} {
    %get3A = arith.constant 0 : index
    %get3A_0 = arith.constant 0 : index
    %get3A_1 = vector.load %arg1[%get3A, %get3A_0] : memref<3200x16xf32, #tpu.memory_space<vmem>>, vector<3200x16xf32>
    %get3A_2 = arith.constant 0 : index
    %get3A_3 = arith.constant 0 : index
    %get3A_4 = vector.load %arg4[%get3A_2, %get3A_3] : memref<16x256xf32, #tpu.memory_space<vmem>>, vector<16x256xf32>
    %dot_general3A = arith.constant dense<0.000000e+00> : vector<3200x256xf32>
    %dot_general3A_5 = tpu.matmul %get3A_1, %get3A_4, %dot_general3A {dimension_numbers = #tpu.dot_dimension_numbers<[1], [0], [0], [1], [0, 0, 1, 1], [], []>, transpose_lhs_hint = false} : vector<3200x16xf32>, vector<16x256xf32>, vector<3200x256xf32> -> vector<3200x256xf32>
    %get3A_6 = arith.constant 0 : index
    %get3A_7 = arith.constant 0 : index
    %get3A_8 = vector.load %arg5[%get3A_6, %get3A_7] : memref<1x256xf32, #tpu.memory_space<vmem>>, vector<1x256xf32>
    %add3A = vector.broadcast %get3A_8 : vector<1x256xf32> to vector<3200x256xf32>
    %add3A_9 = arith.addf %dot_general3A_5, %add3A : vector<3200x256xf32>
    %max3A = arith.constant 0.000000e+00 : f32
    %max3A_10 = vector.broadcast %max3A : f32 to vector<3200x256xf32>
    %max3A_11 = arith.maximumf %add3A_9, %max3A_10 : vector<3200x256xf32>
    %get3A_12 = arith.constant 0 : index
    %get3A_13 = arith.constant 0 : index
    %get3A_14 = vector.load %arg6[%get3A_12, %get3A_13] : memref<256x256xf32, #tpu.memory_space<vmem>>, vector<256x256xf32>
    %dot_general3A_15 = arith.constant dense<0.000000e+00> : vector<3200x256xf32>
    %dot_general3A_16 = tpu.matmul %max3A_11, %get3A_14, %dot_general3A_15 {dimension_numbers = #tpu.dot_dimension_numbers<[1], [0], [0], [1], [0, 0, 1, 1], [], []>, transpose_lhs_hint = false} : vector<3200x256xf32>, vector<256x256xf32>, vector<3200x256xf32> -> vector<3200x256xf32>
    %get3A_17 = arith.constant 0 : index
    %get3A_18 = arith.constant 0 : index
    %get3A_19 = vector.load %arg2[%get3A_17, %get3A_18] : memref<3200x256xf32, #tpu.memory_space<vmem>>, vector<3200x256xf32>
    %get3A_20 = arith.constant 0 : index
    %get3A_21 = arith.constant 0 : index
    %get3A_22 = vector.load %arg3[%get3A_20, %get3A_21] : memref<3200x256xf32, #tpu.memory_space<vmem>>, vector<3200x256xf32>
    %add3A_23 = arith.addf %get3A_19, %get3A_22 : vector<3200x256xf32>
    %add3A_24 = arith.addf %add3A_23, %dot_general3A_16 : vector<3200x256xf32>
    %get3A_25 = arith.constant 0 : index
    %get3A_26 = arith.constant 0 : index
    %get3A_27 = vector.load %arg7[%get3A_25, %get3A_26] : memref<1x256xf32, #tpu.memory_space<vmem>>, vector<1x256xf32>
    %add3A_28 = vector.broadcast %get3A_27 : vector<1x256xf32> to vector<3200x256xf32>
    %add3A_29 = arith.addf %add3A_24, %add3A_28 : vector<3200x256xf32>
    %max3A_30 = arith.constant 0.000000e+00 : f32
    %max3A_31 = vector.broadcast %max3A_30 : f32 to vector<3200x256xf32>
    %max3A_32 = arith.maximumf %add3A_29, %max3A_31 : vector<3200x256xf32>
    %swap3A = arith.constant 0 : index
    %swap3A_33 = arith.constant 0 : index
    %swap3A_34 = vector.load %arg10[%swap3A, %swap3A_33] : memref<3200x256xf32, #tpu.memory_space<vmem>>, vector<3200x256xf32>
    tpu.vector_store %arg10[%swap3A, %swap3A_33], %max3A_32 {strides = array<i32>} : memref<3200x256xf32, #tpu.memory_space<vmem>>, vector<3200x256xf32>,
    %add3A_35 = arith.addf %max3A_11, %max3A_32 : vector<3200x256xf32>
    %get3A_36 = arith.constant 0 : index
    %get3A_37 = arith.constant 0 : index
    %get3A_38 = vector.load %arg8[%get3A_36, %get3A_37] : memref<256x2xf32, #tpu.memory_space<vmem>>, vector<256x2xf32>
    %dot_general3A_39 = arith.constant dense<0.000000e+00> : vector<3200x2xf32>
    %dot_general3A_40 = tpu.matmul %add3A_35, %get3A_38, %dot_general3A_39 {dimension_numbers = #tpu.dot_dimension_numbers<[1], [0], [0], [1], [0, 0, 1, 1], [], []>, transpose_lhs_hint = false} : vector<3200x256xf32>, vector<256x2xf32>, vector<3200x2xf32> -> vector<3200x2xf32>
    %get3A_41 = arith.constant 0 : index
    %get3A_42 = arith.constant 0 : index
    %get3A_43 = vector.load %arg9[%get3A_41, %get3A_42] : memref<1x2xf32, #tpu.memory_space<vmem>>, vector<1x2xf32>
    %add3A_44 = vector.broadcast %get3A_43 : vector<1x2xf32> to vector<3200x2xf32>
    %add3A_45 = arith.addf %dot_general3A_40, %add3A_44 : vector<3200x2xf32>
    %slice3A = vector.extract_strided_slice %add3A_45 {offsets = [0, 0], sizes = [3200, 1], strides = [1, 1]} : vector<3200x2xf32> to vector<3200x1xf32>
    %squeeze3A = vector.shape_cast %slice3A : vector<3200x1xf32> to vector<3200xf32>
    %logistic3A = arith.negf %squeeze3A : vector<3200xf32>
    %logistic3A_46 = math.exp %logistic3A : vector<3200xf32>
    %logistic3A_47 = arith.constant 1.000000e+00 : f32
    %logistic3A_48 = vector.broadcast %logistic3A_47 : f32 to vector<3200xf32>
    %logistic3A_49 = arith.addf %logistic3A_48, %logistic3A_46 : vector<3200xf32>
    %logistic3A_50 = arith.divf %logistic3A_48, %logistic3A_49 : vector<3200xf32>
    %swap3A_51 = arith.constant 0 : index
    %swap3A_52 = arith.constant 0 : index
    %swap3A_53 = arith.constant 0 : index
    %swap3A_54 = vector.load %arg11[%swap3A_51, %swap3A_52, %swap3A_53] : memref<1x1x3200xf32, #tpu.memory_space<vmem>>, vector<1x1x3200xf32>
    %swap3A_55 = vector.shape_cast %swap3A_54 : vector<1x1x3200xf32> to vector<3200xf32>
    %swap3A_56 = vector.shape_cast %logistic3A_50 : vector<3200xf32> to vector<1x1x3200xf32>
    tpu.vector_store %arg11[%swap3A_51, %swap3A_52, %swap3A_53], %swap3A_56 {strides = array<i32>} : memref<1x1x3200xf32, #tpu.memory_space<vmem>>, vector<1x1x3200xf32>,
    %slice3A_57 = vector.extract_strided_slice %add3A_45 {offsets = [0, 1], sizes = [3200, 1], strides = [1, 1]} : vector<3200x2xf32> to vector<3200x1xf32>
    %squeeze3A_58 = vector.shape_cast %slice3A_57 : vector<3200x1xf32> to vector<3200xf32>
    %swap3A_59 = arith.constant 0 : index
    %swap3A_60 = arith.constant 0 : index
    %swap3A_61 = arith.constant 0 : index
    %swap3A_62 = vector.load %arg12[%swap3A_59, %swap3A_60, %swap3A_61] : memref<1x1x3200xf32, #tpu.memory_space<vmem>>, vector<1x1x3200xf32>
    %swap3A_63 = vector.shape_cast %swap3A_62 : vector<1x1x3200xf32> to vector<3200xf32>
    %swap3A_64 = vector.shape_cast %squeeze3A_58 : vector<3200xf32> to vector<1x1x3200xf32>
    tpu.vector_store %arg12[%swap3A_59, %swap3A_60, %swap3A_61], %swap3A_64 {strides = array<i32>} : memref<1x1x3200xf32, #tpu.memory_space<vmem>>, vector<1x1x3200xf32>,
    return
  }
  func.func @transform_0(%arg0: i32) -> (i32, i32) {
    %c0_i32 = arith.constant 0 : i32
    %c0_i32_0 = arith.constant 0 : i32
    return %arg0, %c0_i32 : i32, i32
  }
  func.func @transform_1(%arg0: i32) -> (i32, i32) {
    %c0_i32 = arith.constant 0 : i32
    %c0_i32_0 = arith.constant 0 : i32
    return %arg0, %c0_i32 : i32, i32
  }
  func.func @transform_2(%arg0: i32) -> (i32, i32) {
    %c0_i32 = arith.constant 0 : i32
    %c0_i32_0 = arith.constant 0 : i32
    return %arg0, %c0_i32 : i32, i32
  }
  func.func @transform_3(%arg0: i32) -> (i32, i32) {
    %c0_i32 = arith.constant 0 : i32
    %c0_i32_0 = arith.constant 0 : i32
    %c0_i32_1 = arith.constant 0 : i32
    return %c0_i32, %c0_i32_0 : i32, i32
  }
  func.func @transform_4(%arg0: i32) -> (i32, i32) {
    %c0_i32 = arith.constant 0 : i32
    %c0_i32_0 = arith.constant 0 : i32
    %c0_i32_1 = arith.constant 0 : i32
    return %c0_i32, %c0_i32_0 : i32, i32
  }
  func.func @transform_5(%arg0: i32) -> (i32, i32) {
    %c0_i32 = arith.constant 0 : i32
    %c0_i32_0 = arith.constant 0 : i32
    %c0_i32_1 = arith.constant 0 : i32
    return %c0_i32, %c0_i32_0 : i32, i32
  }
  func.func @transform_6(%arg0: i32) -> (i32, i32) {
    %c0_i32 = arith.constant 0 : i32
    %c0_i32_0 = arith.constant 0 : i32
    %c0_i32_1 = arith.constant 0 : i32
    return %c0_i32, %c0_i32_0 : i32, i32
  }
  func.func @transform_7(%arg0: i32) -> (i32, i32) {
    %c0_i32 = arith.constant 0 : i32
    %c0_i32_0 = arith.constant 0 : i32
    %c0_i32_1 = arith.constant 0 : i32
    return %c0_i32, %c0_i32_0 : i32, i32
  }
  func.func @transform_8(%arg0: i32) -> (i32, i32) {
    %c0_i32 = arith.constant 0 : i32
    %c0_i32_0 = arith.constant 0 : i32
    %c0_i32_1 = arith.constant 0 : i32
    return %c0_i32, %c0_i32_0 : i32, i32
  }
  func.func @transform_9(%arg0: i32) -> (i32, i32) {
    %c0_i32 = arith.constant 0 : i32
    %c0_i32_0 = arith.constant 0 : i32
    return %arg0, %c0_i32 : i32, i32
  }
  func.func @transform_10(%arg0: i32) -> (i32, i32, i32) {
    %c0_i32 = arith.constant 0 : i32
    %c0_i32_0 = arith.constant 0 : i32
    %c0_i32_1 = arith.constant 0 : i32
    return %arg0, %c0_i32, %c0_i32_0 : i32, i32, i32
  }
  func.func @transform_11(%arg0: i32) -> (i32, i32, i32) {
    %c0_i32 = arith.constant 0 : i32
    %c0_i32_0 = arith.constant 0 : i32
    %c0_i32_1 = arith.constant 0 : i32
    return %arg0, %c0_i32, %c0_i32_0 : i32, i32, i32
  }
}

module attributes {stable_mosaic.version = 14 : i64} {
  func.func @_final_body(%arg0: memref<10000x256xf32, #tpu.memory_space<vmem>>, %arg1: memref<10000x256xf32, #tpu.memory_space<vmem>>, %arg2: memref<32x5x10000xf32, #tpu.memory_space<vmem>>, %arg3: memref<160000xf32, #tpu.memory_space<vmem>>, %arg4: memref<160000xf32, #tpu.memory_space<vmem>>, %arg5: memref<256x1xf32, #tpu.memory_space<vmem>>, %arg6: memref<1x1xf32, #tpu.memory_space<vmem>>, %arg7: memref<1024x1xf32, #tpu.memory_space<vmem>>) attributes {dimension_semantics = [], scalar_prefetch = 0 : i64, scratch_operands = 0 : i64, tpu.core_type = #tpu.core_type<tc>} {
    %get3A = arith.constant 0 : index
    %get3A_0 = arith.constant 0 : index
    %get3A_1 = arith.constant 0 : index
    %get3A_2 = vector.load %arg2[%get3A, %get3A_0, %get3A_1] : memref<32x5x10000xf32, #tpu.memory_space<vmem>>, vector<32x5x10000xf32>
    %reduce_sum3A = arith.constant dense<0.000000e+00> : vector<5x10000xf32>
    %reduce_sum3A_3 = vector.multi_reduction <add>, %get3A_2, %reduce_sum3A [0] : vector<32x5x10000xf32> to vector<5x10000xf32>
    %slice3A = vector.extract_strided_slice %reduce_sum3A_3 {offsets = [0, 0], sizes = [1, 10000], strides = [1, 1]} : vector<5x10000xf32> to vector<1x10000xf32>
    %squeeze3A = vector.shape_cast %slice3A : vector<1x10000xf32> to vector<10000xf32>
    %max3A = arith.constant 1.000000e+00 : f32
    %max3A_4 = vector.broadcast %max3A : f32 to vector<10000xf32>
    %max3A_5 = arith.maximumf %squeeze3A, %max3A_4 : vector<10000xf32>
    %slice3A_6 = vector.extract_strided_slice %reduce_sum3A_3 {offsets = [1, 0], sizes = [1, 10000], strides = [1, 1]} : vector<5x10000xf32> to vector<1x10000xf32>
    %squeeze3A_7 = vector.shape_cast %slice3A_6 : vector<1x10000xf32> to vector<10000xf32>
    %max3A_8 = arith.constant 1.000000e+00 : f32
    %max3A_9 = vector.broadcast %max3A_8 : f32 to vector<10000xf32>
    %max3A_10 = arith.maximumf %squeeze3A_7, %max3A_9 : vector<10000xf32>
    %slice3A_11 = vector.extract_strided_slice %reduce_sum3A_3 {offsets = [2, 0], sizes = [1, 10000], strides = [1, 1]} : vector<5x10000xf32> to vector<1x10000xf32>
    %squeeze3A_12 = vector.shape_cast %slice3A_11 : vector<1x10000xf32> to vector<10000xf32>
    %slice3A_13 = vector.extract_strided_slice %reduce_sum3A_3 {offsets = [3, 0], sizes = [1, 10000], strides = [1, 1]} : vector<5x10000xf32> to vector<1x10000xf32>
    %squeeze3A_14 = vector.shape_cast %slice3A_13 : vector<1x10000xf32> to vector<10000xf32>
    %slice3A_15 = vector.extract_strided_slice %reduce_sum3A_3 {offsets = [4, 0], sizes = [1, 10000], strides = [1, 1]} : vector<5x10000xf32> to vector<1x10000xf32>
    %squeeze3A_16 = vector.shape_cast %slice3A_15 : vector<1x10000xf32> to vector<10000xf32>
    %get3A_17 = arith.constant 0 : index
    %get3A_18 = vector.load %arg3[%get3A_17] : memref<160000xf32, #tpu.memory_space<vmem>>, vector<160000xf32>
    %get3A_19 = arith.constant 0 : index
    %get3A_20 = vector.load %arg4[%get3A_19] : memref<160000xf32, #tpu.memory_space<vmem>>, vector<160000xf32>
    %reduce_min3A = vector.shape_cast %get3A_18 : vector<160000xf32> to vector<1x160000xf32>
    %reduce_min3A_21 = arith.constant dense<0x7F800000> : vector<1xf32>
    %reduce_min3A_22 = vector.multi_reduction <minimumf>, %reduce_min3A, %reduce_min3A_21 [1] : vector<1x160000xf32> to vector<1xf32>
    %reduce_min3A_23 = vector.shape_cast %reduce_min3A_22 : vector<1xf32> to vector<1x1xf32>
    %reduce_min3A_24 = vector.extract %reduce_min3A_23[0, 0] : f32 from vector<1x1xf32>
    %reduce_max3A = vector.shape_cast %get3A_18 : vector<160000xf32> to vector<1x160000xf32>
    %reduce_max3A_25 = arith.constant dense<0xFF800000> : vector<1xf32>
    %reduce_max3A_26 = vector.multi_reduction <maximumf>, %reduce_max3A, %reduce_max3A_25 [1] : vector<1x160000xf32> to vector<1xf32>
    %reduce_max3A_27 = vector.shape_cast %reduce_max3A_26 : vector<1xf32> to vector<1x1xf32>
    %reduce_max3A_28 = vector.extract %reduce_max3A_27[0, 0] : f32 from vector<1x1xf32>
    %reduce_min3A_29 = vector.shape_cast %get3A_20 : vector<160000xf32> to vector<1x160000xf32>
    %reduce_min3A_30 = arith.constant dense<0x7F800000> : vector<1xf32>
    %reduce_min3A_31 = vector.multi_reduction <minimumf>, %reduce_min3A_29, %reduce_min3A_30 [1] : vector<1x160000xf32> to vector<1xf32>
    %reduce_min3A_32 = vector.shape_cast %reduce_min3A_31 : vector<1xf32> to vector<1x1xf32>
    %reduce_min3A_33 = vector.extract %reduce_min3A_32[0, 0] : f32 from vector<1x1xf32>
    %reduce_max3A_34 = vector.shape_cast %get3A_20 : vector<160000xf32> to vector<1x160000xf32>
    %reduce_max3A_35 = arith.constant dense<0xFF800000> : vector<1xf32>
    %reduce_max3A_36 = vector.multi_reduction <maximumf>, %reduce_max3A_34, %reduce_max3A_35 [1] : vector<1x160000xf32> to vector<1xf32>
    %reduce_max3A_37 = vector.shape_cast %reduce_max3A_36 : vector<1xf32> to vector<1x1xf32>
    %reduce_max3A_38 = vector.extract %reduce_max3A_37[0, 0] : f32 from vector<1x1xf32>
    %sub3A = arith.subf %reduce_max3A_28, %reduce_min3A_24 : f32
    %add3A = arith.constant 9.99999996E-13 : f32
    %add3A_39 = arith.addf %sub3A, %add3A : f32
    %sub3A_40 = arith.subf %reduce_max3A_38, %reduce_min3A_33 : f32
    %add3A_41 = arith.constant 9.99999996E-13 : f32
    %add3A_42 = arith.addf %sub3A_40, %add3A_41 : f32
    %mul3A = vector.broadcast %reduce_min3A_33 : f32 to vector<10000xf32>
    %mul3A_43 = arith.mulf %mul3A, %squeeze3A_12 : vector<10000xf32>
    %sub3A_44 = arith.subf %squeeze3A_16, %mul3A_43 : vector<10000xf32>
    %mul3A_45 = vector.broadcast %reduce_min3A_24 : f32 to vector<10000xf32>
    %mul3A_46 = arith.mulf %mul3A_45, %squeeze3A_14 : vector<10000xf32>
    %sub3A_47 = arith.subf %sub3A_44, %mul3A_46 : vector<10000xf32>
    %mul3A_48 = arith.mulf %reduce_min3A_24, %reduce_min3A_33 : f32
    %mul3A_49 = vector.broadcast %mul3A_48 : f32 to vector<10000xf32>
    %mul3A_50 = arith.mulf %squeeze3A_7, %mul3A_49 : vector<10000xf32>
    %add3A_51 = arith.addf %sub3A_47, %mul3A_50 : vector<10000xf32>
    %mul3A_52 = arith.mulf %add3A_39, %add3A_42 : f32
    %div3A = vector.broadcast %mul3A_52 : f32 to vector<10000xf32>
    %div3A_53 = arith.divf %add3A_51, %div3A : vector<10000xf32>
    %div3A_54 = arith.divf %div3A_53, %max3A_10 : vector<10000xf32>
    %get3A_55 = arith.constant 0 : index
    %get3A_56 = arith.constant 0 : index
    %get3A_57 = vector.load %arg0[%get3A_55, %get3A_56] : memref<10000x256xf32, #tpu.memory_space<vmem>>, vector<10000x256xf32>
    %get3A_58 = arith.constant 0 : index
    %get3A_59 = arith.constant 0 : index
    %get3A_60 = vector.load %arg1[%get3A_58, %get3A_59] : memref<10000x256xf32, #tpu.memory_space<vmem>>, vector<10000x256xf32>
    %broadcast_in_dim3A = vector.shape_cast %max3A_5 : vector<10000xf32> to vector<10000x1xf32>
    %div3A_61 = vector.broadcast %broadcast_in_dim3A : vector<10000x1xf32> to vector<10000x256xf32>
    %div3A_62 = arith.divf %get3A_60, %div3A_61 : vector<10000x256xf32>
    %add3A_63 = arith.addf %get3A_57, %div3A_62 : vector<10000x256xf32>
    %add3A_64 = arith.constant 1.000000e+00 : f32
    %add3A_65 = vector.broadcast %add3A_64 : f32 to vector<10000xf32>
    %add3A_66 = arith.addf %add3A_65, %div3A_54 : vector<10000xf32>
    %broadcast_in_dim3A_67 = vector.shape_cast %add3A_66 : vector<10000xf32> to vector<10000x1xf32>
    %mul3A_68 = vector.broadcast %broadcast_in_dim3A_67 : vector<10000x1xf32> to vector<10000x256xf32>
    %mul3A_69 = arith.mulf %add3A_63, %mul3A_68 : vector<10000x256xf32>
    %slice3A_70 = vector.extract_strided_slice %mul3A_69 {offsets = [0, 0], sizes = [1024, 256], strides = [1, 1]} : vector<10000x256xf32> to vector<1024x256xf32>
    %slice3A_71 = vector.extract_strided_slice %mul3A_69 {offsets = [1024, 0], sizes = [1024, 256], strides = [1, 1]} : vector<10000x256xf32> to vector<1024x256xf32>
    %add3A_72 = arith.addf %slice3A_70, %slice3A_71 : vector<1024x256xf32>
    %slice3A_73 = vector.extract_strided_slice %mul3A_69 {offsets = [2048, 0], sizes = [1024, 256], strides = [1, 1]} : vector<10000x256xf32> to vector<1024x256xf32>
    %add3A_74 = arith.addf %add3A_72, %slice3A_73 : vector<1024x256xf32>
    %slice3A_75 = vector.extract_strided_slice %mul3A_69 {offsets = [3072, 0], sizes = [1024, 256], strides = [1, 1]} : vector<10000x256xf32> to vector<1024x256xf32>
    %add3A_76 = arith.addf %add3A_74, %slice3A_75 : vector<1024x256xf32>
    %slice3A_77 = vector.extract_strided_slice %mul3A_69 {offsets = [4096, 0], sizes = [1024, 256], strides = [1, 1]} : vector<10000x256xf32> to vector<1024x256xf32>
    %add3A_78 = arith.addf %add3A_76, %slice3A_77 : vector<1024x256xf32>
    %slice3A_79 = vector.extract_strided_slice %mul3A_69 {offsets = [5120, 0], sizes = [1024, 256], strides = [1, 1]} : vector<10000x256xf32> to vector<1024x256xf32>
    %add3A_80 = arith.addf %add3A_78, %slice3A_79 : vector<1024x256xf32>
    %slice3A_81 = vector.extract_strided_slice %mul3A_69 {offsets = [6144, 0], sizes = [1024, 256], strides = [1, 1]} : vector<10000x256xf32> to vector<1024x256xf32>
    %add3A_82 = arith.addf %add3A_80, %slice3A_81 : vector<1024x256xf32>
    %slice3A_83 = vector.extract_strided_slice %mul3A_69 {offsets = [7168, 0], sizes = [1024, 256], strides = [1, 1]} : vector<10000x256xf32> to vector<1024x256xf32>
    %add3A_84 = arith.addf %add3A_82, %slice3A_83 : vector<1024x256xf32>
    %slice3A_85 = vector.extract_strided_slice %mul3A_69 {offsets = [8192, 0], sizes = [1024, 256], strides = [1, 1]} : vector<10000x256xf32> to vector<1024x256xf32>
    %add3A_86 = arith.addf %add3A_84, %slice3A_85 : vector<1024x256xf32>
    %slice3A_87 = vector.extract_strided_slice %mul3A_69 {offsets = [9216, 0], sizes = [784, 256], strides = [1, 1]} : vector<10000x256xf32> to vector<784x256xf32>
    %broadcast_in_dim3A_88 = arith.constant 0.000000e+00 : f32
    %broadcast_in_dim3A_89 = vector.broadcast %broadcast_in_dim3A_88 : f32 to vector<240x256xf32>
    %concatenate3A = tpu.concatenate %slice3A_87, %broadcast_in_dim3A_89 in 0 : vector<784x256xf32>, vector<240x256xf32> -> vector<1024x256xf32>
    %add3A_90 = arith.addf %add3A_86, %concatenate3A : vector<1024x256xf32>
    %iota3A = tpu.iota {dimensions = array<i32: 0>} : vector<1024x1xi32>
    %lt3A = arith.constant 784 : i32
    %lt3A_91 = vector.broadcast %lt3A : i32 to vector<1024x1xi32>
    %lt3A_92 = arith.cmpi slt, %iota3A, %lt3A_91 : vector<1024x1xi32>
    %jit3A = arith.constant 1.000000e+01 : f32
    %jit3A_93 = arith.constant 9.000000e+00 : f32
    %broadcast_in_dim3A_94 = vector.broadcast %jit3A : f32 to vector<1024x1xf32>
    %broadcast_in_dim3A_95 = vector.broadcast %jit3A_93 : f32 to vector<1024x1xf32>
    %select_n3A = arith.select %lt3A_92, %broadcast_in_dim3A_94, %broadcast_in_dim3A_95 : vector<1024x1xi1>, vector<1024x1xf32>
    %div3A_96 = vector.broadcast %select_n3A : vector<1024x1xf32> to vector<1024x256xf32>
    %div3A_97 = arith.divf %add3A_90, %div3A_96 : vector<1024x256xf32>
    %get3A_98 = arith.constant 0 : index
    %get3A_99 = arith.constant 0 : index
    %get3A_100 = vector.load %arg5[%get3A_98, %get3A_99] : memref<256x1xf32, #tpu.memory_space<vmem>>, vector<256x1xf32>
    %dot_general3A = arith.constant dense<0.000000e+00> : vector<1024x1xf32>
    %dot_general3A_101 = tpu.matmul %div3A_97, %get3A_100, %dot_general3A {dimension_numbers = #tpu.dot_dimension_numbers<[1], [0], [0], [1], [0, 0, 1, 1], [], []>, transpose_lhs_hint = false} : vector<1024x256xf32>, vector<256x1xf32>, vector<1024x1xf32> -> vector<1024x1xf32>
    %get3A_102 = arith.constant 0 : index
    %get3A_103 = arith.constant 0 : index
    %get3A_104 = vector.load %arg6[%get3A_102, %get3A_103] : memref<1x1xf32, #tpu.memory_space<vmem>>, vector<1x1xf32>
    %add3A_105 = vector.broadcast %get3A_104 : vector<1x1xf32> to vector<1024x1xf32>
    %add3A_106 = arith.addf %dot_general3A_101, %add3A_105 : vector<1024x1xf32>
    %logistic3A = arith.negf %add3A_106 : vector<1024x1xf32>
    %logistic3A_107 = math.exp %logistic3A : vector<1024x1xf32>
    %logistic3A_108 = arith.constant 1.000000e+00 : f32
    %logistic3A_109 = vector.broadcast %logistic3A_108 : f32 to vector<1024x1xf32>
    %logistic3A_110 = arith.addf %logistic3A_109, %logistic3A_107 : vector<1024x1xf32>
    %logistic3A_111 = arith.divf %logistic3A_109, %logistic3A_110 : vector<1024x1xf32>
    %logistic3A_112 = arith.negf %logistic3A_111 : vector<1024x1xf32>
    %logistic3A_113 = math.exp %logistic3A_112 : vector<1024x1xf32>
    %logistic3A_114 = arith.constant 1.000000e+00 : f32
    %logistic3A_115 = vector.broadcast %logistic3A_114 : f32 to vector<1024x1xf32>
    %logistic3A_116 = arith.addf %logistic3A_115, %logistic3A_113 : vector<1024x1xf32>
    %logistic3A_117 = arith.divf %logistic3A_115, %logistic3A_116 : vector<1024x1xf32>
    %swap3A = arith.constant 0 : index
    %swap3A_118 = arith.constant 0 : index
    %swap3A_119 = vector.load %arg7[%swap3A, %swap3A_118] : memref<1024x1xf32, #tpu.memory_space<vmem>>, vector<1024x1xf32>
    tpu.vector_store %arg7[%swap3A, %swap3A_118], %logistic3A_117 {strides = array<i32>} : memref<1024x1xf32, #tpu.memory_space<vmem>>, vector<1024x1xf32>,
    return
  }
}

</mosaic_0001>

<sc_bundles>
// kernel: _run.11.cloned.1.call-start
scs
__scs_entry_jumppad:
0x0: {  	(pc) =	sbr.rel $0x88, $3  }
0x1: {  	(tag) =	ssettag $0x0;
	lr =	simm.s32 $0x1  }
0x2: {  	[smem:$0x3F8E] =	sst lr;
	_ =	strace $0xD0000000  }
0x3: {  	_ = 	snop  }
0x4: {  	_ = 	snop  }
0x5: {  	_ = 	snop  }
0x6: {  	_ = 	snop  }
0x7: {  	_ = 	snop  }
__scs_overlays_trampoline_lowered:
0x8: {  	[smem:$0x3F9D] =	sst s0  }
0x9: {  	[smem:$0x3F9E] =	sst s1  }
0xa: {  	[smem:$0x3F9F] =	sst s2  }
0xb: {  	[smem:$0x3FA0] =	sst s3  }
0xc: {  	[smem:$0x3FA1] =	sst s4  }
0xd: {  	[smem:$0x3FA2] =	sst s5  }
0xe: {  	[smem:$0x3FA3] =	sst s6  }
0xf: {  	[smem:$0x3FA4] =	sst s7  }
0x10: {  	[smem:$0x3FA5] =	sst s8  }
0x11: {  	[smem:$0x3FA6] =	sst s9;
	s0 =	simm.s32 @!p0 $0x0  }
0x12: {  	s1 =	sld [smem:$0x3F8C];
	s0 =	simm.s32 @p0 $0x1  }
0x13: {  	[smem:$0x3FA7] =	sst s0;
	s0 =	simm.s32 @!p1 $0x0  }
0x14: {  	s2 =	sld [smem:$0x3F8B];
	s0 =	simm.s32 @p1 $0x1  }
0x15: {  	[smem:$0x3FA8] =	sst s0;
	s0 =	simm.s32 @!p2 $0x0  }
0x16: {  	s3 =	sld [smem:$0x3FDB];
	s0 =	simm.s32 @p2 $0x1  }
0x17: {  	s4 =	simm.s32 $0x1BF5;
	[smem:$0x3FAA] =	sst s0  }
0x18: {  	s0 =	sld [smem:$0x3F8D];
	_ =	swait.ge [sflag:s4], $0x0  }
0x19: {  	s7 =	sld [smem:$0x3F8E]  }
0x1a: {  	s8 =	sadd.s32 $0xFFFFE003, lr  }
0x1b: {  	s9 =	sadd.s32 $0xFFFFFEF7, lr;
	s5 =	simm.s32 $0xFFFFFFFF;
	p2 =	slt.u32 s8, $0xFFFFF086  }
0x1c: {  	p1 =	slt.u32 s9, $0xF7A;
	s5 =	simm.s32 @!p2 $0x0  }
0x1d: {  	s5 =	simm.s32 @p1 $0x1;
	p0 =	seq.s32 s7, s2  }
0x1e: {  	s7 =	smul.u32 @!p0 $0xF7A, s2;
	p2 =	seq.s32 @!p0 s5, $0x0  }
0x1f: {  	s9 =	smul.u32 $0xF7A, s1;
	s8 =	simm.s32 @!p0 $0x1BF5;
	p2 =	por !p2, p0  }
0x20: {  	[sflag:s8] =	ssyncset.s32 @!p0 $0xFFFFF086;
	s6 =	sadd.s32 @!p0 s3, s7;
	s7 =	simm.s32 @!p0 $0x108  }
0x21: {  	s3 =	sadd.s32 s3, s9;
	s6 =	sadd.s32 @!p0 $0x88, s6;
	s7 =	simm.s32 @p2 $0x1082  }
0x22: {  	[simem:s7], [sflag:s8] =	dma.local @!p0 [hbm:s6], $0xF7A  }
0x23: {  	s9 =	sor.u32 $0xD0000000, s2;
	s6 =	simm.s32 $0x108;
	_ =	swait.ge @!p0 [sflag:s8], $0x0  }
0x24: {  	s3 =	sadd.s32 $0x88, s3;
	s6 =	simm.s32 @!p1 $0x1082;
	[sflag:s4] =	ssyncset.s32 $0xFFFFF086  }
0x25: {  	[simem:s6], [sflag:s4] =	dma.local [hbm:s3], $0xF7A  }
0x26: {  	[smem:$0x3F8E] =	sst s1;
	(tag) =	ssettag s2;
	_ =	strace s9  }
0x27: {  	s1 =	sld [smem:$0x3F9E]  }
0x28: {  	s2 =	sld [smem:$0x3F9F]  }
0x29: {  	s4 =	sld [smem:$0x3FA1]  }
0x2a: {  	p0 =	seq.s32 s5, $0x0;
	s5 =	sld [smem:$0x3FA2]  }
0x2b: {  	s6 =	sld [smem:$0x3FA3]  }
0x2c: {  	s7 =	sld [smem:$0x3FA4]  }
0x2d: {  	s3 =	simm.s32 $0x108;
	s8 =	sld [smem:$0x3FA5]  }
0x2e: {  	s3 =	simm.s32 @!p0 $0x1082;
	s9 =	sld [smem:$0x3FA6]  }
0x2f: {  	lr =	sadd.s32 s0, s3;
	s0 =	sld [smem:$0x3F9D]  }
0x30: {  	s3 =	sld [smem:$0x3FA0]  }
0x31: {  	[smem:$0x3FA9] =	sst s10  }
0x32: {  	s10 =	sld [smem:$0x3FA7];
	_ =	sdelay $0x3  }
0x33: {  	p0 =	seq.s32 s10, $0x1;
	s10 =	sld [smem:$0x3FA9];
	_ =	sdelay $0x3  }
0x34: {  	[smem:$0x3FA9] =	sst s10  }
0x35: {  	s10 =	sld [smem:$0x3FA8];
	_ =	sdelay $0x3  }
0x36: {  	p1 =	seq.s32 s10, $0x1;
	s10 =	sld [smem:$0x3FA9];
	_ =	sdelay $0x3  }
0x37: {  	[smem:$0x3FA9] =	sst s10  }
0x38: {  	s10 =	sld [smem:$0x3FAA]  }
0x39: {  	_ = 	snop;
	(pc) =	sbr.ind lr, $3  }
0x3a: {  	_ = 	snop  }
0x3b: {  	_ = 	snop  }
0x3c: {  	p2 =	seq.s32 s10, $0x1;
	s10 =	sld [smem:$0x3FA9]  }
0x3d: {  	_ =	shalt  }
0x3e: {  	_ =	shalt  }
0x3f: {  	_ =	shalt  }
0x40: {  	_ =	shalt  }
0x41: {  	_ =	shalt  }
0x42: {  	_ =	shalt  }
0x43: {  	_ =	shalt  }
0x44: {  	_ =	shalt  }
0x45: {  	_ =	shalt  }
0x46: {  	_ =	shalt  }
0x47: {  	_ =	shalt  }
0x48: {  	_ =	shalt  }
0x49: {  	_ =	shalt  }
0x4a: {  	_ =	shalt  }
0x4b: {  	_ =	shalt  }
0x4c: {  	_ =	shalt  }
0x4d: {  	_ =	shalt  }
0x4e: {  	_ =	shalt  }
0x4f: {  	_ =	shalt  }
0x50: {  	_ =	shalt  }
0x51: {  	_ =	shalt  }
0x52: {  	_ =	shalt  }
0x53: {  	_ =	shalt  }
0x54: {  	_ =	shalt  }
0x55: {  	_ =	shalt  }
0x56: {  	_ =	shalt  }
0x57: {  	_ =	shalt  }
0x58: {  	_ =	shalt  }
0x59: {  	_ =	shalt  }
0x5a: {  	_ =	shalt  }
0x5b: {  	_ =	shalt  }
0x5c: {  	_ =	shalt  }
0x5d: {  	_ =	shalt  }
0x5e: {  	_ =	shalt  }
0x5f: {  	_ =	shalt  }
0x60: {  	_ =	shalt  }
0x61: {  	_ =	shalt  }
0x62: {  	_ =	shalt  }
0x63: {  	_ =	shalt  }
0x64: {  	_ =	shalt  }
0x65: {  	_ =	shalt  }
0x66: {  	_ =	shalt  }
0x67: {  	_ =	shalt  }
0x68: {  	_ =	shalt  }
0x69: {  	_ =	shalt  }
0x6a: {  	_ =	shalt  }
0x6b: {  	_ =	shalt  }
0x6c: {  	_ =	shalt  }
0x6d: {  	_ =	shalt  }
0x6e: {  	_ =	shalt  }
0x6f: {  	_ =	shalt  }
0x70: {  	_ =	shalt  }
0x71: {  	_ =	shalt  }
0x72: {  	_ =	shalt  }
0x73: {  	_ =	shalt  }
0x74: {  	_ =	shalt  }
0x75: {  	_ =	shalt  }
0x76: {  	_ =	shalt  }
0x77: {  	_ =	shalt  }
0x78: {  	_ =	shalt  }
0x79: {  	_ =	shalt  }
0x7a: {  	_ =	shalt  }
0x7b: {  	_ =	shalt  }
0x7c: {  	_ =	shalt  }
0x7d: {  	_ =	shalt  }
0x7e: {  	_ =	shalt  }
0x7f: {  	_ =	shalt  }
0x80: {  	_ =	shalt  }
0x81: {  	_ =	shalt  }
0x82: {  	_ =	shalt  }
0x83: {  	_ =	shalt  }
0x84: {  	_ =	shalt  }
0x85: {  	_ =	shalt  }
0x86: {  	_ =	shalt  }
0x87: {  	_ =	shalt  }
.Lfunc_end0:
.L_simem_size_0:
called_computation_lowered:
.L_overlay_start_0:
0x88: {  	s2 =	sld [smem:$0x3FD9]  }
0x89: {  	s3 =	sld [smem:$0x3FFE];
	_ =	sdelay $0x1  }
0x8a: {  	s1 =	srdreg.scid  }
0x8b: {  	s0 =	sand.u32 $0x1, s1  }
0x8c: {  	s16 =	sshll.u32 s0, $0xA;
	s2 =	sadd.s32 s3, s2  }
0x8d: {  	s2 =	sadd.s32 s2, s16  }
0x8e: {  	[smem:$0x3FB5] =	sst s2  }
0x8f: {  	_ = 	snop  }
0x90: {  	(tm) =	ssettm $0x1  }
0x91: {  	s17 =	sld [smem:$0x3FFB];
	_ =	sdelay $0x3  }
0x92: {  	_ =	strace s17  }
0x93: {  	s2 =	sld [smem:$0x3FFC];
	_ =	sdelay $0x3  }
0x94: {  	_ =	strace s2  }
0x95: {  	s2 =	sld [smem:$0x3FFD];
	_ =	sdelay $0x3  }
0x96: {  	_ =	strace s2  }
0x97: {  	_ =	strace $0x8FFFFFFF  }
0x98: {  	s18 =	sld [smem:$0x3FDB];
	_ =	sdelay $0x1  }
0x99: {  	s19 =	simm.s32 $_scs_section_size  }
0x9a: {  	s4 =	simm.s32 $_size__tile_overlayer_lowered;
	s5 =	simm.s32 $_tile_overlayer_lowered  }
0x9b: {  	s22 =	simm.s32 $0x1BFF;
	s21 =	sshll.u32 s5, $0x1;
	s2 =	sadd.s32 s19, s18  }
0x9c: {  	s6 =	simm.s32 $0x0;
	s20 =	sshll.u32 s4, $0x1;
	s4 =	sadd.s32 s21, s2  }
0x9d: {  	[timem:s6], [sflag:s22] =	dma.local [hbm:s4], s20  }
0x9e: {  	_ =	swait.ge [sflag:s22], s20  }
0x9f: {  	s3 =	ssub.s32 $0x0, s20;
	[sflag:s22] =	ssyncset.done $0x0  }
0xa0: {  	[sflag:s22] =	ssyncadd.s32 s3;
	_ =	sdelay $0x1  }
0xa1: {  	s23 =	simm.s32 $0x1B8B  }
0xa2: {  	_ =	swait.ge [sflag:s23], $0x1  }
0xa3: {  	[sflag:s23] =	ssyncset.done $0x0  }
0xa4: {  	s25 =	simm.s32 $0x1B8E;
	s24 =	sld [smem:$0x3FFE];
	[sflag:s23] =	ssyncadd.s32 $0xFFFFFFFF  }
0xa5: {  	s26 =	simm.s32 $execute0_lowered;
	[smem:$0x3FD2] =	sst s25  }
0xa6: {  	s4 =	sshll.u32 s26, $0x1;
	_ =	strace $0x80000046;
	[dreg:$0x1] =	wrdreg $0xFFFFFFFF  }
0xa7: {  	s28 =	simm.s32 $_size_execute0_lowered;
	s2 =	sadd.s32 s2, s4;
	[dreg:$0x0] =	wrdreg $0x0  }
0xa8: {  	s4 =	sshll.u32 s28, $0x1;
	[dreg:$0x2] =	wrdreg s2  }
0xa9: {  	[dreg:$0x3] =	wrdreg s4  }
0xaa: {  	[dreg:$0x4] =	wrdreg $0xC0  }
0xab: {  	_ =	task [dreg:s6], $0x5FFFF  }
0xac: {  	[dreg:$0x1] =	wrdreg $0xFFFFFFFF  }
0xad: {  	[dreg:$0x0] =	wrdreg $0x60  }
0xae: {  	[dreg:$0x2] =	wrdreg s24  }
0xaf: {  	[dreg:$0x3] =	wrdreg $0xA1000  }
0xb0: {  	[dreg:$0x4] =	wrdreg $0xA  }
0xb1: {  	_ =	task.clear_ibuf [dreg:s6], $0x5FFFF;
	_ =	strace $0x90000046  }
0xb2: {  	s29 =	simm.s32 $0xA;
	_ =	strace $0x80000048  }
0xb3: {  	_ =	swait.ge [sflag:s29], $0x1  }
0xb4: {  	[sflag:s29] =	ssyncadd.s32 $0xFFFFFFFF  }
0xb5: {  	_ =	strace $0x90000048  }
0xb6: {  	_ =	sfence  }
0xb7: {  	s30 =	sld [smem:$0x0];
	_ =	sdelay $0x2  }
0xb8: {  	s31 =	sshll.u32 s1, $0xD;
	s1 =	sshrl.u32 s1, $0x2  }
0xb9: {  	s3 =	sand.u32 $0x4000, s31;
	s1 =	sadd.s32 s1, s30  }
0xba: {  	s0 =	sor.u32 s3, s0;
	s1 =	sshll.u32 s1, $0x11  }
0xbb: {  	s0 =	sor.u32 s1, s0  }
0xbc: {  	s0 =	sadd.s32 $0x8F2B, s0  }
0xbd: {  	[sflag:s0] =	ssyncadd.remote.s32 $0x1  }
0xbe: {  	_ =	sfence.sel $0xFFFF  }
0xbf: {  	[dreg:$0x0] =	wrdreg $0xFFFFFFFF;
	(pc) =	sbr.abs _section_cstart, $3  }
0xc0: {  	[dreg:$0x1] =	wrdreg $0xFFFFFFFF  }
0xc1: {  	_ =	task.clear_ibuf [dreg:s6], $0x2FFFF;
	_ =	strace $0x9FFFFFFF  }
0xc2: {  	(tm) =	ssettm $0x7FFFFFFF  }
0xc3: {  	_ =	shalt  }
tec
execute0_lowered:
.L_overlay_start_1:
0x0: {  	(tag) =	ssettag $0x1  }
0x1: {  	s0 =	rddreg [dreg:$0x0]  }
0x2: {  	s2 =	rddreg [dreg:$0x1];
	s1 =	simm.s32 $0x0  }
0x3: {  	s12 =	stileid.u32;
	s3 =	srdreg.scid;
	s31 =	simm.s32 $0x7  }
0x4: {  	s28 =	simm.s32 $0x80;
	s30 =	simm.s32 $0x100;
	s16 =	smul.u32 $0x1450, s12  }
0x5: {  	[smem:$0x7FF] =	sst s1;
	s6 =	sadd.s32 $0x58C00, s0;
	s18 =	smul.u32 $0x4E000, s12  }
0x6: {  	s3 =	sand.u32 $0x1, s3;
	s7 =	sadd.s32 $0xAA00, s0;
	s20 =	smul.u32 $0x27000, s12  }
0x7: {  	s5 =	sadd.s32 $0x37F000, s0;
	s11 =	smul.u32 $0x145000, s12;
	p0 =	sne.s32 s12, $0xF  }
0x8: {  	s12 =	simm.s32 $0x1;
	_ =	strace $0x80000047;
	s8 =	ssub.s32 $0x2, s3  }
0x9: {  	s21 =	sshll.u32 s3, $0xA;
	s3 =	sshll.u32 s3, $0x7;
	s4 =	sshrl.u32 s16, $0x3  }
0xa: {  	s10 =	sshrl.u32 s8, $0x1;
	s22 =	sor.u32 s21, s20;
	s23 =	sadd.s32 s3, s6  }
0xb: {  	s11 =	sor.u32 s21, s11;
	s1 =	sshll.u32 s16, $0x8;
	s3 =	sadd.s32 s3, s7  }
0xc: {  	s9 =	sadd.s32 s4, s0;
	s4 =	sadd.s32 $0xF5000, s0;
	s17 =	ssub.s32 s8, s10  }
0xd: {  	s8 =	sshrl.u32 s18, $0x2;
	s24 =	sadd.s32 $0x4E000, s23;
	s25 =	sadd.s32 $0x13B000, s11  }
0xe: {  	s26 =	sadd.s32 $0x140000, s11;
	s3 =	sadd.s32 $0x4E000, s3;
	s1 =	sor.u32 s21, s1  }
0xf: {  	s18 =	sadd.s32 $0xA000, s11;
	s23 =	sadd.s32 $0x14000, s11;
	s10 =	simm.s32 $0x5100  }
0x10: {  	s19 =	sadd.s32 $0x8000, s9;
	s9 =	sadd.s32 $0x5600, s9;
	[dreg:$0x7] =	wrdreg s24  }
0x11: {  	s8 =	sadd.s32 s8, s2;
	[dreg:$0xb] =	wrdreg s3;
	s0 =	smax.u32 s17, $0x1  }
0x12: {  	s17 =	sadd.s32 $0x5000, s1;
	s1 =	sshrl.u32 s18, $0x3;
	[dreg:$0x3] =	wrdreg s19  }
0x13: {  	s24 =	sadd.s32 $0x19000, s11;
	s18 =	simm.s32 $0x3;
	[dreg:$0x4] =	wrdreg s9  }
0x14: {  	[dreg:$0x5] =	wrdreg s8;
	s8 =	sshrl.u32 s22, $0x3;
	s9 =	sshrl.u32 s26, $0x3  }
0x15: {  	[dreg:$0xe] =	wrdreg s0;
	s19 =	sshrl.u32 s11, $0x3;
	s22 =	sadd.s32 s4, s1  }
0x16: {  	s0 =	sshrl.u32 s17, $0x3;
	s1 =	sadd.s32 s5, s1;
	[dreg:$0x11] =	wrdreg s22  }
0x17: {  	s26 =	sadd.s32 $0x138000, s2;
	s17 =	simm.s32 $0x5;
	[dreg:$0x14] =	wrdreg s1  }
0x18: {  	s6 =	sadd.s32 s6, s8;
	s14 =	sadd.s32 s4, s9;
	[dreg:$0x17] =	wrdreg s26  }
0x19: {  	s7 =	sadd.s32 s7, s8;
	s16 =	sadd.s32 s5, s9;
	[dreg:$0x6] =	wrdreg s6  }
0x1a: {  	s20 =	sadd.s32 s4, s19;
	s21 =	sadd.s32 s4, s0;
	[dreg:$0x9] =	wrdreg s14  }
0x1b: {  	s3 =	sadd.s32 s5, s19;
	s0 =	sadd.s32 s5, s0;
	[dreg:$0xa] =	wrdreg s7  }
0x1c: {  	s1 =	sshrl.u32 s24, $0x3;
	s24 =	sadd.s32 $0xF000, s11;
	[dreg:$0xd] =	wrdreg s16  }
0x1d: {  	s26 =	simm.s32 $0x8;
	s8 =	simm.s32 $0x50;
	[dreg:$0xf] =	wrdreg s20  }
0x1e: {  	s9 =	simm.s32 $0x2900;
	s11 =	simm.s32 $0x7900;
	[dreg:$0x10] =	wrdreg s21  }
0x1f: {  	s19 =	simm.s32 $0x6;
	s6 =	sshrl.u32 s25, $0x3;
	[dreg:$0x12] =	wrdreg s3  }
0x20: {  	[dreg:$0x13] =	wrdreg s0;
	s0 =	sshrl.u32 s23, $0x3;
	s13 =	sadd.s32 s4, s6  }
0x21: {  	s3 =	sadd.s32 s1, s4;
	s15 =	sadd.s32 s5, s6;
	[dreg:$0x8] =	wrdreg s13  }
0x22: {  	s29 =	sadd.s32 s1, s5;
	s25 =	sadd.s32 s0, s4;
	[dreg:$0xc] =	wrdreg s15  }
0x23: {  	s14 =	simm.s32 $0x800;
	s0 =	sadd.s32 s0, s5;
	[dreg:$0x15] =	wrdreg s25  }
0x24: {  	s16 =	simm.s32 $0x2;
	s20 =	simm.s32 $0x0;
	[dreg:$0x16] =	wrdreg s0  }
0x25: {  	s25 =	simm.s32 $0x1480;
	s13 =	simm.s32 $0x400;
	s15 =	simm.s32 $0x4  }
.LBB2_1:
0x26: {  	s7 =	simm.s32 $0x0;
	s0 =	rddreg [dreg:$0x3]  }
0x27: {  	[tilespmem:s7], [sflag:$0x7] =	stream.linear.gather [hbm4b:s0+s7], $0x1450, $0x38;
	[tilespmem:$0x1D980] =	vst v63  }
0x28: {  	_ =	swait.ge [sflag:s31], $0x1450  }
0x29: {  	[sflag:s31] =	ssyncset.done $0x0  }
0x2a: {  	s22 =	stileid.u32;
	s21 =	rddreg [dreg:$0x4];
	[sflag:s31] =	ssyncadd.s32 $0xFFFFEBB0  }
0x2b: {  	[tilespmem:s25], [sflag:$0x7] =	stream.linear.gather [hbm4b:s21+s7], $0x1450, $0x38;
	[tilespmem:$0x1D980] =	vst v63  }
0x2c: {  	s0 =	sshll.u32 s22, $0x6;
	_ =	swait.ge [sflag:s31], $0x1450  }
0x2d: {  	s21 =	sor.u32 $0x1C07, s0;
	[sflag:s31] =	ssyncset.done $0x0;
	s23 =	rddreg [dreg:$0x5]  }
0x2e: {  	s25 =	rddreg [dreg:$0x6];
	[sflag:s31] =	ssyncadd.s32 $0xFFFFEBB0;
	s23 =	sshrl.u32 s23, $0x3  }
0x2f: {  	[spmem:s23@s28], [sflag:s21] =	dma.strided [hbm:s25@s30], $0x2700, s26, $0x10   }
0x30: {  	_ =	swait.ge [sflag:s31], $0x2700  }
0x31: {  	s1 =	simm.s32 @!p0 $0x80;
	s0 =	rddreg [dreg:$0x17]  }
0x32: {  	s6 =	simm.s32 @!p0 $0x100;
	[sflag:s31] =	ssyncset.done $0x0;
	s25 =	rddreg [dreg:$0x7]  }
0x33: {  	[sflag:s31] =	ssyncadd.s32 $0xFFFFD900;
	s22 =	sshrl.u32 @!p0 s0, $0x3;
	s0 =	simm.s32 @!p0 $0x8  }
0x34: {  	[spmem:s22@s1], [sflag:s21] =	dma.strided @!p0 [hbm:s25@s6], $0x100, s0, $0x10   }
0x35: {  	s0 =	simm.s32 @!p0 $0x7  }
0x36: {  	_ =	swait.ge @!p0 [sflag:s0], $0x100  }
0x37: {  	[sflag:s0] =	ssyncset.done @!p0 $0x0  }
0x38: {  	[sflag:s0] =	ssyncadd.s32 @!p0 $0xFFFFFF00  }
0x39: {  	[bflag:$0x0] =	sbarrier.arrive $0xFFFF  }
0x3a: {  	[tilespmem:s9], [sflag:$0x1] =	stream.indirect.gather [spmem:s2], $0x80, s7, s8, $0xb8;
	[tilespmem:$0x1D980] =	vst v63  }
0x3b: {  	_ = 	snop  }
0x3c: {  	[tilespmem:s10], [sflag:$0x2] =	stream.indirect.gather [spmem:s2], $0x80, s8, s8, $0xb8;
	[tilespmem:$0x1D980] =	vst v63  }
0x3d: {  	s26 =	simm.s32 $0xA0  }
0x3e: {  	[tilespmem:s11], [sflag:$0x3] =	stream.indirect.gather [spmem:s2], $0x80, s26, s8, $0xb8;
	[tilespmem:$0x1D980] =	vst v63  }
0x3f: {  	_ =	swait.ge [sflag:s12], $0x2800  }
0x40: {  	[sflag:s12] =	ssyncset.done $0x0  }
0x41: {  	s1 =	rddreg [dreg:$0xf];
	[sflag:s12] =	ssyncadd.s32 $0xFFFFD800  }
0x42: {  	[hbm4b:s1+s13] =	stream.strided.scatter [tilespmem:s9], [sflag:$0x4], $0x2800, s14, s13, $0x38;
	[tilespmem:$0x1D980] =	vst v63  }
0x43: {  	_ =	swait.ge [sflag:s15], $0x2800  }
0x44: {  	[sflag:s15] =	ssyncset.done $0x0  }
0x45: {  	s6 =	simm.s32 $0xF0;
	[sflag:s15] =	ssyncadd.s32 $0xFFFFD800  }
0x46: {  	[tilespmem:s9], [sflag:$0x1] =	stream.indirect.gather [spmem:s2], $0x80, s6, s8, $0xb8;
	[tilespmem:$0x1D980] =	vst v63  }
0x47: {  	_ =	swait.ge [sflag:s16], $0x2800  }
0x48: {  	[sflag:s16] =	ssyncset.done $0x0  }
0x49: {  	s7 =	rddreg [dreg:$0x10];
	[sflag:s16] =	ssyncadd.s32 $0xFFFFD800  }
0x4a: {  	[hbm4b:s7+s13] =	stream.strided.scatter [tilespmem:s10], [sflag:$0x5], $0x2800, s14, s13, $0x38;
	[tilespmem:$0x1D980] =	vst v63  }
0x4b: {  	_ =	swait.ge [sflag:s17], $0x2800  }
0x4c: {  	[sflag:s17] =	ssyncset.done $0x0  }
0x4d: {  	s25 =	simm.s32 $0x140;
	[sflag:s17] =	ssyncadd.s32 $0xFFFFD800  }
0x4e: {  	[tilespmem:s10], [sflag:$0x2] =	stream.indirect.gather [spmem:s2], $0x80, s25, s8, $0xb8;
	[tilespmem:$0x1D980] =	vst v63  }
0x4f: {  	_ =	swait.ge [sflag:s18], $0x2800  }
0x50: {  	[sflag:s18] =	ssyncset.done $0x0  }
0x51: {  	s26 =	rddreg [dreg:$0x11];
	[sflag:s18] =	ssyncadd.s32 $0xFFFFD800  }
0x52: {  	[hbm4b:s26+s13] =	stream.strided.scatter [tilespmem:s11], [sflag:$0x6], $0x2800, s14, s13, $0x38;
	[tilespmem:$0x1D980] =	vst v63  }
0x53: {  	_ =	swait.ge [sflag:s19], $0x2800  }
0x54: {  	[sflag:s19] =	ssyncset.done $0x0  }
0x55: {  	s1 =	simm.s32 $0x190;
	[sflag:s19] =	ssyncadd.s32 $0xFFFFD800  }
0x56: {  	[tilespmem:s11], [sflag:$0x3] =	stream.indirect.gather [spmem:s2], $0x80, s1, s8, $0xb8;
	[tilespmem:$0x1D980] =	vst v63  }
0x57: {  	_ =	swait.ge [sflag:s12], $0x2800  }
0x58: {  	s0 =	sshrl.u32 s24, $0x3;
	[sflag:s12] =	ssyncset.done $0x0  }
0x59: {  	s6 =	sadd.s32 s4, s0;
	[sflag:s12] =	ssyncadd.s32 $0xFFFFD800  }
0x5a: {  	[hbm4b:s6+s13] =	stream.strided.scatter [tilespmem:s9], [sflag:$0x4], $0x2800, s14, s13, $0x38;
	[tilespmem:$0x1D980] =	vst v63  }
0x5b: {  	_ =	swait.ge [sflag:s15], $0x2800  }
0x5c: {  	[sflag:s15] =	ssyncset.done $0x0  }
0x5d: {  	s7 =	simm.s32 $0x1E0;
	[sflag:s15] =	ssyncadd.s32 $0xFFFFD800  }
0x5e: {  	[tilespmem:s9], [sflag:$0x1] =	stream.indirect.gather [spmem:s2], $0x80, s7, s8, $0xb8;
	[tilespmem:$0x1D980] =	vst v63  }
0x5f: {  	_ =	swait.ge [sflag:s16], $0x2800  }
0x60: {  	[sflag:s16] =	ssyncset.done $0x0  }
0x61: {  	s25 =	rddreg [dreg:$0x15];
	[sflag:s16] =	ssyncadd.s32 $0xFFFFD800  }
0x62: {  	[hbm4b:s25+s13] =	stream.strided.scatter [tilespmem:s10], [sflag:$0x5], $0x2800, s14, s13, $0x38;
	[tilespmem:$0x1D980] =	vst v63  }
0x63: {  	_ =	swait.ge [sflag:s17], $0x2800  }
0x64: {  	[sflag:s17] =	ssyncset.done $0x0  }
0x65: {  	s26 =	simm.s32 $0x230;
	[sflag:s17] =	ssyncadd.s32 $0xFFFFD800  }
0x66: {  	[tilespmem:s10], [sflag:$0x2] =	stream.indirect.gather [spmem:s2], $0x80, s26, s8, $0xb8;
	[tilespmem:$0x1D980] =	vst v63  }
0x67: {  	s30 =	sadd.s32 $0x1E00, s3;
	_ =	swait.ge [sflag:s18], $0x2800  }
0x68: {  	s28 =	smov.u32 s3;
	s1 =	simm.s32 $0x3C0;
	[sflag:s18] =	ssyncset.done $0x0  }
0x69: {  	s6 =	sadd.s32 $0xF000, s24;
	s7 =	sadd.s32 $0x1E00, s25;
	[sflag:s18] =	ssyncadd.s32 $0xFFFFD800  }
.LBB2_2:
0x6a: {  	[hbm4b:s28+s13] =	stream.strided.scatter [tilespmem:s11], [sflag:$0x6], $0x2800, s14, s13, $0x38;
	[tilespmem:$0x1D980] =	vst v63  }
0x6b: {  	s25 =	smov.u32 s1;
	s28 =	smov.u32 s30  }
0x6c: {  	p1 =	sne.s32 s1, $0x4740;
	s1 =	sadd.s32 $0x3C0, s1;
	_ =	swait.ge [sflag:s19], $0x2800  }
0x6d: {  	s25 =	sshra.s32 s25, $0x2;
	[sflag:s19] =	ssyncset.done $0x0  }
0x6e: {  	s26 =	sadd.s32 $0x190, s25;
	[sflag:s19] =	ssyncadd.s32 $0xFFFFD800  }
0x6f: {  	[tilespmem:s11], [sflag:$0x3] =	stream.indirect.gather [spmem:s2], $0x80, s26, s8, $0xb8;
	[tilespmem:$0x1D980] =	vst v63  }
0x70: {  	_ =	swait.ge [sflag:s12], $0x2800  }
0x71: {  	s26 =	sshrl.u32 s6, $0x3;
	[sflag:s12] =	ssyncset.done $0x0  }
0x72: {  	s26 =	sadd.s32 s4, s26;
	[sflag:s12] =	ssyncadd.s32 $0xFFFFD800  }
0x73: {  	[hbm4b:s26+s13] =	stream.strided.scatter [tilespmem:s9], [sflag:$0x4], $0x2800, s14, s13, $0x38;
	[tilespmem:$0x1D980] =	vst v63  }
0x74: {  	_ =	swait.ge [sflag:s15], $0x2800  }
0x75: {  	[sflag:s15] =	ssyncset.done $0x0  }
0x76: {  	s26 =	sadd.s32 $0x1E0, s25;
	[sflag:s15] =	ssyncadd.s32 $0xFFFFD800  }
0x77: {  	[tilespmem:s9], [sflag:$0x1] =	stream.indirect.gather [spmem:s2], $0x80, s26, s8, $0xb8;
	[tilespmem:$0x1D980] =	vst v63  }
0x78: {  	_ =	swait.ge [sflag:s16], $0x2800  }
0x79: {  	[sflag:s16] =	ssyncset.done $0x0  }
0x7a: {  	[sflag:s16] =	ssyncadd.s32 $0xFFFFD800  }
0x7b: {  	[hbm4b:s7+s13] =	stream.strided.scatter [tilespmem:s10], [sflag:$0x5], $0x2800, s14, s13, $0x38;
	[tilespmem:$0x1D980] =	vst v63  }
0x7c: {  	_ =	swait.ge [sflag:s17], $0x2800  }
0x7d: {  	[sflag:s17] =	ssyncset.done $0x0  }
.Ltmp0:
0x7e: {  	s25 =	sadd.s32 $0x230, s25;
	[sflag:s17] =	ssyncadd.s32 $0xFFFFD800;
	(pc) =	sbr.rel @p1 .LBB2_2-.Ltmp0, $4  }
0x7f: {  	[tilespmem:s10], [sflag:$0x2] =	stream.indirect.gather [spmem:s2], $0x80, s25, s8, $0xb8;
	[tilespmem:$0x1D980] =	vst v63  }
0x80: {  	_ =	swait.ge [sflag:s18], $0x2800  }
0x81: {  	s6 =	sadd.s32 $0xF000, s6;
	[sflag:s18] =	ssyncset.done $0x0  }
0x82: {  	s30 =	sadd.s32 $0x1E00, s30;
	s7 =	sadd.s32 $0x1E00, s7;
	[sflag:s18] =	ssyncadd.s32 $0xFFFFD800  }
0x83: {  	[hbm4b:s28+s13] =	stream.strided.scatter [tilespmem:s11], [sflag:$0x6], $0x2800, s14, s13, $0x38;
	[tilespmem:$0x1D980] =	vst v63  }
0x84: {  	_ =	swait.ge [sflag:s12], $0x2800  }
0x85: {  	[sflag:s12] =	ssyncset.done $0x0  }
0x86: {  	s1 =	rddreg [dreg:$0x8];
	[sflag:s12] =	ssyncadd.s32 $0xFFFFD800  }
0x87: {  	[hbm4b:s1+s13] =	stream.strided.scatter [tilespmem:s9], [sflag:$0x4], $0x2800, s14, s13, $0x38;
	[tilespmem:$0x1D980] =	vst v63  }
0x88: {  	_ =	swait.ge [sflag:s16], $0x2800  }
0x89: {  	[sflag:s16] =	ssyncset.done $0x0  }
0x8a: {  	s6 =	rddreg [dreg:$0x9];
	[sflag:s16] =	ssyncadd.s32 $0xFFFFD800  }
0x8b: {  	[hbm4b:s6+s13] =	stream.strided.scatter [tilespmem:s10], [sflag:$0x5], $0x2800, s14, s13, $0x38;
	[tilespmem:$0x1D980] =	vst v63  }
0x8c: {  	_ =	swait.ge [sflag:s19], $0x2800  }
0x8d: {  	[sflag:s19] =	ssyncset.done $0x0  }
0x8e: {  	[sflag:s19] =	ssyncadd.s32 $0xFFFFD800  }
0x8f: {  	_ =	swait.ge [sflag:s15], $0x2800  }
0x90: {  	[sflag:s15] =	ssyncset.done $0x0  }
0x91: {  	[sflag:s15] =	ssyncadd.s32 $0xFFFFD800  }
0x92: {  	_ =	swait.ge [sflag:s17], $0x2800  }
0x93: {  	[sflag:s17] =	ssyncset.done $0x0  }
0x94: {  	[sflag:s17] =	ssyncadd.s32 $0xFFFFD800  }
0x95: {  	s26 =	simm.s32 $0x8;
	[bflag:$0x0] =	sbarrier.arrive $0xFFFF  }
0x96: {  	s28 =	simm.s32 $0x80;
	s30 =	simm.s32 $0x100;
	s7 =	rddreg [dreg:$0xa]  }
0x97: {  	[spmem:s23@s28], [sflag:s21] =	dma.strided [hbm:s7@s30], $0x2700, s26, $0x10   }
0x98: {  	_ =	swait.ge [sflag:s31], $0x2700  }
0x99: {  	s1 =	simm.s32 @!p0 $0x8;
	s6 =	simm.s32 @!p0 $0x80;
	[sflag:s31] =	ssyncset.done $0x0  }
0x9a: {  	s7 =	simm.s32 @!p0 $0x100;
	s23 =	rddreg [dreg:$0xb];
	[sflag:s31] =	ssyncadd.s32 $0xFFFFD900  }
0x9b: {  	[spmem:s22@s6], [sflag:s21] =	dma.strided @!p0 [hbm:s23@s7], $0x100, s1, $0x10   }
0x9c: {  	s1 =	simm.s32 @!p0 $0x7  }
0x9d: {  	_ =	swait.ge @!p0 [sflag:s1], $0x100  }
0x9e: {  	[sflag:s1] =	ssyncset.done @!p0 $0x0  }
0x9f: {  	[sflag:s1] =	ssyncadd.s32 @!p0 $0xFFFFFF00  }
0xa0: {  	s25 =	simm.s32 $0x1480;
	[bflag:$0x0] =	sbarrier.arrive $0xFFFF  }
0xa1: {  	[tilespmem:s9], [sflag:$0x1] =	stream.indirect.gather [spmem:s2], $0x80, s25, s8, $0xb8;
	[tilespmem:$0x1D980] =	vst v63  }
0xa2: {  	s23 =	simm.s32 $0x14D0  }
0xa3: {  	[tilespmem:s10], [sflag:$0x2] =	stream.indirect.gather [spmem:s2], $0x80, s23, s8, $0xb8;
	[tilespmem:$0x1D980] =	vst v63  }
0xa4: {  	s6 =	simm.s32 $0x1520  }
0xa5: {  	[tilespmem:s11], [sflag:$0x3] =	stream.indirect.gather [spmem:s2], $0x80, s6, s8, $0xb8;
	[tilespmem:$0x1D980] =	vst v63  }
0xa6: {  	_ =	swait.ge [sflag:s12], $0x2800  }
0xa7: {  	[sflag:s12] =	ssyncset.done $0x0  }
0xa8: {  	s7 =	rddreg [dreg:$0x12];
	[sflag:s12] =	ssyncadd.s32 $0xFFFFD800  }
0xa9: {  	[hbm4b:s7+s13] =	stream.strided.scatter [tilespmem:s9], [sflag:$0x4], $0x2800, s14, s13, $0x38;
	[tilespmem:$0x1D980] =	vst v63  }
0xaa: {  	_ =	swait.ge [sflag:s15], $0x2800  }
0xab: {  	[sflag:s15] =	ssyncset.done $0x0  }
0xac: {  	s21 =	simm.s32 $0x1570;
	[sflag:s15] =	ssyncadd.s32 $0xFFFFD800  }
0xad: {  	[tilespmem:s9], [sflag:$0x1] =	stream.indirect.gather [spmem:s2], $0x80, s21, s8, $0xb8;
	[tilespmem:$0x1D980] =	vst v63  }
0xae: {  	_ =	swait.ge [sflag:s16], $0x2800  }
0xaf: {  	[sflag:s16] =	ssyncset.done $0x0  }
0xb0: {  	s22 =	rddreg [dreg:$0x13];
	[sflag:s16] =	ssyncadd.s32 $0xFFFFD800  }
0xb1: {  	[hbm4b:s22+s13] =	stream.strided.scatter [tilespmem:s10], [sflag:$0x5], $0x2800, s14, s13, $0x38;
	[tilespmem:$0x1D980] =	vst v63  }
0xb2: {  	_ =	swait.ge [sflag:s17], $0x2800  }
0xb3: {  	[sflag:s17] =	ssyncset.done $0x0  }
0xb4: {  	s23 =	simm.s32 $0x15C0;
	[sflag:s17] =	ssyncadd.s32 $0xFFFFD800  }
0xb5: {  	[tilespmem:s10], [sflag:$0x2] =	stream.indirect.gather [spmem:s2], $0x80, s23, s8, $0xb8;
	[tilespmem:$0x1D980] =	vst v63  }
0xb6: {  	_ =	swait.ge [sflag:s18], $0x2800  }
0xb7: {  	[sflag:s18] =	ssyncset.done $0x0  }
0xb8: {  	s6 =	rddreg [dreg:$0x14];
	[sflag:s18] =	ssyncadd.s32 $0xFFFFD800  }
0xb9: {  	[hbm4b:s6+s13] =	stream.strided.scatter [tilespmem:s11], [sflag:$0x6], $0x2800, s14, s13, $0x38;
	[tilespmem:$0x1D980] =	vst v63  }
0xba: {  	_ =	swait.ge [sflag:s19], $0x2800  }
0xbb: {  	[sflag:s19] =	ssyncset.done $0x0  }
0xbc: {  	s7 =	simm.s32 $0x1610;
	[sflag:s19] =	ssyncadd.s32 $0xFFFFD800  }
0xbd: {  	[tilespmem:s11], [sflag:$0x3] =	stream.indirect.gather [spmem:s2], $0x80, s7, s8, $0xb8;
	[tilespmem:$0x1D980] =	vst v63  }
0xbe: {  	_ =	swait.ge [sflag:s12], $0x2800  }
0xbf: {  	[sflag:s12] =	ssyncset.done $0x0  }
0xc0: {  	s0 =	sadd.s32 s5, s0;
	[sflag:s12] =	ssyncadd.s32 $0xFFFFD800  }
0xc1: {  	[hbm4b:s0+s13] =	stream.strided.scatter [tilespmem:s9], [sflag:$0x4], $0x2800, s14, s13, $0x38;
	[tilespmem:$0x1D980] =	vst v63  }
0xc2: {  	_ =	swait.ge [sflag:s15], $0x2800  }
0xc3: {  	[sflag:s15] =	ssyncset.done $0x0  }
0xc4: {  	s21 =	simm.s32 $0x1660;
	[sflag:s15] =	ssyncadd.s32 $0xFFFFD800  }
0xc5: {  	[tilespmem:s9], [sflag:$0x1] =	stream.indirect.gather [spmem:s2], $0x80, s21, s8, $0xb8;
	[tilespmem:$0x1D980] =	vst v63  }
0xc6: {  	_ =	swait.ge [sflag:s16], $0x2800  }
0xc7: {  	[sflag:s16] =	ssyncset.done $0x0  }
0xc8: {  	s22 =	rddreg [dreg:$0x16];
	[sflag:s16] =	ssyncadd.s32 $0xFFFFD800  }
0xc9: {  	[hbm4b:s22+s13] =	stream.strided.scatter [tilespmem:s10], [sflag:$0x5], $0x2800, s14, s13, $0x38;
	[tilespmem:$0x1D980] =	vst v63  }
0xca: {  	_ =	swait.ge [sflag:s17], $0x2800  }
0xcb: {  	[sflag:s17] =	ssyncset.done $0x0  }
0xcc: {  	s23 =	simm.s32 $0x16B0;
	[sflag:s17] =	ssyncadd.s32 $0xFFFFD800  }
0xcd: {  	[tilespmem:s10], [sflag:$0x2] =	stream.indirect.gather [spmem:s2], $0x80, s23, s8, $0xb8;
	[tilespmem:$0x1D980] =	vst v63  }
0xce: {  	s1 =	sadd.s32 $0xF000, s24;
	_ =	swait.ge [sflag:s18], $0x2800  }
0xcf: {  	s7 =	sadd.s32 $0x1E00, s29;
	s0 =	simm.s32 $0x3C0;
	[sflag:s18] =	ssyncset.done $0x0  }
0xd0: {  	s21 =	smov.u32 s29;
	s6 =	sadd.s32 $0x1E00, s22;
	[sflag:s18] =	ssyncadd.s32 $0xFFFFD800  }
.LBB2_4:
0xd1: {  	[hbm4b:s21+s13] =	stream.strided.scatter [tilespmem:s11], [sflag:$0x6], $0x2800, s14, s13, $0x38;
	[tilespmem:$0x1D980] =	vst v63  }
0xd2: {  	s22 =	smov.u32 s0;
	s21 =	smov.u32 s7  }
0xd3: {  	p1 =	sne.s32 s0, $0x4740;
	s0 =	sadd.s32 $0x3C0, s0;
	_ =	swait.ge [sflag:s19], $0x2800  }
0xd4: {  	s22 =	sshra.s32 s22, $0x2;
	[sflag:s19] =	ssyncset.done $0x0  }
0xd5: {  	s23 =	sadd.s32 $0x1610, s22;
	[sflag:s19] =	ssyncadd.s32 $0xFFFFD800  }
0xd6: {  	[tilespmem:s11], [sflag:$0x3] =	stream.indirect.gather [spmem:s2], $0x80, s23, s8, $0xb8;
	[tilespmem:$0x1D980] =	vst v63  }
0xd7: {  	_ =	swait.ge [sflag:s12], $0x2800  }
0xd8: {  	s23 =	sshrl.u32 s1, $0x3;
	[sflag:s12] =	ssyncset.done $0x0  }
0xd9: {  	s23 =	sadd.s32 s5, s23;
	[sflag:s12] =	ssyncadd.s32 $0xFFFFD800  }
0xda: {  	[hbm4b:s23+s13] =	stream.strided.scatter [tilespmem:s9], [sflag:$0x4], $0x2800, s14, s13, $0x38;
	[tilespmem:$0x1D980] =	vst v63  }
0xdb: {  	_ =	swait.ge [sflag:s15], $0x2800  }
0xdc: {  	[sflag:s15] =	ssyncset.done $0x0  }
0xdd: {  	s23 =	sadd.s32 $0x1660, s22;
	[sflag:s15] =	ssyncadd.s32 $0xFFFFD800  }
0xde: {  	[tilespmem:s9], [sflag:$0x1] =	stream.indirect.gather [spmem:s2], $0x80, s23, s8, $0xb8;
	[tilespmem:$0x1D980] =	vst v63  }
0xdf: {  	_ =	swait.ge [sflag:s16], $0x2800  }
0xe0: {  	[sflag:s16] =	ssyncset.done $0x0  }
0xe1: {  	[sflag:s16] =	ssyncadd.s32 $0xFFFFD800  }
0xe2: {  	[hbm4b:s6+s13] =	stream.strided.scatter [tilespmem:s10], [sflag:$0x5], $0x2800, s14, s13, $0x38;
	[tilespmem:$0x1D980] =	vst v63  }
0xe3: {  	_ =	swait.ge [sflag:s17], $0x2800  }
0xe4: {  	[sflag:s17] =	ssyncset.done $0x0  }
.Ltmp1:
0xe5: {  	s22 =	sadd.s32 $0x16B0, s22;
	[sflag:s17] =	ssyncadd.s32 $0xFFFFD800;
	(pc) =	sbr.rel @p1 .LBB2_4-.Ltmp1, $4  }
0xe6: {  	[tilespmem:s10], [sflag:$0x2] =	stream.indirect.gather [spmem:s2], $0x80, s22, s8, $0xb8;
	[tilespmem:$0x1D980] =	vst v63  }
0xe7: {  	_ =	swait.ge [sflag:s18], $0x2800  }
0xe8: {  	s1 =	sadd.s32 $0xF000, s1;
	[sflag:s18] =	ssyncset.done $0x0  }
0xe9: {  	s7 =	sadd.s32 $0x1E00, s7;
	s6 =	sadd.s32 $0x1E00, s6;
	[sflag:s18] =	ssyncadd.s32 $0xFFFFD800  }
0xea: {  	[hbm4b:s21+s13] =	stream.strided.scatter [tilespmem:s11], [sflag:$0x6], $0x2800, s14, s13, $0x38;
	[tilespmem:$0x1D980] =	vst v63  }
0xeb: {  	_ =	swait.ge [sflag:s12], $0x2800  }
0xec: {  	[sflag:s12] =	ssyncset.done $0x0  }
0xed: {  	s0 =	rddreg [dreg:$0xc];
	[sflag:s12] =	ssyncadd.s32 $0xFFFFD800  }
0xee: {  	[hbm4b:s0+s13] =	stream.strided.scatter [tilespmem:s9], [sflag:$0x4], $0x2800, s14, s13, $0x38;
	[tilespmem:$0x1D980] =	vst v63  }
0xef: {  	_ =	swait.ge [sflag:s16], $0x2800  }
0xf0: {  	[sflag:s16] =	ssyncset.done $0x0  }
0xf1: {  	s22 =	rddreg [dreg:$0xd];
	[sflag:s16] =	ssyncadd.s32 $0xFFFFD800  }
0xf2: {  	[hbm4b:s22+s13] =	stream.strided.scatter [tilespmem:s10], [sflag:$0x5], $0x2800, s14, s13, $0x38;
	[tilespmem:$0x1D980] =	vst v63  }
0xf3: {  	_ =	swait.ge [sflag:s19], $0x2800  }
0xf4: {  	[sflag:s19] =	ssyncset.done $0x0  }
0xf5: {  	[sflag:s19] =	ssyncadd.s32 $0xFFFFD800  }
0xf6: {  	_ =	swait.ge [sflag:s15], $0x2800  }
0xf7: {  	[sflag:s15] =	ssyncset.done $0x0  }
0xf8: {  	[sflag:s15] =	ssyncadd.s32 $0xFFFFD800  }
0xf9: {  	_ =	swait.ge [sflag:s17], $0x2800  }
0xfa: {  	s20 =	sadd.s32 $0x1, s20;
	s23 =	rddreg [dreg:$0xe]  }
0xfb: {  	p1 =	sne.s32 s20, s23  }
.Ltmp2:
0xfc: {  	_ = 	snop;
	(pc) =	sbr.rel @p1 .LBB2_1-.Ltmp2, $3  }
0xfd: {  	_ =	sdelay $0x1  }
0xfe: {  	[sflag:s17] =	ssyncset.done $0x0  }
0xff: {  	[sflag:s17] =	ssyncadd.s32 $0xFFFFD800  }
0x100: {  	_ =	sfence.sel $0x180000  }
0x101: {  	[bflag:$0x0] =	sbarrier.arrive $0xFFFF  }
0x102: {  	_ =	strace $0x90000047  }
0x103: {  	s0 =	stileid.u32;
	[bflag:$0x2] =	sbarrier.arrive $0xFFFF  }
0x104: {  	p0 =	sne.s32 s0, $0x0;
	s0 =	rddreg [dreg:$0x2]  }
0x105: {  	s0 =	sadd.s32 @!p0 $0x100000, s0  }
0x106: {  	[sflag:s0] =	ssyncadd.tile.s32 @!p0 $0x1;
	_ =	shalt  }
.Lfunc_end2:
_tile_overlayer_lowered:
.L_overlay_start_2:
0x107: {  	(tag) =	ssettag $0x2  }
0x108: {  	s0 =	rddreg [dreg:$0x0];
	s2 =	stileid.u32  }
0x109: {  	s1 =	rddreg [dreg:$0x1];
	p0 =	sne.s32 s2, $0x0  }
0x10a: {  	s3 =	rddreg [dreg:$0x2];
	[bflag:$0x3] =	sbarrier.arrive $0xFFFF;
	s2 =	simm.s32 @!p0 $0x1C07  }
0x10b: {  	[timem:s3], [sflag:s2] =	dma.local @!p0 [hbm:s0], s1  }
0x10c: {  	s0 =	simm.s32 @!p0 $0x7  }
0x10d: {  	_ =	swait.ge @!p0 [sflag:s0], s1  }
0x10e: {  	s1 =	ssub.s32 @!p0 $0x0, s1;
	[sflag:s0] =	ssyncset.done @!p0 $0x0  }
0x10f: {  	[sflag:s0] =	ssyncadd.s32 @!p0 s1  }
0x110: {  	[bflag:$0x3] =	sbarrier.arrive $0xFFFF  }
0x111: {  	_ =	shalt  }

// kernel: _run.14.cloned.1.call-start
scs
__scs_entry_jumppad:
0x0: {  	(pc) =	sbr.rel $0x88, $3  }
0x1: {  	(tag) =	ssettag $0x0;
	lr =	simm.s32 $0x1  }
0x2: {  	[smem:$0x3F8E] =	sst lr;
	_ =	strace $0xD0000000  }
0x3: {  	_ = 	snop  }
0x4: {  	_ = 	snop  }
0x5: {  	_ = 	snop  }
0x6: {  	_ = 	snop  }
0x7: {  	_ = 	snop  }
__scs_overlays_trampoline_lowered:
0x8: {  	[smem:$0x3F9D] =	sst s0  }
0x9: {  	[smem:$0x3F9E] =	sst s1  }
0xa: {  	[smem:$0x3F9F] =	sst s2  }
0xb: {  	[smem:$0x3FA0] =	sst s3  }
0xc: {  	[smem:$0x3FA1] =	sst s4  }
0xd: {  	[smem:$0x3FA2] =	sst s5  }
0xe: {  	[smem:$0x3FA3] =	sst s6  }
0xf: {  	[smem:$0x3FA4] =	sst s7  }
0x10: {  	[smem:$0x3FA5] =	sst s8  }
0x11: {  	[smem:$0x3FA6] =	sst s9;
	s0 =	simm.s32 @!p0 $0x0  }
0x12: {  	s1 =	sld [smem:$0x3F8C];
	s0 =	simm.s32 @p0 $0x1  }
0x13: {  	[smem:$0x3FA7] =	sst s0;
	s0 =	simm.s32 @!p1 $0x0  }
0x14: {  	s2 =	sld [smem:$0x3F8B];
	s0 =	simm.s32 @p1 $0x1  }
0x15: {  	[smem:$0x3FA8] =	sst s0;
	s0 =	simm.s32 @!p2 $0x0  }
0x16: {  	s3 =	sld [smem:$0x3FDB];
	s0 =	simm.s32 @p2 $0x1  }
0x17: {  	s4 =	simm.s32 $0x1BF5;
	[smem:$0x3FAA] =	sst s0  }
0x18: {  	s0 =	sld [smem:$0x3F8D];
	_ =	swait.ge [sflag:s4], $0x0  }
0x19: {  	s7 =	sld [smem:$0x3F8E]  }
0x1a: {  	s8 =	sadd.s32 $0xFFFFE003, lr  }
0x1b: {  	s9 =	sadd.s32 $0xFFFFFEF7, lr;
	s5 =	simm.s32 $0xFFFFFFFF;
	p2 =	slt.u32 s8, $0xFFFFF086  }
0x1c: {  	p1 =	slt.u32 s9, $0xF7A;
	s5 =	simm.s32 @!p2 $0x0  }
0x1d: {  	s5 =	simm.s32 @p1 $0x1;
	p0 =	seq.s32 s7, s2  }
0x1e: {  	s7 =	smul.u32 @!p0 $0xF7A, s2;
	p2 =	seq.s32 @!p0 s5, $0x0  }
0x1f: {  	s9 =	smul.u32 $0xF7A, s1;
	s8 =	simm.s32 @!p0 $0x1BF5;
	p2 =	por !p2, p0  }
0x20: {  	[sflag:s8] =	ssyncset.s32 @!p0 $0xFFFFF086;
	s6 =	sadd.s32 @!p0 s3, s7;
	s7 =	simm.s32 @!p0 $0x108  }
0x21: {  	s3 =	sadd.s32 s3, s9;
	s6 =	sadd.s32 @!p0 $0x88, s6;
	s7 =	simm.s32 @p2 $0x1082  }
0x22: {  	[simem:s7], [sflag:s8] =	dma.local @!p0 [hbm:s6], $0xF7A  }
0x23: {  	s9 =	sor.u32 $0xD0000000, s2;
	s6 =	simm.s32 $0x108;
	_ =	swait.ge @!p0 [sflag:s8], $0x0  }
0x24: {  	s3 =	sadd.s32 $0x88, s3;
	s6 =	simm.s32 @!p1 $0x1082;
	[sflag:s4] =	ssyncset.s32 $0xFFFFF086  }
0x25: {  	[simem:s6], [sflag:s4] =	dma.local [hbm:s3], $0xF7A  }
0x26: {  	[smem:$0x3F8E] =	sst s1;
	(tag) =	ssettag s2;
	_ =	strace s9  }
0x27: {  	s1 =	sld [smem:$0x3F9E]  }
0x28: {  	s2 =	sld [smem:$0x3F9F]  }
0x29: {  	s4 =	sld [smem:$0x3FA1]  }
0x2a: {  	p0 =	seq.s32 s5, $0x0;
	s5 =	sld [smem:$0x3FA2]  }
0x2b: {  	s6 =	sld [smem:$0x3FA3]  }
0x2c: {  	s7 =	sld [smem:$0x3FA4]  }
0x2d: {  	s3 =	simm.s32 $0x108;
	s8 =	sld [smem:$0x3FA5]  }
0x2e: {  	s3 =	simm.s32 @!p0 $0x1082;
	s9 =	sld [smem:$0x3FA6]  }
0x2f: {  	lr =	sadd.s32 s0, s3;
	s0 =	sld [smem:$0x3F9D]  }
0x30: {  	s3 =	sld [smem:$0x3FA0]  }
0x31: {  	[smem:$0x3FA9] =	sst s10  }
0x32: {  	s10 =	sld [smem:$0x3FA7];
	_ =	sdelay $0x3  }
0x33: {  	p0 =	seq.s32 s10, $0x1;
	s10 =	sld [smem:$0x3FA9];
	_ =	sdelay $0x3  }
0x34: {  	[smem:$0x3FA9] =	sst s10  }
0x35: {  	s10 =	sld [smem:$0x3FA8];
	_ =	sdelay $0x3  }
0x36: {  	p1 =	seq.s32 s10, $0x1;
	s10 =	sld [smem:$0x3FA9];
	_ =	sdelay $0x3  }
0x37: {  	[smem:$0x3FA9] =	sst s10  }
0x38: {  	s10 =	sld [smem:$0x3FAA]  }
0x39: {  	_ = 	snop;
	(pc) =	sbr.ind lr, $3  }
0x3a: {  	_ = 	snop  }
0x3b: {  	_ = 	snop  }
0x3c: {  	p2 =	seq.s32 s10, $0x1;
	s10 =	sld [smem:$0x3FA9]  }
0x3d: {  	_ =	shalt  }
0x3e: {  	_ =	shalt  }
0x3f: {  	_ =	shalt  }
0x40: {  	_ =	shalt  }
0x41: {  	_ =	shalt  }
0x42: {  	_ =	shalt  }
0x43: {  	_ =	shalt  }
0x44: {  	_ =	shalt  }
0x45: {  	_ =	shalt  }
0x46: {  	_ =	shalt  }
0x47: {  	_ =	shalt  }
0x48: {  	_ =	shalt  }
0x49: {  	_ =	shalt  }
0x4a: {  	_ =	shalt  }
0x4b: {  	_ =	shalt  }
0x4c: {  	_ =	shalt  }
0x4d: {  	_ =	shalt  }
0x4e: {  	_ =	shalt  }
0x4f: {  	_ =	shalt  }
0x50: {  	_ =	shalt  }
0x51: {  	_ =	shalt  }
0x52: {  	_ =	shalt  }
0x53: {  	_ =	shalt  }
0x54: {  	_ =	shalt  }
0x55: {  	_ =	shalt  }
0x56: {  	_ =	shalt  }
0x57: {  	_ =	shalt  }
0x58: {  	_ =	shalt  }
0x59: {  	_ =	shalt  }
0x5a: {  	_ =	shalt  }
0x5b: {  	_ =	shalt  }
0x5c: {  	_ =	shalt  }
0x5d: {  	_ =	shalt  }
0x5e: {  	_ =	shalt  }
0x5f: {  	_ =	shalt  }
0x60: {  	_ =	shalt  }
0x61: {  	_ =	shalt  }
0x62: {  	_ =	shalt  }
0x63: {  	_ =	shalt  }
0x64: {  	_ =	shalt  }
0x65: {  	_ =	shalt  }
0x66: {  	_ =	shalt  }
0x67: {  	_ =	shalt  }
0x68: {  	_ =	shalt  }
0x69: {  	_ =	shalt  }
0x6a: {  	_ =	shalt  }
0x6b: {  	_ =	shalt  }
0x6c: {  	_ =	shalt  }
0x6d: {  	_ =	shalt  }
0x6e: {  	_ =	shalt  }
0x6f: {  	_ =	shalt  }
0x70: {  	_ =	shalt  }
0x71: {  	_ =	shalt  }
0x72: {  	_ =	shalt  }
0x73: {  	_ =	shalt  }
0x74: {  	_ =	shalt  }
0x75: {  	_ =	shalt  }
0x76: {  	_ =	shalt  }
0x77: {  	_ =	shalt  }
0x78: {  	_ =	shalt  }
0x79: {  	_ =	shalt  }
0x7a: {  	_ =	shalt  }
0x7b: {  	_ =	shalt  }
0x7c: {  	_ =	shalt  }
0x7d: {  	_ =	shalt  }
0x7e: {  	_ =	shalt  }
0x7f: {  	_ =	shalt  }
0x80: {  	_ =	shalt  }
0x81: {  	_ =	shalt  }
0x82: {  	_ =	shalt  }
0x83: {  	_ =	shalt  }
0x84: {  	_ =	shalt  }
0x85: {  	_ =	shalt  }
0x86: {  	_ =	shalt  }
0x87: {  	_ =	shalt  }
.Lfunc_end0:
.L_simem_size_0:
called_computation.1_lowered:
.L_overlay_start_0:
0x88: {  	s2 =	sld [smem:$0x3FD9]  }
0x89: {  	s3 =	sld [smem:$0x3FFE];
	_ =	sdelay $0x1  }
0x8a: {  	s1 =	srdreg.scid  }
0x8b: {  	s0 =	sand.u32 $0x1, s1  }
0x8c: {  	s17 =	sshll.u32 s0, $0xA;
	s2 =	sadd.s32 s3, s2  }
0x8d: {  	s2 =	sadd.s32 s2, s17  }
0x8e: {  	[smem:$0x3FB5] =	sst s2  }
0x8f: {  	_ = 	snop  }
0x90: {  	(tm) =	ssettm $0x1  }
0x91: {  	s18 =	sld [smem:$0x3FFB];
	_ =	sdelay $0x3  }
0x92: {  	_ =	strace s18  }
0x93: {  	s2 =	sld [smem:$0x3FFC];
	_ =	sdelay $0x3  }
0x94: {  	_ =	strace s2  }
0x95: {  	s2 =	sld [smem:$0x3FFD];
	_ =	sdelay $0x3  }
0x96: {  	_ =	strace s2  }
0x97: {  	_ =	strace $0x8FFFFFFF  }
0x98: {  	s19 =	sld [smem:$0x3FDB];
	_ =	sdelay $0x1  }
0x99: {  	s20 =	simm.s32 $_scs_section_size  }
0x9a: {  	s4 =	simm.s32 $_size__tile_overlayer_lowered;
	s5 =	simm.s32 $_tile_overlayer_lowered  }
0x9b: {  	s6 =	simm.s32 $0x1BFF;
	s21 =	sshll.u32 s5, $0x1;
	s3 =	sadd.s32 s20, s19  }
0x9c: {  	s22 =	simm.s32 $0x0;
	s4 =	sshll.u32 s4, $0x1;
	s5 =	sadd.s32 s21, s3  }
0x9d: {  	[timem:s22], [sflag:s6] =	dma.local [hbm:s5], s4  }
0x9e: {  	_ =	swait.ge [sflag:s6], s4  }
0x9f: {  	s4 =	ssub.s32 $0x0, s4;
	[sflag:s6] =	ssyncset.done $0x0  }
0xa0: {  	[sflag:s6] =	ssyncadd.s32 s4;
	_ =	sdelay $0x1  }
0xa1: {  	s23 =	simm.s32 $0x1B8B  }
0xa2: {  	_ =	swait.ge [sflag:s23], $0x1  }
0xa3: {  	[sflag:s23] =	ssyncset.done $0x0  }
0xa4: {  	[sflag:s23] =	ssyncadd.s32 $0xFFFFFFFF  }
0xa5: {  	s4 =	sld [smem:$0x0]  }
0xa6: {  	s5 =	sand.u32 $0xFFFFFFFE, s1  }
0xa7: {  	p0 =	sne.s32 s1, s5  }
0xa8: {  	s5 =	sshll.u32 @p0 s5, $0xE  }
0xa9: {  	s5 =	sadd.s32 @p0 $0x11B8D, s5;
	s6 =	sshll.u32 @p0 s4, $0x11  }
0xaa: {  	s5 =	sor.u32 @p0 s6, s5  }
0xab: {  	[sflag:s5] =	ssyncadd.remote.s32 @p0 $0x1;
	_ =	sdelay $0x1  }
0xac: {  	s5 =	simm.s32 @p0 $0x1B8D  }
0xad: {  	_ =	swait.eq @p0 [sflag:s5], $0x1  }
0xae: {  	[sflag:s5] =	ssyncadd.s32 @p0 $0xFFFFFFFF  }
0xaf: {  	s6 =	sshll.u32 @!p0 s1, $0xE  }
0xb0: {  	s6 =	sor.u32 @!p0 $0x4000, s6;
	s5 =	simm.s32 @!p0 $0x1B8D  }
0xb1: {  	s4 =	sshll.u32 @!p0 s4, $0x11;
	s6 =	sadd.s32 @!p0 $0x11B8D, s6;
	_ =	swait.eq @!p0 [sflag:s5], $0x1  }
0xb2: {  	s4 =	sor.u32 @!p0 s4, s6;
	[sflag:s5] =	ssyncadd.s32 @!p0 $0xFFFFFFFF  }
0xb3: {  	s25 =	simm.s32 $0x1B8E;
	s24 =	sld [smem:$0x3FFE];
	[sflag:s4] =	ssyncadd.remote.s32 @!p0 $0x1  }
0xb4: {  	s26 =	simm.s32 $execute0_lowered;
	[smem:$0x3FD2] =	sst s25  }
0xb5: {  	s5 =	sshll.u32 s26, $0x1;
	_ =	strace $0x80000049;
	[dreg:$0x1] =	wrdreg $0xFFFFFFFF  }
0xb6: {  	s28 =	simm.s32 $_size_execute0_lowered;
	s3 =	sadd.s32 s3, s5;
	[dreg:$0x0] =	wrdreg $0x0  }
0xb7: {  	s5 =	sshll.u32 s28, $0x1;
	[dreg:$0x2] =	wrdreg s3  }
0xb8: {  	[dreg:$0x3] =	wrdreg s5  }
0xb9: {  	[dreg:$0x4] =	wrdreg $0xC0  }
0xba: {  	_ =	task [dreg:s22], $0x5FFFF  }
0xbb: {  	[dreg:$0x1] =	wrdreg $0xFFFFFFFF  }
0xbc: {  	[dreg:$0x0] =	wrdreg $0x60  }
0xbd: {  	[dreg:$0x2] =	wrdreg s24  }
0xbe: {  	[dreg:$0x3] =	wrdreg $0x9E000  }
0xbf: {  	[dreg:$0x4] =	wrdreg $0x9  }
0xc0: {  	_ =	task.clear_ibuf [dreg:s22], $0x5FFFF;
	_ =	strace $0x90000049  }
0xc1: {  	s29 =	simm.s32 $0x9;
	_ =	strace $0x8000004B  }
0xc2: {  	_ =	swait.ge [sflag:s29], $0x1  }
0xc3: {  	[sflag:s29] =	ssyncadd.s32 $0xFFFFFFFF  }
0xc4: {  	_ =	strace $0x9000004B  }
0xc5: {  	_ =	sfence  }
0xc6: {  	s30 =	sld [smem:$0x0];
	_ =	sdelay $0x2  }
0xc7: {  	s31 =	sshll.u32 s1, $0xD;
	s1 =	sshrl.u32 s1, $0x2  }
0xc8: {  	s4 =	sand.u32 $0x4000, s31;
	s1 =	sadd.s32 s1, s30  }
0xc9: {  	s0 =	sor.u32 s4, s0;
	s1 =	sshll.u32 s1, $0x11  }
0xca: {  	s0 =	sor.u32 s1, s0  }
0xcb: {  	s0 =	sadd.s32 $0x8F2B, s0  }
0xcc: {  	[sflag:s0] =	ssyncadd.remote.s32 $0x1  }
0xcd: {  	_ =	sfence.sel $0xFFFF  }
0xce: {  	[dreg:$0x0] =	wrdreg $0xFFFFFFFF;
	(pc) =	sbr.abs _section_cstart, $3  }
0xcf: {  	[dreg:$0x1] =	wrdreg $0xFFFFFFFF  }
0xd0: {  	_ =	task.clear_ibuf [dreg:s22], $0x2FFFF;
	_ =	strace $0x9FFFFFFF  }
0xd1: {  	(tm) =	ssettm $0x7FFFFFFF  }
tec
execute0_lowered:
.L_overlay_start_1:
0x0: {  	(tag) =	ssettag $0x1  }
0x1: {  	s0 =	rddreg [dreg:$0x0]  }
0x2: {  	s2 =	rddreg [dreg:$0x1];
	s1 =	simm.s32 $0x0  }
0x3: {  	s12 =	stileid.u32;
	s3 =	srdreg.scid;
	s28 =	simm.s32 $0x8  }
0x4: {  	s29 =	simm.s32 $0x80;
	s30 =	simm.s32 $0x100;
	s17 =	smul.u32 $0x12C0, s12  }
0x5: {  	[smem:$0x7FF] =	sst s1;
	s6 =	sadd.s32 $0x58C00, s0;
	s11 =	smul.u32 $0x4E000, s12  }
0x6: {  	s3 =	sand.u32 $0x1, s3;
	s7 =	sadd.s32 $0xAA00, s0;
	s19 =	smul.u32 $0x27000, s12  }
0x7: {  	s5 =	sadd.s32 $0x865C00, s0;
	s25 =	smul.u32 $0x12C000, s12;
	p0 =	sne.s32 s12, $0xF  }
0x8: {  	s12 =	simm.s32 $0x4E00;
	_ =	strace $0x8000004A;
	s9 =	ssub.s32 $0x2, s3  }
0x9: {  	s21 =	sshll.u32 s3, $0xA;
	s3 =	sshll.u32 s3, $0x7;
	s4 =	sshrl.u32 s17, $0x3  }
0xa: {  	s10 =	sshrl.u32 s9, $0x1;
	s22 =	sshrl.u32 s11, $0x2;
	s23 =	sadd.s32 s3, s6  }
0xb: {  	s1 =	sshll.u32 s17, $0x8;
	s3 =	sadd.s32 s3, s7;
	s26 =	sor.u32 s21, s25  }
0xc: {  	s25 =	sadd.s32 $0x138000, s2;
	s8 =	sadd.s32 s4, s0;
	s4 =	sadd.s32 $0x60DC00, s0  }
0xd: {  	s18 =	ssub.s32 s9, s10;
	s9 =	sor.u32 s21, s19;
	s10 =	sadd.s32 s22, s2  }
0xe: {  	s24 =	sadd.s32 $0x4E000, s23;
	s3 =	sadd.s32 $0x4E000, s3;
	[dreg:$0x19] =	wrdreg s25  }
0xf: {  	s1 =	sor.u32 s21, s1;
	s14 =	sadd.s32 $0x11D000, s26;
	[dreg:$0x5] =	wrdreg s10  }
0x10: {  	s15 =	sadd.s32 $0x122000, s26;
	s17 =	sadd.s32 $0x127000, s26;
	[dreg:$0x7] =	wrdreg s24  }
0x11: {  	s21 =	sadd.s32 $0x14000, s26;
	s20 =	sadd.s32 $0x60B600, s8;
	[dreg:$0x9] =	wrdreg s3  }
0x12: {  	s23 =	sadd.s32 $0x19000, s26;
	s8 =	sadd.s32 $0x609000, s8;
	[dreg:$0x3] =	wrdreg s20  }
0x13: {  	s9 =	sshrl.u32 s9, $0x3;
	s0 =	smax.u32 s18, $0x1;
	[dreg:$0x4] =	wrdreg s8  }
0x14: {  	s6 =	sadd.s32 s6, s9;
	s9 =	sadd.s32 s7, s9;
	[dreg:$0xa] =	wrdreg s0  }
0x15: {  	s8 =	sadd.s32 $0x5000, s1;
	[dreg:$0x6] =	wrdreg s6;
	s6 =	sshrl.u32 s26, $0x3  }
0x16: {  	[dreg:$0x8] =	wrdreg s9;
	s0 =	sshrl.u32 s8, $0x3;
	s10 =	sadd.s32 s4, s6  }
0x17: {  	s25 =	simm.s32 $0x1300;
	s11 =	sadd.s32 s4, s0;
	[dreg:$0xb] =	wrdreg s10  }
0x18: {  	s9 =	sadd.s32 $0xA000, s26;
	s6 =	sadd.s32 s5, s6;
	[dreg:$0xc] =	wrdreg s11  }
0x19: {  	s1 =	sshrl.u32 s9, $0x3;
	s0 =	sadd.s32 s5, s0;
	[dreg:$0xe] =	wrdreg s6  }
0x1a: {  	s26 =	sadd.s32 $0xF000, s26;
	s13 =	sadd.s32 s4, s1;
	[dreg:$0xf] =	wrdreg s0  }
0x1b: {  	s1 =	sadd.s32 s5, s1;
	s0 =	sshrl.u32 s14, $0x3;
	s6 =	sshrl.u32 s17, $0x3  }
0x1c: {  	s10 =	simm.s32 $0x50;
	s11 =	simm.s32 $0x2600;
	[dreg:$0xd] =	wrdreg s13  }
0x1d: {  	s14 =	simm.s32 $0x1;
	s17 =	simm.s32 $0x4;
	[dreg:$0x10] =	wrdreg s1  }
0x1e: {  	s16 =	sadd.s32 s4, s0;
	s1 =	sshrl.u32 s15, $0x3;
	s0 =	sadd.s32 s5, s0  }
0x1f: {  	s20 =	sadd.s32 s4, s6;
	s22 =	sadd.s32 s5, s6;
	[dreg:$0x11] =	wrdreg s16  }
0x20: {  	s13 =	simm.s32 $0x7600;
	s15 =	simm.s32 $0x400;
	[dreg:$0x13] =	wrdreg s0  }
0x21: {  	s18 =	sadd.s32 s4, s1;
	s19 =	sadd.s32 s5, s1;
	[dreg:$0x15] =	wrdreg s20  }
0x22: {  	[dreg:$0x16] =	wrdreg s22;
	s0 =	sshrl.u32 s21, $0x3;
	s1 =	sshrl.u32 s23, $0x3  }
0x23: {  	s16 =	simm.s32 $0x800;
	s20 =	simm.s32 $0x3;
	[dreg:$0x12] =	wrdreg s18  }
0x24: {  	s21 =	simm.s32 $0x6;
	s22 =	simm.s32 $0x0;
	[dreg:$0x14] =	wrdreg s19  }
0x25: {  	s24 =	sadd.s32 s0, s4;
	s0 =	sadd.s32 s0, s5;
	s3 =	sadd.s32 s1, s4  }
0x26: {  	s31 =	sadd.s32 s1, s5;
	s1 =	simm.s32 $0x7;
	[dreg:$0x17] =	wrdreg s24  }
0x27: {  	s18 =	simm.s32 $0x2;
	s19 =	simm.s32 $0x5;
	[dreg:$0x18] =	wrdreg s0  }
.LBB2_1:
0x28: {  	s8 =	simm.s32 $0x0;
	s0 =	rddreg [dreg:$0x3]  }
0x29: {  	[tilespmem:s8], [sflag:$0x7] =	stream.linear.gather [hbm4b:s0+s8], $0x12C0, $0x38;
	[tilespmem:$0x1D680] =	vst v63  }
0x2a: {  	_ =	swait.ge [sflag:s1], $0x12C0  }
0x2b: {  	[sflag:s1] =	ssyncset.done $0x0  }
0x2c: {  	s24 =	stileid.u32;
	s23 =	rddreg [dreg:$0x4];
	[sflag:s1] =	ssyncadd.s32 $0xFFFFED40  }
0x2d: {  	[tilespmem:s25], [sflag:$0x7] =	stream.linear.gather [hbm4b:s23+s8], $0x12C0, $0x38;
	[tilespmem:$0x1D680] =	vst v63  }
0x2e: {  	s0 =	sshll.u32 s24, $0x6;
	_ =	swait.ge [sflag:s1], $0x12C0  }
0x2f: {  	s23 =	sor.u32 $0x1C07, s0;
	[sflag:s1] =	ssyncset.done $0x0;
	s25 =	rddreg [dreg:$0x5]  }
0x30: {  	s6 =	rddreg [dreg:$0x6];
	[sflag:s1] =	ssyncadd.s32 $0xFFFFED40;
	s25 =	sshrl.u32 s25, $0x3  }
0x31: {  	[spmem:s25@s29], [sflag:s23] =	dma.strided [hbm:s6@s30], $0x2700, s28, $0x10   }
0x32: {  	_ =	swait.ge [sflag:s1], $0x2700  }
0x33: {  	s7 =	simm.s32 @!p0 $0x100;
	s0 =	rddreg [dreg:$0x19]  }
0x34: {  	s6 =	simm.s32 @!p0 $0x80;
	[sflag:s1] =	ssyncset.done $0x0;
	s9 =	rddreg [dreg:$0x7]  }
0x35: {  	[sflag:s1] =	ssyncadd.s32 $0xFFFFD900;
	s24 =	sshrl.u32 @!p0 s0, $0x3;
	s0 =	simm.s32 @!p0 $0x8  }
0x36: {  	[spmem:s24@s6], [sflag:s23] =	dma.strided @!p0 [hbm:s9@s7], $0x100, s0, $0x10   }
0x37: {  	s0 =	simm.s32 @!p0 $0x7  }
0x38: {  	_ =	swait.ge @!p0 [sflag:s0], $0x100  }
0x39: {  	[sflag:s0] =	ssyncset.done @!p0 $0x0  }
0x3a: {  	[sflag:s0] =	ssyncadd.s32 @!p0 $0xFFFFFF00  }
0x3b: {  	[bflag:$0x0] =	sbarrier.arrive $0xFFFF  }
0x3c: {  	[tilespmem:s11], [sflag:$0x1] =	stream.indirect.gather [spmem:s2], $0x80, s8, s10, $0xb8;
	[tilespmem:$0x1D680] =	vst v63  }
0x3d: {  	_ = 	snop  }
0x3e: {  	[tilespmem:s12], [sflag:$0x2] =	stream.indirect.gather [spmem:s2], $0x80, s10, s10, $0xb8;
	[tilespmem:$0x1D680] =	vst v63  }
0x3f: {  	s7 =	simm.s32 $0xA0  }
0x40: {  	[tilespmem:s13], [sflag:$0x3] =	stream.indirect.gather [spmem:s2], $0x80, s7, s10, $0xb8;
	[tilespmem:$0x1D680] =	vst v63  }
0x41: {  	_ =	swait.ge [sflag:s14], $0x2800  }
0x42: {  	[sflag:s14] =	ssyncset.done $0x0  }
0x43: {  	s8 =	rddreg [dreg:$0xb];
	[sflag:s14] =	ssyncadd.s32 $0xFFFFD800  }
0x44: {  	[hbm4b:s8+s15] =	stream.strided.scatter [tilespmem:s11], [sflag:$0x4], $0x2800, s16, s15, $0x38;
	[tilespmem:$0x1D680] =	vst v63  }
0x45: {  	_ =	swait.ge [sflag:s17], $0x2800  }
0x46: {  	[sflag:s17] =	ssyncset.done $0x0  }
0x47: {  	s9 =	simm.s32 $0xF0;
	[sflag:s17] =	ssyncadd.s32 $0xFFFFD800  }
0x48: {  	[tilespmem:s11], [sflag:$0x1] =	stream.indirect.gather [spmem:s2], $0x80, s9, s10, $0xb8;
	[tilespmem:$0x1D680] =	vst v63  }
0x49: {  	_ =	swait.ge [sflag:s18], $0x2800  }
0x4a: {  	[sflag:s18] =	ssyncset.done $0x0  }
0x4b: {  	s28 =	rddreg [dreg:$0xc];
	[sflag:s18] =	ssyncadd.s32 $0xFFFFD800  }
0x4c: {  	[hbm4b:s28+s15] =	stream.strided.scatter [tilespmem:s12], [sflag:$0x5], $0x2800, s16, s15, $0x38;
	[tilespmem:$0x1D680] =	vst v63  }
0x4d: {  	_ =	swait.ge [sflag:s19], $0x2800  }
0x4e: {  	[sflag:s19] =	ssyncset.done $0x0  }
0x4f: {  	s29 =	simm.s32 $0x140;
	[sflag:s19] =	ssyncadd.s32 $0xFFFFD800  }
0x50: {  	[tilespmem:s12], [sflag:$0x2] =	stream.indirect.gather [spmem:s2], $0x80, s29, s10, $0xb8;
	[tilespmem:$0x1D680] =	vst v63  }
0x51: {  	_ =	swait.ge [sflag:s20], $0x2800  }
0x52: {  	[sflag:s20] =	ssyncset.done $0x0  }
0x53: {  	s6 =	rddreg [dreg:$0xd];
	[sflag:s20] =	ssyncadd.s32 $0xFFFFD800  }
0x54: {  	[hbm4b:s6+s15] =	stream.strided.scatter [tilespmem:s13], [sflag:$0x6], $0x2800, s16, s15, $0x38;
	[tilespmem:$0x1D680] =	vst v63  }
0x55: {  	_ =	swait.ge [sflag:s21], $0x2800  }
0x56: {  	[sflag:s21] =	ssyncset.done $0x0  }
0x57: {  	s7 =	simm.s32 $0x190;
	[sflag:s21] =	ssyncadd.s32 $0xFFFFD800  }
0x58: {  	[tilespmem:s13], [sflag:$0x3] =	stream.indirect.gather [spmem:s2], $0x80, s7, s10, $0xb8;
	[tilespmem:$0x1D680] =	vst v63  }
0x59: {  	_ =	swait.ge [sflag:s14], $0x2800  }
0x5a: {  	s6 =	sshrl.u32 s26, $0x3;
	[sflag:s14] =	ssyncset.done $0x0  }
0x5b: {  	s8 =	sadd.s32 s4, s6;
	[sflag:s14] =	ssyncadd.s32 $0xFFFFD800  }
0x5c: {  	[hbm4b:s8+s15] =	stream.strided.scatter [tilespmem:s11], [sflag:$0x4], $0x2800, s16, s15, $0x38;
	[tilespmem:$0x1D680] =	vst v63  }
0x5d: {  	_ =	swait.ge [sflag:s17], $0x2800  }
0x5e: {  	[sflag:s17] =	ssyncset.done $0x0  }
0x5f: {  	s9 =	simm.s32 $0x1E0;
	[sflag:s17] =	ssyncadd.s32 $0xFFFFD800  }
0x60: {  	[tilespmem:s11], [sflag:$0x1] =	stream.indirect.gather [spmem:s2], $0x80, s9, s10, $0xb8;
	[tilespmem:$0x1D680] =	vst v63  }
0x61: {  	_ =	swait.ge [sflag:s18], $0x2800  }
0x62: {  	[sflag:s18] =	ssyncset.done $0x0  }
0x63: {  	s28 =	rddreg [dreg:$0x17];
	[sflag:s18] =	ssyncadd.s32 $0xFFFFD800  }
0x64: {  	[hbm4b:s28+s15] =	stream.strided.scatter [tilespmem:s12], [sflag:$0x5], $0x2800, s16, s15, $0x38;
	[tilespmem:$0x1D680] =	vst v63  }
0x65: {  	_ =	swait.ge [sflag:s19], $0x2800  }
0x66: {  	[sflag:s19] =	ssyncset.done $0x0  }
0x67: {  	s29 =	simm.s32 $0x230;
	[sflag:s19] =	ssyncadd.s32 $0xFFFFD800  }
0x68: {  	[tilespmem:s12], [sflag:$0x2] =	stream.indirect.gather [spmem:s2], $0x80, s29, s10, $0xb8;
	[tilespmem:$0x1D680] =	vst v63  }
0x69: {  	s30 =	smov.u32 s3;
	_ =	swait.ge [sflag:s20], $0x2800  }
0x6a: {  	s0 =	sadd.s32 $0x1E00, s3;
	s7 =	simm.s32 $0x3C0;
	[sflag:s20] =	ssyncset.done $0x0  }
0x6b: {  	s8 =	sadd.s32 $0xF000, s26;
	s9 =	sadd.s32 $0x1E00, s28;
	[sflag:s20] =	ssyncadd.s32 $0xFFFFD800  }
.LBB2_2:
0x6c: {  	[hbm4b:s30+s15] =	stream.strided.scatter [tilespmem:s13], [sflag:$0x6], $0x2800, s16, s15, $0x38;
	[tilespmem:$0x1D680] =	vst v63  }
0x6d: {  	s30 =	smov.u32 s7;
	s7 =	sadd.s32 $0x3C0, s7;
	_ =	swait.ge [sflag:s21], $0x2800  }
0x6e: {  	s28 =	sshra.s32 s30, $0x2;
	p1 =	sne.s32 s7, $0x4380;
	[sflag:s21] =	ssyncset.done $0x0  }
0x6f: {  	s30 =	smov.u32 s0;
	s29 =	sadd.s32 $0x190, s28;
	[sflag:s21] =	ssyncadd.s32 $0xFFFFD800  }
0x70: {  	[tilespmem:s13], [sflag:$0x3] =	stream.indirect.gather [spmem:s2], $0x80, s29, s10, $0xb8;
	[tilespmem:$0x1D680] =	vst v63  }
0x71: {  	_ =	swait.ge [sflag:s14], $0x2800  }
0x72: {  	s29 =	sshrl.u32 s8, $0x3;
	[sflag:s14] =	ssyncset.done $0x0  }
0x73: {  	s29 =	sadd.s32 s4, s29;
	[sflag:s14] =	ssyncadd.s32 $0xFFFFD800  }
0x74: {  	[hbm4b:s29+s15] =	stream.strided.scatter [tilespmem:s11], [sflag:$0x4], $0x2800, s16, s15, $0x38;
	[tilespmem:$0x1D680] =	vst v63  }
0x75: {  	_ =	swait.ge [sflag:s17], $0x2800  }
0x76: {  	[sflag:s17] =	ssyncset.done $0x0  }
0x77: {  	s29 =	sadd.s32 $0x1E0, s28;
	[sflag:s17] =	ssyncadd.s32 $0xFFFFD800  }
0x78: {  	[tilespmem:s11], [sflag:$0x1] =	stream.indirect.gather [spmem:s2], $0x80, s29, s10, $0xb8;
	[tilespmem:$0x1D680] =	vst v63  }
0x79: {  	_ =	swait.ge [sflag:s18], $0x2800  }
0x7a: {  	[sflag:s18] =	ssyncset.done $0x0  }
0x7b: {  	[sflag:s18] =	ssyncadd.s32 $0xFFFFD800  }
0x7c: {  	[hbm4b:s9+s15] =	stream.strided.scatter [tilespmem:s12], [sflag:$0x5], $0x2800, s16, s15, $0x38;
	[tilespmem:$0x1D680] =	vst v63  }
0x7d: {  	_ =	swait.ge [sflag:s19], $0x2800  }
0x7e: {  	[sflag:s19] =	ssyncset.done $0x0  }
.Ltmp0:
0x7f: {  	s28 =	sadd.s32 $0x230, s28;
	[sflag:s19] =	ssyncadd.s32 $0xFFFFD800;
	(pc) =	sbr.rel @p1 .LBB2_2-.Ltmp0, $4  }
0x80: {  	[tilespmem:s12], [sflag:$0x2] =	stream.indirect.gather [spmem:s2], $0x80, s28, s10, $0xb8;
	[tilespmem:$0x1D680] =	vst v63  }
0x81: {  	_ =	swait.ge [sflag:s20], $0x2800  }
0x82: {  	s8 =	sadd.s32 $0xF000, s8;
	[sflag:s20] =	ssyncset.done $0x0  }
0x83: {  	s0 =	sadd.s32 $0x1E00, s0;
	s9 =	sadd.s32 $0x1E00, s9;
	[sflag:s20] =	ssyncadd.s32 $0xFFFFD800  }
0x84: {  	[hbm4b:s30+s15] =	stream.strided.scatter [tilespmem:s13], [sflag:$0x6], $0x2800, s16, s15, $0x38;
	[tilespmem:$0x1D680] =	vst v63  }
0x85: {  	_ =	swait.ge [sflag:s21], $0x2800  }
0x86: {  	s0 =	sshra.s32 s7, $0x2;
	[sflag:s21] =	ssyncset.done $0x0  }
0x87: {  	s0 =	sadd.s32 $0x190, s0;
	[sflag:s21] =	ssyncadd.s32 $0xFFFFD800  }
0x88: {  	[tilespmem:s13], [sflag:$0x3] =	stream.indirect.gather [spmem:s2], $0x80, s0, s10, $0xb8;
	[tilespmem:$0x1D680] =	vst v63  }
0x89: {  	_ =	swait.ge [sflag:s14], $0x2800  }
0x8a: {  	[sflag:s14] =	ssyncset.done $0x0  }
0x8b: {  	s9 =	rddreg [dreg:$0x11];
	[sflag:s14] =	ssyncadd.s32 $0xFFFFD800  }
0x8c: {  	[hbm4b:s9+s15] =	stream.strided.scatter [tilespmem:s11], [sflag:$0x4], $0x2800, s16, s15, $0x38;
	[tilespmem:$0x1D680] =	vst v63  }
0x8d: {  	_ =	swait.ge [sflag:s18], $0x2800  }
0x8e: {  	[sflag:s18] =	ssyncset.done $0x0  }
0x8f: {  	s7 =	rddreg [dreg:$0x12];
	[sflag:s18] =	ssyncadd.s32 $0xFFFFD800  }
0x90: {  	[hbm4b:s7+s15] =	stream.strided.scatter [tilespmem:s12], [sflag:$0x5], $0x2800, s16, s15, $0x38;
	[tilespmem:$0x1D680] =	vst v63  }
0x91: {  	_ =	swait.ge [sflag:s20], $0x2800  }
0x92: {  	[sflag:s20] =	ssyncset.done $0x0  }
0x93: {  	s8 =	rddreg [dreg:$0x15];
	[sflag:s20] =	ssyncadd.s32 $0xFFFFD800  }
0x94: {  	[hbm4b:s8+s15] =	stream.strided.scatter [tilespmem:s13], [sflag:$0x6], $0x2800, s16, s15, $0x38;
	[tilespmem:$0x1D680] =	vst v63  }
0x95: {  	_ =	swait.ge [sflag:s17], $0x2800  }
0x96: {  	[sflag:s17] =	ssyncset.done $0x0  }
0x97: {  	[sflag:s17] =	ssyncadd.s32 $0xFFFFD800  }
0x98: {  	_ =	swait.ge [sflag:s19], $0x2800  }
0x99: {  	[sflag:s19] =	ssyncset.done $0x0  }
0x9a: {  	[sflag:s19] =	ssyncadd.s32 $0xFFFFD800  }
0x9b: {  	_ =	swait.ge [sflag:s21], $0x2800  }
0x9c: {  	[sflag:s21] =	ssyncset.done $0x0  }
0x9d: {  	[sflag:s21] =	ssyncadd.s32 $0xFFFFD800  }
0x9e: {  	s28 =	simm.s32 $0x8;
	[bflag:$0x0] =	sbarrier.arrive $0xFFFF  }
0x9f: {  	s29 =	simm.s32 $0x80;
	s30 =	simm.s32 $0x100;
	s9 =	rddreg [dreg:$0x8]  }
0xa0: {  	[spmem:s25@s29], [sflag:s23] =	dma.strided [hbm:s9@s30], $0x2700, s28, $0x10   }
0xa1: {  	_ =	swait.ge [sflag:s1], $0x2700  }
0xa2: {  	s0 =	simm.s32 @!p0 $0x8;
	s7 =	simm.s32 @!p0 $0x80;
	[sflag:s1] =	ssyncset.done $0x0  }
0xa3: {  	s8 =	simm.s32 @!p0 $0x100;
	s9 =	rddreg [dreg:$0x9];
	[sflag:s1] =	ssyncadd.s32 $0xFFFFD900  }
0xa4: {  	[spmem:s24@s7], [sflag:s23] =	dma.strided @!p0 [hbm:s9@s8], $0x100, s0, $0x10   }
0xa5: {  	s0 =	simm.s32 @!p0 $0x7  }
0xa6: {  	_ =	swait.ge @!p0 [sflag:s0], $0x100  }
0xa7: {  	[sflag:s0] =	ssyncset.done @!p0 $0x0  }
0xa8: {  	[sflag:s0] =	ssyncadd.s32 @!p0 $0xFFFFFF00  }
0xa9: {  	s25 =	simm.s32 $0x1300;
	[bflag:$0x0] =	sbarrier.arrive $0xFFFF  }
0xaa: {  	[tilespmem:s11], [sflag:$0x1] =	stream.indirect.gather [spmem:s2], $0x80, s25, s10, $0xb8;
	[tilespmem:$0x1D680] =	vst v63  }
0xab: {  	s23 =	simm.s32 $0x1350  }
0xac: {  	[tilespmem:s12], [sflag:$0x2] =	stream.indirect.gather [spmem:s2], $0x80, s23, s10, $0xb8;
	[tilespmem:$0x1D680] =	vst v63  }
0xad: {  	s24 =	simm.s32 $0x13A0  }
0xae: {  	[tilespmem:s13], [sflag:$0x3] =	stream.indirect.gather [spmem:s2], $0x80, s24, s10, $0xb8;
	[tilespmem:$0x1D680] =	vst v63  }
0xaf: {  	_ =	swait.ge [sflag:s14], $0x2800  }
0xb0: {  	[sflag:s14] =	ssyncset.done $0x0  }
0xb1: {  	s7 =	rddreg [dreg:$0xe];
	[sflag:s14] =	ssyncadd.s32 $0xFFFFD800  }
0xb2: {  	[hbm4b:s7+s15] =	stream.strided.scatter [tilespmem:s11], [sflag:$0x4], $0x2800, s16, s15, $0x38;
	[tilespmem:$0x1D680] =	vst v63  }
0xb3: {  	_ =	swait.ge [sflag:s17], $0x2800  }
0xb4: {  	[sflag:s17] =	ssyncset.done $0x0  }
0xb5: {  	s8 =	simm.s32 $0x13F0;
	[sflag:s17] =	ssyncadd.s32 $0xFFFFD800  }
0xb6: {  	[tilespmem:s11], [sflag:$0x1] =	stream.indirect.gather [spmem:s2], $0x80, s8, s10, $0xb8;
	[tilespmem:$0x1D680] =	vst v63  }
0xb7: {  	_ =	swait.ge [sflag:s18], $0x2800  }
0xb8: {  	[sflag:s18] =	ssyncset.done $0x0  }
0xb9: {  	s9 =	rddreg [dreg:$0xf];
	[sflag:s18] =	ssyncadd.s32 $0xFFFFD800  }
0xba: {  	[hbm4b:s9+s15] =	stream.strided.scatter [tilespmem:s12], [sflag:$0x5], $0x2800, s16, s15, $0x38;
	[tilespmem:$0x1D680] =	vst v63  }
0xbb: {  	_ =	swait.ge [sflag:s19], $0x2800  }
0xbc: {  	[sflag:s19] =	ssyncset.done $0x0  }
0xbd: {  	s23 =	simm.s32 $0x1440;
	[sflag:s19] =	ssyncadd.s32 $0xFFFFD800  }
0xbe: {  	[tilespmem:s12], [sflag:$0x2] =	stream.indirect.gather [spmem:s2], $0x80, s23, s10, $0xb8;
	[tilespmem:$0x1D680] =	vst v63  }
0xbf: {  	_ =	swait.ge [sflag:s20], $0x2800  }
0xc0: {  	[sflag:s20] =	ssyncset.done $0x0  }
0xc1: {  	s24 =	rddreg [dreg:$0x10];
	[sflag:s20] =	ssyncadd.s32 $0xFFFFD800  }
0xc2: {  	[hbm4b:s24+s15] =	stream.strided.scatter [tilespmem:s13], [sflag:$0x6], $0x2800, s16, s15, $0x38;
	[tilespmem:$0x1D680] =	vst v63  }
0xc3: {  	_ =	swait.ge [sflag:s21], $0x2800  }
0xc4: {  	[sflag:s21] =	ssyncset.done $0x0  }
0xc5: {  	s7 =	simm.s32 $0x1490;
	[sflag:s21] =	ssyncadd.s32 $0xFFFFD800  }
0xc6: {  	[tilespmem:s13], [sflag:$0x3] =	stream.indirect.gather [spmem:s2], $0x80, s7, s10, $0xb8;
	[tilespmem:$0x1D680] =	vst v63  }
0xc7: {  	_ =	swait.ge [sflag:s14], $0x2800  }
0xc8: {  	[sflag:s14] =	ssyncset.done $0x0  }
0xc9: {  	s8 =	sadd.s32 s5, s6;
	[sflag:s14] =	ssyncadd.s32 $0xFFFFD800  }
0xca: {  	[hbm4b:s8+s15] =	stream.strided.scatter [tilespmem:s11], [sflag:$0x4], $0x2800, s16, s15, $0x38;
	[tilespmem:$0x1D680] =	vst v63  }
0xcb: {  	_ =	swait.ge [sflag:s17], $0x2800  }
0xcc: {  	[sflag:s17] =	ssyncset.done $0x0  }
0xcd: {  	s9 =	simm.s32 $0x14E0;
	[sflag:s17] =	ssyncadd.s32 $0xFFFFD800  }
0xce: {  	[tilespmem:s11], [sflag:$0x1] =	stream.indirect.gather [spmem:s2], $0x80, s9, s10, $0xb8;
	[tilespmem:$0x1D680] =	vst v63  }
0xcf: {  	_ =	swait.ge [sflag:s18], $0x2800  }
0xd0: {  	[sflag:s18] =	ssyncset.done $0x0  }
0xd1: {  	s23 =	rddreg [dreg:$0x18];
	[sflag:s18] =	ssyncadd.s32 $0xFFFFD800  }
0xd2: {  	[hbm4b:s23+s15] =	stream.strided.scatter [tilespmem:s12], [sflag:$0x5], $0x2800, s16, s15, $0x38;
	[tilespmem:$0x1D680] =	vst v63  }
0xd3: {  	_ =	swait.ge [sflag:s19], $0x2800  }
0xd4: {  	[sflag:s19] =	ssyncset.done $0x0  }
0xd5: {  	s24 =	simm.s32 $0x1530;
	[sflag:s19] =	ssyncadd.s32 $0xFFFFD800  }
0xd6: {  	[tilespmem:s12], [sflag:$0x2] =	stream.indirect.gather [spmem:s2], $0x80, s24, s10, $0xb8;
	[tilespmem:$0x1D680] =	vst v63  }
0xd7: {  	s0 =	sadd.s32 $0x1E00, s31;
	_ =	swait.ge [sflag:s20], $0x2800  }
0xd8: {  	s6 =	simm.s32 $0x3C0;
	s7 =	sadd.s32 $0xF000, s26;
	[sflag:s20] =	ssyncset.done $0x0  }
0xd9: {  	s9 =	smov.u32 s31;
	s8 =	sadd.s32 $0x1E00, s23;
	[sflag:s20] =	ssyncadd.s32 $0xFFFFD800  }
.LBB2_4:
0xda: {  	[hbm4b:s9+s15] =	stream.strided.scatter [tilespmem:s13], [sflag:$0x6], $0x2800, s16, s15, $0x38;
	[tilespmem:$0x1D680] =	vst v63  }
0xdb: {  	s9 =	smov.u32 s6;
	s6 =	sadd.s32 $0x3C0, s6;
	_ =	swait.ge [sflag:s21], $0x2800  }
0xdc: {  	s23 =	sshra.s32 s9, $0x2;
	p1 =	sne.s32 s6, $0x4380;
	[sflag:s21] =	ssyncset.done $0x0  }
0xdd: {  	s9 =	smov.u32 s0;
	s24 =	sadd.s32 $0x1490, s23;
	[sflag:s21] =	ssyncadd.s32 $0xFFFFD800  }
0xde: {  	[tilespmem:s13], [sflag:$0x3] =	stream.indirect.gather [spmem:s2], $0x80, s24, s10, $0xb8;
	[tilespmem:$0x1D680] =	vst v63  }
0xdf: {  	_ =	swait.ge [sflag:s14], $0x2800  }
0xe0: {  	s24 =	sshrl.u32 s7, $0x3;
	[sflag:s14] =	ssyncset.done $0x0  }
0xe1: {  	s24 =	sadd.s32 s5, s24;
	[sflag:s14] =	ssyncadd.s32 $0xFFFFD800  }
0xe2: {  	[hbm4b:s24+s15] =	stream.strided.scatter [tilespmem:s11], [sflag:$0x4], $0x2800, s16, s15, $0x38;
	[tilespmem:$0x1D680] =	vst v63  }
0xe3: {  	_ =	swait.ge [sflag:s17], $0x2800  }
0xe4: {  	[sflag:s17] =	ssyncset.done $0x0  }
0xe5: {  	s24 =	sadd.s32 $0x14E0, s23;
	[sflag:s17] =	ssyncadd.s32 $0xFFFFD800  }
0xe6: {  	[tilespmem:s11], [sflag:$0x1] =	stream.indirect.gather [spmem:s2], $0x80, s24, s10, $0xb8;
	[tilespmem:$0x1D680] =	vst v63  }
0xe7: {  	_ =	swait.ge [sflag:s18], $0x2800  }
0xe8: {  	[sflag:s18] =	ssyncset.done $0x0  }
0xe9: {  	[sflag:s18] =	ssyncadd.s32 $0xFFFFD800  }
0xea: {  	[hbm4b:s8+s15] =	stream.strided.scatter [tilespmem:s12], [sflag:$0x5], $0x2800, s16, s15, $0x38;
	[tilespmem:$0x1D680] =	vst v63  }
0xeb: {  	_ =	swait.ge [sflag:s19], $0x2800  }
0xec: {  	[sflag:s19] =	ssyncset.done $0x0  }
.Ltmp1:
0xed: {  	s23 =	sadd.s32 $0x1530, s23;
	[sflag:s19] =	ssyncadd.s32 $0xFFFFD800;
	(pc) =	sbr.rel @p1 .LBB2_4-.Ltmp1, $4  }
0xee: {  	[tilespmem:s12], [sflag:$0x2] =	stream.indirect.gather [spmem:s2], $0x80, s23, s10, $0xb8;
	[tilespmem:$0x1D680] =	vst v63  }
0xef: {  	_ =	swait.ge [sflag:s20], $0x2800  }
0xf0: {  	s7 =	sadd.s32 $0xF000, s7;
	[sflag:s20] =	ssyncset.done $0x0  }
0xf1: {  	s0 =	sadd.s32 $0x1E00, s0;
	s8 =	sadd.s32 $0x1E00, s8;
	[sflag:s20] =	ssyncadd.s32 $0xFFFFD800  }
0xf2: {  	[hbm4b:s9+s15] =	stream.strided.scatter [tilespmem:s13], [sflag:$0x6], $0x2800, s16, s15, $0x38;
	[tilespmem:$0x1D680] =	vst v63  }
0xf3: {  	_ =	swait.ge [sflag:s21], $0x2800  }
0xf4: {  	s0 =	sshra.s32 s6, $0x2;
	[sflag:s21] =	ssyncset.done $0x0  }
0xf5: {  	s0 =	sadd.s32 $0x1490, s0;
	[sflag:s21] =	ssyncadd.s32 $0xFFFFD800  }
0xf6: {  	[tilespmem:s13], [sflag:$0x3] =	stream.indirect.gather [spmem:s2], $0x80, s0, s10, $0xb8;
	[tilespmem:$0x1D680] =	vst v63  }
0xf7: {  	_ =	swait.ge [sflag:s14], $0x2800  }
0xf8: {  	[sflag:s14] =	ssyncset.done $0x0  }
0xf9: {  	s8 =	rddreg [dreg:$0x13];
	[sflag:s14] =	ssyncadd.s32 $0xFFFFD800  }
0xfa: {  	[hbm4b:s8+s15] =	stream.strided.scatter [tilespmem:s11], [sflag:$0x4], $0x2800, s16, s15, $0x38;
	[tilespmem:$0x1D680] =	vst v63  }
0xfb: {  	_ =	swait.ge [sflag:s18], $0x2800  }
0xfc: {  	[sflag:s18] =	ssyncset.done $0x0  }
0xfd: {  	s9 =	rddreg [dreg:$0x14];
	[sflag:s18] =	ssyncadd.s32 $0xFFFFD800  }
0xfe: {  	[hbm4b:s9+s15] =	stream.strided.scatter [tilespmem:s12], [sflag:$0x5], $0x2800, s16, s15, $0x38;
	[tilespmem:$0x1D680] =	vst v63  }
0xff: {  	_ =	swait.ge [sflag:s20], $0x2800  }
0x100: {  	[sflag:s20] =	ssyncset.done $0x0  }
0x101: {  	s23 =	rddreg [dreg:$0x16];
	[sflag:s20] =	ssyncadd.s32 $0xFFFFD800  }
0x102: {  	[hbm4b:s23+s15] =	stream.strided.scatter [tilespmem:s13], [sflag:$0x6], $0x2800, s16, s15, $0x38;
	[tilespmem:$0x1D680] =	vst v63  }
0x103: {  	_ =	swait.ge [sflag:s17], $0x2800  }
0x104: {  	[sflag:s17] =	ssyncset.done $0x0  }
0x105: {  	[sflag:s17] =	ssyncadd.s32 $0xFFFFD800  }
0x106: {  	_ =	swait.ge [sflag:s19], $0x2800  }
0x107: {  	[sflag:s19] =	ssyncset.done $0x0  }
0x108: {  	[sflag:s19] =	ssyncadd.s32 $0xFFFFD800  }
0x109: {  	_ =	swait.ge [sflag:s21], $0x2800  }
0x10a: {  	s22 =	sadd.s32 $0x1, s22;
	s24 =	rddreg [dreg:$0xa]  }
0x10b: {  	p1 =	sne.s32 s22, s24  }
.Ltmp2:
0x10c: {  	_ = 	snop;
	(pc) =	sbr.rel @p1 .LBB2_1-.Ltmp2, $3  }
0x10d: {  	_ =	sdelay $0x1  }
0x10e: {  	[sflag:s21] =	ssyncset.done $0x0  }
0x10f: {  	[sflag:s21] =	ssyncadd.s32 $0xFFFFD800  }
0x110: {  	_ =	sfence.sel $0x180000  }
0x111: {  	[bflag:$0x0] =	sbarrier.arrive $0xFFFF  }
0x112: {  	_ =	strace $0x9000004A  }
0x113: {  	s0 =	stileid.u32;
	[bflag:$0x2] =	sbarrier.arrive $0xFFFF  }
0x114: {  	p0 =	sne.s32 s0, $0x0;
	s0 =	rddreg [dreg:$0x2]  }
0x115: {  	s0 =	sadd.s32 @!p0 $0x100000, s0  }
0x116: {  	[sflag:s0] =	ssyncadd.tile.s32 @!p0 $0x1;
	_ =	shalt  }
.Lfunc_end2:
_tile_overlayer_lowered:
.L_overlay_start_2:
0x117: {  	(tag) =	ssettag $0x2  }
0x118: {  	s0 =	rddreg [dreg:$0x0];
	s2 =	stileid.u32  }
0x119: {  	s1 =	rddreg [dreg:$0x1];
	p0 =	sne.s32 s2, $0x0  }
0x11a: {  	s3 =	rddreg [dreg:$0x2];
	[bflag:$0x3] =	sbarrier.arrive $0xFFFF;
	s2 =	simm.s32 @!p0 $0x1C07  }
0x11b: {  	[timem:s3], [sflag:s2] =	dma.local @!p0 [hbm:s0], s1  }
0x11c: {  	s0 =	simm.s32 @!p0 $0x7  }
0x11d: {  	_ =	swait.ge @!p0 [sflag:s0], s1  }
0x11e: {  	s1 =	ssub.s32 @!p0 $0x0, s1;
	[sflag:s0] =	ssyncset.done @!p0 $0x0  }
0x11f: {  	[sflag:s0] =	ssyncadd.s32 @!p0 s1  }
0x120: {  	[bflag:$0x3] =	sbarrier.arrive $0xFFFF  }
0x121: {  	_ =	shalt  }

// kernel: _run.17.cloned.1.call-start
scs
__scs_entry_jumppad:
0x0: {  	(pc) =	sbr.rel $0x88, $3  }
0x1: {  	(tag) =	ssettag $0x0;
	lr =	simm.s32 $0x1  }
0x2: {  	[smem:$0x3F8E] =	sst lr;
	_ =	strace $0xD0000000  }
0x3: {  	_ = 	snop  }
0x4: {  	_ = 	snop  }
0x5: {  	_ = 	snop  }
0x6: {  	_ = 	snop  }
0x7: {  	_ = 	snop  }
__scs_overlays_trampoline_lowered:
0x8: {  	[smem:$0x3F9D] =	sst s0  }
0x9: {  	[smem:$0x3F9E] =	sst s1  }
0xa: {  	[smem:$0x3F9F] =	sst s2  }
0xb: {  	[smem:$0x3FA0] =	sst s3  }
0xc: {  	[smem:$0x3FA1] =	sst s4  }
0xd: {  	[smem:$0x3FA2] =	sst s5  }
0xe: {  	[smem:$0x3FA3] =	sst s6  }
0xf: {  	[smem:$0x3FA4] =	sst s7  }
0x10: {  	[smem:$0x3FA5] =	sst s8  }
0x11: {  	[smem:$0x3FA6] =	sst s9;
	s0 =	simm.s32 @!p0 $0x0  }
0x12: {  	s1 =	sld [smem:$0x3F8C];
	s0 =	simm.s32 @p0 $0x1  }
0x13: {  	[smem:$0x3FA7] =	sst s0;
	s0 =	simm.s32 @!p1 $0x0  }
0x14: {  	s2 =	sld [smem:$0x3F8B];
	s0 =	simm.s32 @p1 $0x1  }
0x15: {  	[smem:$0x3FA8] =	sst s0;
	s0 =	simm.s32 @!p2 $0x0  }
0x16: {  	s3 =	sld [smem:$0x3FDB];
	s0 =	simm.s32 @p2 $0x1  }
0x17: {  	s4 =	simm.s32 $0x1BF5;
	[smem:$0x3FAA] =	sst s0  }
0x18: {  	s0 =	sld [smem:$0x3F8D];
	_ =	swait.ge [sflag:s4], $0x0  }
0x19: {  	s7 =	sld [smem:$0x3F8E]  }
0x1a: {  	s8 =	sadd.s32 $0xFFFFE003, lr  }
0x1b: {  	s9 =	sadd.s32 $0xFFFFFEF7, lr;
	s5 =	simm.s32 $0xFFFFFFFF;
	p2 =	slt.u32 s8, $0xFFFFF086  }
0x1c: {  	p1 =	slt.u32 s9, $0xF7A;
	s5 =	simm.s32 @!p2 $0x0  }
0x1d: {  	s5 =	simm.s32 @p1 $0x1;
	p0 =	seq.s32 s7, s2  }
0x1e: {  	s7 =	smul.u32 @!p0 $0xF7A, s2;
	p2 =	seq.s32 @!p0 s5, $0x0  }
0x1f: {  	s9 =	smul.u32 $0xF7A, s1;
	s8 =	simm.s32 @!p0 $0x1BF5;
	p2 =	por !p2, p0  }
0x20: {  	[sflag:s8] =	ssyncset.s32 @!p0 $0xFFFFF086;
	s6 =	sadd.s32 @!p0 s3, s7;
	s7 =	simm.s32 @!p0 $0x108  }
0x21: {  	s3 =	sadd.s32 s3, s9;
	s6 =	sadd.s32 @!p0 $0x88, s6;
	s7 =	simm.s32 @p2 $0x1082  }
0x22: {  	[simem:s7], [sflag:s8] =	dma.local @!p0 [hbm:s6], $0xF7A  }
0x23: {  	s9 =	sor.u32 $0xD0000000, s2;
	s6 =	simm.s32 $0x108;
	_ =	swait.ge @!p0 [sflag:s8], $0x0  }
0x24: {  	s3 =	sadd.s32 $0x88, s3;
	s6 =	simm.s32 @!p1 $0x1082;
	[sflag:s4] =	ssyncset.s32 $0xFFFFF086  }
0x25: {  	[simem:s6], [sflag:s4] =	dma.local [hbm:s3], $0xF7A  }
0x26: {  	[smem:$0x3F8E] =	sst s1;
	(tag) =	ssettag s2;
	_ =	strace s9  }
0x27: {  	s1 =	sld [smem:$0x3F9E]  }
0x28: {  	s2 =	sld [smem:$0x3F9F]  }
0x29: {  	s4 =	sld [smem:$0x3FA1]  }
0x2a: {  	p0 =	seq.s32 s5, $0x0;
	s5 =	sld [smem:$0x3FA2]  }
0x2b: {  	s6 =	sld [smem:$0x3FA3]  }
0x2c: {  	s7 =	sld [smem:$0x3FA4]  }
0x2d: {  	s3 =	simm.s32 $0x108;
	s8 =	sld [smem:$0x3FA5]  }
0x2e: {  	s3 =	simm.s32 @!p0 $0x1082;
	s9 =	sld [smem:$0x3FA6]  }
0x2f: {  	lr =	sadd.s32 s0, s3;
	s0 =	sld [smem:$0x3F9D]  }
0x30: {  	s3 =	sld [smem:$0x3FA0]  }
0x31: {  	[smem:$0x3FA9] =	sst s10  }
0x32: {  	s10 =	sld [smem:$0x3FA7];
	_ =	sdelay $0x3  }
0x33: {  	p0 =	seq.s32 s10, $0x1;
	s10 =	sld [smem:$0x3FA9];
	_ =	sdelay $0x3  }
0x34: {  	[smem:$0x3FA9] =	sst s10  }
0x35: {  	s10 =	sld [smem:$0x3FA8];
	_ =	sdelay $0x3  }
0x36: {  	p1 =	seq.s32 s10, $0x1;
	s10 =	sld [smem:$0x3FA9];
	_ =	sdelay $0x3  }
0x37: {  	[smem:$0x3FA9] =	sst s10  }
0x38: {  	s10 =	sld [smem:$0x3FAA]  }
0x39: {  	_ = 	snop;
	(pc) =	sbr.ind lr, $3  }
0x3a: {  	_ = 	snop  }
0x3b: {  	_ = 	snop  }
0x3c: {  	p2 =	seq.s32 s10, $0x1;
	s10 =	sld [smem:$0x3FA9]  }
0x3d: {  	_ =	shalt  }
0x3e: {  	_ =	shalt  }
0x3f: {  	_ =	shalt  }
0x40: {  	_ =	shalt  }
0x41: {  	_ =	shalt  }
0x42: {  	_ =	shalt  }
0x43: {  	_ =	shalt  }
0x44: {  	_ =	shalt  }
0x45: {  	_ =	shalt  }
0x46: {  	_ =	shalt  }
0x47: {  	_ =	shalt  }
0x48: {  	_ =	shalt  }
0x49: {  	_ =	shalt  }
0x4a: {  	_ =	shalt  }
0x4b: {  	_ =	shalt  }
0x4c: {  	_ =	shalt  }
0x4d: {  	_ =	shalt  }
0x4e: {  	_ =	shalt  }
0x4f: {  	_ =	shalt  }
0x50: {  	_ =	shalt  }
0x51: {  	_ =	shalt  }
0x52: {  	_ =	shalt  }
0x53: {  	_ =	shalt  }
0x54: {  	_ =	shalt  }
0x55: {  	_ =	shalt  }
0x56: {  	_ =	shalt  }
0x57: {  	_ =	shalt  }
0x58: {  	_ =	shalt  }
0x59: {  	_ =	shalt  }
0x5a: {  	_ =	shalt  }
0x5b: {  	_ =	shalt  }
0x5c: {  	_ =	shalt  }
0x5d: {  	_ =	shalt  }
0x5e: {  	_ =	shalt  }
0x5f: {  	_ =	shalt  }
0x60: {  	_ =	shalt  }
0x61: {  	_ =	shalt  }
0x62: {  	_ =	shalt  }
0x63: {  	_ =	shalt  }
0x64: {  	_ =	shalt  }
0x65: {  	_ =	shalt  }
0x66: {  	_ =	shalt  }
0x67: {  	_ =	shalt  }
0x68: {  	_ =	shalt  }
0x69: {  	_ =	shalt  }
0x6a: {  	_ =	shalt  }
0x6b: {  	_ =	shalt  }
0x6c: {  	_ =	shalt  }
0x6d: {  	_ =	shalt  }
0x6e: {  	_ =	shalt  }
0x6f: {  	_ =	shalt  }
0x70: {  	_ =	shalt  }
0x71: {  	_ =	shalt  }
0x72: {  	_ =	shalt  }
0x73: {  	_ =	shalt  }
0x74: {  	_ =	shalt  }
0x75: {  	_ =	shalt  }
0x76: {  	_ =	shalt  }
0x77: {  	_ =	shalt  }
0x78: {  	_ =	shalt  }
0x79: {  	_ =	shalt  }
0x7a: {  	_ =	shalt  }
0x7b: {  	_ =	shalt  }
0x7c: {  	_ =	shalt  }
0x7d: {  	_ =	shalt  }
0x7e: {  	_ =	shalt  }
0x7f: {  	_ =	shalt  }
0x80: {  	_ =	shalt  }
0x81: {  	_ =	shalt  }
0x82: {  	_ =	shalt  }
0x83: {  	_ =	shalt  }
0x84: {  	_ =	shalt  }
0x85: {  	_ =	shalt  }
0x86: {  	_ =	shalt  }
0x87: {  	_ =	shalt  }
.Lfunc_end0:
.L_simem_size_0:
called_computation.2_lowered:
.L_overlay_start_0:
0x88: {  	s2 =	sld [smem:$0x3FD9]  }
0x89: {  	s3 =	sld [smem:$0x3FFE];
	_ =	sdelay $0x1  }
0x8a: {  	s1 =	srdreg.scid  }
0x8b: {  	s0 =	sand.u32 $0x1, s1  }
0x8c: {  	s17 =	sshll.u32 s0, $0xA;
	s2 =	sadd.s32 s3, s2  }
0x8d: {  	s2 =	sadd.s32 s2, s17  }
0x8e: {  	[smem:$0x3FB5] =	sst s2  }
0x8f: {  	_ = 	snop  }
0x90: {  	s18 =	sld [smem:$0x3FB7];
	(tm) =	ssettm $0x1  }
0x91: {  	s19 =	sld [smem:$0x3FFB];
	_ =	sdelay $0x3  }
0x92: {  	_ =	strace s19  }
0x93: {  	s2 =	sld [smem:$0x3FFC];
	_ =	sdelay $0x3  }
0x94: {  	_ =	strace s2  }
0x95: {  	s2 =	sld [smem:$0x3FFD];
	_ =	sdelay $0x3  }
0x96: {  	_ =	strace s2  }
0x97: {  	_ =	strace $0x8FFFFFFF  }
0x98: {  	s20 =	sld [smem:$0x3FDB];
	_ =	sdelay $0x1  }
0x99: {  	s4 =	simm.s32 $_scs_section_size  }
0x9a: {  	s5 =	simm.s32 $_size__tile_overlayer_lowered;
	s6 =	simm.s32 $_tile_overlayer_lowered  }
0x9b: {  	s7 =	simm.s32 $0x1BFF;
	s21 =	sshll.u32 s6, $0x1;
	s4 =	sadd.s32 s4, s20  }
0x9c: {  	s22 =	simm.s32 $0x0;
	s5 =	sshll.u32 s5, $0x1;
	s6 =	sadd.s32 s21, s4  }
0x9d: {  	[timem:s22], [sflag:s7] =	dma.local [hbm:s6], s5  }
0x9e: {  	_ =	swait.ge [sflag:s7], s5  }
0x9f: {  	s5 =	ssub.s32 $0x0, s5;
	[sflag:s7] =	ssyncset.done $0x0  }
0xa0: {  	[sflag:s7] =	ssyncadd.s32 s5;
	_ =	sdelay $0x1  }
0xa1: {  	s23 =	simm.s32 $0x1B8B  }
0xa2: {  	_ =	swait.ge [sflag:s23], $0x1  }
0xa3: {  	[sflag:s23] =	ssyncset.done $0x0  }
0xa4: {  	[sflag:s23] =	ssyncadd.s32 $0xFFFFFFFF  }
0xa5: {  	s5 =	sld [smem:$0x0]  }
0xa6: {  	s6 =	sand.u32 $0xFFFFFFFE, s1  }
0xa7: {  	p0 =	sne.s32 s1, s6  }
0xa8: {  	s6 =	sshll.u32 @p0 s6, $0xE  }
0xa9: {  	s6 =	sadd.s32 @p0 $0x11B8D, s6;
	s7 =	sshll.u32 @p0 s5, $0x11  }
0xaa: {  	s6 =	sor.u32 @p0 s7, s6  }
0xab: {  	[sflag:s6] =	ssyncadd.remote.s32 @p0 $0x1;
	_ =	sdelay $0x1  }
0xac: {  	s6 =	simm.s32 @p0 $0x1B8D  }
0xad: {  	_ =	swait.eq @p0 [sflag:s6], $0x1  }
0xae: {  	[sflag:s6] =	ssyncadd.s32 @p0 $0xFFFFFFFF  }
0xaf: {  	s7 =	sshll.u32 @!p0 s1, $0xE  }
0xb0: {  	s7 =	sor.u32 @!p0 $0x4000, s7;
	s6 =	simm.s32 @!p0 $0x1B8D  }
0xb1: {  	s5 =	sshll.u32 @!p0 s5, $0x11;
	s7 =	sadd.s32 @!p0 $0x11B8D, s7;
	_ =	swait.eq @!p0 [sflag:s6], $0x1  }
0xb2: {  	s5 =	sor.u32 @!p0 s5, s7;
	[sflag:s6] =	ssyncadd.s32 @!p0 $0xFFFFFFFF  }
0xb3: {  	s25 =	simm.s32 $0x1B8E;
	s24 =	sld [smem:$0x3FFE];
	[sflag:s5] =	ssyncadd.remote.s32 @!p0 $0x1  }
0xb4: {  	s26 =	simm.s32 $execute0_lowered;
	[smem:$0x3FD2] =	sst s25  }
0xb5: {  	s6 =	sshll.u32 s26, $0x1;
	_ =	strace $0x8000004C;
	[dreg:$0x1] =	wrdreg $0xFFFFFFFF  }
0xb6: {  	s28 =	simm.s32 $_size_execute0_lowered;
	s4 =	sadd.s32 s4, s6;
	[dreg:$0x0] =	wrdreg $0x0  }
0xb7: {  	s6 =	sshll.u32 s28, $0x1;
	[dreg:$0x2] =	wrdreg s4  }
0xb8: {  	[dreg:$0x3] =	wrdreg s6  }
0xb9: {  	[dreg:$0x4] =	wrdreg $0xC0  }
0xba: {  	_ =	task [dreg:s22], $0x5FFFF  }
0xbb: {  	[dreg:$0x1] =	wrdreg $0xFFFFFFFF  }
0xbc: {  	[dreg:$0x0] =	wrdreg $0x60  }
0xbd: {  	[dreg:$0x2] =	wrdreg s24  }
0xbe: {  	[dreg:$0x3] =	wrdreg s18  }
0xbf: {  	[dreg:$0x4] =	wrdreg $0x74000  }
0xc0: {  	[dreg:$0x5] =	wrdreg $0xA  }
0xc1: {  	_ =	task.clear_ibuf [dreg:s22], $0x6FFFF;
	_ =	strace $0x9000004C  }
0xc2: {  	s29 =	simm.s32 $0xA;
	_ =	strace $0x8000004E  }
0xc3: {  	_ =	swait.ge [sflag:s29], $0x1  }
0xc4: {  	[sflag:s29] =	ssyncadd.s32 $0xFFFFFFFF  }
0xc5: {  	_ =	strace $0x9000004E  }
0xc6: {  	_ =	sfence  }
0xc7: {  	s30 =	sld [smem:$0x0];
	_ =	sdelay $0x2  }
0xc8: {  	s31 =	sshll.u32 s1, $0xD;
	s1 =	sshrl.u32 s1, $0x2  }
0xc9: {  	s4 =	sand.u32 $0x4000, s31;
	s1 =	sadd.s32 s1, s30  }
0xca: {  	s0 =	sor.u32 s4, s0;
	s1 =	sshll.u32 s1, $0x11  }
0xcb: {  	s0 =	sor.u32 s1, s0  }
0xcc: {  	s0 =	sadd.s32 $0x8F2B, s0  }
0xcd: {  	[sflag:s0] =	ssyncadd.remote.s32 $0x1  }
0xce: {  	_ =	sfence.sel $0xFFFF  }
0xcf: {  	[dreg:$0x0] =	wrdreg $0xFFFFFFFF;
	(pc) =	sbr.abs _section_cstart, $3  }
0xd0: {  	[dreg:$0x1] =	wrdreg $0xFFFFFFFF  }
0xd1: {  	_ =	task.clear_ibuf [dreg:s22], $0x2FFFF;
	_ =	strace $0x9FFFFFFF  }
0xd2: {  	(tm) =	ssettm $0x7FFFFFFF  }
0xd3: {  	_ =	shalt  }
tec
execute0_lowered:
.L_overlay_start_1:
0x0: {  	(tag) =	ssettag $0x1  }
0x1: {  	s0 =	rddreg [dreg:$0x0]  }
0x2: {  	s1 =	rddreg [dreg:$0x1]  }
0x3: {  	s2 =	rddreg [dreg:$0x2];
	s3 =	simm.s32 $0x0  }
0x4: {  	s18 =	stileid.u32;
	s4 =	srdreg.scid;
	s28 =	simm.s32 $0x50  }
0x5: {  	s29 =	simm.s32 $0x3;
	s30 =	simm.s32 $0x2;
	s12 =	smul.u32 $0x480, s18  }
0x6: {  	s31 =	simm.s32 $0x4;
	[smem:$0x7FF] =	sst s3;
	s7 =	smul.u32 $0x27000, s18  }
0x7: {  	s6 =	sadd.s32 $0xC07400, s0;
	s4 =	sand.u32 $0x1, s4;
	s9 =	smul.u32 $0x4E000, s18  }
0x8: {  	s15 =	smul.u32 $0x145000, s18;
	s16 =	sshll.u32 s18, $0x6;
	s19 =	sadd.s32 $0x138000, s2  }
0x9: {  	p0 =	sne.s32 s18, $0xF;
	s18 =	simm.s32 $0x8;
	_ =	strace $0x8000004D  }
0xa: {  	s5 =	ssub.s32 $0x2, s4;
	s10 =	sshll.u32 s4, $0xA;
	s4 =	sshll.u32 s4, $0x7  }
0xb: {  	[dreg:$0x5] =	wrdreg s19;
	s19 =	simm.s32 $0x80;
	s3 =	sadd.s32 s12, s0  }
0xc: {  	s8 =	sshrl.u32 s5, $0x1;
	s0 =	sadd.s32 $0xAC2400, s0;
	s13 =	sor.u32 s10, s7  }
0xd: {  	s14 =	sshrl.u32 s9, $0x2;
	s12 =	ssub.s32 s5, s8;
	s11 =	sshrl.u32 s13, $0x3  }
0xe: {  	s17 =	sadd.s32 s14, s2;
	s14 =	sor.u32 s10, s15;
	s8 =	sadd.s32 $0xABDC00, s3  }
0xf: {  	s5 =	sadd.s32 s1, s11;
	s1 =	sadd.s32 s4, s1;
	s20 =	sshrl.u32 s14, $0x3  }
0x10: {  	s10 =	sadd.s32 s0, s11;
	s0 =	sadd.s32 s4, s0;
	s21 =	sadd.s32 $0x5000, s14  }
0x11: {  	s12 =	smax.u32 s12, $0x1;
	s23 =	sadd.s32 $0xA000, s14;
	s24 =	sadd.s32 $0xF000, s14  }
0x12: {  	s25 =	sadd.s32 $0x14000, s14;
	s17 =	sshrl.u32 s17, $0x3;
	[dreg:$0x4] =	wrdreg s5  }
0x13: {  	s5 =	sor.u32 $0x1C05, s16;
	s1 =	sadd.s32 $0x4E000, s1;
	s9 =	sadd.s32 s6, s20  }
0x14: {  	s11 =	sadd.s32 $0x4E000, s0;
	s22 =	sshrl.u32 s21, $0x3;
	s0 =	sshrl.u32 s23, $0x3  }
0x15: {  	s26 =	sshrl.u32 s25, $0x3;
	s20 =	simm.s32 $0x100;
	s21 =	simm.s32 $0x5  }
0x16: {  	s23 =	simm.s32 $0x800;
	s25 =	simm.s32 $0x4C00;
	[dreg:$0x6] =	wrdreg s1  }
0x17: {  	s13 =	sadd.s32 s6, s22;
	s1 =	sshrl.u32 s24, $0x3;
	s14 =	sadd.s32 s6, s0  }
0x18: {  	s16 =	sadd.s32 s26, s6;
	s22 =	simm.s32 $0x400;
	s24 =	simm.s32 $0x2400  }
0x19: {  	s26 =	simm.s32 $0x1;
	s15 =	sadd.s32 s1, s6;
	s1 =	simm.s32 $0x0  }
.LBB2_1:
0x1a: {  	s0 =	rddreg [dreg:$0x4]  }
0x1b: {  	[spmem:s17@s19], [sflag:s5] =	dma.strided [hbm:s0@s20], $0x2700, s18, $0x10   }
0x1c: {  	s3 =	simm.s32 @!p0 $0x8;
	s4 =	simm.s32 @!p0 $0x80;
	_ =	swait.ge [sflag:s21], $0x2700  }
0x1d: {  	s6 =	simm.s32 @!p0 $0x100;
	[sflag:s21] =	ssyncset.done $0x0;
	s0 =	rddreg [dreg:$0x5]  }
0x1e: {  	s7 =	rddreg [dreg:$0x6];
	[sflag:s21] =	ssyncadd.s32 $0xFFFFD900;
	s0 =	sshrl.u32 @!p0 s0, $0x3  }
0x1f: {  	[spmem:s0@s4], [sflag:s5] =	dma.strided @!p0 [hbm:s7@s6], $0x100, s3, $0x10   }
0x20: {  	s3 =	simm.s32 @!p0 $0x5  }
0x21: {  	_ =	swait.ge @!p0 [sflag:s3], $0x100  }
0x22: {  	[sflag:s3] =	ssyncset.done @!p0 $0x0  }
0x23: {  	[sflag:s3] =	ssyncadd.s32 @!p0 $0xFFFFFF00  }
0x24: {  	s4 =	simm.s32 $0x0;
	[bflag:$0x0] =	sbarrier.arrive $0xFFFF  }
0x25: {  	[tilespmem:s4], [sflag:$0x5] =	stream.linear.gather [hbm4b:s8+s4], $0x2080, $0x38;
	[tilespmem:$0x1AC80] =	vst v63  }
0x26: {  	_ =	swait.ge [sflag:s21], $0x2080  }
0x27: {  	[sflag:s21] =	ssyncset.done $0x0  }
0x28: {  	[sflag:s21] =	ssyncadd.s32 $0xFFFFDF80  }
0x29: {  	[tilespmem:s24], [sflag:$0x1] =	stream.strided.gather [hbm4b:s9+s22], $0x2800, s23, s22, $0x38;
	[tilespmem:$0x1AC80] =	vst v63  }
0x2a: {  	_ = 	snop  }
0x2b: {  	[tilespmem:s25], [sflag:$0x2] =	stream.strided.gather [hbm4b:s13+s22], $0x2800, s23, s22, $0x38;
	[tilespmem:$0x1AC80] =	vst v63  }
0x2c: {  	_ =	swait.ge [sflag:s26], $0x2800  }
0x2d: {  	[sflag:s26] =	ssyncset.done $0x0  }
0x2e: {  	[sflag:s26] =	ssyncadd.s32 $0xFFFFD800  }
0x2f: {  	[spmem:s2] =	stream.indirect.scatter.add.f32 [tilespmem:s24], [sflag:$0x3], $0x80, s4, s28, $0xb8;
	[tilespmem:$0x1AC80] =	vst v63  }
0x30: {  	_ =	swait.ge [sflag:s29], $0x2800  }
0x31: {  	[sflag:s29] =	ssyncset.done $0x0  }
0x32: {  	[sflag:s29] =	ssyncadd.s32 $0xFFFFD800  }
0x33: {  	[tilespmem:s24], [sflag:$0x1] =	stream.strided.gather [hbm4b:s14+s22], $0x2800, s23, s22, $0x38;
	[tilespmem:$0x1AC80] =	vst v63  }
0x34: {  	_ =	swait.ge [sflag:s30], $0x2800  }
0x35: {  	[sflag:s30] =	ssyncset.done $0x0  }
0x36: {  	[sflag:s30] =	ssyncadd.s32 $0xFFFFD800  }
0x37: {  	[spmem:s2] =	stream.indirect.scatter.add.f32 [tilespmem:s25], [sflag:$0x4], $0x80, s19, s28, $0xb8;
	[tilespmem:$0x1AC80] =	vst v63  }
0x38: {  	_ =	swait.ge [sflag:s31], $0x2800  }
0x39: {  	[sflag:s31] =	ssyncset.done $0x0  }
0x3a: {  	s6 =	sadd.s32 $0x0, s15;
	[sflag:s31] =	ssyncadd.s32 $0xFFFFD800  }
0x3b: {  	[tilespmem:s25], [sflag:$0x2] =	stream.strided.gather [hbm4b:s6+s22], $0x2800, s23, s22, $0x38;
	[tilespmem:$0x1AC80] =	vst v63  }
0x3c: {  	_ =	swait.ge [sflag:s26], $0x2800  }
0x3d: {  	[sflag:s26] =	ssyncset.done $0x0  }
0x3e: {  	[sflag:s26] =	ssyncadd.s32 $0xFFFFD800  }
0x3f: {  	[spmem:s2] =	stream.indirect.scatter.add.f32 [tilespmem:s24], [sflag:$0x3], $0x80, s20, s28, $0xb8;
	[tilespmem:$0x1AC80] =	vst v63  }
0x40: {  	_ =	swait.ge [sflag:s29], $0x2800  }
0x41: {  	[sflag:s29] =	ssyncset.done $0x0  }
0x42: {  	s7 =	sadd.s32 $0x0, s16;
	[sflag:s29] =	ssyncadd.s32 $0xFFFFD800  }
0x43: {  	[tilespmem:s24], [sflag:$0x1] =	stream.strided.gather [hbm4b:s7+s22], $0x2800, s23, s22, $0x38;
	[tilespmem:$0x1AC80] =	vst v63  }
0x44: {  	_ =	swait.ge [sflag:s30], $0x2800  }
0x45: {  	s3 =	simm.s32 $0x1400;
	[sflag:s30] =	ssyncset.done $0x0  }
0x46: {  	s4 =	simm.s32 $0x200;
	s6 =	simm.s32 $0x180;
	[sflag:s30] =	ssyncadd.s32 $0xFFFFD800  }
.LBB2_2:
0x47: {  	[spmem:s2] =	stream.indirect.scatter.add.f32 [tilespmem:s25], [sflag:$0x4], $0x80, s6, s28, $0xb8;
	[tilespmem:$0x1AC80] =	vst v63  }
0x48: {  	s6 =	smov.u32 s3  }
0x49: {  	p1 =	sne.s32 s3, $0x25800;
	s3 =	sadd.s32 $0x1400, s3;
	_ =	swait.ge [sflag:s31], $0x2800  }
0x4a: {  	[sflag:s31] =	ssyncset.done $0x0  }
0x4b: {  	s7 =	sadd.s32 s6, s15;
	[sflag:s31] =	ssyncadd.s32 $0xFFFFD800  }
0x4c: {  	[tilespmem:s25], [sflag:$0x2] =	stream.strided.gather [hbm4b:s7+s22], $0x2800, s23, s22, $0x38;
	[tilespmem:$0x1AC80] =	vst v63  }
0x4d: {  	_ =	swait.ge [sflag:s26], $0x2800  }
0x4e: {  	[sflag:s26] =	ssyncset.done $0x0  }
0x4f: {  	[sflag:s26] =	ssyncadd.s32 $0xFFFFD800  }
0x50: {  	[spmem:s2] =	stream.indirect.scatter.add.f32 [tilespmem:s24], [sflag:$0x3], $0x80, s4, s28, $0xb8;
	[tilespmem:$0x1AC80] =	vst v63  }
0x51: {  	_ =	swait.ge [sflag:s29], $0x2800  }
0x52: {  	[sflag:s29] =	ssyncset.done $0x0  }
.Ltmp0:
0x53: {  	s6 =	sadd.s32 s6, s16;
	[sflag:s29] =	ssyncadd.s32 $0xFFFFD800;
	(pc) =	sbr.rel @p1 .LBB2_2-.Ltmp0, $4  }
0x54: {  	[tilespmem:s24], [sflag:$0x1] =	stream.strided.gather [hbm4b:s6+s22], $0x2800, s23, s22, $0x38;
	[tilespmem:$0x1AC80] =	vst v63  }
0x55: {  	_ =	swait.ge [sflag:s30], $0x2800  }
0x56: {  	[sflag:s30] =	ssyncset.done $0x0  }
0x57: {  	s6 =	sadd.s32 $0x80, s4;
	s4 =	sadd.s32 $0x100, s4;
	[sflag:s30] =	ssyncadd.s32 $0xFFFFD800  }
0x58: {  	[spmem:s2] =	stream.indirect.scatter.add.f32 [tilespmem:s25], [sflag:$0x4], $0x80, s6, s28, $0xb8;
	[tilespmem:$0x1AC80] =	vst v63  }
0x59: {  	_ =	swait.ge [sflag:s26], $0x2800  }
0x5a: {  	[sflag:s26] =	ssyncset.done $0x0  }
0x5b: {  	s3 =	simm.s32 $0x2000;
	[sflag:s26] =	ssyncadd.s32 $0xFFFFD800  }
0x5c: {  	[spmem:s2] =	stream.indirect.scatter.add.f32 [tilespmem:s24], [sflag:$0x3], $0x80, s3, s28, $0xb8;
	[tilespmem:$0x1AC80] =	vst v63  }
0x5d: {  	_ =	swait.ge [sflag:s31], $0x2800  }
0x5e: {  	[sflag:s31] =	ssyncset.done $0x0  }
0x5f: {  	[sflag:s31] =	ssyncadd.s32 $0xFFFFD800  }
0x60: {  	_ =	swait.ge [sflag:s29], $0x2800  }
0x61: {  	[sflag:s29] =	ssyncset.done $0x0  }
0x62: {  	[sflag:s29] =	ssyncadd.s32 $0xFFFFD800  }
0x63: {  	[bflag:$0x0] =	sbarrier.arrive $0xFFFF  }
0x64: {  	[hbm:s10@s20], [sflag:s5] =	dma.strided [spmem:s17@s19], $0x2700, s18, $0x10   }
0x65: {  	s4 =	simm.s32 @!p0 $0x100;
	_ =	swait.ge [sflag:s21], $0x2700  }
0x66: {  	s6 =	simm.s32 @!p0 $0x80;
	s1 =	sadd.s32 $0x1, s1;
	[sflag:s21] =	ssyncset.done $0x0  }
0x67: {  	p1 =	sne.s32 s1, s12;
	s3 =	simm.s32 @!p0 $0x8;
	[sflag:s21] =	ssyncadd.s32 $0xFFFFD900  }
0x68: {  	[hbm:s11@s4], [sflag:s5] =	dma.strided @!p0 [spmem:s0@s6], $0x100, s3, $0x10   }
.Ltmp1:
0x69: {  	_ = 	snop;
	(pc) =	sbr.rel @p1 .LBB2_1-.Ltmp1, $4  }
0x6a: {  	s0 =	simm.s32 @!p0 $0x5  }
0x6b: {  	_ =	swait.ge @!p0 [sflag:s0], $0x100  }
0x6c: {  	[sflag:s0] =	ssyncset.done @!p0 $0x0  }
0x6d: {  	[sflag:s0] =	ssyncadd.s32 @!p0 $0xFFFFFF00  }
0x6e: {  	_ =	sfence.sel $0x180000  }
0x6f: {  	[bflag:$0x0] =	sbarrier.arrive $0xFFFF  }
0x70: {  	_ =	strace $0x9000004D  }
0x71: {  	s0 =	stileid.u32;
	[bflag:$0x2] =	sbarrier.arrive $0xFFFF  }
0x72: {  	p0 =	sne.s32 s0, $0x0;
	s0 =	rddreg [dreg:$0x3]  }
0x73: {  	s0 =	sadd.s32 @!p0 $0x100000, s0  }
0x74: {  	[sflag:s0] =	ssyncadd.tile.s32 @!p0 $0x1;
	_ =	shalt  }
.Lfunc_end2:
_tile_overlayer_lowered:
.L_overlay_start_2:
0x75: {  	(tag) =	ssettag $0x2  }
0x76: {  	s0 =	rddreg [dreg:$0x0];
	s2 =	stileid.u32  }
0x77: {  	s1 =	rddreg [dreg:$0x1];
	p0 =	sne.s32 s2, $0x0  }
0x78: {  	s3 =	rddreg [dreg:$0x2];
	[bflag:$0x3] =	sbarrier.arrive $0xFFFF;
	s2 =	simm.s32 @!p0 $0x1C05  }
0x79: {  	[timem:s3], [sflag:s2] =	dma.local @!p0 [hbm:s0], s1  }
0x7a: {  	s0 =	simm.s32 @!p0 $0x5  }
0x7b: {  	_ =	swait.ge @!p0 [sflag:s0], s1  }
0x7c: {  	s1 =	ssub.s32 @!p0 $0x0, s1;
	[sflag:s0] =	ssyncset.done @!p0 $0x0  }
0x7d: {  	[sflag:s0] =	ssyncadd.s32 @!p0 s1  }
0x7e: {  	[bflag:$0x3] =	sbarrier.arrive $0xFFFF  }
0x7f: {  	_ =	shalt  }

// kernel: _run.20.cloned.1.call-start
scs
__scs_entry_jumppad:
0x0: {  	(pc) =	sbr.rel $0x88, $3  }
0x1: {  	(tag) =	ssettag $0x0;
	lr =	simm.s32 $0x1  }
0x2: {  	[smem:$0x3F8E] =	sst lr;
	_ =	strace $0xD0000000  }
0x3: {  	_ = 	snop  }
0x4: {  	_ = 	snop  }
0x5: {  	_ = 	snop  }
0x6: {  	_ = 	snop  }
0x7: {  	_ = 	snop  }
__scs_overlays_trampoline_lowered:
0x8: {  	[smem:$0x3F9D] =	sst s0  }
0x9: {  	[smem:$0x3F9E] =	sst s1  }
0xa: {  	[smem:$0x3F9F] =	sst s2  }
0xb: {  	[smem:$0x3FA0] =	sst s3  }
0xc: {  	[smem:$0x3FA1] =	sst s4  }
0xd: {  	[smem:$0x3FA2] =	sst s5  }
0xe: {  	[smem:$0x3FA3] =	sst s6  }
0xf: {  	[smem:$0x3FA4] =	sst s7  }
0x10: {  	[smem:$0x3FA5] =	sst s8  }
0x11: {  	[smem:$0x3FA6] =	sst s9;
	s0 =	simm.s32 @!p0 $0x0  }
0x12: {  	s1 =	sld [smem:$0x3F8C];
	s0 =	simm.s32 @p0 $0x1  }
0x13: {  	[smem:$0x3FA7] =	sst s0;
	s0 =	simm.s32 @!p1 $0x0  }
0x14: {  	s2 =	sld [smem:$0x3F8B];
	s0 =	simm.s32 @p1 $0x1  }
0x15: {  	[smem:$0x3FA8] =	sst s0;
	s0 =	simm.s32 @!p2 $0x0  }
0x16: {  	s3 =	sld [smem:$0x3FDB];
	s0 =	simm.s32 @p2 $0x1  }
0x17: {  	s4 =	simm.s32 $0x1BF5;
	[smem:$0x3FAA] =	sst s0  }
0x18: {  	s0 =	sld [smem:$0x3F8D];
	_ =	swait.ge [sflag:s4], $0x0  }
0x19: {  	s7 =	sld [smem:$0x3F8E]  }
0x1a: {  	s8 =	sadd.s32 $0xFFFFE003, lr  }
0x1b: {  	s9 =	sadd.s32 $0xFFFFFEF7, lr;
	s5 =	simm.s32 $0xFFFFFFFF;
	p2 =	slt.u32 s8, $0xFFFFF086  }
0x1c: {  	p1 =	slt.u32 s9, $0xF7A;
	s5 =	simm.s32 @!p2 $0x0  }
0x1d: {  	s5 =	simm.s32 @p1 $0x1;
	p0 =	seq.s32 s7, s2  }
0x1e: {  	s7 =	smul.u32 @!p0 $0xF7A, s2;
	p2 =	seq.s32 @!p0 s5, $0x0  }
0x1f: {  	s9 =	smul.u32 $0xF7A, s1;
	s8 =	simm.s32 @!p0 $0x1BF5;
	p2 =	por !p2, p0  }
0x20: {  	[sflag:s8] =	ssyncset.s32 @!p0 $0xFFFFF086;
	s6 =	sadd.s32 @!p0 s3, s7;
	s7 =	simm.s32 @!p0 $0x108  }
0x21: {  	s3 =	sadd.s32 s3, s9;
	s6 =	sadd.s32 @!p0 $0x88, s6;
	s7 =	simm.s32 @p2 $0x1082  }
0x22: {  	[simem:s7], [sflag:s8] =	dma.local @!p0 [hbm:s6], $0xF7A  }
0x23: {  	s9 =	sor.u32 $0xD0000000, s2;
	s6 =	simm.s32 $0x108;
	_ =	swait.ge @!p0 [sflag:s8], $0x0  }
0x24: {  	s3 =	sadd.s32 $0x88, s3;
	s6 =	simm.s32 @!p1 $0x1082;
	[sflag:s4] =	ssyncset.s32 $0xFFFFF086  }
0x25: {  	[simem:s6], [sflag:s4] =	dma.local [hbm:s3], $0xF7A  }
0x26: {  	[smem:$0x3F8E] =	sst s1;
	(tag) =	ssettag s2;
	_ =	strace s9  }
0x27: {  	s1 =	sld [smem:$0x3F9E]  }
0x28: {  	s2 =	sld [smem:$0x3F9F]  }
0x29: {  	s4 =	sld [smem:$0x3FA1]  }
0x2a: {  	p0 =	seq.s32 s5, $0x0;
	s5 =	sld [smem:$0x3FA2]  }
0x2b: {  	s6 =	sld [smem:$0x3FA3]  }
0x2c: {  	s7 =	sld [smem:$0x3FA4]  }
0x2d: {  	s3 =	simm.s32 $0x108;
	s8 =	sld [smem:$0x3FA5]  }
0x2e: {  	s3 =	simm.s32 @!p0 $0x1082;
	s9 =	sld [smem:$0x3FA6]  }
0x2f: {  	lr =	sadd.s32 s0, s3;
	s0 =	sld [smem:$0x3F9D]  }
0x30: {  	s3 =	sld [smem:$0x3FA0]  }
0x31: {  	[smem:$0x3FA9] =	sst s10  }
0x32: {  	s10 =	sld [smem:$0x3FA7];
	_ =	sdelay $0x3  }
0x33: {  	p0 =	seq.s32 s10, $0x1;
	s10 =	sld [smem:$0x3FA9];
	_ =	sdelay $0x3  }
0x34: {  	[smem:$0x3FA9] =	sst s10  }
0x35: {  	s10 =	sld [smem:$0x3FA8];
	_ =	sdelay $0x3  }
0x36: {  	p1 =	seq.s32 s10, $0x1;
	s10 =	sld [smem:$0x3FA9];
	_ =	sdelay $0x3  }
0x37: {  	[smem:$0x3FA9] =	sst s10  }
0x38: {  	s10 =	sld [smem:$0x3FAA]  }
0x39: {  	_ = 	snop;
	(pc) =	sbr.ind lr, $3  }
0x3a: {  	_ = 	snop  }
0x3b: {  	_ = 	snop  }
0x3c: {  	p2 =	seq.s32 s10, $0x1;
	s10 =	sld [smem:$0x3FA9]  }
0x3d: {  	_ =	shalt  }
0x3e: {  	_ =	shalt  }
0x3f: {  	_ =	shalt  }
0x40: {  	_ =	shalt  }
0x41: {  	_ =	shalt  }
0x42: {  	_ =	shalt  }
0x43: {  	_ =	shalt  }
0x44: {  	_ =	shalt  }
0x45: {  	_ =	shalt  }
0x46: {  	_ =	shalt  }
0x47: {  	_ =	shalt  }
0x48: {  	_ =	shalt  }
0x49: {  	_ =	shalt  }
0x4a: {  	_ =	shalt  }
0x4b: {  	_ =	shalt  }
0x4c: {  	_ =	shalt  }
0x4d: {  	_ =	shalt  }
0x4e: {  	_ =	shalt  }
0x4f: {  	_ =	shalt  }
0x50: {  	_ =	shalt  }
0x51: {  	_ =	shalt  }
0x52: {  	_ =	shalt  }
0x53: {  	_ =	shalt  }
0x54: {  	_ =	shalt  }
0x55: {  	_ =	shalt  }
0x56: {  	_ =	shalt  }
0x57: {  	_ =	shalt  }
0x58: {  	_ =	shalt  }
0x59: {  	_ =	shalt  }
0x5a: {  	_ =	shalt  }
0x5b: {  	_ =	shalt  }
0x5c: {  	_ =	shalt  }
0x5d: {  	_ =	shalt  }
0x5e: {  	_ =	shalt  }
0x5f: {  	_ =	shalt  }
0x60: {  	_ =	shalt  }
0x61: {  	_ =	shalt  }
0x62: {  	_ =	shalt  }
0x63: {  	_ =	shalt  }
0x64: {  	_ =	shalt  }
0x65: {  	_ =	shalt  }
0x66: {  	_ =	shalt  }
0x67: {  	_ =	shalt  }
0x68: {  	_ =	shalt  }
0x69: {  	_ =	shalt  }
0x6a: {  	_ =	shalt  }
0x6b: {  	_ =	shalt  }
0x6c: {  	_ =	shalt  }
0x6d: {  	_ =	shalt  }
0x6e: {  	_ =	shalt  }
0x6f: {  	_ =	shalt  }
0x70: {  	_ =	shalt  }
0x71: {  	_ =	shalt  }
0x72: {  	_ =	shalt  }
0x73: {  	_ =	shalt  }
0x74: {  	_ =	shalt  }
0x75: {  	_ =	shalt  }
0x76: {  	_ =	shalt  }
0x77: {  	_ =	shalt  }
0x78: {  	_ =	shalt  }
0x79: {  	_ =	shalt  }
0x7a: {  	_ =	shalt  }
0x7b: {  	_ =	shalt  }
0x7c: {  	_ =	shalt  }
0x7d: {  	_ =	shalt  }
0x7e: {  	_ =	shalt  }
0x7f: {  	_ =	shalt  }
0x80: {  	_ =	shalt  }
0x81: {  	_ =	shalt  }
0x82: {  	_ =	shalt  }
0x83: {  	_ =	shalt  }
0x84: {  	_ =	shalt  }
0x85: {  	_ =	shalt  }
0x86: {  	_ =	shalt  }
0x87: {  	_ =	shalt  }
.Lfunc_end0:
.L_simem_size_0:
called_computation.3_lowered:
.L_overlay_start_0:
0x88: {  	s2 =	sld [smem:$0x3FD9]  }
0x89: {  	s3 =	sld [smem:$0x3FFE];
	_ =	sdelay $0x1  }
0x8a: {  	s1 =	srdreg.scid  }
0x8b: {  	s0 =	sand.u32 $0x1, s1  }
0x8c: {  	s17 =	sshll.u32 s0, $0xA;
	s2 =	sadd.s32 s3, s2  }
0x8d: {  	s2 =	sadd.s32 s2, s17  }
0x8e: {  	[smem:$0x3FB5] =	sst s2  }
0x8f: {  	_ = 	snop  }
0x90: {  	(tm) =	ssettm $0x1  }
0x91: {  	s18 =	sld [smem:$0x3FFB];
	_ =	sdelay $0x3  }
0x92: {  	_ =	strace s18  }
0x93: {  	s2 =	sld [smem:$0x3FFC];
	_ =	sdelay $0x3  }
0x94: {  	_ =	strace s2  }
0x95: {  	s2 =	sld [smem:$0x3FFD];
	_ =	sdelay $0x3  }
0x96: {  	_ =	strace s2  }
0x97: {  	_ =	strace $0x8FFFFFFF  }
0x98: {  	s19 =	sld [smem:$0x3FDB];
	_ =	sdelay $0x1  }
0x99: {  	s20 =	simm.s32 $_scs_section_size  }
0x9a: {  	s4 =	simm.s32 $_size__tile_overlayer_lowered;
	s5 =	simm.s32 $_tile_overlayer_lowered  }
0x9b: {  	s6 =	simm.s32 $0x1BFF;
	s21 =	sshll.u32 s5, $0x1;
	s3 =	sadd.s32 s20, s19  }
0x9c: {  	s22 =	simm.s32 $0x0;
	s4 =	sshll.u32 s4, $0x1;
	s5 =	sadd.s32 s21, s3  }
0x9d: {  	[timem:s22], [sflag:s6] =	dma.local [hbm:s5], s4  }
0x9e: {  	_ =	swait.ge [sflag:s6], s4  }
0x9f: {  	s4 =	ssub.s32 $0x0, s4;
	[sflag:s6] =	ssyncset.done $0x0  }
0xa0: {  	[sflag:s6] =	ssyncadd.s32 s4;
	_ =	sdelay $0x1  }
0xa1: {  	s23 =	simm.s32 $0x1B8B  }
0xa2: {  	_ =	swait.ge [sflag:s23], $0x1  }
0xa3: {  	[sflag:s23] =	ssyncset.done $0x0  }
0xa4: {  	[sflag:s23] =	ssyncadd.s32 $0xFFFFFFFF  }
0xa5: {  	s4 =	sld [smem:$0x0]  }
0xa6: {  	s5 =	sand.u32 $0xFFFFFFFE, s1  }
0xa7: {  	p0 =	sne.s32 s1, s5  }
0xa8: {  	s5 =	sshll.u32 @p0 s5, $0xE  }
0xa9: {  	s5 =	sadd.s32 @p0 $0x11B8D, s5;
	s6 =	sshll.u32 @p0 s4, $0x11  }
0xaa: {  	s5 =	sor.u32 @p0 s6, s5  }
0xab: {  	[sflag:s5] =	ssyncadd.remote.s32 @p0 $0x1;
	_ =	sdelay $0x1  }
0xac: {  	s5 =	simm.s32 @p0 $0x1B8D  }
0xad: {  	_ =	swait.eq @p0 [sflag:s5], $0x1  }
0xae: {  	[sflag:s5] =	ssyncadd.s32 @p0 $0xFFFFFFFF  }
0xaf: {  	s6 =	sshll.u32 @!p0 s1, $0xE  }
0xb0: {  	s6 =	sor.u32 @!p0 $0x4000, s6;
	s5 =	simm.s32 @!p0 $0x1B8D  }
0xb1: {  	s4 =	sshll.u32 @!p0 s4, $0x11;
	s6 =	sadd.s32 @!p0 $0x11B8D, s6;
	_ =	swait.eq @!p0 [sflag:s5], $0x1  }
0xb2: {  	s4 =	sor.u32 @!p0 s4, s6;
	[sflag:s5] =	ssyncadd.s32 @!p0 $0xFFFFFFFF  }
0xb3: {  	s25 =	simm.s32 $0x1B8E;
	s24 =	sld [smem:$0x3FFE];
	[sflag:s4] =	ssyncadd.remote.s32 @!p0 $0x1  }
0xb4: {  	s26 =	simm.s32 $execute0_lowered;
	[smem:$0x3FD2] =	sst s25  }
0xb5: {  	s5 =	sshll.u32 s26, $0x1;
	_ =	strace $0x80000052;
	[dreg:$0x1] =	wrdreg $0xFFFFFFFF  }
0xb6: {  	s28 =	simm.s32 $_size_execute0_lowered;
	s3 =	sadd.s32 s3, s5;
	[dreg:$0x0] =	wrdreg $0x0  }
0xb7: {  	s5 =	sshll.u32 s28, $0x1;
	[dreg:$0x2] =	wrdreg s3  }
0xb8: {  	[dreg:$0x3] =	wrdreg s5  }
0xb9: {  	[dreg:$0x4] =	wrdreg $0xC0  }
0xba: {  	_ =	task [dreg:s22], $0x5FFFF  }
0xbb: {  	[dreg:$0x1] =	wrdreg $0xFFFFFFFF  }
0xbc: {  	[dreg:$0x0] =	wrdreg $0x60  }
0xbd: {  	[dreg:$0x2] =	wrdreg s24  }
0xbe: {  	[dreg:$0x3] =	wrdreg $0x70000  }
0xbf: {  	[dreg:$0x4] =	wrdreg $0xA  }
0xc0: {  	_ =	task.clear_ibuf [dreg:s22], $0x5FFFF;
	_ =	strace $0x90000052  }
0xc1: {  	s29 =	simm.s32 $0xA;
	_ =	strace $0x80000054  }
0xc2: {  	_ =	swait.ge [sflag:s29], $0x1  }
0xc3: {  	[sflag:s29] =	ssyncadd.s32 $0xFFFFFFFF  }
0xc4: {  	_ =	strace $0x90000054  }
0xc5: {  	_ =	sfence  }
0xc6: {  	s30 =	sld [smem:$0x0];
	_ =	sdelay $0x2  }
0xc7: {  	s31 =	sshll.u32 s1, $0xD;
	s1 =	sshrl.u32 s1, $0x2  }
0xc8: {  	s4 =	sand.u32 $0x4000, s31;
	s1 =	sadd.s32 s1, s30  }
0xc9: {  	s0 =	sor.u32 s4, s0;
	s1 =	sshll.u32 s1, $0x11  }
0xca: {  	s0 =	sor.u32 s1, s0  }
0xcb: {  	s0 =	sadd.s32 $0x8F2B, s0  }
0xcc: {  	[sflag:s0] =	ssyncadd.remote.s32 $0x1  }
0xcd: {  	_ =	sfence.sel $0xFFFF  }
0xce: {  	[dreg:$0x0] =	wrdreg $0xFFFFFFFF;
	(pc) =	sbr.abs _section_cstart, $3  }
0xcf: {  	[dreg:$0x1] =	wrdreg $0xFFFFFFFF  }
0xd0: {  	_ =	task.clear_ibuf [dreg:s22], $0x2FFFF;
	_ =	strace $0x9FFFFFFF  }
0xd1: {  	(tm) =	ssettm $0x7FFFFFFF  }
tec
execute0_lowered:
.L_overlay_start_1:
0x0: {  	(tag) =	ssettag $0x1  }
0x1: {  	s0 =	rddreg [dreg:$0x0]  }
0x2: {  	s1 =	rddreg [dreg:$0x1]  }
0x3: {  	s2 =	simm.s32 $0x0;
	s19 =	stileid.u32;
	s4 =	srdreg.scid  }
0x4: {  	s28 =	simm.s32 $0x1;
	s29 =	simm.s32 $0x50;
	s30 =	simm.s32 $0x3  }
0x5: {  	s31 =	simm.s32 $0x2;
	[smem:$0x7FF] =	sst s2;
	s5 =	smul.u32 $0x4E000, s19  }
0x6: {  	s2 =	sadd.s32 $0x221000, s0;
	s3 =	sshll.u32 s19, $0xA;
	s8 =	smul.u32 $0x27000, s19  }
0x7: {  	s4 =	sand.u32 $0x1, s4;
	s6 =	sadd.s32 $0xAC2400, s0;
	s13 =	smul.u32 $0x12C000, s19  }
0x8: {  	s15 =	sshll.u32 s19, $0x6;
	s16 =	sadd.s32 $0x138000, s1;
	p0 =	sne.s32 s19, $0xF  }
0x9: {  	s19 =	simm.s32 $0x8;
	_ =	strace $0x80000053;
	s3 =	sadd.s32 s3, s0  }
0xa: {  	s7 =	ssub.s32 $0x2, s4;
	s0 =	sadd.s32 $0x44400, s0;
	s10 =	sshll.u32 s4, $0xA  }
0xb: {  	s4 =	sshll.u32 s4, $0x7;
	[dreg:$0x4] =	wrdreg s16;
	s9 =	sshrl.u32 s7, $0x1  }
0xc: {  	s5 =	sshrl.u32 s5, $0x2;
	s8 =	sor.u32 s10, s8;
	s3 =	sadd.s32 $0x40400, s3  }
0xd: {  	s7 =	ssub.s32 s7, s9;
	s18 =	sadd.s32 s5, s1;
	s11 =	sshrl.u32 s8, $0x3  }
0xe: {  	s5 =	sor.u32 $0x1C05, s15;
	s15 =	sor.u32 s10, s13;
	[dreg:$0x6] =	wrdreg s3  }
0xf: {  	s14 =	sadd.s32 s6, s11;
	s6 =	sadd.s32 s4, s6;
	s17 =	sshrl.u32 s15, $0x3  }
0x10: {  	s10 =	sadd.s32 s0, s11;
	s0 =	sadd.s32 s4, s0;
	s20 =	sadd.s32 $0x5000, s15  }
0x11: {  	s21 =	sadd.s32 $0xA000, s15;
	s12 =	smax.u32 s7, $0x1;
	s24 =	sadd.s32 $0x127000, s15  }
0x12: {  	s25 =	sadd.s32 $0x14000, s15;
	s26 =	sadd.s32 $0xF000, s15;
	s18 =	sshrl.u32 s18, $0x3  }
0x13: {  	[dreg:$0x3] =	wrdreg s14;
	s6 =	sadd.s32 $0x4E000, s6;
	s9 =	sadd.s32 s2, s17  }
0x14: {  	s11 =	sadd.s32 $0x4E000, s0;
	s22 =	sshrl.u32 s20, $0x3;
	s23 =	sshrl.u32 s21, $0x3  }
0x15: {  	s0 =	sshrl.u32 s24, $0x3;
	s3 =	sshrl.u32 s25, $0x3;
	s4 =	sshrl.u32 s26, $0x3  }
0x16: {  	s20 =	simm.s32 $0x80;
	s21 =	simm.s32 $0x100;
	s24 =	simm.s32 $0x800  }
0x17: {  	s25 =	simm.s32 $0x2000;
	s26 =	simm.s32 $0x4800;
	[dreg:$0x5] =	wrdreg s6  }
0x18: {  	s13 =	sadd.s32 s2, s22;
	s14 =	sadd.s32 s2, s23;
	s15 =	sadd.s32 s2, s0  }
0x19: {  	s16 =	sadd.s32 s3, s2;
	s17 =	sadd.s32 s4, s2;
	s22 =	simm.s32 $0x5  }
0x1a: {  	s23 =	simm.s32 $0x400;
	s0 =	simm.s32 $0x4;
	s2 =	simm.s32 $0x0  }
.LBB2_1:
0x1b: {  	s3 =	rddreg [dreg:$0x3]  }
0x1c: {  	[spmem:s18@s20], [sflag:s5] =	dma.strided [hbm:s3@s21], $0x2700, s19, $0x10   }
0x1d: {  	s4 =	simm.s32 @!p0 $0x8;
	s6 =	simm.s32 @!p0 $0x80;
	_ =	swait.ge [sflag:s22], $0x2700  }
0x1e: {  	s7 =	simm.s32 @!p0 $0x100;
	[sflag:s22] =	ssyncset.done $0x0;
	s3 =	rddreg [dreg:$0x4]  }
0x1f: {  	s8 =	rddreg [dreg:$0x5];
	[sflag:s22] =	ssyncadd.s32 $0xFFFFD900;
	s3 =	sshrl.u32 @!p0 s3, $0x3  }
0x20: {  	[spmem:s3@s6], [sflag:s5] =	dma.strided @!p0 [hbm:s8@s7], $0x100, s4, $0x10   }
0x21: {  	s4 =	simm.s32 @!p0 $0x5  }
0x22: {  	_ =	swait.ge @!p0 [sflag:s4], $0x100  }
0x23: {  	[sflag:s4] =	ssyncset.done @!p0 $0x0  }
0x24: {  	[sflag:s4] =	ssyncadd.s32 @!p0 $0xFFFFFF00  }
0x25: {  	[bflag:$0x0] =	sbarrier.arrive $0xFFFF  }
0x26: {  	s7 =	simm.s32 $0x0;
	s8 =	rddreg [dreg:$0x6]  }
0x27: {  	[tilespmem:s7], [sflag:$0x5] =	stream.linear.gather [hbm4b:s8+s7], $0x1E00, $0x38;
	[tilespmem:$0x1A880] =	vst v63  }
0x28: {  	_ =	swait.ge [sflag:s22], $0x1E00  }
0x29: {  	[sflag:s22] =	ssyncset.done $0x0  }
0x2a: {  	[sflag:s22] =	ssyncadd.s32 $0xFFFFE200  }
0x2b: {  	[tilespmem:s25], [sflag:$0x1] =	stream.strided.gather [hbm4b:s9+s23], $0x2800, s24, s23, $0x38;
	[tilespmem:$0x1A880] =	vst v63  }
0x2c: {  	_ = 	snop  }
0x2d: {  	[tilespmem:s26], [sflag:$0x2] =	stream.strided.gather [hbm4b:s13+s23], $0x2800, s24, s23, $0x38;
	[tilespmem:$0x1A880] =	vst v63  }
0x2e: {  	_ =	swait.ge [sflag:s28], $0x2800  }
0x2f: {  	[sflag:s28] =	ssyncset.done $0x0  }
0x30: {  	[sflag:s28] =	ssyncadd.s32 $0xFFFFD800  }
0x31: {  	[spmem:s1] =	stream.indirect.scatter.add.f32 [tilespmem:s25], [sflag:$0x3], $0x80, s7, s29, $0xb8;
	[tilespmem:$0x1A880] =	vst v63  }
0x32: {  	_ =	swait.ge [sflag:s30], $0x2800  }
0x33: {  	[sflag:s30] =	ssyncset.done $0x0  }
0x34: {  	[sflag:s30] =	ssyncadd.s32 $0xFFFFD800  }
0x35: {  	[tilespmem:s25], [sflag:$0x1] =	stream.strided.gather [hbm4b:s14+s23], $0x2800, s24, s23, $0x38;
	[tilespmem:$0x1A880] =	vst v63  }
0x36: {  	_ =	swait.ge [sflag:s31], $0x2800  }
0x37: {  	[sflag:s31] =	ssyncset.done $0x0  }
0x38: {  	[sflag:s31] =	ssyncadd.s32 $0xFFFFD800  }
0x39: {  	[spmem:s1] =	stream.indirect.scatter.add.f32 [tilespmem:s26], [sflag:$0x4], $0x80, s20, s29, $0xb8;
	[tilespmem:$0x1A880] =	vst v63  }
0x3a: {  	_ =	swait.ge [sflag:s0], $0x2800  }
0x3b: {  	[sflag:s0] =	ssyncset.done $0x0  }
0x3c: {  	s7 =	sadd.s32 $0x0, s17;
	[sflag:s0] =	ssyncadd.s32 $0xFFFFD800  }
0x3d: {  	[tilespmem:s26], [sflag:$0x2] =	stream.strided.gather [hbm4b:s7+s23], $0x2800, s24, s23, $0x38;
	[tilespmem:$0x1A880] =	vst v63  }
0x3e: {  	_ =	swait.ge [sflag:s28], $0x2800  }
0x3f: {  	[sflag:s28] =	ssyncset.done $0x0  }
0x40: {  	[sflag:s28] =	ssyncadd.s32 $0xFFFFD800  }
0x41: {  	[spmem:s1] =	stream.indirect.scatter.add.f32 [tilespmem:s25], [sflag:$0x3], $0x80, s21, s29, $0xb8;
	[tilespmem:$0x1A880] =	vst v63  }
0x42: {  	_ =	swait.ge [sflag:s30], $0x2800  }
0x43: {  	[sflag:s30] =	ssyncset.done $0x0  }
0x44: {  	s8 =	sadd.s32 $0x0, s16;
	[sflag:s30] =	ssyncadd.s32 $0xFFFFD800  }
0x45: {  	[tilespmem:s25], [sflag:$0x1] =	stream.strided.gather [hbm4b:s8+s23], $0x2800, s24, s23, $0x38;
	[tilespmem:$0x1A880] =	vst v63  }
0x46: {  	_ =	swait.ge [sflag:s31], $0x2800  }
0x47: {  	s6 =	simm.s32 $0x200;
	[sflag:s31] =	ssyncset.done $0x0  }
0x48: {  	s4 =	simm.s32 $0x1400;
	s7 =	simm.s32 $0x180;
	[sflag:s31] =	ssyncadd.s32 $0xFFFFD800  }
.LBB2_2:
0x49: {  	[spmem:s1] =	stream.indirect.scatter.add.f32 [tilespmem:s26], [sflag:$0x4], $0x80, s7, s29, $0xb8;
	[tilespmem:$0x1A880] =	vst v63  }
0x4a: {  	s7 =	smov.u32 s4  }
0x4b: {  	p1 =	sne.s32 s4, $0x21C00;
	s4 =	sadd.s32 $0x1400, s4;
	_ =	swait.ge [sflag:s0], $0x2800  }
0x4c: {  	[sflag:s0] =	ssyncset.done $0x0  }
0x4d: {  	s8 =	sadd.s32 s7, s17;
	[sflag:s0] =	ssyncadd.s32 $0xFFFFD800  }
0x4e: {  	[tilespmem:s26], [sflag:$0x2] =	stream.strided.gather [hbm4b:s8+s23], $0x2800, s24, s23, $0x38;
	[tilespmem:$0x1A880] =	vst v63  }
0x4f: {  	_ =	swait.ge [sflag:s28], $0x2800  }
0x50: {  	[sflag:s28] =	ssyncset.done $0x0  }
0x51: {  	[sflag:s28] =	ssyncadd.s32 $0xFFFFD800  }
0x52: {  	[spmem:s1] =	stream.indirect.scatter.add.f32 [tilespmem:s25], [sflag:$0x3], $0x80, s6, s29, $0xb8;
	[tilespmem:$0x1A880] =	vst v63  }
0x53: {  	_ =	swait.ge [sflag:s30], $0x2800  }
0x54: {  	[sflag:s30] =	ssyncset.done $0x0  }
.Ltmp0:
0x55: {  	s7 =	sadd.s32 s7, s16;
	[sflag:s30] =	ssyncadd.s32 $0xFFFFD800;
	(pc) =	sbr.rel @p1 .LBB2_2-.Ltmp0, $4  }
0x56: {  	[tilespmem:s25], [sflag:$0x1] =	stream.strided.gather [hbm4b:s7+s23], $0x2800, s24, s23, $0x38;
	[tilespmem:$0x1A880] =	vst v63  }
0x57: {  	_ =	swait.ge [sflag:s31], $0x2800  }
0x58: {  	[sflag:s31] =	ssyncset.done $0x0  }
0x59: {  	s7 =	sadd.s32 $0x80, s6;
	s6 =	sadd.s32 $0x100, s6;
	[sflag:s31] =	ssyncadd.s32 $0xFFFFD800  }
0x5a: {  	[spmem:s1] =	stream.indirect.scatter.add.f32 [tilespmem:s26], [sflag:$0x4], $0x80, s7, s29, $0xb8;
	[tilespmem:$0x1A880] =	vst v63  }
0x5b: {  	_ =	swait.ge [sflag:s0], $0x2800  }
0x5c: {  	[sflag:s0] =	ssyncset.done $0x0  }
0x5d: {  	[sflag:s0] =	ssyncadd.s32 $0xFFFFD800  }
0x5e: {  	[tilespmem:s26], [sflag:$0x2] =	stream.strided.gather [hbm4b:s15+s23], $0x2800, s24, s23, $0x38;
	[tilespmem:$0x1A880] =	vst v63  }
0x5f: {  	_ =	swait.ge [sflag:s28], $0x2800  }
0x60: {  	[sflag:s28] =	ssyncset.done $0x0  }
0x61: {  	s4 =	simm.s32 $0x1D00;
	[sflag:s28] =	ssyncadd.s32 $0xFFFFD800  }
0x62: {  	[spmem:s1] =	stream.indirect.scatter.add.f32 [tilespmem:s25], [sflag:$0x3], $0x80, s4, s29, $0xb8;
	[tilespmem:$0x1A880] =	vst v63  }
0x63: {  	_ =	swait.ge [sflag:s31], $0x2800  }
0x64: {  	[sflag:s31] =	ssyncset.done $0x0  }
0x65: {  	s8 =	simm.s32 $0x1D80;
	[sflag:s31] =	ssyncadd.s32 $0xFFFFD800  }
0x66: {  	[spmem:s1] =	stream.indirect.scatter.add.f32 [tilespmem:s26], [sflag:$0x4], $0x80, s8, s29, $0xb8;
	[tilespmem:$0x1A880] =	vst v63  }
0x67: {  	_ =	swait.ge [sflag:s30], $0x2800  }
0x68: {  	[sflag:s30] =	ssyncset.done $0x0  }
0x69: {  	[sflag:s30] =	ssyncadd.s32 $0xFFFFD800  }
0x6a: {  	_ =	swait.ge [sflag:s0], $0x2800  }
0x6b: {  	[sflag:s0] =	ssyncset.done $0x0  }
0x6c: {  	[sflag:s0] =	ssyncadd.s32 $0xFFFFD800  }
0x6d: {  	[bflag:$0x0] =	sbarrier.arrive $0xFFFF  }
0x6e: {  	[hbm:s10@s21], [sflag:s5] =	dma.strided [spmem:s18@s20], $0x2700, s19, $0x10   }
0x6f: {  	s6 =	simm.s32 @!p0 $0x100;
	_ =	swait.ge [sflag:s22], $0x2700  }
0x70: {  	s7 =	simm.s32 @!p0 $0x80;
	s2 =	sadd.s32 $0x1, s2;
	[sflag:s22] =	ssyncset.done $0x0  }
0x71: {  	p1 =	sne.s32 s2, s12;
	s4 =	simm.s32 @!p0 $0x8;
	[sflag:s22] =	ssyncadd.s32 $0xFFFFD900  }
0x72: {  	[hbm:s11@s6], [sflag:s5] =	dma.strided @!p0 [spmem:s3@s7], $0x100, s4, $0x10   }
.Ltmp1:
0x73: {  	_ = 	snop;
	(pc) =	sbr.rel @p1 .LBB2_1-.Ltmp1, $4  }
0x74: {  	s3 =	simm.s32 @!p0 $0x5  }
0x75: {  	_ =	swait.ge @!p0 [sflag:s3], $0x100  }
0x76: {  	[sflag:s3] =	ssyncset.done @!p0 $0x0  }
0x77: {  	[sflag:s3] =	ssyncadd.s32 @!p0 $0xFFFFFF00  }
0x78: {  	_ =	sfence.sel $0x180000  }
0x79: {  	[bflag:$0x0] =	sbarrier.arrive $0xFFFF  }
0x7a: {  	_ =	strace $0x90000053  }
0x7b: {  	s0 =	stileid.u32;
	[bflag:$0x2] =	sbarrier.arrive $0xFFFF  }
0x7c: {  	p0 =	sne.s32 s0, $0x0;
	s0 =	rddreg [dreg:$0x2]  }
0x7d: {  	s0 =	sadd.s32 @!p0 $0x100000, s0  }
0x7e: {  	[sflag:s0] =	ssyncadd.tile.s32 @!p0 $0x1;
	_ =	shalt  }
.Lfunc_end2:
_tile_overlayer_lowered:
.L_overlay_start_2:
0x7f: {  	(tag) =	ssettag $0x2  }
0x80: {  	s0 =	rddreg [dreg:$0x0];
	s2 =	stileid.u32  }
0x81: {  	s1 =	rddreg [dreg:$0x1];
	p0 =	sne.s32 s2, $0x0  }
0x82: {  	s3 =	rddreg [dreg:$0x2];
	[bflag:$0x3] =	sbarrier.arrive $0xFFFF;
	s2 =	simm.s32 @!p0 $0x1C05  }
0x83: {  	[timem:s3], [sflag:s2] =	dma.local @!p0 [hbm:s0], s1  }
0x84: {  	s0 =	simm.s32 @!p0 $0x5  }
0x85: {  	_ =	swait.ge @!p0 [sflag:s0], s1  }
0x86: {  	s1 =	ssub.s32 @!p0 $0x0, s1;
	[sflag:s0] =	ssyncset.done @!p0 $0x0  }
0x87: {  	[sflag:s0] =	ssyncadd.s32 @!p0 s1  }
0x88: {  	[bflag:$0x3] =	sbarrier.arrive $0xFFFF  }
0x89: {  	_ =	shalt  }

// kernel: _run.23.cloned.1.call-start
scs
__scs_entry_jumppad:
0x0: {  	(pc) =	sbr.rel $0x88, $3  }
0x1: {  	(tag) =	ssettag $0x0;
	lr =	simm.s32 $0x1  }
0x2: {  	[smem:$0x3F8E] =	sst lr;
	_ =	strace $0xD0000000  }
0x3: {  	_ = 	snop  }
0x4: {  	_ = 	snop  }
0x5: {  	_ = 	snop  }
0x6: {  	_ = 	snop  }
0x7: {  	_ = 	snop  }
__scs_overlays_trampoline_lowered:
0x8: {  	[smem:$0x3F9D] =	sst s0  }
0x9: {  	[smem:$0x3F9E] =	sst s1  }
0xa: {  	[smem:$0x3F9F] =	sst s2  }
0xb: {  	[smem:$0x3FA0] =	sst s3  }
0xc: {  	[smem:$0x3FA1] =	sst s4  }
0xd: {  	[smem:$0x3FA2] =	sst s5  }
0xe: {  	[smem:$0x3FA3] =	sst s6  }
0xf: {  	[smem:$0x3FA4] =	sst s7  }
0x10: {  	[smem:$0x3FA5] =	sst s8  }
0x11: {  	[smem:$0x3FA6] =	sst s9;
	s0 =	simm.s32 @!p0 $0x0  }
0x12: {  	s1 =	sld [smem:$0x3F8C];
	s0 =	simm.s32 @p0 $0x1  }
0x13: {  	[smem:$0x3FA7] =	sst s0;
	s0 =	simm.s32 @!p1 $0x0  }
0x14: {  	s2 =	sld [smem:$0x3F8B];
	s0 =	simm.s32 @p1 $0x1  }
0x15: {  	[smem:$0x3FA8] =	sst s0;
	s0 =	simm.s32 @!p2 $0x0  }
0x16: {  	s3 =	sld [smem:$0x3FDB];
	s0 =	simm.s32 @p2 $0x1  }
0x17: {  	s4 =	simm.s32 $0x1BF5;
	[smem:$0x3FAA] =	sst s0  }
0x18: {  	s0 =	sld [smem:$0x3F8D];
	_ =	swait.ge [sflag:s4], $0x0  }
0x19: {  	s7 =	sld [smem:$0x3F8E]  }
0x1a: {  	s8 =	sadd.s32 $0xFFFFE003, lr  }
0x1b: {  	s9 =	sadd.s32 $0xFFFFFEF7, lr;
	s5 =	simm.s32 $0xFFFFFFFF;
	p2 =	slt.u32 s8, $0xFFFFF086  }
0x1c: {  	p1 =	slt.u32 s9, $0xF7A;
	s5 =	simm.s32 @!p2 $0x0  }
0x1d: {  	s5 =	simm.s32 @p1 $0x1;
	p0 =	seq.s32 s7, s2  }
0x1e: {  	s7 =	smul.u32 @!p0 $0xF7A, s2;
	p2 =	seq.s32 @!p0 s5, $0x0  }
0x1f: {  	s9 =	smul.u32 $0xF7A, s1;
	s8 =	simm.s32 @!p0 $0x1BF5;
	p2 =	por !p2, p0  }
0x20: {  	[sflag:s8] =	ssyncset.s32 @!p0 $0xFFFFF086;
	s6 =	sadd.s32 @!p0 s3, s7;
	s7 =	simm.s32 @!p0 $0x108  }
0x21: {  	s3 =	sadd.s32 s3, s9;
	s6 =	sadd.s32 @!p0 $0x88, s6;
	s7 =	simm.s32 @p2 $0x1082  }
0x22: {  	[simem:s7], [sflag:s8] =	dma.local @!p0 [hbm:s6], $0xF7A  }
0x23: {  	s9 =	sor.u32 $0xD0000000, s2;
	s6 =	simm.s32 $0x108;
	_ =	swait.ge @!p0 [sflag:s8], $0x0  }
0x24: {  	s3 =	sadd.s32 $0x88, s3;
	s6 =	simm.s32 @!p1 $0x1082;
	[sflag:s4] =	ssyncset.s32 $0xFFFFF086  }
0x25: {  	[simem:s6], [sflag:s4] =	dma.local [hbm:s3], $0xF7A  }
0x26: {  	[smem:$0x3F8E] =	sst s1;
	(tag) =	ssettag s2;
	_ =	strace s9  }
0x27: {  	s1 =	sld [smem:$0x3F9E]  }
0x28: {  	s2 =	sld [smem:$0x3F9F]  }
0x29: {  	s4 =	sld [smem:$0x3FA1]  }
0x2a: {  	p0 =	seq.s32 s5, $0x0;
	s5 =	sld [smem:$0x3FA2]  }
0x2b: {  	s6 =	sld [smem:$0x3FA3]  }
0x2c: {  	s7 =	sld [smem:$0x3FA4]  }
0x2d: {  	s3 =	simm.s32 $0x108;
	s8 =	sld [smem:$0x3FA5]  }
0x2e: {  	s3 =	simm.s32 @!p0 $0x1082;
	s9 =	sld [smem:$0x3FA6]  }
0x2f: {  	lr =	sadd.s32 s0, s3;
	s0 =	sld [smem:$0x3F9D]  }
0x30: {  	s3 =	sld [smem:$0x3FA0]  }
0x31: {  	[smem:$0x3FA9] =	sst s10  }
0x32: {  	s10 =	sld [smem:$0x3FA7];
	_ =	sdelay $0x3  }
0x33: {  	p0 =	seq.s32 s10, $0x1;
	s10 =	sld [smem:$0x3FA9];
	_ =	sdelay $0x3  }
0x34: {  	[smem:$0x3FA9] =	sst s10  }
0x35: {  	s10 =	sld [smem:$0x3FA8];
	_ =	sdelay $0x3  }
0x36: {  	p1 =	seq.s32 s10, $0x1;
	s10 =	sld [smem:$0x3FA9];
	_ =	sdelay $0x3  }
0x37: {  	[smem:$0x3FA9] =	sst s10  }
0x38: {  	s10 =	sld [smem:$0x3FAA]  }
0x39: {  	_ = 	snop;
	(pc) =	sbr.ind lr, $3  }
0x3a: {  	_ = 	snop  }
0x3b: {  	_ = 	snop  }
0x3c: {  	p2 =	seq.s32 s10, $0x1;
	s10 =	sld [smem:$0x3FA9]  }
0x3d: {  	_ =	shalt  }
0x3e: {  	_ =	shalt  }
0x3f: {  	_ =	shalt  }
0x40: {  	_ =	shalt  }
0x41: {  	_ =	shalt  }
0x42: {  	_ =	shalt  }
0x43: {  	_ =	shalt  }
0x44: {  	_ =	shalt  }
0x45: {  	_ =	shalt  }
0x46: {  	_ =	shalt  }
0x47: {  	_ =	shalt  }
0x48: {  	_ =	shalt  }
0x49: {  	_ =	shalt  }
0x4a: {  	_ =	shalt  }
0x4b: {  	_ =	shalt  }
0x4c: {  	_ =	shalt  }
0x4d: {  	_ =	shalt  }
0x4e: {  	_ =	shalt  }
0x4f: {  	_ =	shalt  }
0x50: {  	_ =	shalt  }
0x51: {  	_ =	shalt  }
0x52: {  	_ =	shalt  }
0x53: {  	_ =	shalt  }
0x54: {  	_ =	shalt  }
0x55: {  	_ =	shalt  }
0x56: {  	_ =	shalt  }
0x57: {  	_ =	shalt  }
0x58: {  	_ =	shalt  }
0x59: {  	_ =	shalt  }
0x5a: {  	_ =	shalt  }
0x5b: {  	_ =	shalt  }
0x5c: {  	_ =	shalt  }
0x5d: {  	_ =	shalt  }
0x5e: {  	_ =	shalt  }
0x5f: {  	_ =	shalt  }
0x60: {  	_ =	shalt  }
0x61: {  	_ =	shalt  }
0x62: {  	_ =	shalt  }
0x63: {  	_ =	shalt  }
0x64: {  	_ =	shalt  }
0x65: {  	_ =	shalt  }
0x66: {  	_ =	shalt  }
0x67: {  	_ =	shalt  }
0x68: {  	_ =	shalt  }
0x69: {  	_ =	shalt  }
0x6a: {  	_ =	shalt  }
0x6b: {  	_ =	shalt  }
0x6c: {  	_ =	shalt  }
0x6d: {  	_ =	shalt  }
0x6e: {  	_ =	shalt  }
0x6f: {  	_ =	shalt  }
0x70: {  	_ =	shalt  }
0x71: {  	_ =	shalt  }
0x72: {  	_ =	shalt  }
0x73: {  	_ =	shalt  }
0x74: {  	_ =	shalt  }
0x75: {  	_ =	shalt  }
0x76: {  	_ =	shalt  }
0x77: {  	_ =	shalt  }
0x78: {  	_ =	shalt  }
0x79: {  	_ =	shalt  }
0x7a: {  	_ =	shalt  }
0x7b: {  	_ =	shalt  }
0x7c: {  	_ =	shalt  }
0x7d: {  	_ =	shalt  }
0x7e: {  	_ =	shalt  }
0x7f: {  	_ =	shalt  }
0x80: {  	_ =	shalt  }
0x81: {  	_ =	shalt  }
0x82: {  	_ =	shalt  }
0x83: {  	_ =	shalt  }
0x84: {  	_ =	shalt  }
0x85: {  	_ =	shalt  }
0x86: {  	_ =	shalt  }
0x87: {  	_ =	shalt  }
.Lfunc_end0:
.L_simem_size_0:
called_computation.4_lowered:
.L_overlay_start_0:
0x88: {  	s2 =	sld [smem:$0x3FD9]  }
0x89: {  	s3 =	sld [smem:$0x3FFE];
	_ =	sdelay $0x1  }
0x8a: {  	s1 =	srdreg.scid  }
0x8b: {  	s0 =	sand.u32 $0x1, s1  }
0x8c: {  	s17 =	sshll.u32 s0, $0xA;
	s2 =	sadd.s32 s3, s2  }
0x8d: {  	s2 =	sadd.s32 s2, s17  }
0x8e: {  	[smem:$0x3FB5] =	sst s2  }
0x8f: {  	_ = 	snop  }
0x90: {  	s18 =	sld [smem:$0x3FC8]  }
0x91: {  	s4 =	sld [smem:$0x3FC7];
	(tm) =	ssettm $0x1  }
0x92: {  	s19 =	sld [smem:$0x3FFB];
	_ =	sdelay $0x3  }
0x93: {  	_ =	strace s19  }
0x94: {  	s2 =	sld [smem:$0x3FFC];
	_ =	sdelay $0x3  }
0x95: {  	_ =	strace s2  }
0x96: {  	s2 =	sld [smem:$0x3FFD];
	_ =	sdelay $0x3  }
0x97: {  	_ =	strace s2  }
0x98: {  	_ =	strace $0x8FFFFFFF  }
0x99: {  	s20 =	sld [smem:$0x3FDB];
	_ =	sdelay $0x1  }
0x9a: {  	s5 =	simm.s32 $_scs_section_size  }
0x9b: {  	s6 =	simm.s32 $_size__tile_overlayer_lowered;
	s7 =	simm.s32 $_tile_overlayer_lowered  }
0x9c: {  	s8 =	simm.s32 $0x1BFF;
	s21 =	sshll.u32 s7, $0x1;
	s5 =	sadd.s32 s5, s20  }
0x9d: {  	s22 =	simm.s32 $0x0;
	s6 =	sshll.u32 s6, $0x1;
	s7 =	sadd.s32 s21, s5  }
0x9e: {  	[timem:s22], [sflag:s8] =	dma.local [hbm:s7], s6  }
0x9f: {  	_ =	swait.ge [sflag:s8], s6  }
0xa0: {  	s6 =	ssub.s32 $0x0, s6;
	[sflag:s8] =	ssyncset.done $0x0  }
0xa1: {  	[sflag:s8] =	ssyncadd.s32 s6;
	_ =	sdelay $0x1  }
0xa2: {  	s23 =	simm.s32 $0x1B8B  }
0xa3: {  	_ =	swait.ge [sflag:s23], $0x1  }
0xa4: {  	[sflag:s23] =	ssyncset.done $0x0  }
0xa5: {  	[sflag:s23] =	ssyncadd.s32 $0xFFFFFFFF  }
0xa6: {  	s6 =	sld [smem:$0x0]  }
0xa7: {  	s7 =	sand.u32 $0xFFFFFFFE, s1  }
0xa8: {  	p0 =	sne.s32 s1, s7  }
0xa9: {  	s7 =	sshll.u32 @p0 s7, $0xE  }
0xaa: {  	s7 =	sadd.s32 @p0 $0x11B8D, s7;
	s8 =	sshll.u32 @p0 s6, $0x11  }
0xab: {  	s7 =	sor.u32 @p0 s8, s7  }
0xac: {  	[sflag:s7] =	ssyncadd.remote.s32 @p0 $0x1;
	_ =	sdelay $0x1  }
0xad: {  	s7 =	simm.s32 @p0 $0x1B8D  }
0xae: {  	_ =	swait.eq @p0 [sflag:s7], $0x1  }
0xaf: {  	[sflag:s7] =	ssyncadd.s32 @p0 $0xFFFFFFFF  }
0xb0: {  	s8 =	sshll.u32 @!p0 s1, $0xE  }
0xb1: {  	s8 =	sor.u32 @!p0 $0x4000, s8;
	s7 =	simm.s32 @!p0 $0x1B8D  }
0xb2: {  	s6 =	sshll.u32 @!p0 s6, $0x11;
	s8 =	sadd.s32 @!p0 $0x11B8D, s8;
	_ =	swait.eq @!p0 [sflag:s7], $0x1  }
0xb3: {  	s6 =	sor.u32 @!p0 s6, s8;
	[sflag:s7] =	ssyncadd.s32 @!p0 $0xFFFFFFFF  }
0xb4: {  	s25 =	simm.s32 $0x1B8E;
	s24 =	sld [smem:$0x3FFE];
	[sflag:s6] =	ssyncadd.remote.s32 @!p0 $0x1  }
0xb5: {  	s26 =	simm.s32 $execute0_lowered;
	[smem:$0x3FD2] =	sst s25  }
0xb6: {  	s7 =	sshll.u32 s26, $0x1;
	_ =	strace $0x8000004F;
	[dreg:$0x1] =	wrdreg $0xFFFFFFFF  }
0xb7: {  	s28 =	simm.s32 $_size_execute0_lowered;
	s5 =	sadd.s32 s5, s7;
	[dreg:$0x0] =	wrdreg $0x0  }
0xb8: {  	s7 =	sshll.u32 s28, $0x1;
	[dreg:$0x2] =	wrdreg s5  }
0xb9: {  	[dreg:$0x3] =	wrdreg s7  }
0xba: {  	[dreg:$0x4] =	wrdreg $0xC0  }
0xbb: {  	_ =	task [dreg:s22], $0x5FFFF  }
0xbc: {  	[dreg:$0x1] =	wrdreg $0xFFFFFFFF  }
0xbd: {  	[dreg:$0x0] =	wrdreg $0x60  }
0xbe: {  	[dreg:$0x2] =	wrdreg s18  }
0xbf: {  	[dreg:$0x3] =	wrdreg s4  }
0xc0: {  	[dreg:$0x4] =	wrdreg s24  }
0xc1: {  	[dreg:$0x5] =	wrdreg $0x9  }
0xc2: {  	_ =	task.clear_ibuf [dreg:s22], $0x6FFFF;
	_ =	strace $0x9000004F  }
0xc3: {  	s29 =	simm.s32 $0x9;
	_ =	strace $0x80000051  }
0xc4: {  	_ =	swait.ge [sflag:s29], $0x1  }
0xc5: {  	[sflag:s29] =	ssyncadd.s32 $0xFFFFFFFF  }
0xc6: {  	_ =	strace $0x90000051  }
0xc7: {  	_ =	sfence  }
0xc8: {  	s30 =	sld [smem:$0x0];
	_ =	sdelay $0x2  }
0xc9: {  	s31 =	sshll.u32 s1, $0xD;
	s1 =	sshrl.u32 s1, $0x2  }
0xca: {  	s4 =	sand.u32 $0x4000, s31;
	s1 =	sadd.s32 s1, s30  }
0xcb: {  	s0 =	sor.u32 s4, s0;
	s1 =	sshll.u32 s1, $0x11  }
0xcc: {  	s0 =	sor.u32 s1, s0  }
0xcd: {  	s0 =	sadd.s32 $0x8F2B, s0  }
0xce: {  	[sflag:s0] =	ssyncadd.remote.s32 $0x1  }
0xcf: {  	_ =	sfence.sel $0xFFFF  }
0xd0: {  	[dreg:$0x0] =	wrdreg $0xFFFFFFFF;
	(pc) =	sbr.abs _section_cstart, $3  }
0xd1: {  	[dreg:$0x1] =	wrdreg $0xFFFFFFFF  }
0xd2: {  	_ =	task.clear_ibuf [dreg:s22], $0x2FFFF;
	_ =	strace $0x9FFFFFFF  }
0xd3: {  	(tm) =	ssettm $0x7FFFFFFF  }
tec
execute0_lowered:
.L_overlay_start_1:
0x0: {  	(tag) =	ssettag $0x1  }
0x1: {  	s3 =	rddreg [dreg:$0x0];
	s1 =	srdreg.scid  }
0x2: {  	s0 =	stileid.u32;
	s4 =	rddreg [dreg:$0x1]  }
0x3: {  	s6 =	rddreg [dreg:$0x2];
	s2 =	simm.s32 $0x0;
	s13 =	simm.s32 $0x1  }
0x4: {  	s14 =	simm.s32 $0x1400;
	s15 =	simm.s32 $0x2800;
	s16 =	simm.s32 $0x3C00  }
0x5: {  	s17 =	simm.s32 $0x5000;
	s18 =	simm.s32 $0x7780;
	s19 =	simm.s32 $0x9F00  }
0x6: {  	s20 =	simm.s32 $0xC680;
	s5 =	sand.u32 $0x1, s1;
	s30 =	sshll.u32 s0, $0x1  }
0x7: {  	s21 =	simm.s32 $0xEE00;
	s22 =	simm.s32 $0x0;
	s7 =	sor.u32 s5, s30  }
0x8: {  	s1 =	rddreg [dreg:$0x3];
	s5 =	ssub.s32 $0x2, s5;
	s8 =	smul.u32 $0xC350, s7  }
0x9: {  	[smem:$0x7FF] =	sst s2;
	s7 =	smul.u32 $0x271, s7;
	s31 =	sshrl.u32 s5, $0x1  }
0xa: {  	_ =	strace $0x80000050;
	s12 =	ssub.s32 s5, s31;
	s8 =	sshrl.u32 s8, $0x3  }
0xb: {  	s9 =	sadd.s32 s7, s6;
	s3 =	sadd.s32 s3, s7;
	s4 =	sadd.s32 s4, s7  }
0xc: {  	s12 =	smax.u32 s12, $0x1;
	s11 =	sadd.s32 s8, s6;
	s5 =	sadd.s32 $0x5600, s9  }
0xd: {  	s6 =	sadd.s32 $0xA600, s9;
	s7 =	sadd.s32 $0xF600, s11;
	s8 =	sadd.s32 $0xFAE2, s11  }
0xe: {  	v0 =	vimm.f32 $0.0e+00;
	v1 =	vimm.f32 $1.000000000e+00;
	s9 =	sadd.s32 $0xFFC4, s11;
	s10 =	sadd.s32 $0x104A6, s11;
	s11 =	sadd.s32 $0x10988, s11  }
.LBB2_1:
0xf: {  	[tilespmem:s2], [sflag:$0x1] =	stream.linear.gather [hbm4b:s3+s2], $0x1388, $0x38;
	[tilespmem:$0x11580] =	vst v63  }
0x10: {  	_ =	swait.ge [sflag:s13], $0x1388  }
0x11: {  	[sflag:s13] =	ssyncset.done $0x0  }
0x12: {  	[sflag:s13] =	ssyncadd.s32 $0xFFFFEC78  }
0x13: {  	[tilespmem:s14], [sflag:$0x1] =	stream.linear.gather [hbm4b:s4+s2], $0x1388, $0x38;
	[tilespmem:$0x11580] =	vst v63  }
0x14: {  	_ =	swait.ge [sflag:s13], $0x1388  }
0x15: {  	[sflag:s13] =	ssyncset.done $0x0  }
0x16: {  	[sflag:s13] =	ssyncadd.s32 $0xFFFFEC78  }
0x17: {  	[tilespmem:s15], [sflag:$0x1] =	stream.linear.gather [hbm4b:s5+s2], $0x1388, $0x38;
	[tilespmem:$0x11580] =	vst v63  }
0x18: {  	_ =	swait.ge [sflag:s13], $0x1388  }
0x19: {  	[sflag:s13] =	ssyncset.done $0x0  }
0x1a: {  	[sflag:s13] =	ssyncadd.s32 $0xFFFFEC78  }
0x1b: {  	[tilespmem:s16], [sflag:$0x1] =	stream.linear.gather [hbm4b:s6+s2], $0x1388, $0x38;
	[tilespmem:$0x11580] =	vst v63  }
0x1c: {  	_ =	swait.ge [sflag:s13], $0x1388  }
0x1d: {  	[sflag:s13] =	ssyncset.done $0x0  }
0x1e: {  	s23 =	simm.s32 $0x40;
	s24 =	simm.s32 $0x0;
	[sflag:s13] =	ssyncadd.s32 $0xFFFFEC78  }
.LBB2_2:
0x1f: {  	p0 =	sne.s32 s23, $0x9C00;
	[tilespmem:s24+$0x5000] =	vst v0;
	s24 =	smov.u32 s23;
	s23 =	sadd.s32 $0x40, s23  }
.Ltmp0:
0x20: {  	(pc) =	sbr.rel @p0 .LBB2_2-.Ltmp0, $2  }
0x21: {  	_ =	sdelay $0x2  }
0x22: {  	s24 =	sshra.s32 s24, $0x2  }
0x23: {  	[tilespmem:s24+$0x5000] =	vst v0;
	s23 =	simm.s32 $0x40;
	s24 =	simm.s32 $0x0  }
.LBB2_4:
0x24: {  	p0 =	sne.s32 s23, $0x9C00;
	[tilespmem:s24+$0x7780] =	vst v0;
	s24 =	smov.u32 s23;
	s23 =	sadd.s32 $0x40, s23  }
.Ltmp1:
0x25: {  	(pc) =	sbr.rel @p0 .LBB2_4-.Ltmp1, $2  }
0x26: {  	_ =	sdelay $0x2  }
0x27: {  	s24 =	sshra.s32 s24, $0x2  }
0x28: {  	[tilespmem:s24+$0x7780] =	vst v0;
	s23 =	simm.s32 $0x40;
	s24 =	simm.s32 $0x0  }
.LBB2_6:
0x29: {  	p0 =	sne.s32 s23, $0x9C00;
	[tilespmem:s24+$0x9F00] =	vst v0;
	s24 =	smov.u32 s23;
	s23 =	sadd.s32 $0x40, s23  }
.Ltmp2:
0x2a: {  	(pc) =	sbr.rel @p0 .LBB2_6-.Ltmp2, $2  }
0x2b: {  	_ =	sdelay $0x2  }
0x2c: {  	s24 =	sshra.s32 s24, $0x2  }
0x2d: {  	[tilespmem:s24+$0x9F00] =	vst v0;
	s23 =	simm.s32 $0x0;
	s24 =	simm.s32 $0x40;
	s25 =	simm.s32 $0x0  }
.LBB2_8:
0x2e: {  	p0 =	sne.s32 s24, $0x9C00;
	[tilespmem:s25+$0xC680] =	vst v0;
	s25 =	smov.u32 s24;
	s24 =	sadd.s32 $0x40, s24  }
.Ltmp3:
0x2f: {  	(pc) =	sbr.rel @p0 .LBB2_8-.Ltmp3, $2  }
0x30: {  	_ =	sdelay $0x2  }
0x31: {  	s25 =	sshra.s32 s25, $0x2  }
0x32: {  	[tilespmem:s25+$0xC680] =	vst v0  }
.LBB2_10:
0x33: {  	p0 =	sne.s32 s23, $0x9C00  }
.Ltmp4:
0x34: {  	_ = 	snop;
	(pc) =	sbr.rel @p0 .LBB2_10-.Ltmp4, $3  }
0x35: {  	_ =	sdelay $0x1  }
0x36: {  	s24 =	sshra.s32 s23, $0x2  }
0x37: {  	s23 =	sadd.s32 $0x40, s23;
	[tilespmem:s24+$0xEE00] =	vst v0  }
0x38: {  	s23 =	simm.s32 $0x0  }
0x39: {  	v3 =	vld [tilespmem:s23+$0x1400]  }
0x3a: {  	v2 =	vld [tilespmem:s23+$0x0];
	_ =	sdelay $0x3  }
0x3b: {  	v4 =	vld [tilespmem:s23+$0x2800]  }
0x3c: {  	v5 =	vld [tilespmem:s23+$0x3C00];
	_ =	sdelay $0x1  }
0x3d: {  	[tilespmem:v3+s17+$0x0] =	vst.idx.add.f32.msk $0xffff, v1  }
0x3e: {  	[tilespmem:v2+s18+$0x0] =	vst.idx.add.f32.msk $0xffff, v1  }
0x3f: {  	[tilespmem:v2+s19+$0x0] =	vst.idx.add.f32.msk $0xffff, v4  }
0x40: {  	s24 =	simm.s32 $0x80;
	s23 =	simm.s32 $0x40;
	v3 =	vmul.f32 v5, v4;
	[tilespmem:v2+s20+$0x0] =	vst.idx.add.f32.msk $0xffff, v5  }
.LBB2_12:
0x41: {  	p0 =	sne.s32 s24, $0x4DC0  }
0x42: {  	s25 =	sshra.s32 s23, $0x2;
	[tilespmem:v2+s21+$0x0] =	vst.idx.add.f32.msk $0xffff, v3;
	s23 =	smov.u32 s24;
	s24 =	sadd.s32 $0x40, s24  }
0x43: {  	v3 =	vld [tilespmem:s25+$0x1400]  }
0x44: {  	v2 =	vld [tilespmem:s25+$0x0];
	_ =	sdelay $0x2  }
0x45: {  	v4 =	vld [tilespmem:s25+$0x3C00]  }
0x46: {  	v5 =	vld [tilespmem:s25+$0x2800];
	_ =	sdelay $0x1  }
.Ltmp5:
0x47: {  	(pc) =	sbr.rel @p0 .LBB2_12-.Ltmp5, $4  }
0x48: {  	[tilespmem:v3+s17+$0x0] =	vst.idx.add.f32.msk $0xffff, v1  }
0x49: {  	[tilespmem:v2+s18+$0x0] =	vst.idx.add.f32.msk $0xffff, v1  }
0x4a: {  	[tilespmem:v2+s19+$0x0] =	vst.idx.add.f32.msk $0xffff, v5;
	v3 =	vmul.f32 v4, v5  }
0x4b: {  	[tilespmem:v2+s20+$0x0] =	vst.idx.add.f32.msk $0xffff, v4  }
0x4c: {  	_ =	sdelay $0x3  }
0x4d: {  	s23 =	sshra.s32 s23, $0x2;
	[tilespmem:v2+s21+$0x0] =	vst.idx.add.f32.msk $0xffff, v3  }
0x4e: {  	v2 =	vld [tilespmem:s23+$0x1400]  }
0x4f: {  	v3 =	vld [tilespmem:s23+$0x0];
	_ =	sdelay $0x2  }
0x50: {  	v4 =	vld [tilespmem:s23+$0x3C00]  }
0x51: {  	v5 =	vld [tilespmem:s23+$0x2800];
	_ =	sdelay $0x2  }
0x52: {  	[tilespmem:v2+s17+$0x0] =	vst.idx.add.f32.msk $0xffff, v1  }
0x53: {  	[tilespmem:v3+s18+$0x0] =	vst.idx.add.f32.msk $0xffff, v1  }
0x54: {  	v2 =	vmul.f32 v4, v5;
	[tilespmem:v3+s19+$0x0] =	vst.idx.add.f32.msk $0xffff, v5  }
0x55: {  	[tilespmem:v3+s20+$0x0] =	vst.idx.add.f32.msk $0xffff, v4  }
0x56: {  	[tilespmem:v3+s21+$0x0] =	vst.idx.add.f32.msk $0xffff, v2  }
0x57: {  	[hbm4b:s7+s2] =	stream.linear.scatter [tilespmem:s17], [sflag:$0x1], $0x2710, $0x38;
	[tilespmem:$0x11580] =	vst v63  }
0x58: {  	_ =	swait.ge [sflag:s13], $0x2710  }
0x59: {  	[sflag:s13] =	ssyncset.done $0x0  }
0x5a: {  	[sflag:s13] =	ssyncadd.s32 $0xFFFFD8F0  }
0x5b: {  	[hbm4b:s8+s2] =	stream.linear.scatter [tilespmem:s18], [sflag:$0x1], $0x2710, $0x38;
	[tilespmem:$0x11580] =	vst v63  }
0x5c: {  	_ =	swait.ge [sflag:s13], $0x2710  }
0x5d: {  	[sflag:s13] =	ssyncset.done $0x0  }
0x5e: {  	[sflag:s13] =	ssyncadd.s32 $0xFFFFD8F0  }
0x5f: {  	[hbm4b:s9+s2] =	stream.linear.scatter [tilespmem:s19], [sflag:$0x1], $0x2710, $0x38;
	[tilespmem:$0x11580] =	vst v63  }
0x60: {  	_ =	swait.ge [sflag:s13], $0x2710  }
0x61: {  	[sflag:s13] =	ssyncset.done $0x0  }
0x62: {  	[sflag:s13] =	ssyncadd.s32 $0xFFFFD8F0  }
0x63: {  	[hbm4b:s10+s2] =	stream.linear.scatter [tilespmem:s20], [sflag:$0x1], $0x2710, $0x38;
	[tilespmem:$0x11580] =	vst v63  }
0x64: {  	s22 =	sadd.s32 $0x1, s22;
	_ =	swait.ge [sflag:s13], $0x2710  }
0x65: {  	p0 =	sne.s32 s22, s12;
	[sflag:s13] =	ssyncset.done $0x0  }
.Ltmp6:
0x66: {  	[sflag:s13] =	ssyncadd.s32 $0xFFFFD8F0;
	(pc) =	sbr.rel @p0 .LBB2_1-.Ltmp6, $4  }
0x67: {  	[hbm4b:s11+s2] =	stream.linear.scatter [tilespmem:s21], [sflag:$0x1], $0x2710, $0x38;
	[tilespmem:$0x11580] =	vst v63  }
0x68: {  	_ =	swait.ge [sflag:s13], $0x2710  }
0x69: {  	[sflag:s13] =	ssyncset.done $0x0  }
0x6a: {  	[sflag:s13] =	ssyncadd.s32 $0xFFFFD8F0  }
0x6b: {  	_ =	sfence.sel $0x180000  }
0x6c: {  	[bflag:$0x0] =	sbarrier.arrive $0xFFFF  }
0x6d: {  	p0 =	sne.s32 s0, $0x0;
	_ =	strace $0x90000050  }
0x6e: {  	s0 =	sadd.s32 @!p0 $0x100000, s1;
	[bflag:$0x2] =	sbarrier.arrive $0xFFFF  }
0x6f: {  	[sflag:s0] =	ssyncadd.tile.s32 @!p0 $0x1;
	_ =	shalt  }
.Lfunc_end2:
_tile_overlayer_lowered:
.L_overlay_start_2:
0x70: {  	(tag) =	ssettag $0x2  }
0x71: {  	s0 =	rddreg [dreg:$0x0];
	s2 =	stileid.u32  }
0x72: {  	s1 =	rddreg [dreg:$0x1];
	p0 =	sne.s32 s2, $0x0  }
0x73: {  	s3 =	rddreg [dreg:$0x2];
	[bflag:$0x3] =	sbarrier.arrive $0xFFFF;
	s2 =	simm.s32 @!p0 $0x1C01  }
0x74: {  	[timem:s3], [sflag:s2] =	dma.local @!p0 [hbm:s0], s1  }
0x75: {  	s0 =	simm.s32 @!p0 $0x1  }
0x76: {  	_ =	swait.ge @!p0 [sflag:s0], s1  }
0x77: {  	s1 =	ssub.s32 @!p0 $0x0, s1;
	[sflag:s0] =	ssyncset.done @!p0 $0x0  }
0x78: {  	[sflag:s0] =	ssyncadd.s32 @!p0 s1  }
0x79: {  	[bflag:$0x3] =	sbarrier.arrive $0xFFFF  }
0x7a: {  	_ =	shalt  }

</sc_bundles>
